<compile_context>
chip_gen: v7x
topology: tpu7x:2x2x1
jax: 0.10.2.dev20260603
libtpu: 0.0.44.dev20260713+nightly
codegen_flags: <defaults>
</compile_context>

<pallas_src>
import jax
import jax.numpy as jnp
from jax import lax
from jax.experimental import pallas as pl
from jax.experimental.pallas import tpu as pltpu
from jax.experimental.pallas import tpu_sc as plsc

B, L, D = 4096, 200, 64
NC, NS = 2, 16
NW = NC * NS
BW = B // NW
F = L * D
FC = 160
NBLK = F // FC
NBUF = 5


def _body(idx_hbm, emb_hbm, out_hbm, idx_v, bufs, thr_s, lane_s, in_sems, out_sems):
    wid = lax.axis_index("s") * NC + lax.axis_index("c")
    b0 = wid * BW

    def in_desc(blk, s):
        return pltpu.make_async_copy(
            emb_hbm.at[pl.ds(blk * FC, FC), pl.ds(b0, BW)],
            bufs[s], in_sems[s])

    def out_desc(blk, s):
        return pltpu.make_async_copy(
            bufs[s], out_hbm.at[pl.ds(blk * FC, FC), pl.ds(b0, BW)],
            out_sems[s])

    in_desc(0, 0).start()
    in_desc(1, 1).start()
    in_desc(2, 2).start()

    pltpu.sync_copy(idx_hbm.at[:, pl.ds(b0, BW)], idx_v)

    def _scan_l(l, ms):
        lvec = jnp.full((16,), 0, jnp.int32) + l
        return tuple(
            jnp.minimum(ms[g],
                        jnp.where(idx_v[l, pl.ds(g * 16, 16)] == 0, lvec, L))
            for g in range(8))
    ms = lax.fori_loop(0, L, _scan_l,
                       tuple(jnp.full((16,), L, jnp.int32) for _ in range(8)))

    np_ = jnp.int32(0)
    for g in range(8):
        for j in range(16):
            c = ms[g][j]
            bl = g * 16 + j
            thr_s[bl] = c * D

            @pl.when(c < L)
            def _add(np_=np_, bl=bl):
                lane_s[np_] = bl
            np_ = jnp.where(c < L, np_ + 1, np_)

    zero16 = jnp.zeros((16,), jnp.float32)
    iota16 = lax.iota(jnp.int32, 16)

    def _compute(blk, s):
        f0 = blk * FC

        def _lane(i, _):
            bl = lane_s[i]
            lo = jnp.maximum(thr_s[bl] - f0, 0)

            @pl.when(lo < FC)
            def _zero(bl=bl, lo=lo):
                bvec = jnp.full((16,), 0, jnp.int32) + bl

                def _chunk(k, _):
                    fvals = lo + k * 16 + iota16
                    plsc.store_scatter(bufs[s], [fvals, bvec], zero16,
                                       mask=fvals < FC)
                    return 0
                lax.fori_loop(0, (FC - lo + 15) >> 4, _chunk, 0)
            return 0
        lax.fori_loop(0, np_, _lane, 0)

    def _group(g, _):
        for s in range(NBUF):
            blk = g * NBUF + s
            nxt = (s + 3) % NBUF

            @pl.when(blk + 3 < NBLK)
            def _pre(blk=blk, nxt=nxt):
                @pl.when(blk + 3 >= NBUF)
                def _drain(blk=blk, nxt=nxt):
                    out_desc(blk + 3 - NBUF, nxt).wait()
                in_desc(blk + 3, nxt).start()

            in_desc(blk, s).wait()
            _compute(blk, s)
            out_desc(blk, s).start()
        return 0

    lax.fori_loop(0, NBLK // NBUF, _group, 0)

    for j in range(NBLK - NBUF, NBLK):
        out_desc(j, j % NBUF).wait()


@jax.jit
def _run(idx_t, emb_t):
    mesh = plsc.VectorSubcoreMesh(core_axis_name="c", subcore_axis_name="s",
                                  num_cores=NC, num_subcores=NS)

    def body(idx_hbm, emb_hbm, out_hbm, idx_v,
             b0_, b1_, b2_, b3_, b4_, thr_s, lane_s,
             i0, i1, i2, i3, i4, o0, o1, o2, o3, o4):
        _body(idx_hbm, emb_hbm, out_hbm, idx_v,
              (b0_, b1_, b2_, b3_, b4_), thr_s, lane_s,
              (i0, i1, i2, i3, i4), (o0, o1, o2, o3, o4))

    return pl.kernel(
        body,
        out_type=jax.ShapeDtypeStruct((F, B), jnp.float32),
        mesh=mesh,
        scratch_types=(
            [pltpu.VMEM((L, BW), jnp.int32)]
            + [pltpu.VMEM((FC, BW), jnp.float32)] * NBUF
            + [pltpu.SMEM((BW,), jnp.int32), pltpu.SMEM((BW,), jnp.int32)]
            + [pltpu.SemaphoreType.DMA] * (2 * NBUF)
        ),
        compiler_params=pltpu.CompilerParams(needs_layout_passes=False),
    )(idx_t, emb_t)


def kernel(indexes, embeds):
    idx_t = indexes.astype(jnp.int32).transpose(1, 0)
    emb_t = embeds.transpose(1, 2, 0).reshape(F, B)
    out_t = _run(idx_t, emb_t)
    return out_t.reshape(L, D, B).transpose(2, 0, 1)

# --- scband reference (transcript-rebuilt; emitter-appended) ---
"""Pipeline reference for scband-model-26946624815515 (READ-ONLY COPY).

The authoritative reference and input builder live on the scoring server;
editing this copy changes nothing except your own understanding.
"""

import jax, jax.numpy as jnp
import numpy as np

VOCAB_PADDING_IDX = 0
B, L, D = 4096, 200, 64
VOCAB = 1000

def setup_inputs(seed: int = 0) -> dict:
    key = jax.random.key(seed)
    k1, k2 = jax.random.split(key)
    indexes = jax.random.randint(k1, (B, L), 0, VOCAB, dtype=jnp.int64)
    embeds = jax.random.normal(k2, (B, L, D), dtype=jnp.float32)
    return {"indexes": indexes, "embeds": embeds}

def reference(indexes, embeds):
    # Faithful translation of Model.vocab_zero_padding:
    # for each batch row, if vocab_padding_idx appears in the index list,
    # zero out the embeddings from the FIRST occurrence of the padding idx onward.
    indexes = indexes.astype(jnp.int64)
    L_ = indexes.shape[1]
    is_pad = (indexes == VOCAB_PADDING_IDX)            # [B, L]
    has_pad = jnp.any(is_pad, axis=1)                  # [B]
    first_pad = jnp.argmax(is_pad, axis=1)             # [B] (first True index; 0 if none, guarded by has_pad)
    cutoff = jnp.where(has_pad, first_pad, L_)         # rows without pad keep everything
    keep = (jnp.arange(L_)[None, :] < cutoff[:, None]) # [B, L] True where embedding is kept
    out = embeds * keep[:, :, None].astype(embeds.dtype)
    return out

if __name__ == "__main__":
    import jax
    _d = setup_inputs()
    print(jax.jit(kernel)(*tuple(_d.values())))

</pallas_src>

<mosaic_0001>
#map = affine_map<(d0, d1) -> (0, 0)>
module attributes {stable_mosaic.version = 14 : i64} {
  func.func @body(%arg0: i32, %arg1: i32, %arg2: memref<200x4096xi32, #tpu.memory_space<hbm>>, %arg3: memref<12800x4096xf32, #tpu.memory_space<hbm>>, %arg4: memref<12800x4096xf32, #tpu.memory_space<hbm>>, %arg5: memref<200x128xi32, #tpu.memory_space<vmem>>, %arg6: memref<160x128xf32, #tpu.memory_space<vmem>>, %arg7: memref<160x128xf32, #tpu.memory_space<vmem>>, %arg8: memref<160x128xf32, #tpu.memory_space<vmem>>, %arg9: memref<160x128xf32, #tpu.memory_space<vmem>>, %arg10: memref<160x128xf32, #tpu.memory_space<vmem>>, %arg11: memref<128xi32, #tpu.memory_space<smem>>, %arg12: memref<128xi32, #tpu.memory_space<smem>>, %arg13: memref<!tpu.dma_semaphore, #tpu.memory_space<semaphore_mem>>, %arg14: memref<!tpu.dma_semaphore, #tpu.memory_space<semaphore_mem>>, %arg15: memref<!tpu.dma_semaphore, #tpu.memory_space<semaphore_mem>>, %arg16: memref<!tpu.dma_semaphore, #tpu.memory_space<semaphore_mem>>, %arg17: memref<!tpu.dma_semaphore, #tpu.memory_space<semaphore_mem>>, %arg18: memref<!tpu.dma_semaphore, #tpu.memory_space<semaphore_mem>>, %arg19: memref<!tpu.dma_semaphore, #tpu.memory_space<semaphore_mem>>, %arg20: memref<!tpu.dma_semaphore, #tpu.memory_space<semaphore_mem>>, %arg21: memref<!tpu.dma_semaphore, #tpu.memory_space<semaphore_mem>>, %arg22: memref<!tpu.dma_semaphore, #tpu.memory_space<semaphore_mem>>) attributes {dimension_semantics = [#tpu.dimension_semantics<core_parallel>, #tpu.dimension_semantics<subcore_parallel>], iteration_bounds = array<i64: 2, 16>, scalar_prefetch = 0 : i64, scratch_operands = 18 : i64, tpu.core_type = #tpu.core_type<sc_vector_subcore>, window_params = [{transform_indices = #map}, {transform_indices = #map}, {transform_indices = #map}]} {
    %mul3A = arith.constant 2 : i32
    %mul3A_0 = arith.muli %arg1, %mul3A : i32
    %add3A = arith.addi %mul3A_0, %arg0 : i32
    %mul3A_1 = arith.constant 128 : i32
    %mul3A_2 = arith.muli %add3A, %mul3A_1 : i32
    %dma_start3A = arith.constant 0 : i32
    %dma_start3A_3 = tpu.memref_slice %arg3[%dma_start3A, %mul3A_2] : memref<12800x4096xf32, #tpu.memory_space<hbm>> -> memref<160x128xf32, #tpu.memory_space<hbm>>
    %dma_start3A_4 = arith.constant 0 : i32
    %dma_start3A_5 = tpu.memref_slice %arg3[%dma_start3A_4, %mul3A_2] : memref<12800x4096xf32, #tpu.memory_space<hbm>> -> memref<160x128xf32, #tpu.memory_space<hbm>>
    tpu.enqueue_dma source(%dma_start3A_5 : memref<160x128xf32, #tpu.memory_space<hbm>>) target(%arg6 : memref<160x128xf32, #tpu.memory_space<vmem>>) target_semaphore(%arg13 : memref<!tpu.dma_semaphore, #tpu.memory_space<semaphore_mem>>)
    %dma_start3A_6 = arith.constant 160 : i32
    %dma_start3A_7 = tpu.memref_slice %arg3[%dma_start3A_6, %mul3A_2] : memref<12800x4096xf32, #tpu.memory_space<hbm>> -> memref<160x128xf32, #tpu.memory_space<hbm>>
    %dma_start3A_8 = arith.constant 160 : i32
    %dma_start3A_9 = tpu.memref_slice %arg3[%dma_start3A_8, %mul3A_2] : memref<12800x4096xf32, #tpu.memory_space<hbm>> -> memref<160x128xf32, #tpu.memory_space<hbm>>
    tpu.enqueue_dma source(%dma_start3A_9 : memref<160x128xf32, #tpu.memory_space<hbm>>) target(%arg7 : memref<160x128xf32, #tpu.memory_space<vmem>>) target_semaphore(%arg14 : memref<!tpu.dma_semaphore, #tpu.memory_space<semaphore_mem>>)
    %dma_start3A_10 = arith.constant 320 : i32
    %dma_start3A_11 = tpu.memref_slice %arg3[%dma_start3A_10, %mul3A_2] : memref<12800x4096xf32, #tpu.memory_space<hbm>> -> memref<160x128xf32, #tpu.memory_space<hbm>>
    %dma_start3A_12 = arith.constant 320 : i32
    %dma_start3A_13 = tpu.memref_slice %arg3[%dma_start3A_12, %mul3A_2] : memref<12800x4096xf32, #tpu.memory_space<hbm>> -> memref<160x128xf32, #tpu.memory_space<hbm>>
    tpu.enqueue_dma source(%dma_start3A_13 : memref<160x128xf32, #tpu.memory_space<hbm>>) target(%arg8 : memref<160x128xf32, #tpu.memory_space<vmem>>) target_semaphore(%arg15 : memref<!tpu.dma_semaphore, #tpu.memory_space<semaphore_mem>>)
    "tpu.region"() ({
      %run_scoped3A = tpu.sem_alloc : memref<!tpu.dma_semaphore, #tpu.memory_space<semaphore_mem>>
      %dma_start3A_2233 = arith.constant 0 : i32
      %dma_start3A_2234 = tpu.memref_slice %arg2[%dma_start3A_2233, %mul3A_2] : memref<200x4096xi32, #tpu.memory_space<hbm>> -> memref<200x128xi32, #tpu.memory_space<hbm>>
      %dma_start3A_2235 = arith.constant 0 : i32
      %dma_start3A_2236 = tpu.memref_slice %arg2[%dma_start3A_2235, %mul3A_2] : memref<200x4096xi32, #tpu.memory_space<hbm>> -> memref<200x128xi32, #tpu.memory_space<hbm>>
      tpu.enqueue_dma source(%dma_start3A_2236 : memref<200x128xi32, #tpu.memory_space<hbm>>) target(%arg5 : memref<200x128xi32, #tpu.memory_space<vmem>>) target_semaphore(%run_scoped3A : memref<!tpu.dma_semaphore, #tpu.memory_space<semaphore_mem>>)
      %dma_wait3A_2237 = arith.constant 0 : i32
      %dma_wait3A_2238 = tpu.memref_slice %arg2[%dma_wait3A_2237, %mul3A_2] : memref<200x4096xi32, #tpu.memory_space<hbm>> -> memref<200x128xi32, #tpu.memory_space<hbm>>
      %dma_wait3A_2239 = arith.constant 0 : i32
      %dma_wait3A_2240 = tpu.memref_slice %arg2[%dma_wait3A_2239, %mul3A_2] : memref<200x4096xi32, #tpu.memory_space<hbm>> -> memref<200x128xi32, #tpu.memory_space<hbm>>
      tpu.wait_dma2 semaphore(%run_scoped3A : memref<!tpu.dma_semaphore, #tpu.memory_space<semaphore_mem>>) src(%dma_wait3A_2240 : memref<200x128xi32, #tpu.memory_space<hbm>>) dst(%arg5 : memref<200x128xi32, #tpu.memory_space<vmem>>)
      tpu.yield
    }) : () -> ()
    %broadcast_in_dim3A = arith.constant 200 : i32
    %broadcast_in_dim3A_14 = vector.broadcast %broadcast_in_dim3A : i32 to vector<16xi32>
    %broadcast_in_dim3A_15 = arith.constant 200 : i32
    %broadcast_in_dim3A_16 = vector.broadcast %broadcast_in_dim3A_15 : i32 to vector<16xi32>
    %broadcast_in_dim3A_17 = arith.constant 200 : i32
    %broadcast_in_dim3A_18 = vector.broadcast %broadcast_in_dim3A_17 : i32 to vector<16xi32>
    %broadcast_in_dim3A_19 = arith.constant 200 : i32
    %broadcast_in_dim3A_20 = vector.broadcast %broadcast_in_dim3A_19 : i32 to vector<16xi32>
    %broadcast_in_dim3A_21 = arith.constant 200 : i32
    %broadcast_in_dim3A_22 = vector.broadcast %broadcast_in_dim3A_21 : i32 to vector<16xi32>
    %broadcast_in_dim3A_23 = arith.constant 200 : i32
    %broadcast_in_dim3A_24 = vector.broadcast %broadcast_in_dim3A_23 : i32 to vector<16xi32>
    %broadcast_in_dim3A_25 = arith.constant 200 : i32
    %broadcast_in_dim3A_26 = vector.broadcast %broadcast_in_dim3A_25 : i32 to vector<16xi32>
    %broadcast_in_dim3A_27 = arith.constant 200 : i32
    %broadcast_in_dim3A_28 = vector.broadcast %broadcast_in_dim3A_27 : i32 to vector<16xi32>
    %scan3A = arith.constant 0 : i32
    %scan3A_29 = arith.constant 200 : i32
    %scan3A_30 = arith.addi %scan3A, %scan3A_29 : i32
    %scan3A_31 = arith.constant 1 : i32
    %scan3A_32:8 = scf.for %scan3A_2233 = %scan3A to %scan3A_30 step %scan3A_31 iter_args(%scan3A_2234 = %broadcast_in_dim3A_14, %scan3A_2235 = %broadcast_in_dim3A_16, %scan3A_2236 = %broadcast_in_dim3A_18, %scan3A_2237 = %broadcast_in_dim3A_20, %scan3A_2238 = %broadcast_in_dim3A_22, %scan3A_2239 = %broadcast_in_dim3A_24, %scan3A_2240 = %broadcast_in_dim3A_26, %scan3A_2241 = %broadcast_in_dim3A_28) -> (vector<16xi32>, vector<16xi32>, vector<16xi32>, vector<16xi32>, vector<16xi32>, vector<16xi32>, vector<16xi32>, vector<16xi32>)  : i32 {
      %broadcast_in_dim3A_2242 = arith.constant 0 : i32
      %broadcast_in_dim3A_2243 = vector.broadcast %broadcast_in_dim3A_2242 : i32 to vector<16xi32>
      %add3A_2244 = vector.broadcast %scan3A_2233 : i32 to vector<16xi32>
      %add3A_2245 = arith.addi %broadcast_in_dim3A_2243, %add3A_2244 : vector<16xi32>
      %get3A = arith.index_cast %scan3A_2233 : i32 to index
      %get3A_2246 = arith.constant 0 : index
      %get3A_2247 = tpu.vector_load %arg5[%get3A, %get3A_2246] {strides = array<i32>} : memref<200x128xi32, #tpu.memory_space<vmem>>, vector<16xi32>,
      %eq3A = arith.constant 0 : i32
      %eq3A_2248 = vector.broadcast %eq3A : i32 to vector<16xi32>
      %eq3A_2249 = arith.cmpi eq, %get3A_2247, %eq3A_2248 : vector<16xi32>
      %jit3A_2250 = arith.constant 200 : i32
      %broadcast_in_dim3A_2251 = vector.broadcast %jit3A_2250 : i32 to vector<16xi32>
      %select_n3A_2252 = arith.select %eq3A_2249, %add3A_2245, %broadcast_in_dim3A_2251 : vector<16xi1>, vector<16xi32>
      %min3A = arith.minsi %scan3A_2234, %select_n3A_2252 : vector<16xi32>
      %get3A_2253 = arith.index_cast %scan3A_2233 : i32 to index
      %get3A_2254 = arith.constant 16 : index
      %get3A_2255 = tpu.vector_load %arg5[%get3A_2253, %get3A_2254] {strides = array<i32>} : memref<200x128xi32, #tpu.memory_space<vmem>>, vector<16xi32>,
      %eq3A_2256 = arith.constant 0 : i32
      %eq3A_2257 = vector.broadcast %eq3A_2256 : i32 to vector<16xi32>
      %eq3A_2258 = arith.cmpi eq, %get3A_2255, %eq3A_2257 : vector<16xi32>
      %jit3A_2259 = arith.constant 200 : i32
      %broadcast_in_dim3A_2260 = vector.broadcast %jit3A_2259 : i32 to vector<16xi32>
      %select_n3A_2261 = arith.select %eq3A_2258, %add3A_2245, %broadcast_in_dim3A_2260 : vector<16xi1>, vector<16xi32>
      %min3A_2262 = arith.minsi %scan3A_2235, %select_n3A_2261 : vector<16xi32>
      %get3A_2263 = arith.index_cast %scan3A_2233 : i32 to index
      %get3A_2264 = arith.constant 32 : index
      %get3A_2265 = tpu.vector_load %arg5[%get3A_2263, %get3A_2264] {strides = array<i32>} : memref<200x128xi32, #tpu.memory_space<vmem>>, vector<16xi32>,
      %eq3A_2266 = arith.constant 0 : i32
      %eq3A_2267 = vector.broadcast %eq3A_2266 : i32 to vector<16xi32>
      %eq3A_2268 = arith.cmpi eq, %get3A_2265, %eq3A_2267 : vector<16xi32>
      %jit3A_2269 = arith.constant 200 : i32
      %broadcast_in_dim3A_2270 = vector.broadcast %jit3A_2269 : i32 to vector<16xi32>
      %select_n3A_2271 = arith.select %eq3A_2268, %add3A_2245, %broadcast_in_dim3A_2270 : vector<16xi1>, vector<16xi32>
      %min3A_2272 = arith.minsi %scan3A_2236, %select_n3A_2271 : vector<16xi32>
      %get3A_2273 = arith.index_cast %scan3A_2233 : i32 to index
      %get3A_2274 = arith.constant 48 : index
      %get3A_2275 = tpu.vector_load %arg5[%get3A_2273, %get3A_2274] {strides = array<i32>} : memref<200x128xi32, #tpu.memory_space<vmem>>, vector<16xi32>,
      %eq3A_2276 = arith.constant 0 : i32
      %eq3A_2277 = vector.broadcast %eq3A_2276 : i32 to vector<16xi32>
      %eq3A_2278 = arith.cmpi eq, %get3A_2275, %eq3A_2277 : vector<16xi32>
      %jit3A_2279 = arith.constant 200 : i32
      %broadcast_in_dim3A_2280 = vector.broadcast %jit3A_2279 : i32 to vector<16xi32>
      %select_n3A_2281 = arith.select %eq3A_2278, %add3A_2245, %broadcast_in_dim3A_2280 : vector<16xi1>, vector<16xi32>
      %min3A_2282 = arith.minsi %scan3A_2237, %select_n3A_2281 : vector<16xi32>
      %get3A_2283 = arith.index_cast %scan3A_2233 : i32 to index
      %get3A_2284 = arith.constant 64 : index
      %get3A_2285 = tpu.vector_load %arg5[%get3A_2283, %get3A_2284] {strides = array<i32>} : memref<200x128xi32, #tpu.memory_space<vmem>>, vector<16xi32>,
      %eq3A_2286 = arith.constant 0 : i32
      %eq3A_2287 = vector.broadcast %eq3A_2286 : i32 to vector<16xi32>
      %eq3A_2288 = arith.cmpi eq, %get3A_2285, %eq3A_2287 : vector<16xi32>
      %jit3A_2289 = arith.constant 200 : i32
      %broadcast_in_dim3A_2290 = vector.broadcast %jit3A_2289 : i32 to vector<16xi32>
      %select_n3A_2291 = arith.select %eq3A_2288, %add3A_2245, %broadcast_in_dim3A_2290 : vector<16xi1>, vector<16xi32>
      %min3A_2292 = arith.minsi %scan3A_2238, %select_n3A_2291 : vector<16xi32>
      %get3A_2293 = arith.index_cast %scan3A_2233 : i32 to index
      %get3A_2294 = arith.constant 80 : index
      %get3A_2295 = tpu.vector_load %arg5[%get3A_2293, %get3A_2294] {strides = array<i32>} : memref<200x128xi32, #tpu.memory_space<vmem>>, vector<16xi32>,
      %eq3A_2296 = arith.constant 0 : i32
      %eq3A_2297 = vector.broadcast %eq3A_2296 : i32 to vector<16xi32>
      %eq3A_2298 = arith.cmpi eq, %get3A_2295, %eq3A_2297 : vector<16xi32>
      %jit3A_2299 = arith.constant 200 : i32
      %broadcast_in_dim3A_2300 = vector.broadcast %jit3A_2299 : i32 to vector<16xi32>
      %select_n3A_2301 = arith.select %eq3A_2298, %add3A_2245, %broadcast_in_dim3A_2300 : vector<16xi1>, vector<16xi32>
      %min3A_2302 = arith.minsi %scan3A_2239, %select_n3A_2301 : vector<16xi32>
      %get3A_2303 = arith.index_cast %scan3A_2233 : i32 to index
      %get3A_2304 = arith.constant 96 : index
      %get3A_2305 = tpu.vector_load %arg5[%get3A_2303, %get3A_2304] {strides = array<i32>} : memref<200x128xi32, #tpu.memory_space<vmem>>, vector<16xi32>,
      %eq3A_2306 = arith.constant 0 : i32
      %eq3A_2307 = vector.broadcast %eq3A_2306 : i32 to vector<16xi32>
      %eq3A_2308 = arith.cmpi eq, %get3A_2305, %eq3A_2307 : vector<16xi32>
      %jit3A_2309 = arith.constant 200 : i32
      %broadcast_in_dim3A_2310 = vector.broadcast %jit3A_2309 : i32 to vector<16xi32>
      %select_n3A_2311 = arith.select %eq3A_2308, %add3A_2245, %broadcast_in_dim3A_2310 : vector<16xi1>, vector<16xi32>
      %min3A_2312 = arith.minsi %scan3A_2240, %select_n3A_2311 : vector<16xi32>
      %get3A_2313 = arith.index_cast %scan3A_2233 : i32 to index
      %get3A_2314 = arith.constant 112 : index
      %get3A_2315 = tpu.vector_load %arg5[%get3A_2313, %get3A_2314] {strides = array<i32>} : memref<200x128xi32, #tpu.memory_space<vmem>>, vector<16xi32>,
      %eq3A_2316 = arith.constant 0 : i32
      %eq3A_2317 = vector.broadcast %eq3A_2316 : i32 to vector<16xi32>
      %eq3A_2318 = arith.cmpi eq, %get3A_2315, %eq3A_2317 : vector<16xi32>
      %jit3A_2319 = arith.constant 200 : i32
      %broadcast_in_dim3A_2320 = vector.broadcast %jit3A_2319 : i32 to vector<16xi32>
      %select_n3A_2321 = arith.select %eq3A_2318, %add3A_2245, %broadcast_in_dim3A_2320 : vector<16xi1>, vector<16xi32>
      %min3A_2322 = arith.minsi %scan3A_2241, %select_n3A_2321 : vector<16xi32>
      scf.yield %min3A, %min3A_2262, %min3A_2272, %min3A_2282, %min3A_2292, %min3A_2302, %min3A_2312, %min3A_2322 : vector<16xi32>, vector<16xi32>, vector<16xi32>, vector<16xi32>, vector<16xi32>, vector<16xi32>, vector<16xi32>, vector<16xi32>
    }
    %scan3A_33 = arith.constant 200 : i32
    %slice3A = vector.extract_strided_slice %scan3A_32#0 {offsets = [0], sizes = [1], strides = [1]} : vector<16xi32> to vector<1xi32>
    %squeeze3A = vector.extract %slice3A[0] : i32 from vector<1xi32>
    %mul3A_34 = arith.constant 64 : i32
    %mul3A_35 = arith.muli %squeeze3A, %mul3A_34 : i32
    %swap3A = arith.constant 0 : i32
    %swap3A_36 = arith.index_cast %swap3A : i32 to index
    %swap3A_37 = memref.load %arg11[%swap3A_36] : memref<128xi32, #tpu.memory_space<smem>>
    memref.store %mul3A_35, %arg11[%swap3A_36] : memref<128xi32, #tpu.memory_space<smem>>
    %lt3A = arith.constant 200 : i32
    %lt3A_38 = arith.cmpi slt, %squeeze3A, %lt3A : i32
    %convert_element_type3A = arith.extui %lt3A_38 : i1 to i32
    %cond3A = arith.constant 0 : i32
    %cond3A_39 = arith.constant 0 : i32
    %cond3A_40 = arith.cmpi ne, %convert_element_type3A, %cond3A_39 : i32
    scf.if %cond3A_40 {
      %swap3A_2233 = arith.constant 0 : i32
      %swap3A_2234 = arith.index_cast %cond3A : i32 to index
      %swap3A_2235 = memref.load %arg12[%swap3A_2234] : memref<128xi32, #tpu.memory_space<smem>>
      memref.store %swap3A_2233, %arg12[%swap3A_2234] : memref<128xi32, #tpu.memory_space<smem>>
    } else {
    }
    %lt3A_41 = arith.constant 200 : i32
    %lt3A_42 = arith.cmpi slt, %squeeze3A, %lt3A_41 : i32
    %add3A_43 = arith.constant 0 : i32
    %add3A_44 = arith.constant 1 : i32
    %add3A_45 = arith.addi %add3A_43, %add3A_44 : i32
    %jit3A = arith.constant 0 : i32
    %select_n3A = arith.select %lt3A_42, %add3A_45, %jit3A : i32
    %slice3A_46 = vector.extract_strided_slice %scan3A_32#0 {offsets = [1], sizes = [1], strides = [1]} : vector<16xi32> to vector<1xi32>
    %squeeze3A_47 = vector.extract %slice3A_46[0] : i32 from vector<1xi32>
    %mul3A_48 = arith.constant 64 : i32
    %mul3A_49 = arith.muli %squeeze3A_47, %mul3A_48 : i32
    %swap3A_50 = arith.constant 1 : i32
    %swap3A_51 = arith.index_cast %swap3A_50 : i32 to index
    %swap3A_52 = memref.load %arg11[%swap3A_51] : memref<128xi32, #tpu.memory_space<smem>>
    memref.store %mul3A_49, %arg11[%swap3A_51] : memref<128xi32, #tpu.memory_space<smem>>
    %lt3A_53 = arith.constant 200 : i32
    %lt3A_54 = arith.cmpi slt, %squeeze3A_47, %lt3A_53 : i32
    %convert_element_type3A_55 = arith.extui %lt3A_54 : i1 to i32
    %cond3A_56 = arith.constant 0 : i32
    %cond3A_57 = arith.cmpi ne, %convert_element_type3A_55, %cond3A_56 : i32
    scf.if %cond3A_57 {
      %swap3A_2233 = arith.constant 1 : i32
      %swap3A_2234 = arith.index_cast %select_n3A : i32 to index
      %swap3A_2235 = memref.load %arg12[%swap3A_2234] : memref<128xi32, #tpu.memory_space<smem>>
      memref.store %swap3A_2233, %arg12[%swap3A_2234] : memref<128xi32, #tpu.memory_space<smem>>
    } else {
    }
    %lt3A_58 = arith.constant 200 : i32
    %lt3A_59 = arith.cmpi slt, %squeeze3A_47, %lt3A_58 : i32
    %add3A_60 = arith.constant 1 : i32
    %add3A_61 = arith.addi %select_n3A, %add3A_60 : i32
    %select_n3A_62 = arith.select %lt3A_59, %add3A_61, %select_n3A : i32
    %slice3A_63 = vector.extract_strided_slice %scan3A_32#0 {offsets = [2], sizes = [1], strides = [1]} : vector<16xi32> to vector<1xi32>
    %squeeze3A_64 = vector.extract %slice3A_63[0] : i32 from vector<1xi32>
    %mul3A_65 = arith.constant 64 : i32
    %mul3A_66 = arith.muli %squeeze3A_64, %mul3A_65 : i32
    %swap3A_67 = arith.constant 2 : i32
    %swap3A_68 = arith.index_cast %swap3A_67 : i32 to index
    %swap3A_69 = memref.load %arg11[%swap3A_68] : memref<128xi32, #tpu.memory_space<smem>>
    memref.store %mul3A_66, %arg11[%swap3A_68] : memref<128xi32, #tpu.memory_space<smem>>
    %lt3A_70 = arith.constant 200 : i32
    %lt3A_71 = arith.cmpi slt, %squeeze3A_64, %lt3A_70 : i32
    %convert_element_type3A_72 = arith.extui %lt3A_71 : i1 to i32
    %cond3A_73 = arith.constant 0 : i32
    %cond3A_74 = arith.cmpi ne, %convert_element_type3A_72, %cond3A_73 : i32
    scf.if %cond3A_74 {
      %swap3A_2233 = arith.constant 2 : i32
      %swap3A_2234 = arith.index_cast %select_n3A_62 : i32 to index
      %swap3A_2235 = memref.load %arg12[%swap3A_2234] : memref<128xi32, #tpu.memory_space<smem>>
      memref.store %swap3A_2233, %arg12[%swap3A_2234] : memref<128xi32, #tpu.memory_space<smem>>
    } else {
    }
    %lt3A_75 = arith.constant 200 : i32
    %lt3A_76 = arith.cmpi slt, %squeeze3A_64, %lt3A_75 : i32
    %add3A_77 = arith.constant 1 : i32
    %add3A_78 = arith.addi %select_n3A_62, %add3A_77 : i32
    %select_n3A_79 = arith.select %lt3A_76, %add3A_78, %select_n3A_62 : i32
    %slice3A_80 = vector.extract_strided_slice %scan3A_32#0 {offsets = [3], sizes = [1], strides = [1]} : vector<16xi32> to vector<1xi32>
    %squeeze3A_81 = vector.extract %slice3A_80[0] : i32 from vector<1xi32>
    %mul3A_82 = arith.constant 64 : i32
    %mul3A_83 = arith.muli %squeeze3A_81, %mul3A_82 : i32
    %swap3A_84 = arith.constant 3 : i32
    %swap3A_85 = arith.index_cast %swap3A_84 : i32 to index
    %swap3A_86 = memref.load %arg11[%swap3A_85] : memref<128xi32, #tpu.memory_space<smem>>
    memref.store %mul3A_83, %arg11[%swap3A_85] : memref<128xi32, #tpu.memory_space<smem>>
    %lt3A_87 = arith.constant 200 : i32
    %lt3A_88 = arith.cmpi slt, %squeeze3A_81, %lt3A_87 : i32
    %convert_element_type3A_89 = arith.extui %lt3A_88 : i1 to i32
    %cond3A_90 = arith.constant 0 : i32
    %cond3A_91 = arith.cmpi ne, %convert_element_type3A_89, %cond3A_90 : i32
    scf.if %cond3A_91 {
      %swap3A_2233 = arith.constant 3 : i32
      %swap3A_2234 = arith.index_cast %select_n3A_79 : i32 to index
      %swap3A_2235 = memref.load %arg12[%swap3A_2234] : memref<128xi32, #tpu.memory_space<smem>>
      memref.store %swap3A_2233, %arg12[%swap3A_2234] : memref<128xi32, #tpu.memory_space<smem>>
    } else {
    }
    %lt3A_92 = arith.constant 200 : i32
    %lt3A_93 = arith.cmpi slt, %squeeze3A_81, %lt3A_92 : i32
    %add3A_94 = arith.constant 1 : i32
    %add3A_95 = arith.addi %select_n3A_79, %add3A_94 : i32
    %select_n3A_96 = arith.select %lt3A_93, %add3A_95, %select_n3A_79 : i32
    %slice3A_97 = vector.extract_strided_slice %scan3A_32#0 {offsets = [4], sizes = [1], strides = [1]} : vector<16xi32> to vector<1xi32>
    %squeeze3A_98 = vector.extract %slice3A_97[0] : i32 from vector<1xi32>
    %mul3A_99 = arith.constant 64 : i32
    %mul3A_100 = arith.muli %squeeze3A_98, %mul3A_99 : i32
    %swap3A_101 = arith.constant 4 : i32
    %swap3A_102 = arith.index_cast %swap3A_101 : i32 to index
    %swap3A_103 = memref.load %arg11[%swap3A_102] : memref<128xi32, #tpu.memory_space<smem>>
    memref.store %mul3A_100, %arg11[%swap3A_102] : memref<128xi32, #tpu.memory_space<smem>>
    %lt3A_104 = arith.constant 200 : i32
    %lt3A_105 = arith.cmpi slt, %squeeze3A_98, %lt3A_104 : i32
    %convert_element_type3A_106 = arith.extui %lt3A_105 : i1 to i32
    %cond3A_107 = arith.constant 0 : i32
    %cond3A_108 = arith.cmpi ne, %convert_element_type3A_106, %cond3A_107 : i32
    scf.if %cond3A_108 {
      %swap3A_2233 = arith.constant 4 : i32
      %swap3A_2234 = arith.index_cast %select_n3A_96 : i32 to index
      %swap3A_2235 = memref.load %arg12[%swap3A_2234] : memref<128xi32, #tpu.memory_space<smem>>
      memref.store %swap3A_2233, %arg12[%swap3A_2234] : memref<128xi32, #tpu.memory_space<smem>>
    } else {
    }
    %lt3A_109 = arith.constant 200 : i32
    %lt3A_110 = arith.cmpi slt, %squeeze3A_98, %lt3A_109 : i32
    %add3A_111 = arith.constant 1 : i32
    %add3A_112 = arith.addi %select_n3A_96, %add3A_111 : i32
    %select_n3A_113 = arith.select %lt3A_110, %add3A_112, %select_n3A_96 : i32
    %slice3A_114 = vector.extract_strided_slice %scan3A_32#0 {offsets = [5], sizes = [1], strides = [1]} : vector<16xi32> to vector<1xi32>
    %squeeze3A_115 = vector.extract %slice3A_114[0] : i32 from vector<1xi32>
    %mul3A_116 = arith.constant 64 : i32
    %mul3A_117 = arith.muli %squeeze3A_115, %mul3A_116 : i32
    %swap3A_118 = arith.constant 5 : i32
    %swap3A_119 = arith.index_cast %swap3A_118 : i32 to index
    %swap3A_120 = memref.load %arg11[%swap3A_119] : memref<128xi32, #tpu.memory_space<smem>>
    memref.store %mul3A_117, %arg11[%swap3A_119] : memref<128xi32, #tpu.memory_space<smem>>
    %lt3A_121 = arith.constant 200 : i32
    %lt3A_122 = arith.cmpi slt, %squeeze3A_115, %lt3A_121 : i32
    %convert_element_type3A_123 = arith.extui %lt3A_122 : i1 to i32
    %cond3A_124 = arith.constant 0 : i32
    %cond3A_125 = arith.cmpi ne, %convert_element_type3A_123, %cond3A_124 : i32
    scf.if %cond3A_125 {
      %swap3A_2233 = arith.constant 5 : i32
      %swap3A_2234 = arith.index_cast %select_n3A_113 : i32 to index
      %swap3A_2235 = memref.load %arg12[%swap3A_2234] : memref<128xi32, #tpu.memory_space<smem>>
      memref.store %swap3A_2233, %arg12[%swap3A_2234] : memref<128xi32, #tpu.memory_space<smem>>
    } else {
    }
    %lt3A_126 = arith.constant 200 : i32
    %lt3A_127 = arith.cmpi slt, %squeeze3A_115, %lt3A_126 : i32
    %add3A_128 = arith.constant 1 : i32
    %add3A_129 = arith.addi %select_n3A_113, %add3A_128 : i32
    %select_n3A_130 = arith.select %lt3A_127, %add3A_129, %select_n3A_113 : i32
    %slice3A_131 = vector.extract_strided_slice %scan3A_32#0 {offsets = [6], sizes = [1], strides = [1]} : vector<16xi32> to vector<1xi32>
    %squeeze3A_132 = vector.extract %slice3A_131[0] : i32 from vector<1xi32>
    %mul3A_133 = arith.constant 64 : i32
    %mul3A_134 = arith.muli %squeeze3A_132, %mul3A_133 : i32
    %swap3A_135 = arith.constant 6 : i32
    %swap3A_136 = arith.index_cast %swap3A_135 : i32 to index
    %swap3A_137 = memref.load %arg11[%swap3A_136] : memref<128xi32, #tpu.memory_space<smem>>
    memref.store %mul3A_134, %arg11[%swap3A_136] : memref<128xi32, #tpu.memory_space<smem>>
    %lt3A_138 = arith.constant 200 : i32
    %lt3A_139 = arith.cmpi slt, %squeeze3A_132, %lt3A_138 : i32
    %convert_element_type3A_140 = arith.extui %lt3A_139 : i1 to i32
    %cond3A_141 = arith.constant 0 : i32
    %cond3A_142 = arith.cmpi ne, %convert_element_type3A_140, %cond3A_141 : i32
    scf.if %cond3A_142 {
      %swap3A_2233 = arith.constant 6 : i32
      %swap3A_2234 = arith.index_cast %select_n3A_130 : i32 to index
      %swap3A_2235 = memref.load %arg12[%swap3A_2234] : memref<128xi32, #tpu.memory_space<smem>>
      memref.store %swap3A_2233, %arg12[%swap3A_2234] : memref<128xi32, #tpu.memory_space<smem>>
    } else {
    }
    %lt3A_143 = arith.constant 200 : i32
    %lt3A_144 = arith.cmpi slt, %squeeze3A_132, %lt3A_143 : i32
    %add3A_145 = arith.constant 1 : i32
    %add3A_146 = arith.addi %select_n3A_130, %add3A_145 : i32
    %select_n3A_147 = arith.select %lt3A_144, %add3A_146, %select_n3A_130 : i32
    %slice3A_148 = vector.extract_strided_slice %scan3A_32#0 {offsets = [7], sizes = [1], strides = [1]} : vector<16xi32> to vector<1xi32>
    %squeeze3A_149 = vector.extract %slice3A_148[0] : i32 from vector<1xi32>
    %mul3A_150 = arith.constant 64 : i32
    %mul3A_151 = arith.muli %squeeze3A_149, %mul3A_150 : i32
    %swap3A_152 = arith.constant 7 : i32
    %swap3A_153 = arith.index_cast %swap3A_152 : i32 to index
    %swap3A_154 = memref.load %arg11[%swap3A_153] : memref<128xi32, #tpu.memory_space<smem>>
    memref.store %mul3A_151, %arg11[%swap3A_153] : memref<128xi32, #tpu.memory_space<smem>>
    %lt3A_155 = arith.constant 200 : i32
    %lt3A_156 = arith.cmpi slt, %squeeze3A_149, %lt3A_155 : i32
    %convert_element_type3A_157 = arith.extui %lt3A_156 : i1 to i32
    %cond3A_158 = arith.constant 0 : i32
    %cond3A_159 = arith.cmpi ne, %convert_element_type3A_157, %cond3A_158 : i32
    scf.if %cond3A_159 {
      %swap3A_2233 = arith.constant 7 : i32
      %swap3A_2234 = arith.index_cast %select_n3A_147 : i32 to index
      %swap3A_2235 = memref.load %arg12[%swap3A_2234] : memref<128xi32, #tpu.memory_space<smem>>
      memref.store %swap3A_2233, %arg12[%swap3A_2234] : memref<128xi32, #tpu.memory_space<smem>>
    } else {
    }
    %lt3A_160 = arith.constant 200 : i32
    %lt3A_161 = arith.cmpi slt, %squeeze3A_149, %lt3A_160 : i32
    %add3A_162 = arith.constant 1 : i32
    %add3A_163 = arith.addi %select_n3A_147, %add3A_162 : i32
    %select_n3A_164 = arith.select %lt3A_161, %add3A_163, %select_n3A_147 : i32
    %slice3A_165 = vector.extract_strided_slice %scan3A_32#0 {offsets = [8], sizes = [1], strides = [1]} : vector<16xi32> to vector<1xi32>
    %squeeze3A_166 = vector.extract %slice3A_165[0] : i32 from vector<1xi32>
    %mul3A_167 = arith.constant 64 : i32
    %mul3A_168 = arith.muli %squeeze3A_166, %mul3A_167 : i32
    %swap3A_169 = arith.constant 8 : i32
    %swap3A_170 = arith.index_cast %swap3A_169 : i32 to index
    %swap3A_171 = memref.load %arg11[%swap3A_170] : memref<128xi32, #tpu.memory_space<smem>>
    memref.store %mul3A_168, %arg11[%swap3A_170] : memref<128xi32, #tpu.memory_space<smem>>
    %lt3A_172 = arith.constant 200 : i32
    %lt3A_173 = arith.cmpi slt, %squeeze3A_166, %lt3A_172 : i32
    %convert_element_type3A_174 = arith.extui %lt3A_173 : i1 to i32
    %cond3A_175 = arith.constant 0 : i32
    %cond3A_176 = arith.cmpi ne, %convert_element_type3A_174, %cond3A_175 : i32
    scf.if %cond3A_176 {
      %swap3A_2233 = arith.constant 8 : i32
      %swap3A_2234 = arith.index_cast %select_n3A_164 : i32 to index
      %swap3A_2235 = memref.load %arg12[%swap3A_2234] : memref<128xi32, #tpu.memory_space<smem>>
      memref.store %swap3A_2233, %arg12[%swap3A_2234] : memref<128xi32, #tpu.memory_space<smem>>
    } else {
    }
    %lt3A_177 = arith.constant 200 : i32
    %lt3A_178 = arith.cmpi slt, %squeeze3A_166, %lt3A_177 : i32
    %add3A_179 = arith.constant 1 : i32
    %add3A_180 = arith.addi %select_n3A_164, %add3A_179 : i32
    %select_n3A_181 = arith.select %lt3A_178, %add3A_180, %select_n3A_164 : i32
    %slice3A_182 = vector.extract_strided_slice %scan3A_32#0 {offsets = [9], sizes = [1], strides = [1]} : vector<16xi32> to vector<1xi32>
    %squeeze3A_183 = vector.extract %slice3A_182[0] : i32 from vector<1xi32>
    %mul3A_184 = arith.constant 64 : i32
    %mul3A_185 = arith.muli %squeeze3A_183, %mul3A_184 : i32
    %swap3A_186 = arith.constant 9 : i32
    %swap3A_187 = arith.index_cast %swap3A_186 : i32 to index
    %swap3A_188 = memref.load %arg11[%swap3A_187] : memref<128xi32, #tpu.memory_space<smem>>
    memref.store %mul3A_185, %arg11[%swap3A_187] : memref<128xi32, #tpu.memory_space<smem>>
    %lt3A_189 = arith.constant 200 : i32
    %lt3A_190 = arith.cmpi slt, %squeeze3A_183, %lt3A_189 : i32
    %convert_element_type3A_191 = arith.extui %lt3A_190 : i1 to i32
    %cond3A_192 = arith.constant 0 : i32
    %cond3A_193 = arith.cmpi ne, %convert_element_type3A_191, %cond3A_192 : i32
    scf.if %cond3A_193 {
      %swap3A_2233 = arith.constant 9 : i32
      %swap3A_2234 = arith.index_cast %select_n3A_181 : i32 to index
      %swap3A_2235 = memref.load %arg12[%swap3A_2234] : memref<128xi32, #tpu.memory_space<smem>>
      memref.store %swap3A_2233, %arg12[%swap3A_2234] : memref<128xi32, #tpu.memory_space<smem>>
    } else {
    }
    %lt3A_194 = arith.constant 200 : i32
    %lt3A_195 = arith.cmpi slt, %squeeze3A_183, %lt3A_194 : i32
    %add3A_196 = arith.constant 1 : i32
    %add3A_197 = arith.addi %select_n3A_181, %add3A_196 : i32
    %select_n3A_198 = arith.select %lt3A_195, %add3A_197, %select_n3A_181 : i32
    %slice3A_199 = vector.extract_strided_slice %scan3A_32#0 {offsets = [10], sizes = [1], strides = [1]} : vector<16xi32> to vector<1xi32>
    %squeeze3A_200 = vector.extract %slice3A_199[0] : i32 from vector<1xi32>
    %mul3A_201 = arith.constant 64 : i32
    %mul3A_202 = arith.muli %squeeze3A_200, %mul3A_201 : i32
    %swap3A_203 = arith.constant 10 : i32
    %swap3A_204 = arith.index_cast %swap3A_203 : i32 to index
    %swap3A_205 = memref.load %arg11[%swap3A_204] : memref<128xi32, #tpu.memory_space<smem>>
    memref.store %mul3A_202, %arg11[%swap3A_204] : memref<128xi32, #tpu.memory_space<smem>>
    %lt3A_206 = arith.constant 200 : i32
    %lt3A_207 = arith.cmpi slt, %squeeze3A_200, %lt3A_206 : i32
    %convert_element_type3A_208 = arith.extui %lt3A_207 : i1 to i32
    %cond3A_209 = arith.constant 0 : i32
    %cond3A_210 = arith.cmpi ne, %convert_element_type3A_208, %cond3A_209 : i32
    scf.if %cond3A_210 {
      %swap3A_2233 = arith.constant 10 : i32
      %swap3A_2234 = arith.index_cast %select_n3A_198 : i32 to index
      %swap3A_2235 = memref.load %arg12[%swap3A_2234] : memref<128xi32, #tpu.memory_space<smem>>
      memref.store %swap3A_2233, %arg12[%swap3A_2234] : memref<128xi32, #tpu.memory_space<smem>>
    } else {
    }
    %lt3A_211 = arith.constant 200 : i32
    %lt3A_212 = arith.cmpi slt, %squeeze3A_200, %lt3A_211 : i32
    %add3A_213 = arith.constant 1 : i32
    %add3A_214 = arith.addi %select_n3A_198, %add3A_213 : i32
    %select_n3A_215 = arith.select %lt3A_212, %add3A_214, %select_n3A_198 : i32
    %slice3A_216 = vector.extract_strided_slice %scan3A_32#0 {offsets = [11], sizes = [1], strides = [1]} : vector<16xi32> to vector<1xi32>
    %squeeze3A_217 = vector.extract %slice3A_216[0] : i32 from vector<1xi32>
    %mul3A_218 = arith.constant 64 : i32
    %mul3A_219 = arith.muli %squeeze3A_217, %mul3A_218 : i32
    %swap3A_220 = arith.constant 11 : i32
    %swap3A_221 = arith.index_cast %swap3A_220 : i32 to index
    %swap3A_222 = memref.load %arg11[%swap3A_221] : memref<128xi32, #tpu.memory_space<smem>>
    memref.store %mul3A_219, %arg11[%swap3A_221] : memref<128xi32, #tpu.memory_space<smem>>
    %lt3A_223 = arith.constant 200 : i32
    %lt3A_224 = arith.cmpi slt, %squeeze3A_217, %lt3A_223 : i32
    %convert_element_type3A_225 = arith.extui %lt3A_224 : i1 to i32
    %cond3A_226 = arith.constant 0 : i32
    %cond3A_227 = arith.cmpi ne, %convert_element_type3A_225, %cond3A_226 : i32
    scf.if %cond3A_227 {
      %swap3A_2233 = arith.constant 11 : i32
      %swap3A_2234 = arith.index_cast %select_n3A_215 : i32 to index
      %swap3A_2235 = memref.load %arg12[%swap3A_2234] : memref<128xi32, #tpu.memory_space<smem>>
      memref.store %swap3A_2233, %arg12[%swap3A_2234] : memref<128xi32, #tpu.memory_space<smem>>
    } else {
    }
    %lt3A_228 = arith.constant 200 : i32
    %lt3A_229 = arith.cmpi slt, %squeeze3A_217, %lt3A_228 : i32
    %add3A_230 = arith.constant 1 : i32
    %add3A_231 = arith.addi %select_n3A_215, %add3A_230 : i32
    %select_n3A_232 = arith.select %lt3A_229, %add3A_231, %select_n3A_215 : i32
    %slice3A_233 = vector.extract_strided_slice %scan3A_32#0 {offsets = [12], sizes = [1], strides = [1]} : vector<16xi32> to vector<1xi32>
    %squeeze3A_234 = vector.extract %slice3A_233[0] : i32 from vector<1xi32>
    %mul3A_235 = arith.constant 64 : i32
    %mul3A_236 = arith.muli %squeeze3A_234, %mul3A_235 : i32
    %swap3A_237 = arith.constant 12 : i32
    %swap3A_238 = arith.index_cast %swap3A_237 : i32 to index
    %swap3A_239 = memref.load %arg11[%swap3A_238] : memref<128xi32, #tpu.memory_space<smem>>
    memref.store %mul3A_236, %arg11[%swap3A_238] : memref<128xi32, #tpu.memory_space<smem>>
    %lt3A_240 = arith.constant 200 : i32
    %lt3A_241 = arith.cmpi slt, %squeeze3A_234, %lt3A_240 : i32
    %convert_element_type3A_242 = arith.extui %lt3A_241 : i1 to i32
    %cond3A_243 = arith.constant 0 : i32
    %cond3A_244 = arith.cmpi ne, %convert_element_type3A_242, %cond3A_243 : i32
    scf.if %cond3A_244 {
      %swap3A_2233 = arith.constant 12 : i32
      %swap3A_2234 = arith.index_cast %select_n3A_232 : i32 to index
      %swap3A_2235 = memref.load %arg12[%swap3A_2234] : memref<128xi32, #tpu.memory_space<smem>>
      memref.store %swap3A_2233, %arg12[%swap3A_2234] : memref<128xi32, #tpu.memory_space<smem>>
    } else {
    }
    %lt3A_245 = arith.constant 200 : i32
    %lt3A_246 = arith.cmpi slt, %squeeze3A_234, %lt3A_245 : i32
    %add3A_247 = arith.constant 1 : i32
    %add3A_248 = arith.addi %select_n3A_232, %add3A_247 : i32
    %select_n3A_249 = arith.select %lt3A_246, %add3A_248, %select_n3A_232 : i32
    %slice3A_250 = vector.extract_strided_slice %scan3A_32#0 {offsets = [13], sizes = [1], strides = [1]} : vector<16xi32> to vector<1xi32>
    %squeeze3A_251 = vector.extract %slice3A_250[0] : i32 from vector<1xi32>
    %mul3A_252 = arith.constant 64 : i32
    %mul3A_253 = arith.muli %squeeze3A_251, %mul3A_252 : i32
    %swap3A_254 = arith.constant 13 : i32
    %swap3A_255 = arith.index_cast %swap3A_254 : i32 to index
    %swap3A_256 = memref.load %arg11[%swap3A_255] : memref<128xi32, #tpu.memory_space<smem>>
    memref.store %mul3A_253, %arg11[%swap3A_255] : memref<128xi32, #tpu.memory_space<smem>>
    %lt3A_257 = arith.constant 200 : i32
    %lt3A_258 = arith.cmpi slt, %squeeze3A_251, %lt3A_257 : i32
    %convert_element_type3A_259 = arith.extui %lt3A_258 : i1 to i32
    %cond3A_260 = arith.constant 0 : i32
    %cond3A_261 = arith.cmpi ne, %convert_element_type3A_259, %cond3A_260 : i32
    scf.if %cond3A_261 {
      %swap3A_2233 = arith.constant 13 : i32
      %swap3A_2234 = arith.index_cast %select_n3A_249 : i32 to index
      %swap3A_2235 = memref.load %arg12[%swap3A_2234] : memref<128xi32, #tpu.memory_space<smem>>
      memref.store %swap3A_2233, %arg12[%swap3A_2234] : memref<128xi32, #tpu.memory_space<smem>>
    } else {
    }
    %lt3A_262 = arith.constant 200 : i32
    %lt3A_263 = arith.cmpi slt, %squeeze3A_251, %lt3A_262 : i32
    %add3A_264 = arith.constant 1 : i32
    %add3A_265 = arith.addi %select_n3A_249, %add3A_264 : i32
    %select_n3A_266 = arith.select %lt3A_263, %add3A_265, %select_n3A_249 : i32
    %slice3A_267 = vector.extract_strided_slice %scan3A_32#0 {offsets = [14], sizes = [1], strides = [1]} : vector<16xi32> to vector<1xi32>
    %squeeze3A_268 = vector.extract %slice3A_267[0] : i32 from vector<1xi32>
    %mul3A_269 = arith.constant 64 : i32
    %mul3A_270 = arith.muli %squeeze3A_268, %mul3A_269 : i32
    %swap3A_271 = arith.constant 14 : i32
    %swap3A_272 = arith.index_cast %swap3A_271 : i32 to index
    %swap3A_273 = memref.load %arg11[%swap3A_272] : memref<128xi32, #tpu.memory_space<smem>>
    memref.store %mul3A_270, %arg11[%swap3A_272] : memref<128xi32, #tpu.memory_space<smem>>
    %lt3A_274 = arith.constant 200 : i32
    %lt3A_275 = arith.cmpi slt, %squeeze3A_268, %lt3A_274 : i32
    %convert_element_type3A_276 = arith.extui %lt3A_275 : i1 to i32
    %cond3A_277 = arith.constant 0 : i32
    %cond3A_278 = arith.cmpi ne, %convert_element_type3A_276, %cond3A_277 : i32
    scf.if %cond3A_278 {
      %swap3A_2233 = arith.constant 14 : i32
      %swap3A_2234 = arith.index_cast %select_n3A_266 : i32 to index
      %swap3A_2235 = memref.load %arg12[%swap3A_2234] : memref<128xi32, #tpu.memory_space<smem>>
      memref.store %swap3A_2233, %arg12[%swap3A_2234] : memref<128xi32, #tpu.memory_space<smem>>
    } else {
    }
    %lt3A_279 = arith.constant 200 : i32
    %lt3A_280 = arith.cmpi slt, %squeeze3A_268, %lt3A_279 : i32
    %add3A_281 = arith.constant 1 : i32
    %add3A_282 = arith.addi %select_n3A_266, %add3A_281 : i32
    %select_n3A_283 = arith.select %lt3A_280, %add3A_282, %select_n3A_266 : i32
    %slice3A_284 = vector.extract_strided_slice %scan3A_32#0 {offsets = [15], sizes = [1], strides = [1]} : vector<16xi32> to vector<1xi32>
    %squeeze3A_285 = vector.extract %slice3A_284[0] : i32 from vector<1xi32>
    %mul3A_286 = arith.constant 64 : i32
    %mul3A_287 = arith.muli %squeeze3A_285, %mul3A_286 : i32
    %swap3A_288 = arith.constant 15 : i32
    %swap3A_289 = arith.index_cast %swap3A_288 : i32 to index
    %swap3A_290 = memref.load %arg11[%swap3A_289] : memref<128xi32, #tpu.memory_space<smem>>
    memref.store %mul3A_287, %arg11[%swap3A_289] : memref<128xi32, #tpu.memory_space<smem>>
    %lt3A_291 = arith.constant 200 : i32
    %lt3A_292 = arith.cmpi slt, %squeeze3A_285, %lt3A_291 : i32
    %convert_element_type3A_293 = arith.extui %lt3A_292 : i1 to i32
    %cond3A_294 = arith.constant 0 : i32
    %cond3A_295 = arith.cmpi ne, %convert_element_type3A_293, %cond3A_294 : i32
    scf.if %cond3A_295 {
      %swap3A_2233 = arith.constant 15 : i32
      %swap3A_2234 = arith.index_cast %select_n3A_283 : i32 to index
      %swap3A_2235 = memref.load %arg12[%swap3A_2234] : memref<128xi32, #tpu.memory_space<smem>>
      memref.store %swap3A_2233, %arg12[%swap3A_2234] : memref<128xi32, #tpu.memory_space<smem>>
    } else {
    }
    %lt3A_296 = arith.constant 200 : i32
    %lt3A_297 = arith.cmpi slt, %squeeze3A_285, %lt3A_296 : i32
    %add3A_298 = arith.constant 1 : i32
    %add3A_299 = arith.addi %select_n3A_283, %add3A_298 : i32
    %select_n3A_300 = arith.select %lt3A_297, %add3A_299, %select_n3A_283 : i32
    %slice3A_301 = vector.extract_strided_slice %scan3A_32#1 {offsets = [0], sizes = [1], strides = [1]} : vector<16xi32> to vector<1xi32>
    %squeeze3A_302 = vector.extract %slice3A_301[0] : i32 from vector<1xi32>
    %mul3A_303 = arith.constant 64 : i32
    %mul3A_304 = arith.muli %squeeze3A_302, %mul3A_303 : i32
    %swap3A_305 = arith.constant 16 : i32
    %swap3A_306 = arith.index_cast %swap3A_305 : i32 to index
    %swap3A_307 = memref.load %arg11[%swap3A_306] : memref<128xi32, #tpu.memory_space<smem>>
    memref.store %mul3A_304, %arg11[%swap3A_306] : memref<128xi32, #tpu.memory_space<smem>>
    %lt3A_308 = arith.constant 200 : i32
    %lt3A_309 = arith.cmpi slt, %squeeze3A_302, %lt3A_308 : i32
    %convert_element_type3A_310 = arith.extui %lt3A_309 : i1 to i32
    %cond3A_311 = arith.constant 0 : i32
    %cond3A_312 = arith.cmpi ne, %convert_element_type3A_310, %cond3A_311 : i32
    scf.if %cond3A_312 {
      %swap3A_2233 = arith.constant 16 : i32
      %swap3A_2234 = arith.index_cast %select_n3A_300 : i32 to index
      %swap3A_2235 = memref.load %arg12[%swap3A_2234] : memref<128xi32, #tpu.memory_space<smem>>
      memref.store %swap3A_2233, %arg12[%swap3A_2234] : memref<128xi32, #tpu.memory_space<smem>>
    } else {
    }
    %lt3A_313 = arith.constant 200 : i32
    %lt3A_314 = arith.cmpi slt, %squeeze3A_302, %lt3A_313 : i32
    %add3A_315 = arith.constant 1 : i32
    %add3A_316 = arith.addi %select_n3A_300, %add3A_315 : i32
    %select_n3A_317 = arith.select %lt3A_314, %add3A_316, %select_n3A_300 : i32
    %slice3A_318 = vector.extract_strided_slice %scan3A_32#1 {offsets = [1], sizes = [1], strides = [1]} : vector<16xi32> to vector<1xi32>
    %squeeze3A_319 = vector.extract %slice3A_318[0] : i32 from vector<1xi32>
    %mul3A_320 = arith.constant 64 : i32
    %mul3A_321 = arith.muli %squeeze3A_319, %mul3A_320 : i32
    %swap3A_322 = arith.constant 17 : i32
    %swap3A_323 = arith.index_cast %swap3A_322 : i32 to index
    %swap3A_324 = memref.load %arg11[%swap3A_323] : memref<128xi32, #tpu.memory_space<smem>>
    memref.store %mul3A_321, %arg11[%swap3A_323] : memref<128xi32, #tpu.memory_space<smem>>
    %lt3A_325 = arith.constant 200 : i32
    %lt3A_326 = arith.cmpi slt, %squeeze3A_319, %lt3A_325 : i32
    %convert_element_type3A_327 = arith.extui %lt3A_326 : i1 to i32
    %cond3A_328 = arith.constant 0 : i32
    %cond3A_329 = arith.cmpi ne, %convert_element_type3A_327, %cond3A_328 : i32
    scf.if %cond3A_329 {
      %swap3A_2233 = arith.constant 17 : i32
      %swap3A_2234 = arith.index_cast %select_n3A_317 : i32 to index
      %swap3A_2235 = memref.load %arg12[%swap3A_2234] : memref<128xi32, #tpu.memory_space<smem>>
      memref.store %swap3A_2233, %arg12[%swap3A_2234] : memref<128xi32, #tpu.memory_space<smem>>
    } else {
    }
    %lt3A_330 = arith.constant 200 : i32
    %lt3A_331 = arith.cmpi slt, %squeeze3A_319, %lt3A_330 : i32
    %add3A_332 = arith.constant 1 : i32
    %add3A_333 = arith.addi %select_n3A_317, %add3A_332 : i32
    %select_n3A_334 = arith.select %lt3A_331, %add3A_333, %select_n3A_317 : i32
    %slice3A_335 = vector.extract_strided_slice %scan3A_32#1 {offsets = [2], sizes = [1], strides = [1]} : vector<16xi32> to vector<1xi32>
    %squeeze3A_336 = vector.extract %slice3A_335[0] : i32 from vector<1xi32>
    %mul3A_337 = arith.constant 64 : i32
    %mul3A_338 = arith.muli %squeeze3A_336, %mul3A_337 : i32
    %swap3A_339 = arith.constant 18 : i32
    %swap3A_340 = arith.index_cast %swap3A_339 : i32 to index
    %swap3A_341 = memref.load %arg11[%swap3A_340] : memref<128xi32, #tpu.memory_space<smem>>
    memref.store %mul3A_338, %arg11[%swap3A_340] : memref<128xi32, #tpu.memory_space<smem>>
    %lt3A_342 = arith.constant 200 : i32
    %lt3A_343 = arith.cmpi slt, %squeeze3A_336, %lt3A_342 : i32
    %convert_element_type3A_344 = arith.extui %lt3A_343 : i1 to i32
    %cond3A_345 = arith.constant 0 : i32
    %cond3A_346 = arith.cmpi ne, %convert_element_type3A_344, %cond3A_345 : i32
    scf.if %cond3A_346 {
      %swap3A_2233 = arith.constant 18 : i32
      %swap3A_2234 = arith.index_cast %select_n3A_334 : i32 to index
      %swap3A_2235 = memref.load %arg12[%swap3A_2234] : memref<128xi32, #tpu.memory_space<smem>>
      memref.store %swap3A_2233, %arg12[%swap3A_2234] : memref<128xi32, #tpu.memory_space<smem>>
    } else {
    }
    %lt3A_347 = arith.constant 200 : i32
    %lt3A_348 = arith.cmpi slt, %squeeze3A_336, %lt3A_347 : i32
    %add3A_349 = arith.constant 1 : i32
    %add3A_350 = arith.addi %select_n3A_334, %add3A_349 : i32
    %select_n3A_351 = arith.select %lt3A_348, %add3A_350, %select_n3A_334 : i32
    %slice3A_352 = vector.extract_strided_slice %scan3A_32#1 {offsets = [3], sizes = [1], strides = [1]} : vector<16xi32> to vector<1xi32>
    %squeeze3A_353 = vector.extract %slice3A_352[0] : i32 from vector<1xi32>
    %mul3A_354 = arith.constant 64 : i32
    %mul3A_355 = arith.muli %squeeze3A_353, %mul3A_354 : i32
    %swap3A_356 = arith.constant 19 : i32
    %swap3A_357 = arith.index_cast %swap3A_356 : i32 to index
    %swap3A_358 = memref.load %arg11[%swap3A_357] : memref<128xi32, #tpu.memory_space<smem>>
    memref.store %mul3A_355, %arg11[%swap3A_357] : memref<128xi32, #tpu.memory_space<smem>>
    %lt3A_359 = arith.constant 200 : i32
    %lt3A_360 = arith.cmpi slt, %squeeze3A_353, %lt3A_359 : i32
    %convert_element_type3A_361 = arith.extui %lt3A_360 : i1 to i32
    %cond3A_362 = arith.constant 0 : i32
    %cond3A_363 = arith.cmpi ne, %convert_element_type3A_361, %cond3A_362 : i32
    scf.if %cond3A_363 {
      %swap3A_2233 = arith.constant 19 : i32
      %swap3A_2234 = arith.index_cast %select_n3A_351 : i32 to index
      %swap3A_2235 = memref.load %arg12[%swap3A_2234] : memref<128xi32, #tpu.memory_space<smem>>
      memref.store %swap3A_2233, %arg12[%swap3A_2234] : memref<128xi32, #tpu.memory_space<smem>>
    } else {
    }
    %lt3A_364 = arith.constant 200 : i32
    %lt3A_365 = arith.cmpi slt, %squeeze3A_353, %lt3A_364 : i32
    %add3A_366 = arith.constant 1 : i32
    %add3A_367 = arith.addi %select_n3A_351, %add3A_366 : i32
    %select_n3A_368 = arith.select %lt3A_365, %add3A_367, %select_n3A_351 : i32
    %slice3A_369 = vector.extract_strided_slice %scan3A_32#1 {offsets = [4], sizes = [1], strides = [1]} : vector<16xi32> to vector<1xi32>
    %squeeze3A_370 = vector.extract %slice3A_369[0] : i32 from vector<1xi32>
    %mul3A_371 = arith.constant 64 : i32
    %mul3A_372 = arith.muli %squeeze3A_370, %mul3A_371 : i32
    %swap3A_373 = arith.constant 20 : i32
    %swap3A_374 = arith.index_cast %swap3A_373 : i32 to index
    %swap3A_375 = memref.load %arg11[%swap3A_374] : memref<128xi32, #tpu.memory_space<smem>>
    memref.store %mul3A_372, %arg11[%swap3A_374] : memref<128xi32, #tpu.memory_space<smem>>
    %lt3A_376 = arith.constant 200 : i32
    %lt3A_377 = arith.cmpi slt, %squeeze3A_370, %lt3A_376 : i32
    %convert_element_type3A_378 = arith.extui %lt3A_377 : i1 to i32
    %cond3A_379 = arith.constant 0 : i32
    %cond3A_380 = arith.cmpi ne, %convert_element_type3A_378, %cond3A_379 : i32
    scf.if %cond3A_380 {
      %swap3A_2233 = arith.constant 20 : i32
      %swap3A_2234 = arith.index_cast %select_n3A_368 : i32 to index
      %swap3A_2235 = memref.load %arg12[%swap3A_2234] : memref<128xi32, #tpu.memory_space<smem>>
      memref.store %swap3A_2233, %arg12[%swap3A_2234] : memref<128xi32, #tpu.memory_space<smem>>
    } else {
    }
    %lt3A_381 = arith.constant 200 : i32
    %lt3A_382 = arith.cmpi slt, %squeeze3A_370, %lt3A_381 : i32
    %add3A_383 = arith.constant 1 : i32
    %add3A_384 = arith.addi %select_n3A_368, %add3A_383 : i32
    %select_n3A_385 = arith.select %lt3A_382, %add3A_384, %select_n3A_368 : i32
    %slice3A_386 = vector.extract_strided_slice %scan3A_32#1 {offsets = [5], sizes = [1], strides = [1]} : vector<16xi32> to vector<1xi32>
    %squeeze3A_387 = vector.extract %slice3A_386[0] : i32 from vector<1xi32>
    %mul3A_388 = arith.constant 64 : i32
    %mul3A_389 = arith.muli %squeeze3A_387, %mul3A_388 : i32
    %swap3A_390 = arith.constant 21 : i32
    %swap3A_391 = arith.index_cast %swap3A_390 : i32 to index
    %swap3A_392 = memref.load %arg11[%swap3A_391] : memref<128xi32, #tpu.memory_space<smem>>
    memref.store %mul3A_389, %arg11[%swap3A_391] : memref<128xi32, #tpu.memory_space<smem>>
    %lt3A_393 = arith.constant 200 : i32
    %lt3A_394 = arith.cmpi slt, %squeeze3A_387, %lt3A_393 : i32
    %convert_element_type3A_395 = arith.extui %lt3A_394 : i1 to i32
    %cond3A_396 = arith.constant 0 : i32
    %cond3A_397 = arith.cmpi ne, %convert_element_type3A_395, %cond3A_396 : i32
    scf.if %cond3A_397 {
      %swap3A_2233 = arith.constant 21 : i32
      %swap3A_2234 = arith.index_cast %select_n3A_385 : i32 to index
      %swap3A_2235 = memref.load %arg12[%swap3A_2234] : memref<128xi32, #tpu.memory_space<smem>>
      memref.store %swap3A_2233, %arg12[%swap3A_2234] : memref<128xi32, #tpu.memory_space<smem>>
    } else {
    }
    %lt3A_398 = arith.constant 200 : i32
    %lt3A_399 = arith.cmpi slt, %squeeze3A_387, %lt3A_398 : i32
    %add3A_400 = arith.constant 1 : i32
    %add3A_401 = arith.addi %select_n3A_385, %add3A_400 : i32
    %select_n3A_402 = arith.select %lt3A_399, %add3A_401, %select_n3A_385 : i32
    %slice3A_403 = vector.extract_strided_slice %scan3A_32#1 {offsets = [6], sizes = [1], strides = [1]} : vector<16xi32> to vector<1xi32>
    %squeeze3A_404 = vector.extract %slice3A_403[0] : i32 from vector<1xi32>
    %mul3A_405 = arith.constant 64 : i32
    %mul3A_406 = arith.muli %squeeze3A_404, %mul3A_405 : i32
    %swap3A_407 = arith.constant 22 : i32
    %swap3A_408 = arith.index_cast %swap3A_407 : i32 to index
    %swap3A_409 = memref.load %arg11[%swap3A_408] : memref<128xi32, #tpu.memory_space<smem>>
    memref.store %mul3A_406, %arg11[%swap3A_408] : memref<128xi32, #tpu.memory_space<smem>>
    %lt3A_410 = arith.constant 200 : i32
    %lt3A_411 = arith.cmpi slt, %squeeze3A_404, %lt3A_410 : i32
    %convert_element_type3A_412 = arith.extui %lt3A_411 : i1 to i32
    %cond3A_413 = arith.constant 0 : i32
    %cond3A_414 = arith.cmpi ne, %convert_element_type3A_412, %cond3A_413 : i32
    scf.if %cond3A_414 {
      %swap3A_2233 = arith.constant 22 : i32
      %swap3A_2234 = arith.index_cast %select_n3A_402 : i32 to index
      %swap3A_2235 = memref.load %arg12[%swap3A_2234] : memref<128xi32, #tpu.memory_space<smem>>
      memref.store %swap3A_2233, %arg12[%swap3A_2234] : memref<128xi32, #tpu.memory_space<smem>>
    } else {
    }
    %lt3A_415 = arith.constant 200 : i32
    %lt3A_416 = arith.cmpi slt, %squeeze3A_404, %lt3A_415 : i32
    %add3A_417 = arith.constant 1 : i32
    %add3A_418 = arith.addi %select_n3A_402, %add3A_417 : i32
    %select_n3A_419 = arith.select %lt3A_416, %add3A_418, %select_n3A_402 : i32
    %slice3A_420 = vector.extract_strided_slice %scan3A_32#1 {offsets = [7], sizes = [1], strides = [1]} : vector<16xi32> to vector<1xi32>
    %squeeze3A_421 = vector.extract %slice3A_420[0] : i32 from vector<1xi32>
    %mul3A_422 = arith.constant 64 : i32
    %mul3A_423 = arith.muli %squeeze3A_421, %mul3A_422 : i32
    %swap3A_424 = arith.constant 23 : i32
    %swap3A_425 = arith.index_cast %swap3A_424 : i32 to index
    %swap3A_426 = memref.load %arg11[%swap3A_425] : memref<128xi32, #tpu.memory_space<smem>>
    memref.store %mul3A_423, %arg11[%swap3A_425] : memref<128xi32, #tpu.memory_space<smem>>
    %lt3A_427 = arith.constant 200 : i32
    %lt3A_428 = arith.cmpi slt, %squeeze3A_421, %lt3A_427 : i32
    %convert_element_type3A_429 = arith.extui %lt3A_428 : i1 to i32
    %cond3A_430 = arith.constant 0 : i32
    %cond3A_431 = arith.cmpi ne, %convert_element_type3A_429, %cond3A_430 : i32
    scf.if %cond3A_431 {
      %swap3A_2233 = arith.constant 23 : i32
      %swap3A_2234 = arith.index_cast %select_n3A_419 : i32 to index
      %swap3A_2235 = memref.load %arg12[%swap3A_2234] : memref<128xi32, #tpu.memory_space<smem>>
      memref.store %swap3A_2233, %arg12[%swap3A_2234] : memref<128xi32, #tpu.memory_space<smem>>
    } else {
    }
    %lt3A_432 = arith.constant 200 : i32
    %lt3A_433 = arith.cmpi slt, %squeeze3A_421, %lt3A_432 : i32
    %add3A_434 = arith.constant 1 : i32
    %add3A_435 = arith.addi %select_n3A_419, %add3A_434 : i32
    %select_n3A_436 = arith.select %lt3A_433, %add3A_435, %select_n3A_419 : i32
    %slice3A_437 = vector.extract_strided_slice %scan3A_32#1 {offsets = [8], sizes = [1], strides = [1]} : vector<16xi32> to vector<1xi32>
    %squeeze3A_438 = vector.extract %slice3A_437[0] : i32 from vector<1xi32>
    %mul3A_439 = arith.constant 64 : i32
    %mul3A_440 = arith.muli %squeeze3A_438, %mul3A_439 : i32
    %swap3A_441 = arith.constant 24 : i32
    %swap3A_442 = arith.index_cast %swap3A_441 : i32 to index
    %swap3A_443 = memref.load %arg11[%swap3A_442] : memref<128xi32, #tpu.memory_space<smem>>
    memref.store %mul3A_440, %arg11[%swap3A_442] : memref<128xi32, #tpu.memory_space<smem>>
    %lt3A_444 = arith.constant 200 : i32
    %lt3A_445 = arith.cmpi slt, %squeeze3A_438, %lt3A_444 : i32
    %convert_element_type3A_446 = arith.extui %lt3A_445 : i1 to i32
    %cond3A_447 = arith.constant 0 : i32
    %cond3A_448 = arith.cmpi ne, %convert_element_type3A_446, %cond3A_447 : i32
    scf.if %cond3A_448 {
      %swap3A_2233 = arith.constant 24 : i32
      %swap3A_2234 = arith.index_cast %select_n3A_436 : i32 to index
      %swap3A_2235 = memref.load %arg12[%swap3A_2234] : memref<128xi32, #tpu.memory_space<smem>>
      memref.store %swap3A_2233, %arg12[%swap3A_2234] : memref<128xi32, #tpu.memory_space<smem>>
    } else {
    }
    %lt3A_449 = arith.constant 200 : i32
    %lt3A_450 = arith.cmpi slt, %squeeze3A_438, %lt3A_449 : i32
    %add3A_451 = arith.constant 1 : i32
    %add3A_452 = arith.addi %select_n3A_436, %add3A_451 : i32
    %select_n3A_453 = arith.select %lt3A_450, %add3A_452, %select_n3A_436 : i32
    %slice3A_454 = vector.extract_strided_slice %scan3A_32#1 {offsets = [9], sizes = [1], strides = [1]} : vector<16xi32> to vector<1xi32>
    %squeeze3A_455 = vector.extract %slice3A_454[0] : i32 from vector<1xi32>
    %mul3A_456 = arith.constant 64 : i32
    %mul3A_457 = arith.muli %squeeze3A_455, %mul3A_456 : i32
    %swap3A_458 = arith.constant 25 : i32
    %swap3A_459 = arith.index_cast %swap3A_458 : i32 to index
    %swap3A_460 = memref.load %arg11[%swap3A_459] : memref<128xi32, #tpu.memory_space<smem>>
    memref.store %mul3A_457, %arg11[%swap3A_459] : memref<128xi32, #tpu.memory_space<smem>>
    %lt3A_461 = arith.constant 200 : i32
    %lt3A_462 = arith.cmpi slt, %squeeze3A_455, %lt3A_461 : i32
    %convert_element_type3A_463 = arith.extui %lt3A_462 : i1 to i32
    %cond3A_464 = arith.constant 0 : i32
    %cond3A_465 = arith.cmpi ne, %convert_element_type3A_463, %cond3A_464 : i32
    scf.if %cond3A_465 {
      %swap3A_2233 = arith.constant 25 : i32
      %swap3A_2234 = arith.index_cast %select_n3A_453 : i32 to index
      %swap3A_2235 = memref.load %arg12[%swap3A_2234] : memref<128xi32, #tpu.memory_space<smem>>
      memref.store %swap3A_2233, %arg12[%swap3A_2234] : memref<128xi32, #tpu.memory_space<smem>>
    } else {
    }
    %lt3A_466 = arith.constant 200 : i32
    %lt3A_467 = arith.cmpi slt, %squeeze3A_455, %lt3A_466 : i32
    %add3A_468 = arith.constant 1 : i32
    %add3A_469 = arith.addi %select_n3A_453, %add3A_468 : i32
    %select_n3A_470 = arith.select %lt3A_467, %add3A_469, %select_n3A_453 : i32
    %slice3A_471 = vector.extract_strided_slice %scan3A_32#1 {offsets = [10], sizes = [1], strides = [1]} : vector<16xi32> to vector<1xi32>
    %squeeze3A_472 = vector.extract %slice3A_471[0] : i32 from vector<1xi32>
    %mul3A_473 = arith.constant 64 : i32
    %mul3A_474 = arith.muli %squeeze3A_472, %mul3A_473 : i32
    %swap3A_475 = arith.constant 26 : i32
    %swap3A_476 = arith.index_cast %swap3A_475 : i32 to index
    %swap3A_477 = memref.load %arg11[%swap3A_476] : memref<128xi32, #tpu.memory_space<smem>>
    memref.store %mul3A_474, %arg11[%swap3A_476] : memref<128xi32, #tpu.memory_space<smem>>
    %lt3A_478 = arith.constant 200 : i32
    %lt3A_479 = arith.cmpi slt, %squeeze3A_472, %lt3A_478 : i32
    %convert_element_type3A_480 = arith.extui %lt3A_479 : i1 to i32
    %cond3A_481 = arith.constant 0 : i32
    %cond3A_482 = arith.cmpi ne, %convert_element_type3A_480, %cond3A_481 : i32
    scf.if %cond3A_482 {
      %swap3A_2233 = arith.constant 26 : i32
      %swap3A_2234 = arith.index_cast %select_n3A_470 : i32 to index
      %swap3A_2235 = memref.load %arg12[%swap3A_2234] : memref<128xi32, #tpu.memory_space<smem>>
      memref.store %swap3A_2233, %arg12[%swap3A_2234] : memref<128xi32, #tpu.memory_space<smem>>
    } else {
    }
    %lt3A_483 = arith.constant 200 : i32
    %lt3A_484 = arith.cmpi slt, %squeeze3A_472, %lt3A_483 : i32
    %add3A_485 = arith.constant 1 : i32
    %add3A_486 = arith.addi %select_n3A_470, %add3A_485 : i32
    %select_n3A_487 = arith.select %lt3A_484, %add3A_486, %select_n3A_470 : i32
    %slice3A_488 = vector.extract_strided_slice %scan3A_32#1 {offsets = [11], sizes = [1], strides = [1]} : vector<16xi32> to vector<1xi32>
    %squeeze3A_489 = vector.extract %slice3A_488[0] : i32 from vector<1xi32>
    %mul3A_490 = arith.constant 64 : i32
    %mul3A_491 = arith.muli %squeeze3A_489, %mul3A_490 : i32
    %swap3A_492 = arith.constant 27 : i32
    %swap3A_493 = arith.index_cast %swap3A_492 : i32 to index
    %swap3A_494 = memref.load %arg11[%swap3A_493] : memref<128xi32, #tpu.memory_space<smem>>
    memref.store %mul3A_491, %arg11[%swap3A_493] : memref<128xi32, #tpu.memory_space<smem>>
    %lt3A_495 = arith.constant 200 : i32
    %lt3A_496 = arith.cmpi slt, %squeeze3A_489, %lt3A_495 : i32
    %convert_element_type3A_497 = arith.extui %lt3A_496 : i1 to i32
    %cond3A_498 = arith.constant 0 : i32
    %cond3A_499 = arith.cmpi ne, %convert_element_type3A_497, %cond3A_498 : i32
    scf.if %cond3A_499 {
      %swap3A_2233 = arith.constant 27 : i32
      %swap3A_2234 = arith.index_cast %select_n3A_487 : i32 to index
      %swap3A_2235 = memref.load %arg12[%swap3A_2234] : memref<128xi32, #tpu.memory_space<smem>>
      memref.store %swap3A_2233, %arg12[%swap3A_2234] : memref<128xi32, #tpu.memory_space<smem>>
    } else {
    }
    %lt3A_500 = arith.constant 200 : i32
    %lt3A_501 = arith.cmpi slt, %squeeze3A_489, %lt3A_500 : i32
    %add3A_502 = arith.constant 1 : i32
    %add3A_503 = arith.addi %select_n3A_487, %add3A_502 : i32
    %select_n3A_504 = arith.select %lt3A_501, %add3A_503, %select_n3A_487 : i32
    %slice3A_505 = vector.extract_strided_slice %scan3A_32#1 {offsets = [12], sizes = [1], strides = [1]} : vector<16xi32> to vector<1xi32>
    %squeeze3A_506 = vector.extract %slice3A_505[0] : i32 from vector<1xi32>
    %mul3A_507 = arith.constant 64 : i32
    %mul3A_508 = arith.muli %squeeze3A_506, %mul3A_507 : i32
    %swap3A_509 = arith.constant 28 : i32
    %swap3A_510 = arith.index_cast %swap3A_509 : i32 to index
    %swap3A_511 = memref.load %arg11[%swap3A_510] : memref<128xi32, #tpu.memory_space<smem>>
    memref.store %mul3A_508, %arg11[%swap3A_510] : memref<128xi32, #tpu.memory_space<smem>>
    %lt3A_512 = arith.constant 200 : i32
    %lt3A_513 = arith.cmpi slt, %squeeze3A_506, %lt3A_512 : i32
    %convert_element_type3A_514 = arith.extui %lt3A_513 : i1 to i32
    %cond3A_515 = arith.constant 0 : i32
    %cond3A_516 = arith.cmpi ne, %convert_element_type3A_514, %cond3A_515 : i32
    scf.if %cond3A_516 {
      %swap3A_2233 = arith.constant 28 : i32
      %swap3A_2234 = arith.index_cast %select_n3A_504 : i32 to index
      %swap3A_2235 = memref.load %arg12[%swap3A_2234] : memref<128xi32, #tpu.memory_space<smem>>
      memref.store %swap3A_2233, %arg12[%swap3A_2234] : memref<128xi32, #tpu.memory_space<smem>>
    } else {
    }
    %lt3A_517 = arith.constant 200 : i32
    %lt3A_518 = arith.cmpi slt, %squeeze3A_506, %lt3A_517 : i32
    %add3A_519 = arith.constant 1 : i32
    %add3A_520 = arith.addi %select_n3A_504, %add3A_519 : i32
    %select_n3A_521 = arith.select %lt3A_518, %add3A_520, %select_n3A_504 : i32
    %slice3A_522 = vector.extract_strided_slice %scan3A_32#1 {offsets = [13], sizes = [1], strides = [1]} : vector<16xi32> to vector<1xi32>
    %squeeze3A_523 = vector.extract %slice3A_522[0] : i32 from vector<1xi32>
    %mul3A_524 = arith.constant 64 : i32
    %mul3A_525 = arith.muli %squeeze3A_523, %mul3A_524 : i32
    %swap3A_526 = arith.constant 29 : i32
    %swap3A_527 = arith.index_cast %swap3A_526 : i32 to index
    %swap3A_528 = memref.load %arg11[%swap3A_527] : memref<128xi32, #tpu.memory_space<smem>>
    memref.store %mul3A_525, %arg11[%swap3A_527] : memref<128xi32, #tpu.memory_space<smem>>
    %lt3A_529 = arith.constant 200 : i32
    %lt3A_530 = arith.cmpi slt, %squeeze3A_523, %lt3A_529 : i32
    %convert_element_type3A_531 = arith.extui %lt3A_530 : i1 to i32
    %cond3A_532 = arith.constant 0 : i32
    %cond3A_533 = arith.cmpi ne, %convert_element_type3A_531, %cond3A_532 : i32
    scf.if %cond3A_533 {
      %swap3A_2233 = arith.constant 29 : i32
      %swap3A_2234 = arith.index_cast %select_n3A_521 : i32 to index
      %swap3A_2235 = memref.load %arg12[%swap3A_2234] : memref<128xi32, #tpu.memory_space<smem>>
      memref.store %swap3A_2233, %arg12[%swap3A_2234] : memref<128xi32, #tpu.memory_space<smem>>
    } else {
    }
    %lt3A_534 = arith.constant 200 : i32
    %lt3A_535 = arith.cmpi slt, %squeeze3A_523, %lt3A_534 : i32
    %add3A_536 = arith.constant 1 : i32
    %add3A_537 = arith.addi %select_n3A_521, %add3A_536 : i32
    %select_n3A_538 = arith.select %lt3A_535, %add3A_537, %select_n3A_521 : i32
    %slice3A_539 = vector.extract_strided_slice %scan3A_32#1 {offsets = [14], sizes = [1], strides = [1]} : vector<16xi32> to vector<1xi32>
    %squeeze3A_540 = vector.extract %slice3A_539[0] : i32 from vector<1xi32>
    %mul3A_541 = arith.constant 64 : i32
    %mul3A_542 = arith.muli %squeeze3A_540, %mul3A_541 : i32
    %swap3A_543 = arith.constant 30 : i32
    %swap3A_544 = arith.index_cast %swap3A_543 : i32 to index
    %swap3A_545 = memref.load %arg11[%swap3A_544] : memref<128xi32, #tpu.memory_space<smem>>
    memref.store %mul3A_542, %arg11[%swap3A_544] : memref<128xi32, #tpu.memory_space<smem>>
    %lt3A_546 = arith.constant 200 : i32
    %lt3A_547 = arith.cmpi slt, %squeeze3A_540, %lt3A_546 : i32
    %convert_element_type3A_548 = arith.extui %lt3A_547 : i1 to i32
    %cond3A_549 = arith.constant 0 : i32
    %cond3A_550 = arith.cmpi ne, %convert_element_type3A_548, %cond3A_549 : i32
    scf.if %cond3A_550 {
      %swap3A_2233 = arith.constant 30 : i32
      %swap3A_2234 = arith.index_cast %select_n3A_538 : i32 to index
      %swap3A_2235 = memref.load %arg12[%swap3A_2234] : memref<128xi32, #tpu.memory_space<smem>>
      memref.store %swap3A_2233, %arg12[%swap3A_2234] : memref<128xi32, #tpu.memory_space<smem>>
    } else {
    }
    %lt3A_551 = arith.constant 200 : i32
    %lt3A_552 = arith.cmpi slt, %squeeze3A_540, %lt3A_551 : i32
    %add3A_553 = arith.constant 1 : i32
    %add3A_554 = arith.addi %select_n3A_538, %add3A_553 : i32
    %select_n3A_555 = arith.select %lt3A_552, %add3A_554, %select_n3A_538 : i32
    %slice3A_556 = vector.extract_strided_slice %scan3A_32#1 {offsets = [15], sizes = [1], strides = [1]} : vector<16xi32> to vector<1xi32>
    %squeeze3A_557 = vector.extract %slice3A_556[0] : i32 from vector<1xi32>
    %mul3A_558 = arith.constant 64 : i32
    %mul3A_559 = arith.muli %squeeze3A_557, %mul3A_558 : i32
    %swap3A_560 = arith.constant 31 : i32
    %swap3A_561 = arith.index_cast %swap3A_560 : i32 to index
    %swap3A_562 = memref.load %arg11[%swap3A_561] : memref<128xi32, #tpu.memory_space<smem>>
    memref.store %mul3A_559, %arg11[%swap3A_561] : memref<128xi32, #tpu.memory_space<smem>>
    %lt3A_563 = arith.constant 200 : i32
    %lt3A_564 = arith.cmpi slt, %squeeze3A_557, %lt3A_563 : i32
    %convert_element_type3A_565 = arith.extui %lt3A_564 : i1 to i32
    %cond3A_566 = arith.constant 0 : i32
    %cond3A_567 = arith.cmpi ne, %convert_element_type3A_565, %cond3A_566 : i32
    scf.if %cond3A_567 {
      %swap3A_2233 = arith.constant 31 : i32
      %swap3A_2234 = arith.index_cast %select_n3A_555 : i32 to index
      %swap3A_2235 = memref.load %arg12[%swap3A_2234] : memref<128xi32, #tpu.memory_space<smem>>
      memref.store %swap3A_2233, %arg12[%swap3A_2234] : memref<128xi32, #tpu.memory_space<smem>>
    } else {
    }
    %lt3A_568 = arith.constant 200 : i32
    %lt3A_569 = arith.cmpi slt, %squeeze3A_557, %lt3A_568 : i32
    %add3A_570 = arith.constant 1 : i32
    %add3A_571 = arith.addi %select_n3A_555, %add3A_570 : i32
    %select_n3A_572 = arith.select %lt3A_569, %add3A_571, %select_n3A_555 : i32
    %slice3A_573 = vector.extract_strided_slice %scan3A_32#2 {offsets = [0], sizes = [1], strides = [1]} : vector<16xi32> to vector<1xi32>
    %squeeze3A_574 = vector.extract %slice3A_573[0] : i32 from vector<1xi32>
    %mul3A_575 = arith.constant 64 : i32
    %mul3A_576 = arith.muli %squeeze3A_574, %mul3A_575 : i32
    %swap3A_577 = arith.constant 32 : i32
    %swap3A_578 = arith.index_cast %swap3A_577 : i32 to index
    %swap3A_579 = memref.load %arg11[%swap3A_578] : memref<128xi32, #tpu.memory_space<smem>>
    memref.store %mul3A_576, %arg11[%swap3A_578] : memref<128xi32, #tpu.memory_space<smem>>
    %lt3A_580 = arith.constant 200 : i32
    %lt3A_581 = arith.cmpi slt, %squeeze3A_574, %lt3A_580 : i32
    %convert_element_type3A_582 = arith.extui %lt3A_581 : i1 to i32
    %cond3A_583 = arith.constant 0 : i32
    %cond3A_584 = arith.cmpi ne, %convert_element_type3A_582, %cond3A_583 : i32
    scf.if %cond3A_584 {
      %swap3A_2233 = arith.constant 32 : i32
      %swap3A_2234 = arith.index_cast %select_n3A_572 : i32 to index
      %swap3A_2235 = memref.load %arg12[%swap3A_2234] : memref<128xi32, #tpu.memory_space<smem>>
      memref.store %swap3A_2233, %arg12[%swap3A_2234] : memref<128xi32, #tpu.memory_space<smem>>
    } else {
    }
    %lt3A_585 = arith.constant 200 : i32
    %lt3A_586 = arith.cmpi slt, %squeeze3A_574, %lt3A_585 : i32
    %add3A_587 = arith.constant 1 : i32
    %add3A_588 = arith.addi %select_n3A_572, %add3A_587 : i32
    %select_n3A_589 = arith.select %lt3A_586, %add3A_588, %select_n3A_572 : i32
    %slice3A_590 = vector.extract_strided_slice %scan3A_32#2 {offsets = [1], sizes = [1], strides = [1]} : vector<16xi32> to vector<1xi32>
    %squeeze3A_591 = vector.extract %slice3A_590[0] : i32 from vector<1xi32>
    %mul3A_592 = arith.constant 64 : i32
    %mul3A_593 = arith.muli %squeeze3A_591, %mul3A_592 : i32
    %swap3A_594 = arith.constant 33 : i32
    %swap3A_595 = arith.index_cast %swap3A_594 : i32 to index
    %swap3A_596 = memref.load %arg11[%swap3A_595] : memref<128xi32, #tpu.memory_space<smem>>
    memref.store %mul3A_593, %arg11[%swap3A_595] : memref<128xi32, #tpu.memory_space<smem>>
    %lt3A_597 = arith.constant 200 : i32
    %lt3A_598 = arith.cmpi slt, %squeeze3A_591, %lt3A_597 : i32
    %convert_element_type3A_599 = arith.extui %lt3A_598 : i1 to i32
    %cond3A_600 = arith.constant 0 : i32
    %cond3A_601 = arith.cmpi ne, %convert_element_type3A_599, %cond3A_600 : i32
    scf.if %cond3A_601 {
      %swap3A_2233 = arith.constant 33 : i32
      %swap3A_2234 = arith.index_cast %select_n3A_589 : i32 to index
      %swap3A_2235 = memref.load %arg12[%swap3A_2234] : memref<128xi32, #tpu.memory_space<smem>>
      memref.store %swap3A_2233, %arg12[%swap3A_2234] : memref<128xi32, #tpu.memory_space<smem>>
    } else {
    }
    %lt3A_602 = arith.constant 200 : i32
    %lt3A_603 = arith.cmpi slt, %squeeze3A_591, %lt3A_602 : i32
    %add3A_604 = arith.constant 1 : i32
    %add3A_605 = arith.addi %select_n3A_589, %add3A_604 : i32
    %select_n3A_606 = arith.select %lt3A_603, %add3A_605, %select_n3A_589 : i32
    %slice3A_607 = vector.extract_strided_slice %scan3A_32#2 {offsets = [2], sizes = [1], strides = [1]} : vector<16xi32> to vector<1xi32>
    %squeeze3A_608 = vector.extract %slice3A_607[0] : i32 from vector<1xi32>
    %mul3A_609 = arith.constant 64 : i32
    %mul3A_610 = arith.muli %squeeze3A_608, %mul3A_609 : i32
    %swap3A_611 = arith.constant 34 : i32
    %swap3A_612 = arith.index_cast %swap3A_611 : i32 to index
    %swap3A_613 = memref.load %arg11[%swap3A_612] : memref<128xi32, #tpu.memory_space<smem>>
    memref.store %mul3A_610, %arg11[%swap3A_612] : memref<128xi32, #tpu.memory_space<smem>>
    %lt3A_614 = arith.constant 200 : i32
    %lt3A_615 = arith.cmpi slt, %squeeze3A_608, %lt3A_614 : i32
    %convert_element_type3A_616 = arith.extui %lt3A_615 : i1 to i32
    %cond3A_617 = arith.constant 0 : i32
    %cond3A_618 = arith.cmpi ne, %convert_element_type3A_616, %cond3A_617 : i32
    scf.if %cond3A_618 {
      %swap3A_2233 = arith.constant 34 : i32
      %swap3A_2234 = arith.index_cast %select_n3A_606 : i32 to index
      %swap3A_2235 = memref.load %arg12[%swap3A_2234] : memref<128xi32, #tpu.memory_space<smem>>
      memref.store %swap3A_2233, %arg12[%swap3A_2234] : memref<128xi32, #tpu.memory_space<smem>>
    } else {
    }
    %lt3A_619 = arith.constant 200 : i32
    %lt3A_620 = arith.cmpi slt, %squeeze3A_608, %lt3A_619 : i32
    %add3A_621 = arith.constant 1 : i32
    %add3A_622 = arith.addi %select_n3A_606, %add3A_621 : i32
    %select_n3A_623 = arith.select %lt3A_620, %add3A_622, %select_n3A_606 : i32
    %slice3A_624 = vector.extract_strided_slice %scan3A_32#2 {offsets = [3], sizes = [1], strides = [1]} : vector<16xi32> to vector<1xi32>
    %squeeze3A_625 = vector.extract %slice3A_624[0] : i32 from vector<1xi32>
    %mul3A_626 = arith.constant 64 : i32
    %mul3A_627 = arith.muli %squeeze3A_625, %mul3A_626 : i32
    %swap3A_628 = arith.constant 35 : i32
    %swap3A_629 = arith.index_cast %swap3A_628 : i32 to index
    %swap3A_630 = memref.load %arg11[%swap3A_629] : memref<128xi32, #tpu.memory_space<smem>>
    memref.store %mul3A_627, %arg11[%swap3A_629] : memref<128xi32, #tpu.memory_space<smem>>
    %lt3A_631 = arith.constant 200 : i32
    %lt3A_632 = arith.cmpi slt, %squeeze3A_625, %lt3A_631 : i32
    %convert_element_type3A_633 = arith.extui %lt3A_632 : i1 to i32
    %cond3A_634 = arith.constant 0 : i32
    %cond3A_635 = arith.cmpi ne, %convert_element_type3A_633, %cond3A_634 : i32
    scf.if %cond3A_635 {
      %swap3A_2233 = arith.constant 35 : i32
      %swap3A_2234 = arith.index_cast %select_n3A_623 : i32 to index
      %swap3A_2235 = memref.load %arg12[%swap3A_2234] : memref<128xi32, #tpu.memory_space<smem>>
      memref.store %swap3A_2233, %arg12[%swap3A_2234] : memref<128xi32, #tpu.memory_space<smem>>
    } else {
    }
    %lt3A_636 = arith.constant 200 : i32
    %lt3A_637 = arith.cmpi slt, %squeeze3A_625, %lt3A_636 : i32
    %add3A_638 = arith.constant 1 : i32
    %add3A_639 = arith.addi %select_n3A_623, %add3A_638 : i32
    %select_n3A_640 = arith.select %lt3A_637, %add3A_639, %select_n3A_623 : i32
    %slice3A_641 = vector.extract_strided_slice %scan3A_32#2 {offsets = [4], sizes = [1], strides = [1]} : vector<16xi32> to vector<1xi32>
    %squeeze3A_642 = vector.extract %slice3A_641[0] : i32 from vector<1xi32>
    %mul3A_643 = arith.constant 64 : i32
    %mul3A_644 = arith.muli %squeeze3A_642, %mul3A_643 : i32
    %swap3A_645 = arith.constant 36 : i32
    %swap3A_646 = arith.index_cast %swap3A_645 : i32 to index
    %swap3A_647 = memref.load %arg11[%swap3A_646] : memref<128xi32, #tpu.memory_space<smem>>
    memref.store %mul3A_644, %arg11[%swap3A_646] : memref<128xi32, #tpu.memory_space<smem>>
    %lt3A_648 = arith.constant 200 : i32
    %lt3A_649 = arith.cmpi slt, %squeeze3A_642, %lt3A_648 : i32
    %convert_element_type3A_650 = arith.extui %lt3A_649 : i1 to i32
    %cond3A_651 = arith.constant 0 : i32
    %cond3A_652 = arith.cmpi ne, %convert_element_type3A_650, %cond3A_651 : i32
    scf.if %cond3A_652 {
      %swap3A_2233 = arith.constant 36 : i32
      %swap3A_2234 = arith.index_cast %select_n3A_640 : i32 to index
      %swap3A_2235 = memref.load %arg12[%swap3A_2234] : memref<128xi32, #tpu.memory_space<smem>>
      memref.store %swap3A_2233, %arg12[%swap3A_2234] : memref<128xi32, #tpu.memory_space<smem>>
    } else {
    }
    %lt3A_653 = arith.constant 200 : i32
    %lt3A_654 = arith.cmpi slt, %squeeze3A_642, %lt3A_653 : i32
    %add3A_655 = arith.constant 1 : i32
    %add3A_656 = arith.addi %select_n3A_640, %add3A_655 : i32
    %select_n3A_657 = arith.select %lt3A_654, %add3A_656, %select_n3A_640 : i32
    %slice3A_658 = vector.extract_strided_slice %scan3A_32#2 {offsets = [5], sizes = [1], strides = [1]} : vector<16xi32> to vector<1xi32>
    %squeeze3A_659 = vector.extract %slice3A_658[0] : i32 from vector<1xi32>
    %mul3A_660 = arith.constant 64 : i32
    %mul3A_661 = arith.muli %squeeze3A_659, %mul3A_660 : i32
    %swap3A_662 = arith.constant 37 : i32
    %swap3A_663 = arith.index_cast %swap3A_662 : i32 to index
    %swap3A_664 = memref.load %arg11[%swap3A_663] : memref<128xi32, #tpu.memory_space<smem>>
    memref.store %mul3A_661, %arg11[%swap3A_663] : memref<128xi32, #tpu.memory_space<smem>>
    %lt3A_665 = arith.constant 200 : i32
    %lt3A_666 = arith.cmpi slt, %squeeze3A_659, %lt3A_665 : i32
    %convert_element_type3A_667 = arith.extui %lt3A_666 : i1 to i32
    %cond3A_668 = arith.constant 0 : i32
    %cond3A_669 = arith.cmpi ne, %convert_element_type3A_667, %cond3A_668 : i32
    scf.if %cond3A_669 {
      %swap3A_2233 = arith.constant 37 : i32
      %swap3A_2234 = arith.index_cast %select_n3A_657 : i32 to index
      %swap3A_2235 = memref.load %arg12[%swap3A_2234] : memref<128xi32, #tpu.memory_space<smem>>
      memref.store %swap3A_2233, %arg12[%swap3A_2234] : memref<128xi32, #tpu.memory_space<smem>>
    } else {
    }
    %lt3A_670 = arith.constant 200 : i32
    %lt3A_671 = arith.cmpi slt, %squeeze3A_659, %lt3A_670 : i32
    %add3A_672 = arith.constant 1 : i32
    %add3A_673 = arith.addi %select_n3A_657, %add3A_672 : i32
    %select_n3A_674 = arith.select %lt3A_671, %add3A_673, %select_n3A_657 : i32
    %slice3A_675 = vector.extract_strided_slice %scan3A_32#2 {offsets = [6], sizes = [1], strides = [1]} : vector<16xi32> to vector<1xi32>
    %squeeze3A_676 = vector.extract %slice3A_675[0] : i32 from vector<1xi32>
    %mul3A_677 = arith.constant 64 : i32
    %mul3A_678 = arith.muli %squeeze3A_676, %mul3A_677 : i32
    %swap3A_679 = arith.constant 38 : i32
    %swap3A_680 = arith.index_cast %swap3A_679 : i32 to index
    %swap3A_681 = memref.load %arg11[%swap3A_680] : memref<128xi32, #tpu.memory_space<smem>>
    memref.store %mul3A_678, %arg11[%swap3A_680] : memref<128xi32, #tpu.memory_space<smem>>
    %lt3A_682 = arith.constant 200 : i32
    %lt3A_683 = arith.cmpi slt, %squeeze3A_676, %lt3A_682 : i32
    %convert_element_type3A_684 = arith.extui %lt3A_683 : i1 to i32
    %cond3A_685 = arith.constant 0 : i32
    %cond3A_686 = arith.cmpi ne, %convert_element_type3A_684, %cond3A_685 : i32
    scf.if %cond3A_686 {
      %swap3A_2233 = arith.constant 38 : i32
      %swap3A_2234 = arith.index_cast %select_n3A_674 : i32 to index
      %swap3A_2235 = memref.load %arg12[%swap3A_2234] : memref<128xi32, #tpu.memory_space<smem>>
      memref.store %swap3A_2233, %arg12[%swap3A_2234] : memref<128xi32, #tpu.memory_space<smem>>
    } else {
    }
    %lt3A_687 = arith.constant 200 : i32
    %lt3A_688 = arith.cmpi slt, %squeeze3A_676, %lt3A_687 : i32
    %add3A_689 = arith.constant 1 : i32
    %add3A_690 = arith.addi %select_n3A_674, %add3A_689 : i32
    %select_n3A_691 = arith.select %lt3A_688, %add3A_690, %select_n3A_674 : i32
    %slice3A_692 = vector.extract_strided_slice %scan3A_32#2 {offsets = [7], sizes = [1], strides = [1]} : vector<16xi32> to vector<1xi32>
    %squeeze3A_693 = vector.extract %slice3A_692[0] : i32 from vector<1xi32>
    %mul3A_694 = arith.constant 64 : i32
    %mul3A_695 = arith.muli %squeeze3A_693, %mul3A_694 : i32
    %swap3A_696 = arith.constant 39 : i32
    %swap3A_697 = arith.index_cast %swap3A_696 : i32 to index
    %swap3A_698 = memref.load %arg11[%swap3A_697] : memref<128xi32, #tpu.memory_space<smem>>
    memref.store %mul3A_695, %arg11[%swap3A_697] : memref<128xi32, #tpu.memory_space<smem>>
    %lt3A_699 = arith.constant 200 : i32
    %lt3A_700 = arith.cmpi slt, %squeeze3A_693, %lt3A_699 : i32
    %convert_element_type3A_701 = arith.extui %lt3A_700 : i1 to i32
    %cond3A_702 = arith.constant 0 : i32
    %cond3A_703 = arith.cmpi ne, %convert_element_type3A_701, %cond3A_702 : i32
    scf.if %cond3A_703 {
      %swap3A_2233 = arith.constant 39 : i32
      %swap3A_2234 = arith.index_cast %select_n3A_691 : i32 to index
      %swap3A_2235 = memref.load %arg12[%swap3A_2234] : memref<128xi32, #tpu.memory_space<smem>>
      memref.store %swap3A_2233, %arg12[%swap3A_2234] : memref<128xi32, #tpu.memory_space<smem>>
    } else {
    }
    %lt3A_704 = arith.constant 200 : i32
    %lt3A_705 = arith.cmpi slt, %squeeze3A_693, %lt3A_704 : i32
    %add3A_706 = arith.constant 1 : i32
    %add3A_707 = arith.addi %select_n3A_691, %add3A_706 : i32
    %select_n3A_708 = arith.select %lt3A_705, %add3A_707, %select_n3A_691 : i32
    %slice3A_709 = vector.extract_strided_slice %scan3A_32#2 {offsets = [8], sizes = [1], strides = [1]} : vector<16xi32> to vector<1xi32>
    %squeeze3A_710 = vector.extract %slice3A_709[0] : i32 from vector<1xi32>
    %mul3A_711 = arith.constant 64 : i32
    %mul3A_712 = arith.muli %squeeze3A_710, %mul3A_711 : i32
    %swap3A_713 = arith.constant 40 : i32
    %swap3A_714 = arith.index_cast %swap3A_713 : i32 to index
    %swap3A_715 = memref.load %arg11[%swap3A_714] : memref<128xi32, #tpu.memory_space<smem>>
    memref.store %mul3A_712, %arg11[%swap3A_714] : memref<128xi32, #tpu.memory_space<smem>>
    %lt3A_716 = arith.constant 200 : i32
    %lt3A_717 = arith.cmpi slt, %squeeze3A_710, %lt3A_716 : i32
    %convert_element_type3A_718 = arith.extui %lt3A_717 : i1 to i32
    %cond3A_719 = arith.constant 0 : i32
    %cond3A_720 = arith.cmpi ne, %convert_element_type3A_718, %cond3A_719 : i32
    scf.if %cond3A_720 {
      %swap3A_2233 = arith.constant 40 : i32
      %swap3A_2234 = arith.index_cast %select_n3A_708 : i32 to index
      %swap3A_2235 = memref.load %arg12[%swap3A_2234] : memref<128xi32, #tpu.memory_space<smem>>
      memref.store %swap3A_2233, %arg12[%swap3A_2234] : memref<128xi32, #tpu.memory_space<smem>>
    } else {
    }
    %lt3A_721 = arith.constant 200 : i32
    %lt3A_722 = arith.cmpi slt, %squeeze3A_710, %lt3A_721 : i32
    %add3A_723 = arith.constant 1 : i32
    %add3A_724 = arith.addi %select_n3A_708, %add3A_723 : i32
    %select_n3A_725 = arith.select %lt3A_722, %add3A_724, %select_n3A_708 : i32
    %slice3A_726 = vector.extract_strided_slice %scan3A_32#2 {offsets = [9], sizes = [1], strides = [1]} : vector<16xi32> to vector<1xi32>
    %squeeze3A_727 = vector.extract %slice3A_726[0] : i32 from vector<1xi32>
    %mul3A_728 = arith.constant 64 : i32
    %mul3A_729 = arith.muli %squeeze3A_727, %mul3A_728 : i32
    %swap3A_730 = arith.constant 41 : i32
    %swap3A_731 = arith.index_cast %swap3A_730 : i32 to index
    %swap3A_732 = memref.load %arg11[%swap3A_731] : memref<128xi32, #tpu.memory_space<smem>>
    memref.store %mul3A_729, %arg11[%swap3A_731] : memref<128xi32, #tpu.memory_space<smem>>
    %lt3A_733 = arith.constant 200 : i32
    %lt3A_734 = arith.cmpi slt, %squeeze3A_727, %lt3A_733 : i32
    %convert_element_type3A_735 = arith.extui %lt3A_734 : i1 to i32
    %cond3A_736 = arith.constant 0 : i32
    %cond3A_737 = arith.cmpi ne, %convert_element_type3A_735, %cond3A_736 : i32
    scf.if %cond3A_737 {
      %swap3A_2233 = arith.constant 41 : i32
      %swap3A_2234 = arith.index_cast %select_n3A_725 : i32 to index
      %swap3A_2235 = memref.load %arg12[%swap3A_2234] : memref<128xi32, #tpu.memory_space<smem>>
      memref.store %swap3A_2233, %arg12[%swap3A_2234] : memref<128xi32, #tpu.memory_space<smem>>
    } else {
    }
    %lt3A_738 = arith.constant 200 : i32
    %lt3A_739 = arith.cmpi slt, %squeeze3A_727, %lt3A_738 : i32
    %add3A_740 = arith.constant 1 : i32
    %add3A_741 = arith.addi %select_n3A_725, %add3A_740 : i32
    %select_n3A_742 = arith.select %lt3A_739, %add3A_741, %select_n3A_725 : i32
    %slice3A_743 = vector.extract_strided_slice %scan3A_32#2 {offsets = [10], sizes = [1], strides = [1]} : vector<16xi32> to vector<1xi32>
    %squeeze3A_744 = vector.extract %slice3A_743[0] : i32 from vector<1xi32>
    %mul3A_745 = arith.constant 64 : i32
    %mul3A_746 = arith.muli %squeeze3A_744, %mul3A_745 : i32
    %swap3A_747 = arith.constant 42 : i32
    %swap3A_748 = arith.index_cast %swap3A_747 : i32 to index
    %swap3A_749 = memref.load %arg11[%swap3A_748] : memref<128xi32, #tpu.memory_space<smem>>
    memref.store %mul3A_746, %arg11[%swap3A_748] : memref<128xi32, #tpu.memory_space<smem>>
    %lt3A_750 = arith.constant 200 : i32
    %lt3A_751 = arith.cmpi slt, %squeeze3A_744, %lt3A_750 : i32
    %convert_element_type3A_752 = arith.extui %lt3A_751 : i1 to i32
    %cond3A_753 = arith.constant 0 : i32
    %cond3A_754 = arith.cmpi ne, %convert_element_type3A_752, %cond3A_753 : i32
    scf.if %cond3A_754 {
      %swap3A_2233 = arith.constant 42 : i32
      %swap3A_2234 = arith.index_cast %select_n3A_742 : i32 to index
      %swap3A_2235 = memref.load %arg12[%swap3A_2234] : memref<128xi32, #tpu.memory_space<smem>>
      memref.store %swap3A_2233, %arg12[%swap3A_2234] : memref<128xi32, #tpu.memory_space<smem>>
    } else {
    }
    %lt3A_755 = arith.constant 200 : i32
    %lt3A_756 = arith.cmpi slt, %squeeze3A_744, %lt3A_755 : i32
    %add3A_757 = arith.constant 1 : i32
    %add3A_758 = arith.addi %select_n3A_742, %add3A_757 : i32
    %select_n3A_759 = arith.select %lt3A_756, %add3A_758, %select_n3A_742 : i32
    %slice3A_760 = vector.extract_strided_slice %scan3A_32#2 {offsets = [11], sizes = [1], strides = [1]} : vector<16xi32> to vector<1xi32>
    %squeeze3A_761 = vector.extract %slice3A_760[0] : i32 from vector<1xi32>
    %mul3A_762 = arith.constant 64 : i32
    %mul3A_763 = arith.muli %squeeze3A_761, %mul3A_762 : i32
    %swap3A_764 = arith.constant 43 : i32
    %swap3A_765 = arith.index_cast %swap3A_764 : i32 to index
    %swap3A_766 = memref.load %arg11[%swap3A_765] : memref<128xi32, #tpu.memory_space<smem>>
    memref.store %mul3A_763, %arg11[%swap3A_765] : memref<128xi32, #tpu.memory_space<smem>>
    %lt3A_767 = arith.constant 200 : i32
    %lt3A_768 = arith.cmpi slt, %squeeze3A_761, %lt3A_767 : i32
    %convert_element_type3A_769 = arith.extui %lt3A_768 : i1 to i32
    %cond3A_770 = arith.constant 0 : i32
    %cond3A_771 = arith.cmpi ne, %convert_element_type3A_769, %cond3A_770 : i32
    scf.if %cond3A_771 {
      %swap3A_2233 = arith.constant 43 : i32
      %swap3A_2234 = arith.index_cast %select_n3A_759 : i32 to index
      %swap3A_2235 = memref.load %arg12[%swap3A_2234] : memref<128xi32, #tpu.memory_space<smem>>
      memref.store %swap3A_2233, %arg12[%swap3A_2234] : memref<128xi32, #tpu.memory_space<smem>>
    } else {
    }
    %lt3A_772 = arith.constant 200 : i32
    %lt3A_773 = arith.cmpi slt, %squeeze3A_761, %lt3A_772 : i32
    %add3A_774 = arith.constant 1 : i32
    %add3A_775 = arith.addi %select_n3A_759, %add3A_774 : i32
    %select_n3A_776 = arith.select %lt3A_773, %add3A_775, %select_n3A_759 : i32
    %slice3A_777 = vector.extract_strided_slice %scan3A_32#2 {offsets = [12], sizes = [1], strides = [1]} : vector<16xi32> to vector<1xi32>
    %squeeze3A_778 = vector.extract %slice3A_777[0] : i32 from vector<1xi32>
    %mul3A_779 = arith.constant 64 : i32
    %mul3A_780 = arith.muli %squeeze3A_778, %mul3A_779 : i32
    %swap3A_781 = arith.constant 44 : i32
    %swap3A_782 = arith.index_cast %swap3A_781 : i32 to index
    %swap3A_783 = memref.load %arg11[%swap3A_782] : memref<128xi32, #tpu.memory_space<smem>>
    memref.store %mul3A_780, %arg11[%swap3A_782] : memref<128xi32, #tpu.memory_space<smem>>
    %lt3A_784 = arith.constant 200 : i32
    %lt3A_785 = arith.cmpi slt, %squeeze3A_778, %lt3A_784 : i32
    %convert_element_type3A_786 = arith.extui %lt3A_785 : i1 to i32
    %cond3A_787 = arith.constant 0 : i32
    %cond3A_788 = arith.cmpi ne, %convert_element_type3A_786, %cond3A_787 : i32
    scf.if %cond3A_788 {
      %swap3A_2233 = arith.constant 44 : i32
      %swap3A_2234 = arith.index_cast %select_n3A_776 : i32 to index
      %swap3A_2235 = memref.load %arg12[%swap3A_2234] : memref<128xi32, #tpu.memory_space<smem>>
      memref.store %swap3A_2233, %arg12[%swap3A_2234] : memref<128xi32, #tpu.memory_space<smem>>
    } else {
    }
    %lt3A_789 = arith.constant 200 : i32
    %lt3A_790 = arith.cmpi slt, %squeeze3A_778, %lt3A_789 : i32
    %add3A_791 = arith.constant 1 : i32
    %add3A_792 = arith.addi %select_n3A_776, %add3A_791 : i32
    %select_n3A_793 = arith.select %lt3A_790, %add3A_792, %select_n3A_776 : i32
    %slice3A_794 = vector.extract_strided_slice %scan3A_32#2 {offsets = [13], sizes = [1], strides = [1]} : vector<16xi32> to vector<1xi32>
    %squeeze3A_795 = vector.extract %slice3A_794[0] : i32 from vector<1xi32>
    %mul3A_796 = arith.constant 64 : i32
    %mul3A_797 = arith.muli %squeeze3A_795, %mul3A_796 : i32
    %swap3A_798 = arith.constant 45 : i32
    %swap3A_799 = arith.index_cast %swap3A_798 : i32 to index
    %swap3A_800 = memref.load %arg11[%swap3A_799] : memref<128xi32, #tpu.memory_space<smem>>
    memref.store %mul3A_797, %arg11[%swap3A_799] : memref<128xi32, #tpu.memory_space<smem>>
    %lt3A_801 = arith.constant 200 : i32
    %lt3A_802 = arith.cmpi slt, %squeeze3A_795, %lt3A_801 : i32
    %convert_element_type3A_803 = arith.extui %lt3A_802 : i1 to i32
    %cond3A_804 = arith.constant 0 : i32
    %cond3A_805 = arith.cmpi ne, %convert_element_type3A_803, %cond3A_804 : i32
    scf.if %cond3A_805 {
      %swap3A_2233 = arith.constant 45 : i32
      %swap3A_2234 = arith.index_cast %select_n3A_793 : i32 to index
      %swap3A_2235 = memref.load %arg12[%swap3A_2234] : memref<128xi32, #tpu.memory_space<smem>>
      memref.store %swap3A_2233, %arg12[%swap3A_2234] : memref<128xi32, #tpu.memory_space<smem>>
    } else {
    }
    %lt3A_806 = arith.constant 200 : i32
    %lt3A_807 = arith.cmpi slt, %squeeze3A_795, %lt3A_806 : i32
    %add3A_808 = arith.constant 1 : i32
    %add3A_809 = arith.addi %select_n3A_793, %add3A_808 : i32
    %select_n3A_810 = arith.select %lt3A_807, %add3A_809, %select_n3A_793 : i32
    %slice3A_811 = vector.extract_strided_slice %scan3A_32#2 {offsets = [14], sizes = [1], strides = [1]} : vector<16xi32> to vector<1xi32>
    %squeeze3A_812 = vector.extract %slice3A_811[0] : i32 from vector<1xi32>
    %mul3A_813 = arith.constant 64 : i32
    %mul3A_814 = arith.muli %squeeze3A_812, %mul3A_813 : i32
    %swap3A_815 = arith.constant 46 : i32
    %swap3A_816 = arith.index_cast %swap3A_815 : i32 to index
    %swap3A_817 = memref.load %arg11[%swap3A_816] : memref<128xi32, #tpu.memory_space<smem>>
    memref.store %mul3A_814, %arg11[%swap3A_816] : memref<128xi32, #tpu.memory_space<smem>>
    %lt3A_818 = arith.constant 200 : i32
    %lt3A_819 = arith.cmpi slt, %squeeze3A_812, %lt3A_818 : i32
    %convert_element_type3A_820 = arith.extui %lt3A_819 : i1 to i32
    %cond3A_821 = arith.constant 0 : i32
    %cond3A_822 = arith.cmpi ne, %convert_element_type3A_820, %cond3A_821 : i32
    scf.if %cond3A_822 {
      %swap3A_2233 = arith.constant 46 : i32
      %swap3A_2234 = arith.index_cast %select_n3A_810 : i32 to index
      %swap3A_2235 = memref.load %arg12[%swap3A_2234] : memref<128xi32, #tpu.memory_space<smem>>
      memref.store %swap3A_2233, %arg12[%swap3A_2234] : memref<128xi32, #tpu.memory_space<smem>>
    } else {
    }
    %lt3A_823 = arith.constant 200 : i32
    %lt3A_824 = arith.cmpi slt, %squeeze3A_812, %lt3A_823 : i32
    %add3A_825 = arith.constant 1 : i32
    %add3A_826 = arith.addi %select_n3A_810, %add3A_825 : i32
    %select_n3A_827 = arith.select %lt3A_824, %add3A_826, %select_n3A_810 : i32
    %slice3A_828 = vector.extract_strided_slice %scan3A_32#2 {offsets = [15], sizes = [1], strides = [1]} : vector<16xi32> to vector<1xi32>
    %squeeze3A_829 = vector.extract %slice3A_828[0] : i32 from vector<1xi32>
    %mul3A_830 = arith.constant 64 : i32
    %mul3A_831 = arith.muli %squeeze3A_829, %mul3A_830 : i32
    %swap3A_832 = arith.constant 47 : i32
    %swap3A_833 = arith.index_cast %swap3A_832 : i32 to index
    %swap3A_834 = memref.load %arg11[%swap3A_833] : memref<128xi32, #tpu.memory_space<smem>>
    memref.store %mul3A_831, %arg11[%swap3A_833] : memref<128xi32, #tpu.memory_space<smem>>
    %lt3A_835 = arith.constant 200 : i32
    %lt3A_836 = arith.cmpi slt, %squeeze3A_829, %lt3A_835 : i32
    %convert_element_type3A_837 = arith.extui %lt3A_836 : i1 to i32
    %cond3A_838 = arith.constant 0 : i32
    %cond3A_839 = arith.cmpi ne, %convert_element_type3A_837, %cond3A_838 : i32
    scf.if %cond3A_839 {
      %swap3A_2233 = arith.constant 47 : i32
      %swap3A_2234 = arith.index_cast %select_n3A_827 : i32 to index
      %swap3A_2235 = memref.load %arg12[%swap3A_2234] : memref<128xi32, #tpu.memory_space<smem>>
      memref.store %swap3A_2233, %arg12[%swap3A_2234] : memref<128xi32, #tpu.memory_space<smem>>
    } else {
    }
    %lt3A_840 = arith.constant 200 : i32
    %lt3A_841 = arith.cmpi slt, %squeeze3A_829, %lt3A_840 : i32
    %add3A_842 = arith.constant 1 : i32
    %add3A_843 = arith.addi %select_n3A_827, %add3A_842 : i32
    %select_n3A_844 = arith.select %lt3A_841, %add3A_843, %select_n3A_827 : i32
    %slice3A_845 = vector.extract_strided_slice %scan3A_32#3 {offsets = [0], sizes = [1], strides = [1]} : vector<16xi32> to vector<1xi32>
    %squeeze3A_846 = vector.extract %slice3A_845[0] : i32 from vector<1xi32>
    %mul3A_847 = arith.constant 64 : i32
    %mul3A_848 = arith.muli %squeeze3A_846, %mul3A_847 : i32
    %swap3A_849 = arith.constant 48 : i32
    %swap3A_850 = arith.index_cast %swap3A_849 : i32 to index
    %swap3A_851 = memref.load %arg11[%swap3A_850] : memref<128xi32, #tpu.memory_space<smem>>
    memref.store %mul3A_848, %arg11[%swap3A_850] : memref<128xi32, #tpu.memory_space<smem>>
    %lt3A_852 = arith.constant 200 : i32
    %lt3A_853 = arith.cmpi slt, %squeeze3A_846, %lt3A_852 : i32
    %convert_element_type3A_854 = arith.extui %lt3A_853 : i1 to i32
    %cond3A_855 = arith.constant 0 : i32
    %cond3A_856 = arith.cmpi ne, %convert_element_type3A_854, %cond3A_855 : i32
    scf.if %cond3A_856 {
      %swap3A_2233 = arith.constant 48 : i32
      %swap3A_2234 = arith.index_cast %select_n3A_844 : i32 to index
      %swap3A_2235 = memref.load %arg12[%swap3A_2234] : memref<128xi32, #tpu.memory_space<smem>>
      memref.store %swap3A_2233, %arg12[%swap3A_2234] : memref<128xi32, #tpu.memory_space<smem>>
    } else {
    }
    %lt3A_857 = arith.constant 200 : i32
    %lt3A_858 = arith.cmpi slt, %squeeze3A_846, %lt3A_857 : i32
    %add3A_859 = arith.constant 1 : i32
    %add3A_860 = arith.addi %select_n3A_844, %add3A_859 : i32
    %select_n3A_861 = arith.select %lt3A_858, %add3A_860, %select_n3A_844 : i32
    %slice3A_862 = vector.extract_strided_slice %scan3A_32#3 {offsets = [1], sizes = [1], strides = [1]} : vector<16xi32> to vector<1xi32>
    %squeeze3A_863 = vector.extract %slice3A_862[0] : i32 from vector<1xi32>
    %mul3A_864 = arith.constant 64 : i32
    %mul3A_865 = arith.muli %squeeze3A_863, %mul3A_864 : i32
    %swap3A_866 = arith.constant 49 : i32
    %swap3A_867 = arith.index_cast %swap3A_866 : i32 to index
    %swap3A_868 = memref.load %arg11[%swap3A_867] : memref<128xi32, #tpu.memory_space<smem>>
    memref.store %mul3A_865, %arg11[%swap3A_867] : memref<128xi32, #tpu.memory_space<smem>>
    %lt3A_869 = arith.constant 200 : i32
    %lt3A_870 = arith.cmpi slt, %squeeze3A_863, %lt3A_869 : i32
    %convert_element_type3A_871 = arith.extui %lt3A_870 : i1 to i32
    %cond3A_872 = arith.constant 0 : i32
    %cond3A_873 = arith.cmpi ne, %convert_element_type3A_871, %cond3A_872 : i32
    scf.if %cond3A_873 {
      %swap3A_2233 = arith.constant 49 : i32
      %swap3A_2234 = arith.index_cast %select_n3A_861 : i32 to index
      %swap3A_2235 = memref.load %arg12[%swap3A_2234] : memref<128xi32, #tpu.memory_space<smem>>
      memref.store %swap3A_2233, %arg12[%swap3A_2234] : memref<128xi32, #tpu.memory_space<smem>>
    } else {
    }
    %lt3A_874 = arith.constant 200 : i32
    %lt3A_875 = arith.cmpi slt, %squeeze3A_863, %lt3A_874 : i32
    %add3A_876 = arith.constant 1 : i32
    %add3A_877 = arith.addi %select_n3A_861, %add3A_876 : i32
    %select_n3A_878 = arith.select %lt3A_875, %add3A_877, %select_n3A_861 : i32
    %slice3A_879 = vector.extract_strided_slice %scan3A_32#3 {offsets = [2], sizes = [1], strides = [1]} : vector<16xi32> to vector<1xi32>
    %squeeze3A_880 = vector.extract %slice3A_879[0] : i32 from vector<1xi32>
    %mul3A_881 = arith.constant 64 : i32
    %mul3A_882 = arith.muli %squeeze3A_880, %mul3A_881 : i32
    %swap3A_883 = arith.constant 50 : i32
    %swap3A_884 = arith.index_cast %swap3A_883 : i32 to index
    %swap3A_885 = memref.load %arg11[%swap3A_884] : memref<128xi32, #tpu.memory_space<smem>>
    memref.store %mul3A_882, %arg11[%swap3A_884] : memref<128xi32, #tpu.memory_space<smem>>
    %lt3A_886 = arith.constant 200 : i32
    %lt3A_887 = arith.cmpi slt, %squeeze3A_880, %lt3A_886 : i32
    %convert_element_type3A_888 = arith.extui %lt3A_887 : i1 to i32
    %cond3A_889 = arith.constant 0 : i32
    %cond3A_890 = arith.cmpi ne, %convert_element_type3A_888, %cond3A_889 : i32
    scf.if %cond3A_890 {
      %swap3A_2233 = arith.constant 50 : i32
      %swap3A_2234 = arith.index_cast %select_n3A_878 : i32 to index
      %swap3A_2235 = memref.load %arg12[%swap3A_2234] : memref<128xi32, #tpu.memory_space<smem>>
      memref.store %swap3A_2233, %arg12[%swap3A_2234] : memref<128xi32, #tpu.memory_space<smem>>
    } else {
    }
    %lt3A_891 = arith.constant 200 : i32
    %lt3A_892 = arith.cmpi slt, %squeeze3A_880, %lt3A_891 : i32
    %add3A_893 = arith.constant 1 : i32
    %add3A_894 = arith.addi %select_n3A_878, %add3A_893 : i32
    %select_n3A_895 = arith.select %lt3A_892, %add3A_894, %select_n3A_878 : i32
    %slice3A_896 = vector.extract_strided_slice %scan3A_32#3 {offsets = [3], sizes = [1], strides = [1]} : vector<16xi32> to vector<1xi32>
    %squeeze3A_897 = vector.extract %slice3A_896[0] : i32 from vector<1xi32>
    %mul3A_898 = arith.constant 64 : i32
    %mul3A_899 = arith.muli %squeeze3A_897, %mul3A_898 : i32
    %swap3A_900 = arith.constant 51 : i32
    %swap3A_901 = arith.index_cast %swap3A_900 : i32 to index
    %swap3A_902 = memref.load %arg11[%swap3A_901] : memref<128xi32, #tpu.memory_space<smem>>
    memref.store %mul3A_899, %arg11[%swap3A_901] : memref<128xi32, #tpu.memory_space<smem>>
    %lt3A_903 = arith.constant 200 : i32
    %lt3A_904 = arith.cmpi slt, %squeeze3A_897, %lt3A_903 : i32
    %convert_element_type3A_905 = arith.extui %lt3A_904 : i1 to i32
    %cond3A_906 = arith.constant 0 : i32
    %cond3A_907 = arith.cmpi ne, %convert_element_type3A_905, %cond3A_906 : i32
    scf.if %cond3A_907 {
      %swap3A_2233 = arith.constant 51 : i32
      %swap3A_2234 = arith.index_cast %select_n3A_895 : i32 to index
      %swap3A_2235 = memref.load %arg12[%swap3A_2234] : memref<128xi32, #tpu.memory_space<smem>>
      memref.store %swap3A_2233, %arg12[%swap3A_2234] : memref<128xi32, #tpu.memory_space<smem>>
    } else {
    }
    %lt3A_908 = arith.constant 200 : i32
    %lt3A_909 = arith.cmpi slt, %squeeze3A_897, %lt3A_908 : i32
    %add3A_910 = arith.constant 1 : i32
    %add3A_911 = arith.addi %select_n3A_895, %add3A_910 : i32
    %select_n3A_912 = arith.select %lt3A_909, %add3A_911, %select_n3A_895 : i32
    %slice3A_913 = vector.extract_strided_slice %scan3A_32#3 {offsets = [4], sizes = [1], strides = [1]} : vector<16xi32> to vector<1xi32>
    %squeeze3A_914 = vector.extract %slice3A_913[0] : i32 from vector<1xi32>
    %mul3A_915 = arith.constant 64 : i32
    %mul3A_916 = arith.muli %squeeze3A_914, %mul3A_915 : i32
    %swap3A_917 = arith.constant 52 : i32
    %swap3A_918 = arith.index_cast %swap3A_917 : i32 to index
    %swap3A_919 = memref.load %arg11[%swap3A_918] : memref<128xi32, #tpu.memory_space<smem>>
    memref.store %mul3A_916, %arg11[%swap3A_918] : memref<128xi32, #tpu.memory_space<smem>>
    %lt3A_920 = arith.constant 200 : i32
    %lt3A_921 = arith.cmpi slt, %squeeze3A_914, %lt3A_920 : i32
    %convert_element_type3A_922 = arith.extui %lt3A_921 : i1 to i32
    %cond3A_923 = arith.constant 0 : i32
    %cond3A_924 = arith.cmpi ne, %convert_element_type3A_922, %cond3A_923 : i32
    scf.if %cond3A_924 {
      %swap3A_2233 = arith.constant 52 : i32
      %swap3A_2234 = arith.index_cast %select_n3A_912 : i32 to index
      %swap3A_2235 = memref.load %arg12[%swap3A_2234] : memref<128xi32, #tpu.memory_space<smem>>
      memref.store %swap3A_2233, %arg12[%swap3A_2234] : memref<128xi32, #tpu.memory_space<smem>>
    } else {
    }
    %lt3A_925 = arith.constant 200 : i32
    %lt3A_926 = arith.cmpi slt, %squeeze3A_914, %lt3A_925 : i32
    %add3A_927 = arith.constant 1 : i32
    %add3A_928 = arith.addi %select_n3A_912, %add3A_927 : i32
    %select_n3A_929 = arith.select %lt3A_926, %add3A_928, %select_n3A_912 : i32
    %slice3A_930 = vector.extract_strided_slice %scan3A_32#3 {offsets = [5], sizes = [1], strides = [1]} : vector<16xi32> to vector<1xi32>
    %squeeze3A_931 = vector.extract %slice3A_930[0] : i32 from vector<1xi32>
    %mul3A_932 = arith.constant 64 : i32
    %mul3A_933 = arith.muli %squeeze3A_931, %mul3A_932 : i32
    %swap3A_934 = arith.constant 53 : i32
    %swap3A_935 = arith.index_cast %swap3A_934 : i32 to index
    %swap3A_936 = memref.load %arg11[%swap3A_935] : memref<128xi32, #tpu.memory_space<smem>>
    memref.store %mul3A_933, %arg11[%swap3A_935] : memref<128xi32, #tpu.memory_space<smem>>
    %lt3A_937 = arith.constant 200 : i32
    %lt3A_938 = arith.cmpi slt, %squeeze3A_931, %lt3A_937 : i32
    %convert_element_type3A_939 = arith.extui %lt3A_938 : i1 to i32
    %cond3A_940 = arith.constant 0 : i32
    %cond3A_941 = arith.cmpi ne, %convert_element_type3A_939, %cond3A_940 : i32
    scf.if %cond3A_941 {
      %swap3A_2233 = arith.constant 53 : i32
      %swap3A_2234 = arith.index_cast %select_n3A_929 : i32 to index
      %swap3A_2235 = memref.load %arg12[%swap3A_2234] : memref<128xi32, #tpu.memory_space<smem>>
      memref.store %swap3A_2233, %arg12[%swap3A_2234] : memref<128xi32, #tpu.memory_space<smem>>
    } else {
    }
    %lt3A_942 = arith.constant 200 : i32
    %lt3A_943 = arith.cmpi slt, %squeeze3A_931, %lt3A_942 : i32
    %add3A_944 = arith.constant 1 : i32
    %add3A_945 = arith.addi %select_n3A_929, %add3A_944 : i32
    %select_n3A_946 = arith.select %lt3A_943, %add3A_945, %select_n3A_929 : i32
    %slice3A_947 = vector.extract_strided_slice %scan3A_32#3 {offsets = [6], sizes = [1], strides = [1]} : vector<16xi32> to vector<1xi32>
    %squeeze3A_948 = vector.extract %slice3A_947[0] : i32 from vector<1xi32>
    %mul3A_949 = arith.constant 64 : i32
    %mul3A_950 = arith.muli %squeeze3A_948, %mul3A_949 : i32
    %swap3A_951 = arith.constant 54 : i32
    %swap3A_952 = arith.index_cast %swap3A_951 : i32 to index
    %swap3A_953 = memref.load %arg11[%swap3A_952] : memref<128xi32, #tpu.memory_space<smem>>
    memref.store %mul3A_950, %arg11[%swap3A_952] : memref<128xi32, #tpu.memory_space<smem>>
    %lt3A_954 = arith.constant 200 : i32
    %lt3A_955 = arith.cmpi slt, %squeeze3A_948, %lt3A_954 : i32
    %convert_element_type3A_956 = arith.extui %lt3A_955 : i1 to i32
    %cond3A_957 = arith.constant 0 : i32
    %cond3A_958 = arith.cmpi ne, %convert_element_type3A_956, %cond3A_957 : i32
    scf.if %cond3A_958 {
      %swap3A_2233 = arith.constant 54 : i32
      %swap3A_2234 = arith.index_cast %select_n3A_946 : i32 to index
      %swap3A_2235 = memref.load %arg12[%swap3A_2234] : memref<128xi32, #tpu.memory_space<smem>>
      memref.store %swap3A_2233, %arg12[%swap3A_2234] : memref<128xi32, #tpu.memory_space<smem>>
    } else {
    }
    %lt3A_959 = arith.constant 200 : i32
    %lt3A_960 = arith.cmpi slt, %squeeze3A_948, %lt3A_959 : i32
    %add3A_961 = arith.constant 1 : i32
    %add3A_962 = arith.addi %select_n3A_946, %add3A_961 : i32
    %select_n3A_963 = arith.select %lt3A_960, %add3A_962, %select_n3A_946 : i32
    %slice3A_964 = vector.extract_strided_slice %scan3A_32#3 {offsets = [7], sizes = [1], strides = [1]} : vector<16xi32> to vector<1xi32>
    %squeeze3A_965 = vector.extract %slice3A_964[0] : i32 from vector<1xi32>
    %mul3A_966 = arith.constant 64 : i32
    %mul3A_967 = arith.muli %squeeze3A_965, %mul3A_966 : i32
    %swap3A_968 = arith.constant 55 : i32
    %swap3A_969 = arith.index_cast %swap3A_968 : i32 to index
    %swap3A_970 = memref.load %arg11[%swap3A_969] : memref<128xi32, #tpu.memory_space<smem>>
    memref.store %mul3A_967, %arg11[%swap3A_969] : memref<128xi32, #tpu.memory_space<smem>>
    %lt3A_971 = arith.constant 200 : i32
    %lt3A_972 = arith.cmpi slt, %squeeze3A_965, %lt3A_971 : i32
    %convert_element_type3A_973 = arith.extui %lt3A_972 : i1 to i32
    %cond3A_974 = arith.constant 0 : i32
    %cond3A_975 = arith.cmpi ne, %convert_element_type3A_973, %cond3A_974 : i32
    scf.if %cond3A_975 {
      %swap3A_2233 = arith.constant 55 : i32
      %swap3A_2234 = arith.index_cast %select_n3A_963 : i32 to index
      %swap3A_2235 = memref.load %arg12[%swap3A_2234] : memref<128xi32, #tpu.memory_space<smem>>
      memref.store %swap3A_2233, %arg12[%swap3A_2234] : memref<128xi32, #tpu.memory_space<smem>>
    } else {
    }
    %lt3A_976 = arith.constant 200 : i32
    %lt3A_977 = arith.cmpi slt, %squeeze3A_965, %lt3A_976 : i32
    %add3A_978 = arith.constant 1 : i32
    %add3A_979 = arith.addi %select_n3A_963, %add3A_978 : i32
    %select_n3A_980 = arith.select %lt3A_977, %add3A_979, %select_n3A_963 : i32
    %slice3A_981 = vector.extract_strided_slice %scan3A_32#3 {offsets = [8], sizes = [1], strides = [1]} : vector<16xi32> to vector<1xi32>
    %squeeze3A_982 = vector.extract %slice3A_981[0] : i32 from vector<1xi32>
    %mul3A_983 = arith.constant 64 : i32
    %mul3A_984 = arith.muli %squeeze3A_982, %mul3A_983 : i32
    %swap3A_985 = arith.constant 56 : i32
    %swap3A_986 = arith.index_cast %swap3A_985 : i32 to index
    %swap3A_987 = memref.load %arg11[%swap3A_986] : memref<128xi32, #tpu.memory_space<smem>>
    memref.store %mul3A_984, %arg11[%swap3A_986] : memref<128xi32, #tpu.memory_space<smem>>
    %lt3A_988 = arith.constant 200 : i32
    %lt3A_989 = arith.cmpi slt, %squeeze3A_982, %lt3A_988 : i32
    %convert_element_type3A_990 = arith.extui %lt3A_989 : i1 to i32
    %cond3A_991 = arith.constant 0 : i32
    %cond3A_992 = arith.cmpi ne, %convert_element_type3A_990, %cond3A_991 : i32
    scf.if %cond3A_992 {
      %swap3A_2233 = arith.constant 56 : i32
      %swap3A_2234 = arith.index_cast %select_n3A_980 : i32 to index
      %swap3A_2235 = memref.load %arg12[%swap3A_2234] : memref<128xi32, #tpu.memory_space<smem>>
      memref.store %swap3A_2233, %arg12[%swap3A_2234] : memref<128xi32, #tpu.memory_space<smem>>
    } else {
    }
    %lt3A_993 = arith.constant 200 : i32
    %lt3A_994 = arith.cmpi slt, %squeeze3A_982, %lt3A_993 : i32
    %add3A_995 = arith.constant 1 : i32
    %add3A_996 = arith.addi %select_n3A_980, %add3A_995 : i32
    %select_n3A_997 = arith.select %lt3A_994, %add3A_996, %select_n3A_980 : i32
    %slice3A_998 = vector.extract_strided_slice %scan3A_32#3 {offsets = [9], sizes = [1], strides = [1]} : vector<16xi32> to vector<1xi32>
    %squeeze3A_999 = vector.extract %slice3A_998[0] : i32 from vector<1xi32>
    %mul3A_1000 = arith.constant 64 : i32
    %mul3A_1001 = arith.muli %squeeze3A_999, %mul3A_1000 : i32
    %swap3A_1002 = arith.constant 57 : i32
    %swap3A_1003 = arith.index_cast %swap3A_1002 : i32 to index
    %swap3A_1004 = memref.load %arg11[%swap3A_1003] : memref<128xi32, #tpu.memory_space<smem>>
    memref.store %mul3A_1001, %arg11[%swap3A_1003] : memref<128xi32, #tpu.memory_space<smem>>
    %lt3A_1005 = arith.constant 200 : i32
    %lt3A_1006 = arith.cmpi slt, %squeeze3A_999, %lt3A_1005 : i32
    %convert_element_type3A_1007 = arith.extui %lt3A_1006 : i1 to i32
    %cond3A_1008 = arith.constant 0 : i32
    %cond3A_1009 = arith.cmpi ne, %convert_element_type3A_1007, %cond3A_1008 : i32
    scf.if %cond3A_1009 {
      %swap3A_2233 = arith.constant 57 : i32
      %swap3A_2234 = arith.index_cast %select_n3A_997 : i32 to index
      %swap3A_2235 = memref.load %arg12[%swap3A_2234] : memref<128xi32, #tpu.memory_space<smem>>
      memref.store %swap3A_2233, %arg12[%swap3A_2234] : memref<128xi32, #tpu.memory_space<smem>>
    } else {
    }
    %lt3A_1010 = arith.constant 200 : i32
    %lt3A_1011 = arith.cmpi slt, %squeeze3A_999, %lt3A_1010 : i32
    %add3A_1012 = arith.constant 1 : i32
    %add3A_1013 = arith.addi %select_n3A_997, %add3A_1012 : i32
    %select_n3A_1014 = arith.select %lt3A_1011, %add3A_1013, %select_n3A_997 : i32
    %slice3A_1015 = vector.extract_strided_slice %scan3A_32#3 {offsets = [10], sizes = [1], strides = [1]} : vector<16xi32> to vector<1xi32>
    %squeeze3A_1016 = vector.extract %slice3A_1015[0] : i32 from vector<1xi32>
    %mul3A_1017 = arith.constant 64 : i32
    %mul3A_1018 = arith.muli %squeeze3A_1016, %mul3A_1017 : i32
    %swap3A_1019 = arith.constant 58 : i32
    %swap3A_1020 = arith.index_cast %swap3A_1019 : i32 to index
    %swap3A_1021 = memref.load %arg11[%swap3A_1020] : memref<128xi32, #tpu.memory_space<smem>>
    memref.store %mul3A_1018, %arg11[%swap3A_1020] : memref<128xi32, #tpu.memory_space<smem>>
    %lt3A_1022 = arith.constant 200 : i32
    %lt3A_1023 = arith.cmpi slt, %squeeze3A_1016, %lt3A_1022 : i32
    %convert_element_type3A_1024 = arith.extui %lt3A_1023 : i1 to i32
    %cond3A_1025 = arith.constant 0 : i32
    %cond3A_1026 = arith.cmpi ne, %convert_element_type3A_1024, %cond3A_1025 : i32
    scf.if %cond3A_1026 {
      %swap3A_2233 = arith.constant 58 : i32
      %swap3A_2234 = arith.index_cast %select_n3A_1014 : i32 to index
      %swap3A_2235 = memref.load %arg12[%swap3A_2234] : memref<128xi32, #tpu.memory_space<smem>>
      memref.store %swap3A_2233, %arg12[%swap3A_2234] : memref<128xi32, #tpu.memory_space<smem>>
    } else {
    }
    %lt3A_1027 = arith.constant 200 : i32
    %lt3A_1028 = arith.cmpi slt, %squeeze3A_1016, %lt3A_1027 : i32
    %add3A_1029 = arith.constant 1 : i32
    %add3A_1030 = arith.addi %select_n3A_1014, %add3A_1029 : i32
    %select_n3A_1031 = arith.select %lt3A_1028, %add3A_1030, %select_n3A_1014 : i32
    %slice3A_1032 = vector.extract_strided_slice %scan3A_32#3 {offsets = [11], sizes = [1], strides = [1]} : vector<16xi32> to vector<1xi32>
    %squeeze3A_1033 = vector.extract %slice3A_1032[0] : i32 from vector<1xi32>
    %mul3A_1034 = arith.constant 64 : i32
    %mul3A_1035 = arith.muli %squeeze3A_1033, %mul3A_1034 : i32
    %swap3A_1036 = arith.constant 59 : i32
    %swap3A_1037 = arith.index_cast %swap3A_1036 : i32 to index
    %swap3A_1038 = memref.load %arg11[%swap3A_1037] : memref<128xi32, #tpu.memory_space<smem>>
    memref.store %mul3A_1035, %arg11[%swap3A_1037] : memref<128xi32, #tpu.memory_space<smem>>
    %lt3A_1039 = arith.constant 200 : i32
    %lt3A_1040 = arith.cmpi slt, %squeeze3A_1033, %lt3A_1039 : i32
    %convert_element_type3A_1041 = arith.extui %lt3A_1040 : i1 to i32
    %cond3A_1042 = arith.constant 0 : i32
    %cond3A_1043 = arith.cmpi ne, %convert_element_type3A_1041, %cond3A_1042 : i32
    scf.if %cond3A_1043 {
      %swap3A_2233 = arith.constant 59 : i32
      %swap3A_2234 = arith.index_cast %select_n3A_1031 : i32 to index
      %swap3A_2235 = memref.load %arg12[%swap3A_2234] : memref<128xi32, #tpu.memory_space<smem>>
      memref.store %swap3A_2233, %arg12[%swap3A_2234] : memref<128xi32, #tpu.memory_space<smem>>
    } else {
    }
    %lt3A_1044 = arith.constant 200 : i32
    %lt3A_1045 = arith.cmpi slt, %squeeze3A_1033, %lt3A_1044 : i32
    %add3A_1046 = arith.constant 1 : i32
    %add3A_1047 = arith.addi %select_n3A_1031, %add3A_1046 : i32
    %select_n3A_1048 = arith.select %lt3A_1045, %add3A_1047, %select_n3A_1031 : i32
    %slice3A_1049 = vector.extract_strided_slice %scan3A_32#3 {offsets = [12], sizes = [1], strides = [1]} : vector<16xi32> to vector<1xi32>
    %squeeze3A_1050 = vector.extract %slice3A_1049[0] : i32 from vector<1xi32>
    %mul3A_1051 = arith.constant 64 : i32
    %mul3A_1052 = arith.muli %squeeze3A_1050, %mul3A_1051 : i32
    %swap3A_1053 = arith.constant 60 : i32
    %swap3A_1054 = arith.index_cast %swap3A_1053 : i32 to index
    %swap3A_1055 = memref.load %arg11[%swap3A_1054] : memref<128xi32, #tpu.memory_space<smem>>
    memref.store %mul3A_1052, %arg11[%swap3A_1054] : memref<128xi32, #tpu.memory_space<smem>>
    %lt3A_1056 = arith.constant 200 : i32
    %lt3A_1057 = arith.cmpi slt, %squeeze3A_1050, %lt3A_1056 : i32
    %convert_element_type3A_1058 = arith.extui %lt3A_1057 : i1 to i32
    %cond3A_1059 = arith.constant 0 : i32
    %cond3A_1060 = arith.cmpi ne, %convert_element_type3A_1058, %cond3A_1059 : i32
    scf.if %cond3A_1060 {
      %swap3A_2233 = arith.constant 60 : i32
      %swap3A_2234 = arith.index_cast %select_n3A_1048 : i32 to index
      %swap3A_2235 = memref.load %arg12[%swap3A_2234] : memref<128xi32, #tpu.memory_space<smem>>
      memref.store %swap3A_2233, %arg12[%swap3A_2234] : memref<128xi32, #tpu.memory_space<smem>>
    } else {
    }
    %lt3A_1061 = arith.constant 200 : i32
    %lt3A_1062 = arith.cmpi slt, %squeeze3A_1050, %lt3A_1061 : i32
    %add3A_1063 = arith.constant 1 : i32
    %add3A_1064 = arith.addi %select_n3A_1048, %add3A_1063 : i32
    %select_n3A_1065 = arith.select %lt3A_1062, %add3A_1064, %select_n3A_1048 : i32
    %slice3A_1066 = vector.extract_strided_slice %scan3A_32#3 {offsets = [13], sizes = [1], strides = [1]} : vector<16xi32> to vector<1xi32>
    %squeeze3A_1067 = vector.extract %slice3A_1066[0] : i32 from vector<1xi32>
    %mul3A_1068 = arith.constant 64 : i32
    %mul3A_1069 = arith.muli %squeeze3A_1067, %mul3A_1068 : i32
    %swap3A_1070 = arith.constant 61 : i32
    %swap3A_1071 = arith.index_cast %swap3A_1070 : i32 to index
    %swap3A_1072 = memref.load %arg11[%swap3A_1071] : memref<128xi32, #tpu.memory_space<smem>>
    memref.store %mul3A_1069, %arg11[%swap3A_1071] : memref<128xi32, #tpu.memory_space<smem>>
    %lt3A_1073 = arith.constant 200 : i32
    %lt3A_1074 = arith.cmpi slt, %squeeze3A_1067, %lt3A_1073 : i32
    %convert_element_type3A_1075 = arith.extui %lt3A_1074 : i1 to i32
    %cond3A_1076 = arith.constant 0 : i32
    %cond3A_1077 = arith.cmpi ne, %convert_element_type3A_1075, %cond3A_1076 : i32
    scf.if %cond3A_1077 {
      %swap3A_2233 = arith.constant 61 : i32
      %swap3A_2234 = arith.index_cast %select_n3A_1065 : i32 to index
      %swap3A_2235 = memref.load %arg12[%swap3A_2234] : memref<128xi32, #tpu.memory_space<smem>>
      memref.store %swap3A_2233, %arg12[%swap3A_2234] : memref<128xi32, #tpu.memory_space<smem>>
    } else {
    }
    %lt3A_1078 = arith.constant 200 : i32
    %lt3A_1079 = arith.cmpi slt, %squeeze3A_1067, %lt3A_1078 : i32
    %add3A_1080 = arith.constant 1 : i32
    %add3A_1081 = arith.addi %select_n3A_1065, %add3A_1080 : i32
    %select_n3A_1082 = arith.select %lt3A_1079, %add3A_1081, %select_n3A_1065 : i32
    %slice3A_1083 = vector.extract_strided_slice %scan3A_32#3 {offsets = [14], sizes = [1], strides = [1]} : vector<16xi32> to vector<1xi32>
    %squeeze3A_1084 = vector.extract %slice3A_1083[0] : i32 from vector<1xi32>
    %mul3A_1085 = arith.constant 64 : i32
    %mul3A_1086 = arith.muli %squeeze3A_1084, %mul3A_1085 : i32
    %swap3A_1087 = arith.constant 62 : i32
    %swap3A_1088 = arith.index_cast %swap3A_1087 : i32 to index
    %swap3A_1089 = memref.load %arg11[%swap3A_1088] : memref<128xi32, #tpu.memory_space<smem>>
    memref.store %mul3A_1086, %arg11[%swap3A_1088] : memref<128xi32, #tpu.memory_space<smem>>
    %lt3A_1090 = arith.constant 200 : i32
    %lt3A_1091 = arith.cmpi slt, %squeeze3A_1084, %lt3A_1090 : i32
    %convert_element_type3A_1092 = arith.extui %lt3A_1091 : i1 to i32
    %cond3A_1093 = arith.constant 0 : i32
    %cond3A_1094 = arith.cmpi ne, %convert_element_type3A_1092, %cond3A_1093 : i32
    scf.if %cond3A_1094 {
      %swap3A_2233 = arith.constant 62 : i32
      %swap3A_2234 = arith.index_cast %select_n3A_1082 : i32 to index
      %swap3A_2235 = memref.load %arg12[%swap3A_2234] : memref<128xi32, #tpu.memory_space<smem>>
      memref.store %swap3A_2233, %arg12[%swap3A_2234] : memref<128xi32, #tpu.memory_space<smem>>
    } else {
    }
    %lt3A_1095 = arith.constant 200 : i32
    %lt3A_1096 = arith.cmpi slt, %squeeze3A_1084, %lt3A_1095 : i32
    %add3A_1097 = arith.constant 1 : i32
    %add3A_1098 = arith.addi %select_n3A_1082, %add3A_1097 : i32
    %select_n3A_1099 = arith.select %lt3A_1096, %add3A_1098, %select_n3A_1082 : i32
    %slice3A_1100 = vector.extract_strided_slice %scan3A_32#3 {offsets = [15], sizes = [1], strides = [1]} : vector<16xi32> to vector<1xi32>
    %squeeze3A_1101 = vector.extract %slice3A_1100[0] : i32 from vector<1xi32>
    %mul3A_1102 = arith.constant 64 : i32
    %mul3A_1103 = arith.muli %squeeze3A_1101, %mul3A_1102 : i32
    %swap3A_1104 = arith.constant 63 : i32
    %swap3A_1105 = arith.index_cast %swap3A_1104 : i32 to index
    %swap3A_1106 = memref.load %arg11[%swap3A_1105] : memref<128xi32, #tpu.memory_space<smem>>
    memref.store %mul3A_1103, %arg11[%swap3A_1105] : memref<128xi32, #tpu.memory_space<smem>>
    %lt3A_1107 = arith.constant 200 : i32
    %lt3A_1108 = arith.cmpi slt, %squeeze3A_1101, %lt3A_1107 : i32
    %convert_element_type3A_1109 = arith.extui %lt3A_1108 : i1 to i32
    %cond3A_1110 = arith.constant 0 : i32
    %cond3A_1111 = arith.cmpi ne, %convert_element_type3A_1109, %cond3A_1110 : i32
    scf.if %cond3A_1111 {
      %swap3A_2233 = arith.constant 63 : i32
      %swap3A_2234 = arith.index_cast %select_n3A_1099 : i32 to index
      %swap3A_2235 = memref.load %arg12[%swap3A_2234] : memref<128xi32, #tpu.memory_space<smem>>
      memref.store %swap3A_2233, %arg12[%swap3A_2234] : memref<128xi32, #tpu.memory_space<smem>>
    } else {
    }
    %lt3A_1112 = arith.constant 200 : i32
    %lt3A_1113 = arith.cmpi slt, %squeeze3A_1101, %lt3A_1112 : i32
    %add3A_1114 = arith.constant 1 : i32
    %add3A_1115 = arith.addi %select_n3A_1099, %add3A_1114 : i32
    %select_n3A_1116 = arith.select %lt3A_1113, %add3A_1115, %select_n3A_1099 : i32
    %slice3A_1117 = vector.extract_strided_slice %scan3A_32#4 {offsets = [0], sizes = [1], strides = [1]} : vector<16xi32> to vector<1xi32>
    %squeeze3A_1118 = vector.extract %slice3A_1117[0] : i32 from vector<1xi32>
    %mul3A_1119 = arith.constant 64 : i32
    %mul3A_1120 = arith.muli %squeeze3A_1118, %mul3A_1119 : i32
    %swap3A_1121 = arith.constant 64 : i32
    %swap3A_1122 = arith.index_cast %swap3A_1121 : i32 to index
    %swap3A_1123 = memref.load %arg11[%swap3A_1122] : memref<128xi32, #tpu.memory_space<smem>>
    memref.store %mul3A_1120, %arg11[%swap3A_1122] : memref<128xi32, #tpu.memory_space<smem>>
    %lt3A_1124 = arith.constant 200 : i32
    %lt3A_1125 = arith.cmpi slt, %squeeze3A_1118, %lt3A_1124 : i32
    %convert_element_type3A_1126 = arith.extui %lt3A_1125 : i1 to i32
    %cond3A_1127 = arith.constant 0 : i32
    %cond3A_1128 = arith.cmpi ne, %convert_element_type3A_1126, %cond3A_1127 : i32
    scf.if %cond3A_1128 {
      %swap3A_2233 = arith.constant 64 : i32
      %swap3A_2234 = arith.index_cast %select_n3A_1116 : i32 to index
      %swap3A_2235 = memref.load %arg12[%swap3A_2234] : memref<128xi32, #tpu.memory_space<smem>>
      memref.store %swap3A_2233, %arg12[%swap3A_2234] : memref<128xi32, #tpu.memory_space<smem>>
    } else {
    }
    %lt3A_1129 = arith.constant 200 : i32
    %lt3A_1130 = arith.cmpi slt, %squeeze3A_1118, %lt3A_1129 : i32
    %add3A_1131 = arith.constant 1 : i32
    %add3A_1132 = arith.addi %select_n3A_1116, %add3A_1131 : i32
    %select_n3A_1133 = arith.select %lt3A_1130, %add3A_1132, %select_n3A_1116 : i32
    %slice3A_1134 = vector.extract_strided_slice %scan3A_32#4 {offsets = [1], sizes = [1], strides = [1]} : vector<16xi32> to vector<1xi32>
    %squeeze3A_1135 = vector.extract %slice3A_1134[0] : i32 from vector<1xi32>
    %mul3A_1136 = arith.constant 64 : i32
    %mul3A_1137 = arith.muli %squeeze3A_1135, %mul3A_1136 : i32
    %swap3A_1138 = arith.constant 65 : i32
    %swap3A_1139 = arith.index_cast %swap3A_1138 : i32 to index
    %swap3A_1140 = memref.load %arg11[%swap3A_1139] : memref<128xi32, #tpu.memory_space<smem>>
    memref.store %mul3A_1137, %arg11[%swap3A_1139] : memref<128xi32, #tpu.memory_space<smem>>
    %lt3A_1141 = arith.constant 200 : i32
    %lt3A_1142 = arith.cmpi slt, %squeeze3A_1135, %lt3A_1141 : i32
    %convert_element_type3A_1143 = arith.extui %lt3A_1142 : i1 to i32
    %cond3A_1144 = arith.constant 0 : i32
    %cond3A_1145 = arith.cmpi ne, %convert_element_type3A_1143, %cond3A_1144 : i32
    scf.if %cond3A_1145 {
      %swap3A_2233 = arith.constant 65 : i32
      %swap3A_2234 = arith.index_cast %select_n3A_1133 : i32 to index
      %swap3A_2235 = memref.load %arg12[%swap3A_2234] : memref<128xi32, #tpu.memory_space<smem>>
      memref.store %swap3A_2233, %arg12[%swap3A_2234] : memref<128xi32, #tpu.memory_space<smem>>
    } else {
    }
    %lt3A_1146 = arith.constant 200 : i32
    %lt3A_1147 = arith.cmpi slt, %squeeze3A_1135, %lt3A_1146 : i32
    %add3A_1148 = arith.constant 1 : i32
    %add3A_1149 = arith.addi %select_n3A_1133, %add3A_1148 : i32
    %select_n3A_1150 = arith.select %lt3A_1147, %add3A_1149, %select_n3A_1133 : i32
    %slice3A_1151 = vector.extract_strided_slice %scan3A_32#4 {offsets = [2], sizes = [1], strides = [1]} : vector<16xi32> to vector<1xi32>
    %squeeze3A_1152 = vector.extract %slice3A_1151[0] : i32 from vector<1xi32>
    %mul3A_1153 = arith.constant 64 : i32
    %mul3A_1154 = arith.muli %squeeze3A_1152, %mul3A_1153 : i32
    %swap3A_1155 = arith.constant 66 : i32
    %swap3A_1156 = arith.index_cast %swap3A_1155 : i32 to index
    %swap3A_1157 = memref.load %arg11[%swap3A_1156] : memref<128xi32, #tpu.memory_space<smem>>
    memref.store %mul3A_1154, %arg11[%swap3A_1156] : memref<128xi32, #tpu.memory_space<smem>>
    %lt3A_1158 = arith.constant 200 : i32
    %lt3A_1159 = arith.cmpi slt, %squeeze3A_1152, %lt3A_1158 : i32
    %convert_element_type3A_1160 = arith.extui %lt3A_1159 : i1 to i32
    %cond3A_1161 = arith.constant 0 : i32
    %cond3A_1162 = arith.cmpi ne, %convert_element_type3A_1160, %cond3A_1161 : i32
    scf.if %cond3A_1162 {
      %swap3A_2233 = arith.constant 66 : i32
      %swap3A_2234 = arith.index_cast %select_n3A_1150 : i32 to index
      %swap3A_2235 = memref.load %arg12[%swap3A_2234] : memref<128xi32, #tpu.memory_space<smem>>
      memref.store %swap3A_2233, %arg12[%swap3A_2234] : memref<128xi32, #tpu.memory_space<smem>>
    } else {
    }
    %lt3A_1163 = arith.constant 200 : i32
    %lt3A_1164 = arith.cmpi slt, %squeeze3A_1152, %lt3A_1163 : i32
    %add3A_1165 = arith.constant 1 : i32
    %add3A_1166 = arith.addi %select_n3A_1150, %add3A_1165 : i32
    %select_n3A_1167 = arith.select %lt3A_1164, %add3A_1166, %select_n3A_1150 : i32
    %slice3A_1168 = vector.extract_strided_slice %scan3A_32#4 {offsets = [3], sizes = [1], strides = [1]} : vector<16xi32> to vector<1xi32>
    %squeeze3A_1169 = vector.extract %slice3A_1168[0] : i32 from vector<1xi32>
    %mul3A_1170 = arith.constant 64 : i32
    %mul3A_1171 = arith.muli %squeeze3A_1169, %mul3A_1170 : i32
    %swap3A_1172 = arith.constant 67 : i32
    %swap3A_1173 = arith.index_cast %swap3A_1172 : i32 to index
    %swap3A_1174 = memref.load %arg11[%swap3A_1173] : memref<128xi32, #tpu.memory_space<smem>>
    memref.store %mul3A_1171, %arg11[%swap3A_1173] : memref<128xi32, #tpu.memory_space<smem>>
    %lt3A_1175 = arith.constant 200 : i32
    %lt3A_1176 = arith.cmpi slt, %squeeze3A_1169, %lt3A_1175 : i32
    %convert_element_type3A_1177 = arith.extui %lt3A_1176 : i1 to i32
    %cond3A_1178 = arith.constant 0 : i32
    %cond3A_1179 = arith.cmpi ne, %convert_element_type3A_1177, %cond3A_1178 : i32
    scf.if %cond3A_1179 {
      %swap3A_2233 = arith.constant 67 : i32
      %swap3A_2234 = arith.index_cast %select_n3A_1167 : i32 to index
      %swap3A_2235 = memref.load %arg12[%swap3A_2234] : memref<128xi32, #tpu.memory_space<smem>>
      memref.store %swap3A_2233, %arg12[%swap3A_2234] : memref<128xi32, #tpu.memory_space<smem>>
    } else {
    }
    %lt3A_1180 = arith.constant 200 : i32
    %lt3A_1181 = arith.cmpi slt, %squeeze3A_1169, %lt3A_1180 : i32
    %add3A_1182 = arith.constant 1 : i32
    %add3A_1183 = arith.addi %select_n3A_1167, %add3A_1182 : i32
    %select_n3A_1184 = arith.select %lt3A_1181, %add3A_1183, %select_n3A_1167 : i32
    %slice3A_1185 = vector.extract_strided_slice %scan3A_32#4 {offsets = [4], sizes = [1], strides = [1]} : vector<16xi32> to vector<1xi32>
    %squeeze3A_1186 = vector.extract %slice3A_1185[0] : i32 from vector<1xi32>
    %mul3A_1187 = arith.constant 64 : i32
    %mul3A_1188 = arith.muli %squeeze3A_1186, %mul3A_1187 : i32
    %swap3A_1189 = arith.constant 68 : i32
    %swap3A_1190 = arith.index_cast %swap3A_1189 : i32 to index
    %swap3A_1191 = memref.load %arg11[%swap3A_1190] : memref<128xi32, #tpu.memory_space<smem>>
    memref.store %mul3A_1188, %arg11[%swap3A_1190] : memref<128xi32, #tpu.memory_space<smem>>
    %lt3A_1192 = arith.constant 200 : i32
    %lt3A_1193 = arith.cmpi slt, %squeeze3A_1186, %lt3A_1192 : i32
    %convert_element_type3A_1194 = arith.extui %lt3A_1193 : i1 to i32
    %cond3A_1195 = arith.constant 0 : i32
    %cond3A_1196 = arith.cmpi ne, %convert_element_type3A_1194, %cond3A_1195 : i32
    scf.if %cond3A_1196 {
      %swap3A_2233 = arith.constant 68 : i32
      %swap3A_2234 = arith.index_cast %select_n3A_1184 : i32 to index
      %swap3A_2235 = memref.load %arg12[%swap3A_2234] : memref<128xi32, #tpu.memory_space<smem>>
      memref.store %swap3A_2233, %arg12[%swap3A_2234] : memref<128xi32, #tpu.memory_space<smem>>
    } else {
    }
    %lt3A_1197 = arith.constant 200 : i32
    %lt3A_1198 = arith.cmpi slt, %squeeze3A_1186, %lt3A_1197 : i32
    %add3A_1199 = arith.constant 1 : i32
    %add3A_1200 = arith.addi %select_n3A_1184, %add3A_1199 : i32
    %select_n3A_1201 = arith.select %lt3A_1198, %add3A_1200, %select_n3A_1184 : i32
    %slice3A_1202 = vector.extract_strided_slice %scan3A_32#4 {offsets = [5], sizes = [1], strides = [1]} : vector<16xi32> to vector<1xi32>
    %squeeze3A_1203 = vector.extract %slice3A_1202[0] : i32 from vector<1xi32>
    %mul3A_1204 = arith.constant 64 : i32
    %mul3A_1205 = arith.muli %squeeze3A_1203, %mul3A_1204 : i32
    %swap3A_1206 = arith.constant 69 : i32
    %swap3A_1207 = arith.index_cast %swap3A_1206 : i32 to index
    %swap3A_1208 = memref.load %arg11[%swap3A_1207] : memref<128xi32, #tpu.memory_space<smem>>
    memref.store %mul3A_1205, %arg11[%swap3A_1207] : memref<128xi32, #tpu.memory_space<smem>>
    %lt3A_1209 = arith.constant 200 : i32
    %lt3A_1210 = arith.cmpi slt, %squeeze3A_1203, %lt3A_1209 : i32
    %convert_element_type3A_1211 = arith.extui %lt3A_1210 : i1 to i32
    %cond3A_1212 = arith.constant 0 : i32
    %cond3A_1213 = arith.cmpi ne, %convert_element_type3A_1211, %cond3A_1212 : i32
    scf.if %cond3A_1213 {
      %swap3A_2233 = arith.constant 69 : i32
      %swap3A_2234 = arith.index_cast %select_n3A_1201 : i32 to index
      %swap3A_2235 = memref.load %arg12[%swap3A_2234] : memref<128xi32, #tpu.memory_space<smem>>
      memref.store %swap3A_2233, %arg12[%swap3A_2234] : memref<128xi32, #tpu.memory_space<smem>>
    } else {
    }
    %lt3A_1214 = arith.constant 200 : i32
    %lt3A_1215 = arith.cmpi slt, %squeeze3A_1203, %lt3A_1214 : i32
    %add3A_1216 = arith.constant 1 : i32
    %add3A_1217 = arith.addi %select_n3A_1201, %add3A_1216 : i32
    %select_n3A_1218 = arith.select %lt3A_1215, %add3A_1217, %select_n3A_1201 : i32
    %slice3A_1219 = vector.extract_strided_slice %scan3A_32#4 {offsets = [6], sizes = [1], strides = [1]} : vector<16xi32> to vector<1xi32>
    %squeeze3A_1220 = vector.extract %slice3A_1219[0] : i32 from vector<1xi32>
    %mul3A_1221 = arith.constant 64 : i32
    %mul3A_1222 = arith.muli %squeeze3A_1220, %mul3A_1221 : i32
    %swap3A_1223 = arith.constant 70 : i32
    %swap3A_1224 = arith.index_cast %swap3A_1223 : i32 to index
    %swap3A_1225 = memref.load %arg11[%swap3A_1224] : memref<128xi32, #tpu.memory_space<smem>>
    memref.store %mul3A_1222, %arg11[%swap3A_1224] : memref<128xi32, #tpu.memory_space<smem>>
    %lt3A_1226 = arith.constant 200 : i32
    %lt3A_1227 = arith.cmpi slt, %squeeze3A_1220, %lt3A_1226 : i32
    %convert_element_type3A_1228 = arith.extui %lt3A_1227 : i1 to i32
    %cond3A_1229 = arith.constant 0 : i32
    %cond3A_1230 = arith.cmpi ne, %convert_element_type3A_1228, %cond3A_1229 : i32
    scf.if %cond3A_1230 {
      %swap3A_2233 = arith.constant 70 : i32
      %swap3A_2234 = arith.index_cast %select_n3A_1218 : i32 to index
      %swap3A_2235 = memref.load %arg12[%swap3A_2234] : memref<128xi32, #tpu.memory_space<smem>>
      memref.store %swap3A_2233, %arg12[%swap3A_2234] : memref<128xi32, #tpu.memory_space<smem>>
    } else {
    }
    %lt3A_1231 = arith.constant 200 : i32
    %lt3A_1232 = arith.cmpi slt, %squeeze3A_1220, %lt3A_1231 : i32
    %add3A_1233 = arith.constant 1 : i32
    %add3A_1234 = arith.addi %select_n3A_1218, %add3A_1233 : i32
    %select_n3A_1235 = arith.select %lt3A_1232, %add3A_1234, %select_n3A_1218 : i32
    %slice3A_1236 = vector.extract_strided_slice %scan3A_32#4 {offsets = [7], sizes = [1], strides = [1]} : vector<16xi32> to vector<1xi32>
    %squeeze3A_1237 = vector.extract %slice3A_1236[0] : i32 from vector<1xi32>
    %mul3A_1238 = arith.constant 64 : i32
    %mul3A_1239 = arith.muli %squeeze3A_1237, %mul3A_1238 : i32
    %swap3A_1240 = arith.constant 71 : i32
    %swap3A_1241 = arith.index_cast %swap3A_1240 : i32 to index
    %swap3A_1242 = memref.load %arg11[%swap3A_1241] : memref<128xi32, #tpu.memory_space<smem>>
    memref.store %mul3A_1239, %arg11[%swap3A_1241] : memref<128xi32, #tpu.memory_space<smem>>
    %lt3A_1243 = arith.constant 200 : i32
    %lt3A_1244 = arith.cmpi slt, %squeeze3A_1237, %lt3A_1243 : i32
    %convert_element_type3A_1245 = arith.extui %lt3A_1244 : i1 to i32
    %cond3A_1246 = arith.constant 0 : i32
    %cond3A_1247 = arith.cmpi ne, %convert_element_type3A_1245, %cond3A_1246 : i32
    scf.if %cond3A_1247 {
      %swap3A_2233 = arith.constant 71 : i32
      %swap3A_2234 = arith.index_cast %select_n3A_1235 : i32 to index
      %swap3A_2235 = memref.load %arg12[%swap3A_2234] : memref<128xi32, #tpu.memory_space<smem>>
      memref.store %swap3A_2233, %arg12[%swap3A_2234] : memref<128xi32, #tpu.memory_space<smem>>
    } else {
    }
    %lt3A_1248 = arith.constant 200 : i32
    %lt3A_1249 = arith.cmpi slt, %squeeze3A_1237, %lt3A_1248 : i32
    %add3A_1250 = arith.constant 1 : i32
    %add3A_1251 = arith.addi %select_n3A_1235, %add3A_1250 : i32
    %select_n3A_1252 = arith.select %lt3A_1249, %add3A_1251, %select_n3A_1235 : i32
    %slice3A_1253 = vector.extract_strided_slice %scan3A_32#4 {offsets = [8], sizes = [1], strides = [1]} : vector<16xi32> to vector<1xi32>
    %squeeze3A_1254 = vector.extract %slice3A_1253[0] : i32 from vector<1xi32>
    %mul3A_1255 = arith.constant 64 : i32
    %mul3A_1256 = arith.muli %squeeze3A_1254, %mul3A_1255 : i32
    %swap3A_1257 = arith.constant 72 : i32
    %swap3A_1258 = arith.index_cast %swap3A_1257 : i32 to index
    %swap3A_1259 = memref.load %arg11[%swap3A_1258] : memref<128xi32, #tpu.memory_space<smem>>
    memref.store %mul3A_1256, %arg11[%swap3A_1258] : memref<128xi32, #tpu.memory_space<smem>>
    %lt3A_1260 = arith.constant 200 : i32
    %lt3A_1261 = arith.cmpi slt, %squeeze3A_1254, %lt3A_1260 : i32
    %convert_element_type3A_1262 = arith.extui %lt3A_1261 : i1 to i32
    %cond3A_1263 = arith.constant 0 : i32
    %cond3A_1264 = arith.cmpi ne, %convert_element_type3A_1262, %cond3A_1263 : i32
    scf.if %cond3A_1264 {
      %swap3A_2233 = arith.constant 72 : i32
      %swap3A_2234 = arith.index_cast %select_n3A_1252 : i32 to index
      %swap3A_2235 = memref.load %arg12[%swap3A_2234] : memref<128xi32, #tpu.memory_space<smem>>
      memref.store %swap3A_2233, %arg12[%swap3A_2234] : memref<128xi32, #tpu.memory_space<smem>>
    } else {
    }
    %lt3A_1265 = arith.constant 200 : i32
    %lt3A_1266 = arith.cmpi slt, %squeeze3A_1254, %lt3A_1265 : i32
    %add3A_1267 = arith.constant 1 : i32
    %add3A_1268 = arith.addi %select_n3A_1252, %add3A_1267 : i32
    %select_n3A_1269 = arith.select %lt3A_1266, %add3A_1268, %select_n3A_1252 : i32
    %slice3A_1270 = vector.extract_strided_slice %scan3A_32#4 {offsets = [9], sizes = [1], strides = [1]} : vector<16xi32> to vector<1xi32>
    %squeeze3A_1271 = vector.extract %slice3A_1270[0] : i32 from vector<1xi32>
    %mul3A_1272 = arith.constant 64 : i32
    %mul3A_1273 = arith.muli %squeeze3A_1271, %mul3A_1272 : i32
    %swap3A_1274 = arith.constant 73 : i32
    %swap3A_1275 = arith.index_cast %swap3A_1274 : i32 to index
    %swap3A_1276 = memref.load %arg11[%swap3A_1275] : memref<128xi32, #tpu.memory_space<smem>>
    memref.store %mul3A_1273, %arg11[%swap3A_1275] : memref<128xi32, #tpu.memory_space<smem>>
    %lt3A_1277 = arith.constant 200 : i32
    %lt3A_1278 = arith.cmpi slt, %squeeze3A_1271, %lt3A_1277 : i32
    %convert_element_type3A_1279 = arith.extui %lt3A_1278 : i1 to i32
    %cond3A_1280 = arith.constant 0 : i32
    %cond3A_1281 = arith.cmpi ne, %convert_element_type3A_1279, %cond3A_1280 : i32
    scf.if %cond3A_1281 {
      %swap3A_2233 = arith.constant 73 : i32
      %swap3A_2234 = arith.index_cast %select_n3A_1269 : i32 to index
      %swap3A_2235 = memref.load %arg12[%swap3A_2234] : memref<128xi32, #tpu.memory_space<smem>>
      memref.store %swap3A_2233, %arg12[%swap3A_2234] : memref<128xi32, #tpu.memory_space<smem>>
    } else {
    }
    %lt3A_1282 = arith.constant 200 : i32
    %lt3A_1283 = arith.cmpi slt, %squeeze3A_1271, %lt3A_1282 : i32
    %add3A_1284 = arith.constant 1 : i32
    %add3A_1285 = arith.addi %select_n3A_1269, %add3A_1284 : i32
    %select_n3A_1286 = arith.select %lt3A_1283, %add3A_1285, %select_n3A_1269 : i32
    %slice3A_1287 = vector.extract_strided_slice %scan3A_32#4 {offsets = [10], sizes = [1], strides = [1]} : vector<16xi32> to vector<1xi32>
    %squeeze3A_1288 = vector.extract %slice3A_1287[0] : i32 from vector<1xi32>
    %mul3A_1289 = arith.constant 64 : i32
    %mul3A_1290 = arith.muli %squeeze3A_1288, %mul3A_1289 : i32
    %swap3A_1291 = arith.constant 74 : i32
    %swap3A_1292 = arith.index_cast %swap3A_1291 : i32 to index
    %swap3A_1293 = memref.load %arg11[%swap3A_1292] : memref<128xi32, #tpu.memory_space<smem>>
    memref.store %mul3A_1290, %arg11[%swap3A_1292] : memref<128xi32, #tpu.memory_space<smem>>
    %lt3A_1294 = arith.constant 200 : i32
    %lt3A_1295 = arith.cmpi slt, %squeeze3A_1288, %lt3A_1294 : i32
    %convert_element_type3A_1296 = arith.extui %lt3A_1295 : i1 to i32
    %cond3A_1297 = arith.constant 0 : i32
    %cond3A_1298 = arith.cmpi ne, %convert_element_type3A_1296, %cond3A_1297 : i32
    scf.if %cond3A_1298 {
      %swap3A_2233 = arith.constant 74 : i32
      %swap3A_2234 = arith.index_cast %select_n3A_1286 : i32 to index
      %swap3A_2235 = memref.load %arg12[%swap3A_2234] : memref<128xi32, #tpu.memory_space<smem>>
      memref.store %swap3A_2233, %arg12[%swap3A_2234] : memref<128xi32, #tpu.memory_space<smem>>
    } else {
    }
    %lt3A_1299 = arith.constant 200 : i32
    %lt3A_1300 = arith.cmpi slt, %squeeze3A_1288, %lt3A_1299 : i32
    %add3A_1301 = arith.constant 1 : i32
    %add3A_1302 = arith.addi %select_n3A_1286, %add3A_1301 : i32
    %select_n3A_1303 = arith.select %lt3A_1300, %add3A_1302, %select_n3A_1286 : i32
    %slice3A_1304 = vector.extract_strided_slice %scan3A_32#4 {offsets = [11], sizes = [1], strides = [1]} : vector<16xi32> to vector<1xi32>
    %squeeze3A_1305 = vector.extract %slice3A_1304[0] : i32 from vector<1xi32>
    %mul3A_1306 = arith.constant 64 : i32
    %mul3A_1307 = arith.muli %squeeze3A_1305, %mul3A_1306 : i32
    %swap3A_1308 = arith.constant 75 : i32
    %swap3A_1309 = arith.index_cast %swap3A_1308 : i32 to index
    %swap3A_1310 = memref.load %arg11[%swap3A_1309] : memref<128xi32, #tpu.memory_space<smem>>
    memref.store %mul3A_1307, %arg11[%swap3A_1309] : memref<128xi32, #tpu.memory_space<smem>>
    %lt3A_1311 = arith.constant 200 : i32
    %lt3A_1312 = arith.cmpi slt, %squeeze3A_1305, %lt3A_1311 : i32
    %convert_element_type3A_1313 = arith.extui %lt3A_1312 : i1 to i32
    %cond3A_1314 = arith.constant 0 : i32
    %cond3A_1315 = arith.cmpi ne, %convert_element_type3A_1313, %cond3A_1314 : i32
    scf.if %cond3A_1315 {
      %swap3A_2233 = arith.constant 75 : i32
      %swap3A_2234 = arith.index_cast %select_n3A_1303 : i32 to index
      %swap3A_2235 = memref.load %arg12[%swap3A_2234] : memref<128xi32, #tpu.memory_space<smem>>
      memref.store %swap3A_2233, %arg12[%swap3A_2234] : memref<128xi32, #tpu.memory_space<smem>>
    } else {
    }
    %lt3A_1316 = arith.constant 200 : i32
    %lt3A_1317 = arith.cmpi slt, %squeeze3A_1305, %lt3A_1316 : i32
    %add3A_1318 = arith.constant 1 : i32
    %add3A_1319 = arith.addi %select_n3A_1303, %add3A_1318 : i32
    %select_n3A_1320 = arith.select %lt3A_1317, %add3A_1319, %select_n3A_1303 : i32
    %slice3A_1321 = vector.extract_strided_slice %scan3A_32#4 {offsets = [12], sizes = [1], strides = [1]} : vector<16xi32> to vector<1xi32>
    %squeeze3A_1322 = vector.extract %slice3A_1321[0] : i32 from vector<1xi32>
    %mul3A_1323 = arith.constant 64 : i32
    %mul3A_1324 = arith.muli %squeeze3A_1322, %mul3A_1323 : i32
    %swap3A_1325 = arith.constant 76 : i32
    %swap3A_1326 = arith.index_cast %swap3A_1325 : i32 to index
    %swap3A_1327 = memref.load %arg11[%swap3A_1326] : memref<128xi32, #tpu.memory_space<smem>>
    memref.store %mul3A_1324, %arg11[%swap3A_1326] : memref<128xi32, #tpu.memory_space<smem>>
    %lt3A_1328 = arith.constant 200 : i32
    %lt3A_1329 = arith.cmpi slt, %squeeze3A_1322, %lt3A_1328 : i32
    %convert_element_type3A_1330 = arith.extui %lt3A_1329 : i1 to i32
    %cond3A_1331 = arith.constant 0 : i32
    %cond3A_1332 = arith.cmpi ne, %convert_element_type3A_1330, %cond3A_1331 : i32
    scf.if %cond3A_1332 {
      %swap3A_2233 = arith.constant 76 : i32
      %swap3A_2234 = arith.index_cast %select_n3A_1320 : i32 to index
      %swap3A_2235 = memref.load %arg12[%swap3A_2234] : memref<128xi32, #tpu.memory_space<smem>>
      memref.store %swap3A_2233, %arg12[%swap3A_2234] : memref<128xi32, #tpu.memory_space<smem>>
    } else {
    }
    %lt3A_1333 = arith.constant 200 : i32
    %lt3A_1334 = arith.cmpi slt, %squeeze3A_1322, %lt3A_1333 : i32
    %add3A_1335 = arith.constant 1 : i32
    %add3A_1336 = arith.addi %select_n3A_1320, %add3A_1335 : i32
    %select_n3A_1337 = arith.select %lt3A_1334, %add3A_1336, %select_n3A_1320 : i32
    %slice3A_1338 = vector.extract_strided_slice %scan3A_32#4 {offsets = [13], sizes = [1], strides = [1]} : vector<16xi32> to vector<1xi32>
    %squeeze3A_1339 = vector.extract %slice3A_1338[0] : i32 from vector<1xi32>
    %mul3A_1340 = arith.constant 64 : i32
    %mul3A_1341 = arith.muli %squeeze3A_1339, %mul3A_1340 : i32
    %swap3A_1342 = arith.constant 77 : i32
    %swap3A_1343 = arith.index_cast %swap3A_1342 : i32 to index
    %swap3A_1344 = memref.load %arg11[%swap3A_1343] : memref<128xi32, #tpu.memory_space<smem>>
    memref.store %mul3A_1341, %arg11[%swap3A_1343] : memref<128xi32, #tpu.memory_space<smem>>
    %lt3A_1345 = arith.constant 200 : i32
    %lt3A_1346 = arith.cmpi slt, %squeeze3A_1339, %lt3A_1345 : i32
    %convert_element_type3A_1347 = arith.extui %lt3A_1346 : i1 to i32
    %cond3A_1348 = arith.constant 0 : i32
    %cond3A_1349 = arith.cmpi ne, %convert_element_type3A_1347, %cond3A_1348 : i32
    scf.if %cond3A_1349 {
      %swap3A_2233 = arith.constant 77 : i32
      %swap3A_2234 = arith.index_cast %select_n3A_1337 : i32 to index
      %swap3A_2235 = memref.load %arg12[%swap3A_2234] : memref<128xi32, #tpu.memory_space<smem>>
      memref.store %swap3A_2233, %arg12[%swap3A_2234] : memref<128xi32, #tpu.memory_space<smem>>
    } else {
    }
    %lt3A_1350 = arith.constant 200 : i32
    %lt3A_1351 = arith.cmpi slt, %squeeze3A_1339, %lt3A_1350 : i32
    %add3A_1352 = arith.constant 1 : i32
    %add3A_1353 = arith.addi %select_n3A_1337, %add3A_1352 : i32
    %select_n3A_1354 = arith.select %lt3A_1351, %add3A_1353, %select_n3A_1337 : i32
    %slice3A_1355 = vector.extract_strided_slice %scan3A_32#4 {offsets = [14], sizes = [1], strides = [1]} : vector<16xi32> to vector<1xi32>
    %squeeze3A_1356 = vector.extract %slice3A_1355[0] : i32 from vector<1xi32>
    %mul3A_1357 = arith.constant 64 : i32
    %mul3A_1358 = arith.muli %squeeze3A_1356, %mul3A_1357 : i32
    %swap3A_1359 = arith.constant 78 : i32
    %swap3A_1360 = arith.index_cast %swap3A_1359 : i32 to index
    %swap3A_1361 = memref.load %arg11[%swap3A_1360] : memref<128xi32, #tpu.memory_space<smem>>
    memref.store %mul3A_1358, %arg11[%swap3A_1360] : memref<128xi32, #tpu.memory_space<smem>>
    %lt3A_1362 = arith.constant 200 : i32
    %lt3A_1363 = arith.cmpi slt, %squeeze3A_1356, %lt3A_1362 : i32
    %convert_element_type3A_1364 = arith.extui %lt3A_1363 : i1 to i32
    %cond3A_1365 = arith.constant 0 : i32
    %cond3A_1366 = arith.cmpi ne, %convert_element_type3A_1364, %cond3A_1365 : i32
    scf.if %cond3A_1366 {
      %swap3A_2233 = arith.constant 78 : i32
      %swap3A_2234 = arith.index_cast %select_n3A_1354 : i32 to index
      %swap3A_2235 = memref.load %arg12[%swap3A_2234] : memref<128xi32, #tpu.memory_space<smem>>
      memref.store %swap3A_2233, %arg12[%swap3A_2234] : memref<128xi32, #tpu.memory_space<smem>>
    } else {
    }
    %lt3A_1367 = arith.constant 200 : i32
    %lt3A_1368 = arith.cmpi slt, %squeeze3A_1356, %lt3A_1367 : i32
    %add3A_1369 = arith.constant 1 : i32
    %add3A_1370 = arith.addi %select_n3A_1354, %add3A_1369 : i32
    %select_n3A_1371 = arith.select %lt3A_1368, %add3A_1370, %select_n3A_1354 : i32
    %slice3A_1372 = vector.extract_strided_slice %scan3A_32#4 {offsets = [15], sizes = [1], strides = [1]} : vector<16xi32> to vector<1xi32>
    %squeeze3A_1373 = vector.extract %slice3A_1372[0] : i32 from vector<1xi32>
    %mul3A_1374 = arith.constant 64 : i32
    %mul3A_1375 = arith.muli %squeeze3A_1373, %mul3A_1374 : i32
    %swap3A_1376 = arith.constant 79 : i32
    %swap3A_1377 = arith.index_cast %swap3A_1376 : i32 to index
    %swap3A_1378 = memref.load %arg11[%swap3A_1377] : memref<128xi32, #tpu.memory_space<smem>>
    memref.store %mul3A_1375, %arg11[%swap3A_1377] : memref<128xi32, #tpu.memory_space<smem>>
    %lt3A_1379 = arith.constant 200 : i32
    %lt3A_1380 = arith.cmpi slt, %squeeze3A_1373, %lt3A_1379 : i32
    %convert_element_type3A_1381 = arith.extui %lt3A_1380 : i1 to i32
    %cond3A_1382 = arith.constant 0 : i32
    %cond3A_1383 = arith.cmpi ne, %convert_element_type3A_1381, %cond3A_1382 : i32
    scf.if %cond3A_1383 {
      %swap3A_2233 = arith.constant 79 : i32
      %swap3A_2234 = arith.index_cast %select_n3A_1371 : i32 to index
      %swap3A_2235 = memref.load %arg12[%swap3A_2234] : memref<128xi32, #tpu.memory_space<smem>>
      memref.store %swap3A_2233, %arg12[%swap3A_2234] : memref<128xi32, #tpu.memory_space<smem>>
    } else {
    }
    %lt3A_1384 = arith.constant 200 : i32
    %lt3A_1385 = arith.cmpi slt, %squeeze3A_1373, %lt3A_1384 : i32
    %add3A_1386 = arith.constant 1 : i32
    %add3A_1387 = arith.addi %select_n3A_1371, %add3A_1386 : i32
    %select_n3A_1388 = arith.select %lt3A_1385, %add3A_1387, %select_n3A_1371 : i32
    %slice3A_1389 = vector.extract_strided_slice %scan3A_32#5 {offsets = [0], sizes = [1], strides = [1]} : vector<16xi32> to vector<1xi32>
    %squeeze3A_1390 = vector.extract %slice3A_1389[0] : i32 from vector<1xi32>
    %mul3A_1391 = arith.constant 64 : i32
    %mul3A_1392 = arith.muli %squeeze3A_1390, %mul3A_1391 : i32
    %swap3A_1393 = arith.constant 80 : i32
    %swap3A_1394 = arith.index_cast %swap3A_1393 : i32 to index
    %swap3A_1395 = memref.load %arg11[%swap3A_1394] : memref<128xi32, #tpu.memory_space<smem>>
    memref.store %mul3A_1392, %arg11[%swap3A_1394] : memref<128xi32, #tpu.memory_space<smem>>
    %lt3A_1396 = arith.constant 200 : i32
    %lt3A_1397 = arith.cmpi slt, %squeeze3A_1390, %lt3A_1396 : i32
    %convert_element_type3A_1398 = arith.extui %lt3A_1397 : i1 to i32
    %cond3A_1399 = arith.constant 0 : i32
    %cond3A_1400 = arith.cmpi ne, %convert_element_type3A_1398, %cond3A_1399 : i32
    scf.if %cond3A_1400 {
      %swap3A_2233 = arith.constant 80 : i32
      %swap3A_2234 = arith.index_cast %select_n3A_1388 : i32 to index
      %swap3A_2235 = memref.load %arg12[%swap3A_2234] : memref<128xi32, #tpu.memory_space<smem>>
      memref.store %swap3A_2233, %arg12[%swap3A_2234] : memref<128xi32, #tpu.memory_space<smem>>
    } else {
    }
    %lt3A_1401 = arith.constant 200 : i32
    %lt3A_1402 = arith.cmpi slt, %squeeze3A_1390, %lt3A_1401 : i32
    %add3A_1403 = arith.constant 1 : i32
    %add3A_1404 = arith.addi %select_n3A_1388, %add3A_1403 : i32
    %select_n3A_1405 = arith.select %lt3A_1402, %add3A_1404, %select_n3A_1388 : i32
    %slice3A_1406 = vector.extract_strided_slice %scan3A_32#5 {offsets = [1], sizes = [1], strides = [1]} : vector<16xi32> to vector<1xi32>
    %squeeze3A_1407 = vector.extract %slice3A_1406[0] : i32 from vector<1xi32>
    %mul3A_1408 = arith.constant 64 : i32
    %mul3A_1409 = arith.muli %squeeze3A_1407, %mul3A_1408 : i32
    %swap3A_1410 = arith.constant 81 : i32
    %swap3A_1411 = arith.index_cast %swap3A_1410 : i32 to index
    %swap3A_1412 = memref.load %arg11[%swap3A_1411] : memref<128xi32, #tpu.memory_space<smem>>
    memref.store %mul3A_1409, %arg11[%swap3A_1411] : memref<128xi32, #tpu.memory_space<smem>>
    %lt3A_1413 = arith.constant 200 : i32
    %lt3A_1414 = arith.cmpi slt, %squeeze3A_1407, %lt3A_1413 : i32
    %convert_element_type3A_1415 = arith.extui %lt3A_1414 : i1 to i32
    %cond3A_1416 = arith.constant 0 : i32
    %cond3A_1417 = arith.cmpi ne, %convert_element_type3A_1415, %cond3A_1416 : i32
    scf.if %cond3A_1417 {
      %swap3A_2233 = arith.constant 81 : i32
      %swap3A_2234 = arith.index_cast %select_n3A_1405 : i32 to index
      %swap3A_2235 = memref.load %arg12[%swap3A_2234] : memref<128xi32, #tpu.memory_space<smem>>
      memref.store %swap3A_2233, %arg12[%swap3A_2234] : memref<128xi32, #tpu.memory_space<smem>>
    } else {
    }
    %lt3A_1418 = arith.constant 200 : i32
    %lt3A_1419 = arith.cmpi slt, %squeeze3A_1407, %lt3A_1418 : i32
    %add3A_1420 = arith.constant 1 : i32
    %add3A_1421 = arith.addi %select_n3A_1405, %add3A_1420 : i32
    %select_n3A_1422 = arith.select %lt3A_1419, %add3A_1421, %select_n3A_1405 : i32
    %slice3A_1423 = vector.extract_strided_slice %scan3A_32#5 {offsets = [2], sizes = [1], strides = [1]} : vector<16xi32> to vector<1xi32>
    %squeeze3A_1424 = vector.extract %slice3A_1423[0] : i32 from vector<1xi32>
    %mul3A_1425 = arith.constant 64 : i32
    %mul3A_1426 = arith.muli %squeeze3A_1424, %mul3A_1425 : i32
    %swap3A_1427 = arith.constant 82 : i32
    %swap3A_1428 = arith.index_cast %swap3A_1427 : i32 to index
    %swap3A_1429 = memref.load %arg11[%swap3A_1428] : memref<128xi32, #tpu.memory_space<smem>>
    memref.store %mul3A_1426, %arg11[%swap3A_1428] : memref<128xi32, #tpu.memory_space<smem>>
    %lt3A_1430 = arith.constant 200 : i32
    %lt3A_1431 = arith.cmpi slt, %squeeze3A_1424, %lt3A_1430 : i32
    %convert_element_type3A_1432 = arith.extui %lt3A_1431 : i1 to i32
    %cond3A_1433 = arith.constant 0 : i32
    %cond3A_1434 = arith.cmpi ne, %convert_element_type3A_1432, %cond3A_1433 : i32
    scf.if %cond3A_1434 {
      %swap3A_2233 = arith.constant 82 : i32
      %swap3A_2234 = arith.index_cast %select_n3A_1422 : i32 to index
      %swap3A_2235 = memref.load %arg12[%swap3A_2234] : memref<128xi32, #tpu.memory_space<smem>>
      memref.store %swap3A_2233, %arg12[%swap3A_2234] : memref<128xi32, #tpu.memory_space<smem>>
    } else {
    }
    %lt3A_1435 = arith.constant 200 : i32
    %lt3A_1436 = arith.cmpi slt, %squeeze3A_1424, %lt3A_1435 : i32
    %add3A_1437 = arith.constant 1 : i32
    %add3A_1438 = arith.addi %select_n3A_1422, %add3A_1437 : i32
    %select_n3A_1439 = arith.select %lt3A_1436, %add3A_1438, %select_n3A_1422 : i32
    %slice3A_1440 = vector.extract_strided_slice %scan3A_32#5 {offsets = [3], sizes = [1], strides = [1]} : vector<16xi32> to vector<1xi32>
    %squeeze3A_1441 = vector.extract %slice3A_1440[0] : i32 from vector<1xi32>
    %mul3A_1442 = arith.constant 64 : i32
    %mul3A_1443 = arith.muli %squeeze3A_1441, %mul3A_1442 : i32
    %swap3A_1444 = arith.constant 83 : i32
    %swap3A_1445 = arith.index_cast %swap3A_1444 : i32 to index
    %swap3A_1446 = memref.load %arg11[%swap3A_1445] : memref<128xi32, #tpu.memory_space<smem>>
    memref.store %mul3A_1443, %arg11[%swap3A_1445] : memref<128xi32, #tpu.memory_space<smem>>
    %lt3A_1447 = arith.constant 200 : i32
    %lt3A_1448 = arith.cmpi slt, %squeeze3A_1441, %lt3A_1447 : i32
    %convert_element_type3A_1449 = arith.extui %lt3A_1448 : i1 to i32
    %cond3A_1450 = arith.constant 0 : i32
    %cond3A_1451 = arith.cmpi ne, %convert_element_type3A_1449, %cond3A_1450 : i32
    scf.if %cond3A_1451 {
      %swap3A_2233 = arith.constant 83 : i32
      %swap3A_2234 = arith.index_cast %select_n3A_1439 : i32 to index
      %swap3A_2235 = memref.load %arg12[%swap3A_2234] : memref<128xi32, #tpu.memory_space<smem>>
      memref.store %swap3A_2233, %arg12[%swap3A_2234] : memref<128xi32, #tpu.memory_space<smem>>
    } else {
    }
    %lt3A_1452 = arith.constant 200 : i32
    %lt3A_1453 = arith.cmpi slt, %squeeze3A_1441, %lt3A_1452 : i32
    %add3A_1454 = arith.constant 1 : i32
    %add3A_1455 = arith.addi %select_n3A_1439, %add3A_1454 : i32
    %select_n3A_1456 = arith.select %lt3A_1453, %add3A_1455, %select_n3A_1439 : i32
    %slice3A_1457 = vector.extract_strided_slice %scan3A_32#5 {offsets = [4], sizes = [1], strides = [1]} : vector<16xi32> to vector<1xi32>
    %squeeze3A_1458 = vector.extract %slice3A_1457[0] : i32 from vector<1xi32>
    %mul3A_1459 = arith.constant 64 : i32
    %mul3A_1460 = arith.muli %squeeze3A_1458, %mul3A_1459 : i32
    %swap3A_1461 = arith.constant 84 : i32
    %swap3A_1462 = arith.index_cast %swap3A_1461 : i32 to index
    %swap3A_1463 = memref.load %arg11[%swap3A_1462] : memref<128xi32, #tpu.memory_space<smem>>
    memref.store %mul3A_1460, %arg11[%swap3A_1462] : memref<128xi32, #tpu.memory_space<smem>>
    %lt3A_1464 = arith.constant 200 : i32
    %lt3A_1465 = arith.cmpi slt, %squeeze3A_1458, %lt3A_1464 : i32
    %convert_element_type3A_1466 = arith.extui %lt3A_1465 : i1 to i32
    %cond3A_1467 = arith.constant 0 : i32
    %cond3A_1468 = arith.cmpi ne, %convert_element_type3A_1466, %cond3A_1467 : i32
    scf.if %cond3A_1468 {
      %swap3A_2233 = arith.constant 84 : i32
      %swap3A_2234 = arith.index_cast %select_n3A_1456 : i32 to index
      %swap3A_2235 = memref.load %arg12[%swap3A_2234] : memref<128xi32, #tpu.memory_space<smem>>
      memref.store %swap3A_2233, %arg12[%swap3A_2234] : memref<128xi32, #tpu.memory_space<smem>>
    } else {
    }
    %lt3A_1469 = arith.constant 200 : i32
    %lt3A_1470 = arith.cmpi slt, %squeeze3A_1458, %lt3A_1469 : i32
    %add3A_1471 = arith.constant 1 : i32
    %add3A_1472 = arith.addi %select_n3A_1456, %add3A_1471 : i32
    %select_n3A_1473 = arith.select %lt3A_1470, %add3A_1472, %select_n3A_1456 : i32
    %slice3A_1474 = vector.extract_strided_slice %scan3A_32#5 {offsets = [5], sizes = [1], strides = [1]} : vector<16xi32> to vector<1xi32>
    %squeeze3A_1475 = vector.extract %slice3A_1474[0] : i32 from vector<1xi32>
    %mul3A_1476 = arith.constant 64 : i32
    %mul3A_1477 = arith.muli %squeeze3A_1475, %mul3A_1476 : i32
    %swap3A_1478 = arith.constant 85 : i32
    %swap3A_1479 = arith.index_cast %swap3A_1478 : i32 to index
    %swap3A_1480 = memref.load %arg11[%swap3A_1479] : memref<128xi32, #tpu.memory_space<smem>>
    memref.store %mul3A_1477, %arg11[%swap3A_1479] : memref<128xi32, #tpu.memory_space<smem>>
    %lt3A_1481 = arith.constant 200 : i32
    %lt3A_1482 = arith.cmpi slt, %squeeze3A_1475, %lt3A_1481 : i32
    %convert_element_type3A_1483 = arith.extui %lt3A_1482 : i1 to i32
    %cond3A_1484 = arith.constant 0 : i32
    %cond3A_1485 = arith.cmpi ne, %convert_element_type3A_1483, %cond3A_1484 : i32
    scf.if %cond3A_1485 {
      %swap3A_2233 = arith.constant 85 : i32
      %swap3A_2234 = arith.index_cast %select_n3A_1473 : i32 to index
      %swap3A_2235 = memref.load %arg12[%swap3A_2234] : memref<128xi32, #tpu.memory_space<smem>>
      memref.store %swap3A_2233, %arg12[%swap3A_2234] : memref<128xi32, #tpu.memory_space<smem>>
    } else {
    }
    %lt3A_1486 = arith.constant 200 : i32
    %lt3A_1487 = arith.cmpi slt, %squeeze3A_1475, %lt3A_1486 : i32
    %add3A_1488 = arith.constant 1 : i32
    %add3A_1489 = arith.addi %select_n3A_1473, %add3A_1488 : i32
    %select_n3A_1490 = arith.select %lt3A_1487, %add3A_1489, %select_n3A_1473 : i32
    %slice3A_1491 = vector.extract_strided_slice %scan3A_32#5 {offsets = [6], sizes = [1], strides = [1]} : vector<16xi32> to vector<1xi32>
    %squeeze3A_1492 = vector.extract %slice3A_1491[0] : i32 from vector<1xi32>
    %mul3A_1493 = arith.constant 64 : i32
    %mul3A_1494 = arith.muli %squeeze3A_1492, %mul3A_1493 : i32
    %swap3A_1495 = arith.constant 86 : i32
    %swap3A_1496 = arith.index_cast %swap3A_1495 : i32 to index
    %swap3A_1497 = memref.load %arg11[%swap3A_1496] : memref<128xi32, #tpu.memory_space<smem>>
    memref.store %mul3A_1494, %arg11[%swap3A_1496] : memref<128xi32, #tpu.memory_space<smem>>
    %lt3A_1498 = arith.constant 200 : i32
    %lt3A_1499 = arith.cmpi slt, %squeeze3A_1492, %lt3A_1498 : i32
    %convert_element_type3A_1500 = arith.extui %lt3A_1499 : i1 to i32
    %cond3A_1501 = arith.constant 0 : i32
    %cond3A_1502 = arith.cmpi ne, %convert_element_type3A_1500, %cond3A_1501 : i32
    scf.if %cond3A_1502 {
      %swap3A_2233 = arith.constant 86 : i32
      %swap3A_2234 = arith.index_cast %select_n3A_1490 : i32 to index
      %swap3A_2235 = memref.load %arg12[%swap3A_2234] : memref<128xi32, #tpu.memory_space<smem>>
      memref.store %swap3A_2233, %arg12[%swap3A_2234] : memref<128xi32, #tpu.memory_space<smem>>
    } else {
    }
    %lt3A_1503 = arith.constant 200 : i32
    %lt3A_1504 = arith.cmpi slt, %squeeze3A_1492, %lt3A_1503 : i32
    %add3A_1505 = arith.constant 1 : i32
    %add3A_1506 = arith.addi %select_n3A_1490, %add3A_1505 : i32
    %select_n3A_1507 = arith.select %lt3A_1504, %add3A_1506, %select_n3A_1490 : i32
    %slice3A_1508 = vector.extract_strided_slice %scan3A_32#5 {offsets = [7], sizes = [1], strides = [1]} : vector<16xi32> to vector<1xi32>
    %squeeze3A_1509 = vector.extract %slice3A_1508[0] : i32 from vector<1xi32>
    %mul3A_1510 = arith.constant 64 : i32
    %mul3A_1511 = arith.muli %squeeze3A_1509, %mul3A_1510 : i32
    %swap3A_1512 = arith.constant 87 : i32
    %swap3A_1513 = arith.index_cast %swap3A_1512 : i32 to index
    %swap3A_1514 = memref.load %arg11[%swap3A_1513] : memref<128xi32, #tpu.memory_space<smem>>
    memref.store %mul3A_1511, %arg11[%swap3A_1513] : memref<128xi32, #tpu.memory_space<smem>>
    %lt3A_1515 = arith.constant 200 : i32
    %lt3A_1516 = arith.cmpi slt, %squeeze3A_1509, %lt3A_1515 : i32
    %convert_element_type3A_1517 = arith.extui %lt3A_1516 : i1 to i32
    %cond3A_1518 = arith.constant 0 : i32
    %cond3A_1519 = arith.cmpi ne, %convert_element_type3A_1517, %cond3A_1518 : i32
    scf.if %cond3A_1519 {
      %swap3A_2233 = arith.constant 87 : i32
      %swap3A_2234 = arith.index_cast %select_n3A_1507 : i32 to index
      %swap3A_2235 = memref.load %arg12[%swap3A_2234] : memref<128xi32, #tpu.memory_space<smem>>
      memref.store %swap3A_2233, %arg12[%swap3A_2234] : memref<128xi32, #tpu.memory_space<smem>>
    } else {
    }
    %lt3A_1520 = arith.constant 200 : i32
    %lt3A_1521 = arith.cmpi slt, %squeeze3A_1509, %lt3A_1520 : i32
    %add3A_1522 = arith.constant 1 : i32
    %add3A_1523 = arith.addi %select_n3A_1507, %add3A_1522 : i32
    %select_n3A_1524 = arith.select %lt3A_1521, %add3A_1523, %select_n3A_1507 : i32
    %slice3A_1525 = vector.extract_strided_slice %scan3A_32#5 {offsets = [8], sizes = [1], strides = [1]} : vector<16xi32> to vector<1xi32>
    %squeeze3A_1526 = vector.extract %slice3A_1525[0] : i32 from vector<1xi32>
    %mul3A_1527 = arith.constant 64 : i32
    %mul3A_1528 = arith.muli %squeeze3A_1526, %mul3A_1527 : i32
    %swap3A_1529 = arith.constant 88 : i32
    %swap3A_1530 = arith.index_cast %swap3A_1529 : i32 to index
    %swap3A_1531 = memref.load %arg11[%swap3A_1530] : memref<128xi32, #tpu.memory_space<smem>>
    memref.store %mul3A_1528, %arg11[%swap3A_1530] : memref<128xi32, #tpu.memory_space<smem>>
    %lt3A_1532 = arith.constant 200 : i32
    %lt3A_1533 = arith.cmpi slt, %squeeze3A_1526, %lt3A_1532 : i32
    %convert_element_type3A_1534 = arith.extui %lt3A_1533 : i1 to i32
    %cond3A_1535 = arith.constant 0 : i32
    %cond3A_1536 = arith.cmpi ne, %convert_element_type3A_1534, %cond3A_1535 : i32
    scf.if %cond3A_1536 {
      %swap3A_2233 = arith.constant 88 : i32
      %swap3A_2234 = arith.index_cast %select_n3A_1524 : i32 to index
      %swap3A_2235 = memref.load %arg12[%swap3A_2234] : memref<128xi32, #tpu.memory_space<smem>>
      memref.store %swap3A_2233, %arg12[%swap3A_2234] : memref<128xi32, #tpu.memory_space<smem>>
    } else {
    }
    %lt3A_1537 = arith.constant 200 : i32
    %lt3A_1538 = arith.cmpi slt, %squeeze3A_1526, %lt3A_1537 : i32
    %add3A_1539 = arith.constant 1 : i32
    %add3A_1540 = arith.addi %select_n3A_1524, %add3A_1539 : i32
    %select_n3A_1541 = arith.select %lt3A_1538, %add3A_1540, %select_n3A_1524 : i32
    %slice3A_1542 = vector.extract_strided_slice %scan3A_32#5 {offsets = [9], sizes = [1], strides = [1]} : vector<16xi32> to vector<1xi32>
    %squeeze3A_1543 = vector.extract %slice3A_1542[0] : i32 from vector<1xi32>
    %mul3A_1544 = arith.constant 64 : i32
    %mul3A_1545 = arith.muli %squeeze3A_1543, %mul3A_1544 : i32
    %swap3A_1546 = arith.constant 89 : i32
    %swap3A_1547 = arith.index_cast %swap3A_1546 : i32 to index
    %swap3A_1548 = memref.load %arg11[%swap3A_1547] : memref<128xi32, #tpu.memory_space<smem>>
    memref.store %mul3A_1545, %arg11[%swap3A_1547] : memref<128xi32, #tpu.memory_space<smem>>
    %lt3A_1549 = arith.constant 200 : i32
    %lt3A_1550 = arith.cmpi slt, %squeeze3A_1543, %lt3A_1549 : i32
    %convert_element_type3A_1551 = arith.extui %lt3A_1550 : i1 to i32
    %cond3A_1552 = arith.constant 0 : i32
    %cond3A_1553 = arith.cmpi ne, %convert_element_type3A_1551, %cond3A_1552 : i32
    scf.if %cond3A_1553 {
      %swap3A_2233 = arith.constant 89 : i32
      %swap3A_2234 = arith.index_cast %select_n3A_1541 : i32 to index
      %swap3A_2235 = memref.load %arg12[%swap3A_2234] : memref<128xi32, #tpu.memory_space<smem>>
      memref.store %swap3A_2233, %arg12[%swap3A_2234] : memref<128xi32, #tpu.memory_space<smem>>
    } else {
    }
    %lt3A_1554 = arith.constant 200 : i32
    %lt3A_1555 = arith.cmpi slt, %squeeze3A_1543, %lt3A_1554 : i32
    %add3A_1556 = arith.constant 1 : i32
    %add3A_1557 = arith.addi %select_n3A_1541, %add3A_1556 : i32
    %select_n3A_1558 = arith.select %lt3A_1555, %add3A_1557, %select_n3A_1541 : i32
    %slice3A_1559 = vector.extract_strided_slice %scan3A_32#5 {offsets = [10], sizes = [1], strides = [1]} : vector<16xi32> to vector<1xi32>
    %squeeze3A_1560 = vector.extract %slice3A_1559[0] : i32 from vector<1xi32>
    %mul3A_1561 = arith.constant 64 : i32
    %mul3A_1562 = arith.muli %squeeze3A_1560, %mul3A_1561 : i32
    %swap3A_1563 = arith.constant 90 : i32
    %swap3A_1564 = arith.index_cast %swap3A_1563 : i32 to index
    %swap3A_1565 = memref.load %arg11[%swap3A_1564] : memref<128xi32, #tpu.memory_space<smem>>
    memref.store %mul3A_1562, %arg11[%swap3A_1564] : memref<128xi32, #tpu.memory_space<smem>>
    %lt3A_1566 = arith.constant 200 : i32
    %lt3A_1567 = arith.cmpi slt, %squeeze3A_1560, %lt3A_1566 : i32
    %convert_element_type3A_1568 = arith.extui %lt3A_1567 : i1 to i32
    %cond3A_1569 = arith.constant 0 : i32
    %cond3A_1570 = arith.cmpi ne, %convert_element_type3A_1568, %cond3A_1569 : i32
    scf.if %cond3A_1570 {
      %swap3A_2233 = arith.constant 90 : i32
      %swap3A_2234 = arith.index_cast %select_n3A_1558 : i32 to index
      %swap3A_2235 = memref.load %arg12[%swap3A_2234] : memref<128xi32, #tpu.memory_space<smem>>
      memref.store %swap3A_2233, %arg12[%swap3A_2234] : memref<128xi32, #tpu.memory_space<smem>>
    } else {
    }
    %lt3A_1571 = arith.constant 200 : i32
    %lt3A_1572 = arith.cmpi slt, %squeeze3A_1560, %lt3A_1571 : i32
    %add3A_1573 = arith.constant 1 : i32
    %add3A_1574 = arith.addi %select_n3A_1558, %add3A_1573 : i32
    %select_n3A_1575 = arith.select %lt3A_1572, %add3A_1574, %select_n3A_1558 : i32
    %slice3A_1576 = vector.extract_strided_slice %scan3A_32#5 {offsets = [11], sizes = [1], strides = [1]} : vector<16xi32> to vector<1xi32>
    %squeeze3A_1577 = vector.extract %slice3A_1576[0] : i32 from vector<1xi32>
    %mul3A_1578 = arith.constant 64 : i32
    %mul3A_1579 = arith.muli %squeeze3A_1577, %mul3A_1578 : i32
    %swap3A_1580 = arith.constant 91 : i32
    %swap3A_1581 = arith.index_cast %swap3A_1580 : i32 to index
    %swap3A_1582 = memref.load %arg11[%swap3A_1581] : memref<128xi32, #tpu.memory_space<smem>>
    memref.store %mul3A_1579, %arg11[%swap3A_1581] : memref<128xi32, #tpu.memory_space<smem>>
    %lt3A_1583 = arith.constant 200 : i32
    %lt3A_1584 = arith.cmpi slt, %squeeze3A_1577, %lt3A_1583 : i32
    %convert_element_type3A_1585 = arith.extui %lt3A_1584 : i1 to i32
    %cond3A_1586 = arith.constant 0 : i32
    %cond3A_1587 = arith.cmpi ne, %convert_element_type3A_1585, %cond3A_1586 : i32
    scf.if %cond3A_1587 {
      %swap3A_2233 = arith.constant 91 : i32
      %swap3A_2234 = arith.index_cast %select_n3A_1575 : i32 to index
      %swap3A_2235 = memref.load %arg12[%swap3A_2234] : memref<128xi32, #tpu.memory_space<smem>>
      memref.store %swap3A_2233, %arg12[%swap3A_2234] : memref<128xi32, #tpu.memory_space<smem>>
    } else {
    }
    %lt3A_1588 = arith.constant 200 : i32
    %lt3A_1589 = arith.cmpi slt, %squeeze3A_1577, %lt3A_1588 : i32
    %add3A_1590 = arith.constant 1 : i32
    %add3A_1591 = arith.addi %select_n3A_1575, %add3A_1590 : i32
    %select_n3A_1592 = arith.select %lt3A_1589, %add3A_1591, %select_n3A_1575 : i32
    %slice3A_1593 = vector.extract_strided_slice %scan3A_32#5 {offsets = [12], sizes = [1], strides = [1]} : vector<16xi32> to vector<1xi32>
    %squeeze3A_1594 = vector.extract %slice3A_1593[0] : i32 from vector<1xi32>
    %mul3A_1595 = arith.constant 64 : i32
    %mul3A_1596 = arith.muli %squeeze3A_1594, %mul3A_1595 : i32
    %swap3A_1597 = arith.constant 92 : i32
    %swap3A_1598 = arith.index_cast %swap3A_1597 : i32 to index
    %swap3A_1599 = memref.load %arg11[%swap3A_1598] : memref<128xi32, #tpu.memory_space<smem>>
    memref.store %mul3A_1596, %arg11[%swap3A_1598] : memref<128xi32, #tpu.memory_space<smem>>
    %lt3A_1600 = arith.constant 200 : i32
    %lt3A_1601 = arith.cmpi slt, %squeeze3A_1594, %lt3A_1600 : i32
    %convert_element_type3A_1602 = arith.extui %lt3A_1601 : i1 to i32
    %cond3A_1603 = arith.constant 0 : i32
    %cond3A_1604 = arith.cmpi ne, %convert_element_type3A_1602, %cond3A_1603 : i32
    scf.if %cond3A_1604 {
      %swap3A_2233 = arith.constant 92 : i32
      %swap3A_2234 = arith.index_cast %select_n3A_1592 : i32 to index
      %swap3A_2235 = memref.load %arg12[%swap3A_2234] : memref<128xi32, #tpu.memory_space<smem>>
      memref.store %swap3A_2233, %arg12[%swap3A_2234] : memref<128xi32, #tpu.memory_space<smem>>
    } else {
    }
    %lt3A_1605 = arith.constant 200 : i32
    %lt3A_1606 = arith.cmpi slt, %squeeze3A_1594, %lt3A_1605 : i32
    %add3A_1607 = arith.constant 1 : i32
    %add3A_1608 = arith.addi %select_n3A_1592, %add3A_1607 : i32
    %select_n3A_1609 = arith.select %lt3A_1606, %add3A_1608, %select_n3A_1592 : i32
    %slice3A_1610 = vector.extract_strided_slice %scan3A_32#5 {offsets = [13], sizes = [1], strides = [1]} : vector<16xi32> to vector<1xi32>
    %squeeze3A_1611 = vector.extract %slice3A_1610[0] : i32 from vector<1xi32>
    %mul3A_1612 = arith.constant 64 : i32
    %mul3A_1613 = arith.muli %squeeze3A_1611, %mul3A_1612 : i32
    %swap3A_1614 = arith.constant 93 : i32
    %swap3A_1615 = arith.index_cast %swap3A_1614 : i32 to index
    %swap3A_1616 = memref.load %arg11[%swap3A_1615] : memref<128xi32, #tpu.memory_space<smem>>
    memref.store %mul3A_1613, %arg11[%swap3A_1615] : memref<128xi32, #tpu.memory_space<smem>>
    %lt3A_1617 = arith.constant 200 : i32
    %lt3A_1618 = arith.cmpi slt, %squeeze3A_1611, %lt3A_1617 : i32
    %convert_element_type3A_1619 = arith.extui %lt3A_1618 : i1 to i32
    %cond3A_1620 = arith.constant 0 : i32
    %cond3A_1621 = arith.cmpi ne, %convert_element_type3A_1619, %cond3A_1620 : i32
    scf.if %cond3A_1621 {
      %swap3A_2233 = arith.constant 93 : i32
      %swap3A_2234 = arith.index_cast %select_n3A_1609 : i32 to index
      %swap3A_2235 = memref.load %arg12[%swap3A_2234] : memref<128xi32, #tpu.memory_space<smem>>
      memref.store %swap3A_2233, %arg12[%swap3A_2234] : memref<128xi32, #tpu.memory_space<smem>>
    } else {
    }
    %lt3A_1622 = arith.constant 200 : i32
    %lt3A_1623 = arith.cmpi slt, %squeeze3A_1611, %lt3A_1622 : i32
    %add3A_1624 = arith.constant 1 : i32
    %add3A_1625 = arith.addi %select_n3A_1609, %add3A_1624 : i32
    %select_n3A_1626 = arith.select %lt3A_1623, %add3A_1625, %select_n3A_1609 : i32
    %slice3A_1627 = vector.extract_strided_slice %scan3A_32#5 {offsets = [14], sizes = [1], strides = [1]} : vector<16xi32> to vector<1xi32>
    %squeeze3A_1628 = vector.extract %slice3A_1627[0] : i32 from vector<1xi32>
    %mul3A_1629 = arith.constant 64 : i32
    %mul3A_1630 = arith.muli %squeeze3A_1628, %mul3A_1629 : i32
    %swap3A_1631 = arith.constant 94 : i32
    %swap3A_1632 = arith.index_cast %swap3A_1631 : i32 to index
    %swap3A_1633 = memref.load %arg11[%swap3A_1632] : memref<128xi32, #tpu.memory_space<smem>>
    memref.store %mul3A_1630, %arg11[%swap3A_1632] : memref<128xi32, #tpu.memory_space<smem>>
    %lt3A_1634 = arith.constant 200 : i32
    %lt3A_1635 = arith.cmpi slt, %squeeze3A_1628, %lt3A_1634 : i32
    %convert_element_type3A_1636 = arith.extui %lt3A_1635 : i1 to i32
    %cond3A_1637 = arith.constant 0 : i32
    %cond3A_1638 = arith.cmpi ne, %convert_element_type3A_1636, %cond3A_1637 : i32
    scf.if %cond3A_1638 {
      %swap3A_2233 = arith.constant 94 : i32
      %swap3A_2234 = arith.index_cast %select_n3A_1626 : i32 to index
      %swap3A_2235 = memref.load %arg12[%swap3A_2234] : memref<128xi32, #tpu.memory_space<smem>>
      memref.store %swap3A_2233, %arg12[%swap3A_2234] : memref<128xi32, #tpu.memory_space<smem>>
    } else {
    }
    %lt3A_1639 = arith.constant 200 : i32
    %lt3A_1640 = arith.cmpi slt, %squeeze3A_1628, %lt3A_1639 : i32
    %add3A_1641 = arith.constant 1 : i32
    %add3A_1642 = arith.addi %select_n3A_1626, %add3A_1641 : i32
    %select_n3A_1643 = arith.select %lt3A_1640, %add3A_1642, %select_n3A_1626 : i32
    %slice3A_1644 = vector.extract_strided_slice %scan3A_32#5 {offsets = [15], sizes = [1], strides = [1]} : vector<16xi32> to vector<1xi32>
    %squeeze3A_1645 = vector.extract %slice3A_1644[0] : i32 from vector<1xi32>
    %mul3A_1646 = arith.constant 64 : i32
    %mul3A_1647 = arith.muli %squeeze3A_1645, %mul3A_1646 : i32
    %swap3A_1648 = arith.constant 95 : i32
    %swap3A_1649 = arith.index_cast %swap3A_1648 : i32 to index
    %swap3A_1650 = memref.load %arg11[%swap3A_1649] : memref<128xi32, #tpu.memory_space<smem>>
    memref.store %mul3A_1647, %arg11[%swap3A_1649] : memref<128xi32, #tpu.memory_space<smem>>
    %lt3A_1651 = arith.constant 200 : i32
    %lt3A_1652 = arith.cmpi slt, %squeeze3A_1645, %lt3A_1651 : i32
    %convert_element_type3A_1653 = arith.extui %lt3A_1652 : i1 to i32
    %cond3A_1654 = arith.constant 0 : i32
    %cond3A_1655 = arith.cmpi ne, %convert_element_type3A_1653, %cond3A_1654 : i32
    scf.if %cond3A_1655 {
      %swap3A_2233 = arith.constant 95 : i32
      %swap3A_2234 = arith.index_cast %select_n3A_1643 : i32 to index
      %swap3A_2235 = memref.load %arg12[%swap3A_2234] : memref<128xi32, #tpu.memory_space<smem>>
      memref.store %swap3A_2233, %arg12[%swap3A_2234] : memref<128xi32, #tpu.memory_space<smem>>
    } else {
    }
    %lt3A_1656 = arith.constant 200 : i32
    %lt3A_1657 = arith.cmpi slt, %squeeze3A_1645, %lt3A_1656 : i32
    %add3A_1658 = arith.constant 1 : i32
    %add3A_1659 = arith.addi %select_n3A_1643, %add3A_1658 : i32
    %select_n3A_1660 = arith.select %lt3A_1657, %add3A_1659, %select_n3A_1643 : i32
    %slice3A_1661 = vector.extract_strided_slice %scan3A_32#6 {offsets = [0], sizes = [1], strides = [1]} : vector<16xi32> to vector<1xi32>
    %squeeze3A_1662 = vector.extract %slice3A_1661[0] : i32 from vector<1xi32>
    %mul3A_1663 = arith.constant 64 : i32
    %mul3A_1664 = arith.muli %squeeze3A_1662, %mul3A_1663 : i32
    %swap3A_1665 = arith.constant 96 : i32
    %swap3A_1666 = arith.index_cast %swap3A_1665 : i32 to index
    %swap3A_1667 = memref.load %arg11[%swap3A_1666] : memref<128xi32, #tpu.memory_space<smem>>
    memref.store %mul3A_1664, %arg11[%swap3A_1666] : memref<128xi32, #tpu.memory_space<smem>>
    %lt3A_1668 = arith.constant 200 : i32
    %lt3A_1669 = arith.cmpi slt, %squeeze3A_1662, %lt3A_1668 : i32
    %convert_element_type3A_1670 = arith.extui %lt3A_1669 : i1 to i32
    %cond3A_1671 = arith.constant 0 : i32
    %cond3A_1672 = arith.cmpi ne, %convert_element_type3A_1670, %cond3A_1671 : i32
    scf.if %cond3A_1672 {
      %swap3A_2233 = arith.constant 96 : i32
      %swap3A_2234 = arith.index_cast %select_n3A_1660 : i32 to index
      %swap3A_2235 = memref.load %arg12[%swap3A_2234] : memref<128xi32, #tpu.memory_space<smem>>
      memref.store %swap3A_2233, %arg12[%swap3A_2234] : memref<128xi32, #tpu.memory_space<smem>>
    } else {
    }
    %lt3A_1673 = arith.constant 200 : i32
    %lt3A_1674 = arith.cmpi slt, %squeeze3A_1662, %lt3A_1673 : i32
    %add3A_1675 = arith.constant 1 : i32
    %add3A_1676 = arith.addi %select_n3A_1660, %add3A_1675 : i32
    %select_n3A_1677 = arith.select %lt3A_1674, %add3A_1676, %select_n3A_1660 : i32
    %slice3A_1678 = vector.extract_strided_slice %scan3A_32#6 {offsets = [1], sizes = [1], strides = [1]} : vector<16xi32> to vector<1xi32>
    %squeeze3A_1679 = vector.extract %slice3A_1678[0] : i32 from vector<1xi32>
    %mul3A_1680 = arith.constant 64 : i32
    %mul3A_1681 = arith.muli %squeeze3A_1679, %mul3A_1680 : i32
    %swap3A_1682 = arith.constant 97 : i32
    %swap3A_1683 = arith.index_cast %swap3A_1682 : i32 to index
    %swap3A_1684 = memref.load %arg11[%swap3A_1683] : memref<128xi32, #tpu.memory_space<smem>>
    memref.store %mul3A_1681, %arg11[%swap3A_1683] : memref<128xi32, #tpu.memory_space<smem>>
    %lt3A_1685 = arith.constant 200 : i32
    %lt3A_1686 = arith.cmpi slt, %squeeze3A_1679, %lt3A_1685 : i32
    %convert_element_type3A_1687 = arith.extui %lt3A_1686 : i1 to i32
    %cond3A_1688 = arith.constant 0 : i32
    %cond3A_1689 = arith.cmpi ne, %convert_element_type3A_1687, %cond3A_1688 : i32
    scf.if %cond3A_1689 {
      %swap3A_2233 = arith.constant 97 : i32
      %swap3A_2234 = arith.index_cast %select_n3A_1677 : i32 to index
      %swap3A_2235 = memref.load %arg12[%swap3A_2234] : memref<128xi32, #tpu.memory_space<smem>>
      memref.store %swap3A_2233, %arg12[%swap3A_2234] : memref<128xi32, #tpu.memory_space<smem>>
    } else {
    }
    %lt3A_1690 = arith.constant 200 : i32
    %lt3A_1691 = arith.cmpi slt, %squeeze3A_1679, %lt3A_1690 : i32
    %add3A_1692 = arith.constant 1 : i32
    %add3A_1693 = arith.addi %select_n3A_1677, %add3A_1692 : i32
    %select_n3A_1694 = arith.select %lt3A_1691, %add3A_1693, %select_n3A_1677 : i32
    %slice3A_1695 = vector.extract_strided_slice %scan3A_32#6 {offsets = [2], sizes = [1], strides = [1]} : vector<16xi32> to vector<1xi32>
    %squeeze3A_1696 = vector.extract %slice3A_1695[0] : i32 from vector<1xi32>
    %mul3A_1697 = arith.constant 64 : i32
    %mul3A_1698 = arith.muli %squeeze3A_1696, %mul3A_1697 : i32
    %swap3A_1699 = arith.constant 98 : i32
    %swap3A_1700 = arith.index_cast %swap3A_1699 : i32 to index
    %swap3A_1701 = memref.load %arg11[%swap3A_1700] : memref<128xi32, #tpu.memory_space<smem>>
    memref.store %mul3A_1698, %arg11[%swap3A_1700] : memref<128xi32, #tpu.memory_space<smem>>
    %lt3A_1702 = arith.constant 200 : i32
    %lt3A_1703 = arith.cmpi slt, %squeeze3A_1696, %lt3A_1702 : i32
    %convert_element_type3A_1704 = arith.extui %lt3A_1703 : i1 to i32
    %cond3A_1705 = arith.constant 0 : i32
    %cond3A_1706 = arith.cmpi ne, %convert_element_type3A_1704, %cond3A_1705 : i32
    scf.if %cond3A_1706 {
      %swap3A_2233 = arith.constant 98 : i32
      %swap3A_2234 = arith.index_cast %select_n3A_1694 : i32 to index
      %swap3A_2235 = memref.load %arg12[%swap3A_2234] : memref<128xi32, #tpu.memory_space<smem>>
      memref.store %swap3A_2233, %arg12[%swap3A_2234] : memref<128xi32, #tpu.memory_space<smem>>
    } else {
    }
    %lt3A_1707 = arith.constant 200 : i32
    %lt3A_1708 = arith.cmpi slt, %squeeze3A_1696, %lt3A_1707 : i32
    %add3A_1709 = arith.constant 1 : i32
    %add3A_1710 = arith.addi %select_n3A_1694, %add3A_1709 : i32
    %select_n3A_1711 = arith.select %lt3A_1708, %add3A_1710, %select_n3A_1694 : i32
    %slice3A_1712 = vector.extract_strided_slice %scan3A_32#6 {offsets = [3], sizes = [1], strides = [1]} : vector<16xi32> to vector<1xi32>
    %squeeze3A_1713 = vector.extract %slice3A_1712[0] : i32 from vector<1xi32>
    %mul3A_1714 = arith.constant 64 : i32
    %mul3A_1715 = arith.muli %squeeze3A_1713, %mul3A_1714 : i32
    %swap3A_1716 = arith.constant 99 : i32
    %swap3A_1717 = arith.index_cast %swap3A_1716 : i32 to index
    %swap3A_1718 = memref.load %arg11[%swap3A_1717] : memref<128xi32, #tpu.memory_space<smem>>
    memref.store %mul3A_1715, %arg11[%swap3A_1717] : memref<128xi32, #tpu.memory_space<smem>>
    %lt3A_1719 = arith.constant 200 : i32
    %lt3A_1720 = arith.cmpi slt, %squeeze3A_1713, %lt3A_1719 : i32
    %convert_element_type3A_1721 = arith.extui %lt3A_1720 : i1 to i32
    %cond3A_1722 = arith.constant 0 : i32
    %cond3A_1723 = arith.cmpi ne, %convert_element_type3A_1721, %cond3A_1722 : i32
    scf.if %cond3A_1723 {
      %swap3A_2233 = arith.constant 99 : i32
      %swap3A_2234 = arith.index_cast %select_n3A_1711 : i32 to index
      %swap3A_2235 = memref.load %arg12[%swap3A_2234] : memref<128xi32, #tpu.memory_space<smem>>
      memref.store %swap3A_2233, %arg12[%swap3A_2234] : memref<128xi32, #tpu.memory_space<smem>>
    } else {
    }
    %lt3A_1724 = arith.constant 200 : i32
    %lt3A_1725 = arith.cmpi slt, %squeeze3A_1713, %lt3A_1724 : i32
    %add3A_1726 = arith.constant 1 : i32
    %add3A_1727 = arith.addi %select_n3A_1711, %add3A_1726 : i32
    %select_n3A_1728 = arith.select %lt3A_1725, %add3A_1727, %select_n3A_1711 : i32
    %slice3A_1729 = vector.extract_strided_slice %scan3A_32#6 {offsets = [4], sizes = [1], strides = [1]} : vector<16xi32> to vector<1xi32>
    %squeeze3A_1730 = vector.extract %slice3A_1729[0] : i32 from vector<1xi32>
    %mul3A_1731 = arith.constant 64 : i32
    %mul3A_1732 = arith.muli %squeeze3A_1730, %mul3A_1731 : i32
    %swap3A_1733 = arith.constant 100 : i32
    %swap3A_1734 = arith.index_cast %swap3A_1733 : i32 to index
    %swap3A_1735 = memref.load %arg11[%swap3A_1734] : memref<128xi32, #tpu.memory_space<smem>>
    memref.store %mul3A_1732, %arg11[%swap3A_1734] : memref<128xi32, #tpu.memory_space<smem>>
    %lt3A_1736 = arith.constant 200 : i32
    %lt3A_1737 = arith.cmpi slt, %squeeze3A_1730, %lt3A_1736 : i32
    %convert_element_type3A_1738 = arith.extui %lt3A_1737 : i1 to i32
    %cond3A_1739 = arith.constant 0 : i32
    %cond3A_1740 = arith.cmpi ne, %convert_element_type3A_1738, %cond3A_1739 : i32
    scf.if %cond3A_1740 {
      %swap3A_2233 = arith.constant 100 : i32
      %swap3A_2234 = arith.index_cast %select_n3A_1728 : i32 to index
      %swap3A_2235 = memref.load %arg12[%swap3A_2234] : memref<128xi32, #tpu.memory_space<smem>>
      memref.store %swap3A_2233, %arg12[%swap3A_2234] : memref<128xi32, #tpu.memory_space<smem>>
    } else {
    }
    %lt3A_1741 = arith.constant 200 : i32
    %lt3A_1742 = arith.cmpi slt, %squeeze3A_1730, %lt3A_1741 : i32
    %add3A_1743 = arith.constant 1 : i32
    %add3A_1744 = arith.addi %select_n3A_1728, %add3A_1743 : i32
    %select_n3A_1745 = arith.select %lt3A_1742, %add3A_1744, %select_n3A_1728 : i32
    %slice3A_1746 = vector.extract_strided_slice %scan3A_32#6 {offsets = [5], sizes = [1], strides = [1]} : vector<16xi32> to vector<1xi32>
    %squeeze3A_1747 = vector.extract %slice3A_1746[0] : i32 from vector<1xi32>
    %mul3A_1748 = arith.constant 64 : i32
    %mul3A_1749 = arith.muli %squeeze3A_1747, %mul3A_1748 : i32
    %swap3A_1750 = arith.constant 101 : i32
    %swap3A_1751 = arith.index_cast %swap3A_1750 : i32 to index
    %swap3A_1752 = memref.load %arg11[%swap3A_1751] : memref<128xi32, #tpu.memory_space<smem>>
    memref.store %mul3A_1749, %arg11[%swap3A_1751] : memref<128xi32, #tpu.memory_space<smem>>
    %lt3A_1753 = arith.constant 200 : i32
    %lt3A_1754 = arith.cmpi slt, %squeeze3A_1747, %lt3A_1753 : i32
    %convert_element_type3A_1755 = arith.extui %lt3A_1754 : i1 to i32
    %cond3A_1756 = arith.constant 0 : i32
    %cond3A_1757 = arith.cmpi ne, %convert_element_type3A_1755, %cond3A_1756 : i32
    scf.if %cond3A_1757 {
      %swap3A_2233 = arith.constant 101 : i32
      %swap3A_2234 = arith.index_cast %select_n3A_1745 : i32 to index
      %swap3A_2235 = memref.load %arg12[%swap3A_2234] : memref<128xi32, #tpu.memory_space<smem>>
      memref.store %swap3A_2233, %arg12[%swap3A_2234] : memref<128xi32, #tpu.memory_space<smem>>
    } else {
    }
    %lt3A_1758 = arith.constant 200 : i32
    %lt3A_1759 = arith.cmpi slt, %squeeze3A_1747, %lt3A_1758 : i32
    %add3A_1760 = arith.constant 1 : i32
    %add3A_1761 = arith.addi %select_n3A_1745, %add3A_1760 : i32
    %select_n3A_1762 = arith.select %lt3A_1759, %add3A_1761, %select_n3A_1745 : i32
    %slice3A_1763 = vector.extract_strided_slice %scan3A_32#6 {offsets = [6], sizes = [1], strides = [1]} : vector<16xi32> to vector<1xi32>
    %squeeze3A_1764 = vector.extract %slice3A_1763[0] : i32 from vector<1xi32>
    %mul3A_1765 = arith.constant 64 : i32
    %mul3A_1766 = arith.muli %squeeze3A_1764, %mul3A_1765 : i32
    %swap3A_1767 = arith.constant 102 : i32
    %swap3A_1768 = arith.index_cast %swap3A_1767 : i32 to index
    %swap3A_1769 = memref.load %arg11[%swap3A_1768] : memref<128xi32, #tpu.memory_space<smem>>
    memref.store %mul3A_1766, %arg11[%swap3A_1768] : memref<128xi32, #tpu.memory_space<smem>>
    %lt3A_1770 = arith.constant 200 : i32
    %lt3A_1771 = arith.cmpi slt, %squeeze3A_1764, %lt3A_1770 : i32
    %convert_element_type3A_1772 = arith.extui %lt3A_1771 : i1 to i32
    %cond3A_1773 = arith.constant 0 : i32
    %cond3A_1774 = arith.cmpi ne, %convert_element_type3A_1772, %cond3A_1773 : i32
    scf.if %cond3A_1774 {
      %swap3A_2233 = arith.constant 102 : i32
      %swap3A_2234 = arith.index_cast %select_n3A_1762 : i32 to index
      %swap3A_2235 = memref.load %arg12[%swap3A_2234] : memref<128xi32, #tpu.memory_space<smem>>
      memref.store %swap3A_2233, %arg12[%swap3A_2234] : memref<128xi32, #tpu.memory_space<smem>>
    } else {
    }
    %lt3A_1775 = arith.constant 200 : i32
    %lt3A_1776 = arith.cmpi slt, %squeeze3A_1764, %lt3A_1775 : i32
    %add3A_1777 = arith.constant 1 : i32
    %add3A_1778 = arith.addi %select_n3A_1762, %add3A_1777 : i32
    %select_n3A_1779 = arith.select %lt3A_1776, %add3A_1778, %select_n3A_1762 : i32
    %slice3A_1780 = vector.extract_strided_slice %scan3A_32#6 {offsets = [7], sizes = [1], strides = [1]} : vector<16xi32> to vector<1xi32>
    %squeeze3A_1781 = vector.extract %slice3A_1780[0] : i32 from vector<1xi32>
    %mul3A_1782 = arith.constant 64 : i32
    %mul3A_1783 = arith.muli %squeeze3A_1781, %mul3A_1782 : i32
    %swap3A_1784 = arith.constant 103 : i32
    %swap3A_1785 = arith.index_cast %swap3A_1784 : i32 to index
    %swap3A_1786 = memref.load %arg11[%swap3A_1785] : memref<128xi32, #tpu.memory_space<smem>>
    memref.store %mul3A_1783, %arg11[%swap3A_1785] : memref<128xi32, #tpu.memory_space<smem>>
    %lt3A_1787 = arith.constant 200 : i32
    %lt3A_1788 = arith.cmpi slt, %squeeze3A_1781, %lt3A_1787 : i32
    %convert_element_type3A_1789 = arith.extui %lt3A_1788 : i1 to i32
    %cond3A_1790 = arith.constant 0 : i32
    %cond3A_1791 = arith.cmpi ne, %convert_element_type3A_1789, %cond3A_1790 : i32
    scf.if %cond3A_1791 {
      %swap3A_2233 = arith.constant 103 : i32
      %swap3A_2234 = arith.index_cast %select_n3A_1779 : i32 to index
      %swap3A_2235 = memref.load %arg12[%swap3A_2234] : memref<128xi32, #tpu.memory_space<smem>>
      memref.store %swap3A_2233, %arg12[%swap3A_2234] : memref<128xi32, #tpu.memory_space<smem>>
    } else {
    }
    %lt3A_1792 = arith.constant 200 : i32
    %lt3A_1793 = arith.cmpi slt, %squeeze3A_1781, %lt3A_1792 : i32
    %add3A_1794 = arith.constant 1 : i32
    %add3A_1795 = arith.addi %select_n3A_1779, %add3A_1794 : i32
    %select_n3A_1796 = arith.select %lt3A_1793, %add3A_1795, %select_n3A_1779 : i32
    %slice3A_1797 = vector.extract_strided_slice %scan3A_32#6 {offsets = [8], sizes = [1], strides = [1]} : vector<16xi32> to vector<1xi32>
    %squeeze3A_1798 = vector.extract %slice3A_1797[0] : i32 from vector<1xi32>
    %mul3A_1799 = arith.constant 64 : i32
    %mul3A_1800 = arith.muli %squeeze3A_1798, %mul3A_1799 : i32
    %swap3A_1801 = arith.constant 104 : i32
    %swap3A_1802 = arith.index_cast %swap3A_1801 : i32 to index
    %swap3A_1803 = memref.load %arg11[%swap3A_1802] : memref<128xi32, #tpu.memory_space<smem>>
    memref.store %mul3A_1800, %arg11[%swap3A_1802] : memref<128xi32, #tpu.memory_space<smem>>
    %lt3A_1804 = arith.constant 200 : i32
    %lt3A_1805 = arith.cmpi slt, %squeeze3A_1798, %lt3A_1804 : i32
    %convert_element_type3A_1806 = arith.extui %lt3A_1805 : i1 to i32
    %cond3A_1807 = arith.constant 0 : i32
    %cond3A_1808 = arith.cmpi ne, %convert_element_type3A_1806, %cond3A_1807 : i32
    scf.if %cond3A_1808 {
      %swap3A_2233 = arith.constant 104 : i32
      %swap3A_2234 = arith.index_cast %select_n3A_1796 : i32 to index
      %swap3A_2235 = memref.load %arg12[%swap3A_2234] : memref<128xi32, #tpu.memory_space<smem>>
      memref.store %swap3A_2233, %arg12[%swap3A_2234] : memref<128xi32, #tpu.memory_space<smem>>
    } else {
    }
    %lt3A_1809 = arith.constant 200 : i32
    %lt3A_1810 = arith.cmpi slt, %squeeze3A_1798, %lt3A_1809 : i32
    %add3A_1811 = arith.constant 1 : i32
    %add3A_1812 = arith.addi %select_n3A_1796, %add3A_1811 : i32
    %select_n3A_1813 = arith.select %lt3A_1810, %add3A_1812, %select_n3A_1796 : i32
    %slice3A_1814 = vector.extract_strided_slice %scan3A_32#6 {offsets = [9], sizes = [1], strides = [1]} : vector<16xi32> to vector<1xi32>
    %squeeze3A_1815 = vector.extract %slice3A_1814[0] : i32 from vector<1xi32>
    %mul3A_1816 = arith.constant 64 : i32
    %mul3A_1817 = arith.muli %squeeze3A_1815, %mul3A_1816 : i32
    %swap3A_1818 = arith.constant 105 : i32
    %swap3A_1819 = arith.index_cast %swap3A_1818 : i32 to index
    %swap3A_1820 = memref.load %arg11[%swap3A_1819] : memref<128xi32, #tpu.memory_space<smem>>
    memref.store %mul3A_1817, %arg11[%swap3A_1819] : memref<128xi32, #tpu.memory_space<smem>>
    %lt3A_1821 = arith.constant 200 : i32
    %lt3A_1822 = arith.cmpi slt, %squeeze3A_1815, %lt3A_1821 : i32
    %convert_element_type3A_1823 = arith.extui %lt3A_1822 : i1 to i32
    %cond3A_1824 = arith.constant 0 : i32
    %cond3A_1825 = arith.cmpi ne, %convert_element_type3A_1823, %cond3A_1824 : i32
    scf.if %cond3A_1825 {
      %swap3A_2233 = arith.constant 105 : i32
      %swap3A_2234 = arith.index_cast %select_n3A_1813 : i32 to index
      %swap3A_2235 = memref.load %arg12[%swap3A_2234] : memref<128xi32, #tpu.memory_space<smem>>
      memref.store %swap3A_2233, %arg12[%swap3A_2234] : memref<128xi32, #tpu.memory_space<smem>>
    } else {
    }
    %lt3A_1826 = arith.constant 200 : i32
    %lt3A_1827 = arith.cmpi slt, %squeeze3A_1815, %lt3A_1826 : i32
    %add3A_1828 = arith.constant 1 : i32
    %add3A_1829 = arith.addi %select_n3A_1813, %add3A_1828 : i32
    %select_n3A_1830 = arith.select %lt3A_1827, %add3A_1829, %select_n3A_1813 : i32
    %slice3A_1831 = vector.extract_strided_slice %scan3A_32#6 {offsets = [10], sizes = [1], strides = [1]} : vector<16xi32> to vector<1xi32>
    %squeeze3A_1832 = vector.extract %slice3A_1831[0] : i32 from vector<1xi32>
    %mul3A_1833 = arith.constant 64 : i32
    %mul3A_1834 = arith.muli %squeeze3A_1832, %mul3A_1833 : i32
    %swap3A_1835 = arith.constant 106 : i32
    %swap3A_1836 = arith.index_cast %swap3A_1835 : i32 to index
    %swap3A_1837 = memref.load %arg11[%swap3A_1836] : memref<128xi32, #tpu.memory_space<smem>>
    memref.store %mul3A_1834, %arg11[%swap3A_1836] : memref<128xi32, #tpu.memory_space<smem>>
    %lt3A_1838 = arith.constant 200 : i32
    %lt3A_1839 = arith.cmpi slt, %squeeze3A_1832, %lt3A_1838 : i32
    %convert_element_type3A_1840 = arith.extui %lt3A_1839 : i1 to i32
    %cond3A_1841 = arith.constant 0 : i32
    %cond3A_1842 = arith.cmpi ne, %convert_element_type3A_1840, %cond3A_1841 : i32
    scf.if %cond3A_1842 {
      %swap3A_2233 = arith.constant 106 : i32
      %swap3A_2234 = arith.index_cast %select_n3A_1830 : i32 to index
      %swap3A_2235 = memref.load %arg12[%swap3A_2234] : memref<128xi32, #tpu.memory_space<smem>>
      memref.store %swap3A_2233, %arg12[%swap3A_2234] : memref<128xi32, #tpu.memory_space<smem>>
    } else {
    }
    %lt3A_1843 = arith.constant 200 : i32
    %lt3A_1844 = arith.cmpi slt, %squeeze3A_1832, %lt3A_1843 : i32
    %add3A_1845 = arith.constant 1 : i32
    %add3A_1846 = arith.addi %select_n3A_1830, %add3A_1845 : i32
    %select_n3A_1847 = arith.select %lt3A_1844, %add3A_1846, %select_n3A_1830 : i32
    %slice3A_1848 = vector.extract_strided_slice %scan3A_32#6 {offsets = [11], sizes = [1], strides = [1]} : vector<16xi32> to vector<1xi32>
    %squeeze3A_1849 = vector.extract %slice3A_1848[0] : i32 from vector<1xi32>
    %mul3A_1850 = arith.constant 64 : i32
    %mul3A_1851 = arith.muli %squeeze3A_1849, %mul3A_1850 : i32
    %swap3A_1852 = arith.constant 107 : i32
    %swap3A_1853 = arith.index_cast %swap3A_1852 : i32 to index
    %swap3A_1854 = memref.load %arg11[%swap3A_1853] : memref<128xi32, #tpu.memory_space<smem>>
    memref.store %mul3A_1851, %arg11[%swap3A_1853] : memref<128xi32, #tpu.memory_space<smem>>
    %lt3A_1855 = arith.constant 200 : i32
    %lt3A_1856 = arith.cmpi slt, %squeeze3A_1849, %lt3A_1855 : i32
    %convert_element_type3A_1857 = arith.extui %lt3A_1856 : i1 to i32
    %cond3A_1858 = arith.constant 0 : i32
    %cond3A_1859 = arith.cmpi ne, %convert_element_type3A_1857, %cond3A_1858 : i32
    scf.if %cond3A_1859 {
      %swap3A_2233 = arith.constant 107 : i32
      %swap3A_2234 = arith.index_cast %select_n3A_1847 : i32 to index
      %swap3A_2235 = memref.load %arg12[%swap3A_2234] : memref<128xi32, #tpu.memory_space<smem>>
      memref.store %swap3A_2233, %arg12[%swap3A_2234] : memref<128xi32, #tpu.memory_space<smem>>
    } else {
    }
    %lt3A_1860 = arith.constant 200 : i32
    %lt3A_1861 = arith.cmpi slt, %squeeze3A_1849, %lt3A_1860 : i32
    %add3A_1862 = arith.constant 1 : i32
    %add3A_1863 = arith.addi %select_n3A_1847, %add3A_1862 : i32
    %select_n3A_1864 = arith.select %lt3A_1861, %add3A_1863, %select_n3A_1847 : i32
    %slice3A_1865 = vector.extract_strided_slice %scan3A_32#6 {offsets = [12], sizes = [1], strides = [1]} : vector<16xi32> to vector<1xi32>
    %squeeze3A_1866 = vector.extract %slice3A_1865[0] : i32 from vector<1xi32>
    %mul3A_1867 = arith.constant 64 : i32
    %mul3A_1868 = arith.muli %squeeze3A_1866, %mul3A_1867 : i32
    %swap3A_1869 = arith.constant 108 : i32
    %swap3A_1870 = arith.index_cast %swap3A_1869 : i32 to index
    %swap3A_1871 = memref.load %arg11[%swap3A_1870] : memref<128xi32, #tpu.memory_space<smem>>
    memref.store %mul3A_1868, %arg11[%swap3A_1870] : memref<128xi32, #tpu.memory_space<smem>>
    %lt3A_1872 = arith.constant 200 : i32
    %lt3A_1873 = arith.cmpi slt, %squeeze3A_1866, %lt3A_1872 : i32
    %convert_element_type3A_1874 = arith.extui %lt3A_1873 : i1 to i32
    %cond3A_1875 = arith.constant 0 : i32
    %cond3A_1876 = arith.cmpi ne, %convert_element_type3A_1874, %cond3A_1875 : i32
    scf.if %cond3A_1876 {
      %swap3A_2233 = arith.constant 108 : i32
      %swap3A_2234 = arith.index_cast %select_n3A_1864 : i32 to index
      %swap3A_2235 = memref.load %arg12[%swap3A_2234] : memref<128xi32, #tpu.memory_space<smem>>
      memref.store %swap3A_2233, %arg12[%swap3A_2234] : memref<128xi32, #tpu.memory_space<smem>>
    } else {
    }
    %lt3A_1877 = arith.constant 200 : i32
    %lt3A_1878 = arith.cmpi slt, %squeeze3A_1866, %lt3A_1877 : i32
    %add3A_1879 = arith.constant 1 : i32
    %add3A_1880 = arith.addi %select_n3A_1864, %add3A_1879 : i32
    %select_n3A_1881 = arith.select %lt3A_1878, %add3A_1880, %select_n3A_1864 : i32
    %slice3A_1882 = vector.extract_strided_slice %scan3A_32#6 {offsets = [13], sizes = [1], strides = [1]} : vector<16xi32> to vector<1xi32>
    %squeeze3A_1883 = vector.extract %slice3A_1882[0] : i32 from vector<1xi32>
    %mul3A_1884 = arith.constant 64 : i32
    %mul3A_1885 = arith.muli %squeeze3A_1883, %mul3A_1884 : i32
    %swap3A_1886 = arith.constant 109 : i32
    %swap3A_1887 = arith.index_cast %swap3A_1886 : i32 to index
    %swap3A_1888 = memref.load %arg11[%swap3A_1887] : memref<128xi32, #tpu.memory_space<smem>>
    memref.store %mul3A_1885, %arg11[%swap3A_1887] : memref<128xi32, #tpu.memory_space<smem>>
    %lt3A_1889 = arith.constant 200 : i32
    %lt3A_1890 = arith.cmpi slt, %squeeze3A_1883, %lt3A_1889 : i32
    %convert_element_type3A_1891 = arith.extui %lt3A_1890 : i1 to i32
    %cond3A_1892 = arith.constant 0 : i32
    %cond3A_1893 = arith.cmpi ne, %convert_element_type3A_1891, %cond3A_1892 : i32
    scf.if %cond3A_1893 {
      %swap3A_2233 = arith.constant 109 : i32
      %swap3A_2234 = arith.index_cast %select_n3A_1881 : i32 to index
      %swap3A_2235 = memref.load %arg12[%swap3A_2234] : memref<128xi32, #tpu.memory_space<smem>>
      memref.store %swap3A_2233, %arg12[%swap3A_2234] : memref<128xi32, #tpu.memory_space<smem>>
    } else {
    }
    %lt3A_1894 = arith.constant 200 : i32
    %lt3A_1895 = arith.cmpi slt, %squeeze3A_1883, %lt3A_1894 : i32
    %add3A_1896 = arith.constant 1 : i32
    %add3A_1897 = arith.addi %select_n3A_1881, %add3A_1896 : i32
    %select_n3A_1898 = arith.select %lt3A_1895, %add3A_1897, %select_n3A_1881 : i32
    %slice3A_1899 = vector.extract_strided_slice %scan3A_32#6 {offsets = [14], sizes = [1], strides = [1]} : vector<16xi32> to vector<1xi32>
    %squeeze3A_1900 = vector.extract %slice3A_1899[0] : i32 from vector<1xi32>
    %mul3A_1901 = arith.constant 64 : i32
    %mul3A_1902 = arith.muli %squeeze3A_1900, %mul3A_1901 : i32
    %swap3A_1903 = arith.constant 110 : i32
    %swap3A_1904 = arith.index_cast %swap3A_1903 : i32 to index
    %swap3A_1905 = memref.load %arg11[%swap3A_1904] : memref<128xi32, #tpu.memory_space<smem>>
    memref.store %mul3A_1902, %arg11[%swap3A_1904] : memref<128xi32, #tpu.memory_space<smem>>
    %lt3A_1906 = arith.constant 200 : i32
    %lt3A_1907 = arith.cmpi slt, %squeeze3A_1900, %lt3A_1906 : i32
    %convert_element_type3A_1908 = arith.extui %lt3A_1907 : i1 to i32
    %cond3A_1909 = arith.constant 0 : i32
    %cond3A_1910 = arith.cmpi ne, %convert_element_type3A_1908, %cond3A_1909 : i32
    scf.if %cond3A_1910 {
      %swap3A_2233 = arith.constant 110 : i32
      %swap3A_2234 = arith.index_cast %select_n3A_1898 : i32 to index
      %swap3A_2235 = memref.load %arg12[%swap3A_2234] : memref<128xi32, #tpu.memory_space<smem>>
      memref.store %swap3A_2233, %arg12[%swap3A_2234] : memref<128xi32, #tpu.memory_space<smem>>
    } else {
    }
    %lt3A_1911 = arith.constant 200 : i32
    %lt3A_1912 = arith.cmpi slt, %squeeze3A_1900, %lt3A_1911 : i32
    %add3A_1913 = arith.constant 1 : i32
    %add3A_1914 = arith.addi %select_n3A_1898, %add3A_1913 : i32
    %select_n3A_1915 = arith.select %lt3A_1912, %add3A_1914, %select_n3A_1898 : i32
    %slice3A_1916 = vector.extract_strided_slice %scan3A_32#6 {offsets = [15], sizes = [1], strides = [1]} : vector<16xi32> to vector<1xi32>
    %squeeze3A_1917 = vector.extract %slice3A_1916[0] : i32 from vector<1xi32>
    %mul3A_1918 = arith.constant 64 : i32
    %mul3A_1919 = arith.muli %squeeze3A_1917, %mul3A_1918 : i32
    %swap3A_1920 = arith.constant 111 : i32
    %swap3A_1921 = arith.index_cast %swap3A_1920 : i32 to index
    %swap3A_1922 = memref.load %arg11[%swap3A_1921] : memref<128xi32, #tpu.memory_space<smem>>
    memref.store %mul3A_1919, %arg11[%swap3A_1921] : memref<128xi32, #tpu.memory_space<smem>>
    %lt3A_1923 = arith.constant 200 : i32
    %lt3A_1924 = arith.cmpi slt, %squeeze3A_1917, %lt3A_1923 : i32
    %convert_element_type3A_1925 = arith.extui %lt3A_1924 : i1 to i32
    %cond3A_1926 = arith.constant 0 : i32
    %cond3A_1927 = arith.cmpi ne, %convert_element_type3A_1925, %cond3A_1926 : i32
    scf.if %cond3A_1927 {
      %swap3A_2233 = arith.constant 111 : i32
      %swap3A_2234 = arith.index_cast %select_n3A_1915 : i32 to index
      %swap3A_2235 = memref.load %arg12[%swap3A_2234] : memref<128xi32, #tpu.memory_space<smem>>
      memref.store %swap3A_2233, %arg12[%swap3A_2234] : memref<128xi32, #tpu.memory_space<smem>>
    } else {
    }
    %lt3A_1928 = arith.constant 200 : i32
    %lt3A_1929 = arith.cmpi slt, %squeeze3A_1917, %lt3A_1928 : i32
    %add3A_1930 = arith.constant 1 : i32
    %add3A_1931 = arith.addi %select_n3A_1915, %add3A_1930 : i32
    %select_n3A_1932 = arith.select %lt3A_1929, %add3A_1931, %select_n3A_1915 : i32
    %slice3A_1933 = vector.extract_strided_slice %scan3A_32#7 {offsets = [0], sizes = [1], strides = [1]} : vector<16xi32> to vector<1xi32>
    %squeeze3A_1934 = vector.extract %slice3A_1933[0] : i32 from vector<1xi32>
    %mul3A_1935 = arith.constant 64 : i32
    %mul3A_1936 = arith.muli %squeeze3A_1934, %mul3A_1935 : i32
    %swap3A_1937 = arith.constant 112 : i32
    %swap3A_1938 = arith.index_cast %swap3A_1937 : i32 to index
    %swap3A_1939 = memref.load %arg11[%swap3A_1938] : memref<128xi32, #tpu.memory_space<smem>>
    memref.store %mul3A_1936, %arg11[%swap3A_1938] : memref<128xi32, #tpu.memory_space<smem>>
    %lt3A_1940 = arith.constant 200 : i32
    %lt3A_1941 = arith.cmpi slt, %squeeze3A_1934, %lt3A_1940 : i32
    %convert_element_type3A_1942 = arith.extui %lt3A_1941 : i1 to i32
    %cond3A_1943 = arith.constant 0 : i32
    %cond3A_1944 = arith.cmpi ne, %convert_element_type3A_1942, %cond3A_1943 : i32
    scf.if %cond3A_1944 {
      %swap3A_2233 = arith.constant 112 : i32
      %swap3A_2234 = arith.index_cast %select_n3A_1932 : i32 to index
      %swap3A_2235 = memref.load %arg12[%swap3A_2234] : memref<128xi32, #tpu.memory_space<smem>>
      memref.store %swap3A_2233, %arg12[%swap3A_2234] : memref<128xi32, #tpu.memory_space<smem>>
    } else {
    }
    %lt3A_1945 = arith.constant 200 : i32
    %lt3A_1946 = arith.cmpi slt, %squeeze3A_1934, %lt3A_1945 : i32
    %add3A_1947 = arith.constant 1 : i32
    %add3A_1948 = arith.addi %select_n3A_1932, %add3A_1947 : i32
    %select_n3A_1949 = arith.select %lt3A_1946, %add3A_1948, %select_n3A_1932 : i32
    %slice3A_1950 = vector.extract_strided_slice %scan3A_32#7 {offsets = [1], sizes = [1], strides = [1]} : vector<16xi32> to vector<1xi32>
    %squeeze3A_1951 = vector.extract %slice3A_1950[0] : i32 from vector<1xi32>
    %mul3A_1952 = arith.constant 64 : i32
    %mul3A_1953 = arith.muli %squeeze3A_1951, %mul3A_1952 : i32
    %swap3A_1954 = arith.constant 113 : i32
    %swap3A_1955 = arith.index_cast %swap3A_1954 : i32 to index
    %swap3A_1956 = memref.load %arg11[%swap3A_1955] : memref<128xi32, #tpu.memory_space<smem>>
    memref.store %mul3A_1953, %arg11[%swap3A_1955] : memref<128xi32, #tpu.memory_space<smem>>
    %lt3A_1957 = arith.constant 200 : i32
    %lt3A_1958 = arith.cmpi slt, %squeeze3A_1951, %lt3A_1957 : i32
    %convert_element_type3A_1959 = arith.extui %lt3A_1958 : i1 to i32
    %cond3A_1960 = arith.constant 0 : i32
    %cond3A_1961 = arith.cmpi ne, %convert_element_type3A_1959, %cond3A_1960 : i32
    scf.if %cond3A_1961 {
      %swap3A_2233 = arith.constant 113 : i32
      %swap3A_2234 = arith.index_cast %select_n3A_1949 : i32 to index
      %swap3A_2235 = memref.load %arg12[%swap3A_2234] : memref<128xi32, #tpu.memory_space<smem>>
      memref.store %swap3A_2233, %arg12[%swap3A_2234] : memref<128xi32, #tpu.memory_space<smem>>
    } else {
    }
    %lt3A_1962 = arith.constant 200 : i32
    %lt3A_1963 = arith.cmpi slt, %squeeze3A_1951, %lt3A_1962 : i32
    %add3A_1964 = arith.constant 1 : i32
    %add3A_1965 = arith.addi %select_n3A_1949, %add3A_1964 : i32
    %select_n3A_1966 = arith.select %lt3A_1963, %add3A_1965, %select_n3A_1949 : i32
    %slice3A_1967 = vector.extract_strided_slice %scan3A_32#7 {offsets = [2], sizes = [1], strides = [1]} : vector<16xi32> to vector<1xi32>
    %squeeze3A_1968 = vector.extract %slice3A_1967[0] : i32 from vector<1xi32>
    %mul3A_1969 = arith.constant 64 : i32
    %mul3A_1970 = arith.muli %squeeze3A_1968, %mul3A_1969 : i32
    %swap3A_1971 = arith.constant 114 : i32
    %swap3A_1972 = arith.index_cast %swap3A_1971 : i32 to index
    %swap3A_1973 = memref.load %arg11[%swap3A_1972] : memref<128xi32, #tpu.memory_space<smem>>
    memref.store %mul3A_1970, %arg11[%swap3A_1972] : memref<128xi32, #tpu.memory_space<smem>>
    %lt3A_1974 = arith.constant 200 : i32
    %lt3A_1975 = arith.cmpi slt, %squeeze3A_1968, %lt3A_1974 : i32
    %convert_element_type3A_1976 = arith.extui %lt3A_1975 : i1 to i32
    %cond3A_1977 = arith.constant 0 : i32
    %cond3A_1978 = arith.cmpi ne, %convert_element_type3A_1976, %cond3A_1977 : i32
    scf.if %cond3A_1978 {
      %swap3A_2233 = arith.constant 114 : i32
      %swap3A_2234 = arith.index_cast %select_n3A_1966 : i32 to index
      %swap3A_2235 = memref.load %arg12[%swap3A_2234] : memref<128xi32, #tpu.memory_space<smem>>
      memref.store %swap3A_2233, %arg12[%swap3A_2234] : memref<128xi32, #tpu.memory_space<smem>>
    } else {
    }
    %lt3A_1979 = arith.constant 200 : i32
    %lt3A_1980 = arith.cmpi slt, %squeeze3A_1968, %lt3A_1979 : i32
    %add3A_1981 = arith.constant 1 : i32
    %add3A_1982 = arith.addi %select_n3A_1966, %add3A_1981 : i32
    %select_n3A_1983 = arith.select %lt3A_1980, %add3A_1982, %select_n3A_1966 : i32
    %slice3A_1984 = vector.extract_strided_slice %scan3A_32#7 {offsets = [3], sizes = [1], strides = [1]} : vector<16xi32> to vector<1xi32>
    %squeeze3A_1985 = vector.extract %slice3A_1984[0] : i32 from vector<1xi32>
    %mul3A_1986 = arith.constant 64 : i32
    %mul3A_1987 = arith.muli %squeeze3A_1985, %mul3A_1986 : i32
    %swap3A_1988 = arith.constant 115 : i32
    %swap3A_1989 = arith.index_cast %swap3A_1988 : i32 to index
    %swap3A_1990 = memref.load %arg11[%swap3A_1989] : memref<128xi32, #tpu.memory_space<smem>>
    memref.store %mul3A_1987, %arg11[%swap3A_1989] : memref<128xi32, #tpu.memory_space<smem>>
    %lt3A_1991 = arith.constant 200 : i32
    %lt3A_1992 = arith.cmpi slt, %squeeze3A_1985, %lt3A_1991 : i32
    %convert_element_type3A_1993 = arith.extui %lt3A_1992 : i1 to i32
    %cond3A_1994 = arith.constant 0 : i32
    %cond3A_1995 = arith.cmpi ne, %convert_element_type3A_1993, %cond3A_1994 : i32
    scf.if %cond3A_1995 {
      %swap3A_2233 = arith.constant 115 : i32
      %swap3A_2234 = arith.index_cast %select_n3A_1983 : i32 to index
      %swap3A_2235 = memref.load %arg12[%swap3A_2234] : memref<128xi32, #tpu.memory_space<smem>>
      memref.store %swap3A_2233, %arg12[%swap3A_2234] : memref<128xi32, #tpu.memory_space<smem>>
    } else {
    }
    %lt3A_1996 = arith.constant 200 : i32
    %lt3A_1997 = arith.cmpi slt, %squeeze3A_1985, %lt3A_1996 : i32
    %add3A_1998 = arith.constant 1 : i32
    %add3A_1999 = arith.addi %select_n3A_1983, %add3A_1998 : i32
    %select_n3A_2000 = arith.select %lt3A_1997, %add3A_1999, %select_n3A_1983 : i32
    %slice3A_2001 = vector.extract_strided_slice %scan3A_32#7 {offsets = [4], sizes = [1], strides = [1]} : vector<16xi32> to vector<1xi32>
    %squeeze3A_2002 = vector.extract %slice3A_2001[0] : i32 from vector<1xi32>
    %mul3A_2003 = arith.constant 64 : i32
    %mul3A_2004 = arith.muli %squeeze3A_2002, %mul3A_2003 : i32
    %swap3A_2005 = arith.constant 116 : i32
    %swap3A_2006 = arith.index_cast %swap3A_2005 : i32 to index
    %swap3A_2007 = memref.load %arg11[%swap3A_2006] : memref<128xi32, #tpu.memory_space<smem>>
    memref.store %mul3A_2004, %arg11[%swap3A_2006] : memref<128xi32, #tpu.memory_space<smem>>
    %lt3A_2008 = arith.constant 200 : i32
    %lt3A_2009 = arith.cmpi slt, %squeeze3A_2002, %lt3A_2008 : i32
    %convert_element_type3A_2010 = arith.extui %lt3A_2009 : i1 to i32
    %cond3A_2011 = arith.constant 0 : i32
    %cond3A_2012 = arith.cmpi ne, %convert_element_type3A_2010, %cond3A_2011 : i32
    scf.if %cond3A_2012 {
      %swap3A_2233 = arith.constant 116 : i32
      %swap3A_2234 = arith.index_cast %select_n3A_2000 : i32 to index
      %swap3A_2235 = memref.load %arg12[%swap3A_2234] : memref<128xi32, #tpu.memory_space<smem>>
      memref.store %swap3A_2233, %arg12[%swap3A_2234] : memref<128xi32, #tpu.memory_space<smem>>
    } else {
    }
    %lt3A_2013 = arith.constant 200 : i32
    %lt3A_2014 = arith.cmpi slt, %squeeze3A_2002, %lt3A_2013 : i32
    %add3A_2015 = arith.constant 1 : i32
    %add3A_2016 = arith.addi %select_n3A_2000, %add3A_2015 : i32
    %select_n3A_2017 = arith.select %lt3A_2014, %add3A_2016, %select_n3A_2000 : i32
    %slice3A_2018 = vector.extract_strided_slice %scan3A_32#7 {offsets = [5], sizes = [1], strides = [1]} : vector<16xi32> to vector<1xi32>
    %squeeze3A_2019 = vector.extract %slice3A_2018[0] : i32 from vector<1xi32>
    %mul3A_2020 = arith.constant 64 : i32
    %mul3A_2021 = arith.muli %squeeze3A_2019, %mul3A_2020 : i32
    %swap3A_2022 = arith.constant 117 : i32
    %swap3A_2023 = arith.index_cast %swap3A_2022 : i32 to index
    %swap3A_2024 = memref.load %arg11[%swap3A_2023] : memref<128xi32, #tpu.memory_space<smem>>
    memref.store %mul3A_2021, %arg11[%swap3A_2023] : memref<128xi32, #tpu.memory_space<smem>>
    %lt3A_2025 = arith.constant 200 : i32
    %lt3A_2026 = arith.cmpi slt, %squeeze3A_2019, %lt3A_2025 : i32
    %convert_element_type3A_2027 = arith.extui %lt3A_2026 : i1 to i32
    %cond3A_2028 = arith.constant 0 : i32
    %cond3A_2029 = arith.cmpi ne, %convert_element_type3A_2027, %cond3A_2028 : i32
    scf.if %cond3A_2029 {
      %swap3A_2233 = arith.constant 117 : i32
      %swap3A_2234 = arith.index_cast %select_n3A_2017 : i32 to index
      %swap3A_2235 = memref.load %arg12[%swap3A_2234] : memref<128xi32, #tpu.memory_space<smem>>
      memref.store %swap3A_2233, %arg12[%swap3A_2234] : memref<128xi32, #tpu.memory_space<smem>>
    } else {
    }
    %lt3A_2030 = arith.constant 200 : i32
    %lt3A_2031 = arith.cmpi slt, %squeeze3A_2019, %lt3A_2030 : i32
    %add3A_2032 = arith.constant 1 : i32
    %add3A_2033 = arith.addi %select_n3A_2017, %add3A_2032 : i32
    %select_n3A_2034 = arith.select %lt3A_2031, %add3A_2033, %select_n3A_2017 : i32
    %slice3A_2035 = vector.extract_strided_slice %scan3A_32#7 {offsets = [6], sizes = [1], strides = [1]} : vector<16xi32> to vector<1xi32>
    %squeeze3A_2036 = vector.extract %slice3A_2035[0] : i32 from vector<1xi32>
    %mul3A_2037 = arith.constant 64 : i32
    %mul3A_2038 = arith.muli %squeeze3A_2036, %mul3A_2037 : i32
    %swap3A_2039 = arith.constant 118 : i32
    %swap3A_2040 = arith.index_cast %swap3A_2039 : i32 to index
    %swap3A_2041 = memref.load %arg11[%swap3A_2040] : memref<128xi32, #tpu.memory_space<smem>>
    memref.store %mul3A_2038, %arg11[%swap3A_2040] : memref<128xi32, #tpu.memory_space<smem>>
    %lt3A_2042 = arith.constant 200 : i32
    %lt3A_2043 = arith.cmpi slt, %squeeze3A_2036, %lt3A_2042 : i32
    %convert_element_type3A_2044 = arith.extui %lt3A_2043 : i1 to i32
    %cond3A_2045 = arith.constant 0 : i32
    %cond3A_2046 = arith.cmpi ne, %convert_element_type3A_2044, %cond3A_2045 : i32
    scf.if %cond3A_2046 {
      %swap3A_2233 = arith.constant 118 : i32
      %swap3A_2234 = arith.index_cast %select_n3A_2034 : i32 to index
      %swap3A_2235 = memref.load %arg12[%swap3A_2234] : memref<128xi32, #tpu.memory_space<smem>>
      memref.store %swap3A_2233, %arg12[%swap3A_2234] : memref<128xi32, #tpu.memory_space<smem>>
    } else {
    }
    %lt3A_2047 = arith.constant 200 : i32
    %lt3A_2048 = arith.cmpi slt, %squeeze3A_2036, %lt3A_2047 : i32
    %add3A_2049 = arith.constant 1 : i32
    %add3A_2050 = arith.addi %select_n3A_2034, %add3A_2049 : i32
    %select_n3A_2051 = arith.select %lt3A_2048, %add3A_2050, %select_n3A_2034 : i32
    %slice3A_2052 = vector.extract_strided_slice %scan3A_32#7 {offsets = [7], sizes = [1], strides = [1]} : vector<16xi32> to vector<1xi32>
    %squeeze3A_2053 = vector.extract %slice3A_2052[0] : i32 from vector<1xi32>
    %mul3A_2054 = arith.constant 64 : i32
    %mul3A_2055 = arith.muli %squeeze3A_2053, %mul3A_2054 : i32
    %swap3A_2056 = arith.constant 119 : i32
    %swap3A_2057 = arith.index_cast %swap3A_2056 : i32 to index
    %swap3A_2058 = memref.load %arg11[%swap3A_2057] : memref<128xi32, #tpu.memory_space<smem>>
    memref.store %mul3A_2055, %arg11[%swap3A_2057] : memref<128xi32, #tpu.memory_space<smem>>
    %lt3A_2059 = arith.constant 200 : i32
    %lt3A_2060 = arith.cmpi slt, %squeeze3A_2053, %lt3A_2059 : i32
    %convert_element_type3A_2061 = arith.extui %lt3A_2060 : i1 to i32
    %cond3A_2062 = arith.constant 0 : i32
    %cond3A_2063 = arith.cmpi ne, %convert_element_type3A_2061, %cond3A_2062 : i32
    scf.if %cond3A_2063 {
      %swap3A_2233 = arith.constant 119 : i32
      %swap3A_2234 = arith.index_cast %select_n3A_2051 : i32 to index
      %swap3A_2235 = memref.load %arg12[%swap3A_2234] : memref<128xi32, #tpu.memory_space<smem>>
      memref.store %swap3A_2233, %arg12[%swap3A_2234] : memref<128xi32, #tpu.memory_space<smem>>
    } else {
    }
    %lt3A_2064 = arith.constant 200 : i32
    %lt3A_2065 = arith.cmpi slt, %squeeze3A_2053, %lt3A_2064 : i32
    %add3A_2066 = arith.constant 1 : i32
    %add3A_2067 = arith.addi %select_n3A_2051, %add3A_2066 : i32
    %select_n3A_2068 = arith.select %lt3A_2065, %add3A_2067, %select_n3A_2051 : i32
    %slice3A_2069 = vector.extract_strided_slice %scan3A_32#7 {offsets = [8], sizes = [1], strides = [1]} : vector<16xi32> to vector<1xi32>
    %squeeze3A_2070 = vector.extract %slice3A_2069[0] : i32 from vector<1xi32>
    %mul3A_2071 = arith.constant 64 : i32
    %mul3A_2072 = arith.muli %squeeze3A_2070, %mul3A_2071 : i32
    %swap3A_2073 = arith.constant 120 : i32
    %swap3A_2074 = arith.index_cast %swap3A_2073 : i32 to index
    %swap3A_2075 = memref.load %arg11[%swap3A_2074] : memref<128xi32, #tpu.memory_space<smem>>
    memref.store %mul3A_2072, %arg11[%swap3A_2074] : memref<128xi32, #tpu.memory_space<smem>>
    %lt3A_2076 = arith.constant 200 : i32
    %lt3A_2077 = arith.cmpi slt, %squeeze3A_2070, %lt3A_2076 : i32
    %convert_element_type3A_2078 = arith.extui %lt3A_2077 : i1 to i32
    %cond3A_2079 = arith.constant 0 : i32
    %cond3A_2080 = arith.cmpi ne, %convert_element_type3A_2078, %cond3A_2079 : i32
    scf.if %cond3A_2080 {
      %swap3A_2233 = arith.constant 120 : i32
      %swap3A_2234 = arith.index_cast %select_n3A_2068 : i32 to index
      %swap3A_2235 = memref.load %arg12[%swap3A_2234] : memref<128xi32, #tpu.memory_space<smem>>
      memref.store %swap3A_2233, %arg12[%swap3A_2234] : memref<128xi32, #tpu.memory_space<smem>>
    } else {
    }
    %lt3A_2081 = arith.constant 200 : i32
    %lt3A_2082 = arith.cmpi slt, %squeeze3A_2070, %lt3A_2081 : i32
    %add3A_2083 = arith.constant 1 : i32
    %add3A_2084 = arith.addi %select_n3A_2068, %add3A_2083 : i32
    %select_n3A_2085 = arith.select %lt3A_2082, %add3A_2084, %select_n3A_2068 : i32
    %slice3A_2086 = vector.extract_strided_slice %scan3A_32#7 {offsets = [9], sizes = [1], strides = [1]} : vector<16xi32> to vector<1xi32>
    %squeeze3A_2087 = vector.extract %slice3A_2086[0] : i32 from vector<1xi32>
    %mul3A_2088 = arith.constant 64 : i32
    %mul3A_2089 = arith.muli %squeeze3A_2087, %mul3A_2088 : i32
    %swap3A_2090 = arith.constant 121 : i32
    %swap3A_2091 = arith.index_cast %swap3A_2090 : i32 to index
    %swap3A_2092 = memref.load %arg11[%swap3A_2091] : memref<128xi32, #tpu.memory_space<smem>>
    memref.store %mul3A_2089, %arg11[%swap3A_2091] : memref<128xi32, #tpu.memory_space<smem>>
    %lt3A_2093 = arith.constant 200 : i32
    %lt3A_2094 = arith.cmpi slt, %squeeze3A_2087, %lt3A_2093 : i32
    %convert_element_type3A_2095 = arith.extui %lt3A_2094 : i1 to i32
    %cond3A_2096 = arith.constant 0 : i32
    %cond3A_2097 = arith.cmpi ne, %convert_element_type3A_2095, %cond3A_2096 : i32
    scf.if %cond3A_2097 {
      %swap3A_2233 = arith.constant 121 : i32
      %swap3A_2234 = arith.index_cast %select_n3A_2085 : i32 to index
      %swap3A_2235 = memref.load %arg12[%swap3A_2234] : memref<128xi32, #tpu.memory_space<smem>>
      memref.store %swap3A_2233, %arg12[%swap3A_2234] : memref<128xi32, #tpu.memory_space<smem>>
    } else {
    }
    %lt3A_2098 = arith.constant 200 : i32
    %lt3A_2099 = arith.cmpi slt, %squeeze3A_2087, %lt3A_2098 : i32
    %add3A_2100 = arith.constant 1 : i32
    %add3A_2101 = arith.addi %select_n3A_2085, %add3A_2100 : i32
    %select_n3A_2102 = arith.select %lt3A_2099, %add3A_2101, %select_n3A_2085 : i32
    %slice3A_2103 = vector.extract_strided_slice %scan3A_32#7 {offsets = [10], sizes = [1], strides = [1]} : vector<16xi32> to vector<1xi32>
    %squeeze3A_2104 = vector.extract %slice3A_2103[0] : i32 from vector<1xi32>
    %mul3A_2105 = arith.constant 64 : i32
    %mul3A_2106 = arith.muli %squeeze3A_2104, %mul3A_2105 : i32
    %swap3A_2107 = arith.constant 122 : i32
    %swap3A_2108 = arith.index_cast %swap3A_2107 : i32 to index
    %swap3A_2109 = memref.load %arg11[%swap3A_2108] : memref<128xi32, #tpu.memory_space<smem>>
    memref.store %mul3A_2106, %arg11[%swap3A_2108] : memref<128xi32, #tpu.memory_space<smem>>
    %lt3A_2110 = arith.constant 200 : i32
    %lt3A_2111 = arith.cmpi slt, %squeeze3A_2104, %lt3A_2110 : i32
    %convert_element_type3A_2112 = arith.extui %lt3A_2111 : i1 to i32
    %cond3A_2113 = arith.constant 0 : i32
    %cond3A_2114 = arith.cmpi ne, %convert_element_type3A_2112, %cond3A_2113 : i32
    scf.if %cond3A_2114 {
      %swap3A_2233 = arith.constant 122 : i32
      %swap3A_2234 = arith.index_cast %select_n3A_2102 : i32 to index
      %swap3A_2235 = memref.load %arg12[%swap3A_2234] : memref<128xi32, #tpu.memory_space<smem>>
      memref.store %swap3A_2233, %arg12[%swap3A_2234] : memref<128xi32, #tpu.memory_space<smem>>
    } else {
    }
    %lt3A_2115 = arith.constant 200 : i32
    %lt3A_2116 = arith.cmpi slt, %squeeze3A_2104, %lt3A_2115 : i32
    %add3A_2117 = arith.constant 1 : i32
    %add3A_2118 = arith.addi %select_n3A_2102, %add3A_2117 : i32
    %select_n3A_2119 = arith.select %lt3A_2116, %add3A_2118, %select_n3A_2102 : i32
    %slice3A_2120 = vector.extract_strided_slice %scan3A_32#7 {offsets = [11], sizes = [1], strides = [1]} : vector<16xi32> to vector<1xi32>
    %squeeze3A_2121 = vector.extract %slice3A_2120[0] : i32 from vector<1xi32>
    %mul3A_2122 = arith.constant 64 : i32
    %mul3A_2123 = arith.muli %squeeze3A_2121, %mul3A_2122 : i32
    %swap3A_2124 = arith.constant 123 : i32
    %swap3A_2125 = arith.index_cast %swap3A_2124 : i32 to index
    %swap3A_2126 = memref.load %arg11[%swap3A_2125] : memref<128xi32, #tpu.memory_space<smem>>
    memref.store %mul3A_2123, %arg11[%swap3A_2125] : memref<128xi32, #tpu.memory_space<smem>>
    %lt3A_2127 = arith.constant 200 : i32
    %lt3A_2128 = arith.cmpi slt, %squeeze3A_2121, %lt3A_2127 : i32
    %convert_element_type3A_2129 = arith.extui %lt3A_2128 : i1 to i32
    %cond3A_2130 = arith.constant 0 : i32
    %cond3A_2131 = arith.cmpi ne, %convert_element_type3A_2129, %cond3A_2130 : i32
    scf.if %cond3A_2131 {
      %swap3A_2233 = arith.constant 123 : i32
      %swap3A_2234 = arith.index_cast %select_n3A_2119 : i32 to index
      %swap3A_2235 = memref.load %arg12[%swap3A_2234] : memref<128xi32, #tpu.memory_space<smem>>
      memref.store %swap3A_2233, %arg12[%swap3A_2234] : memref<128xi32, #tpu.memory_space<smem>>
    } else {
    }
    %lt3A_2132 = arith.constant 200 : i32
    %lt3A_2133 = arith.cmpi slt, %squeeze3A_2121, %lt3A_2132 : i32
    %add3A_2134 = arith.constant 1 : i32
    %add3A_2135 = arith.addi %select_n3A_2119, %add3A_2134 : i32
    %select_n3A_2136 = arith.select %lt3A_2133, %add3A_2135, %select_n3A_2119 : i32
    %slice3A_2137 = vector.extract_strided_slice %scan3A_32#7 {offsets = [12], sizes = [1], strides = [1]} : vector<16xi32> to vector<1xi32>
    %squeeze3A_2138 = vector.extract %slice3A_2137[0] : i32 from vector<1xi32>
    %mul3A_2139 = arith.constant 64 : i32
    %mul3A_2140 = arith.muli %squeeze3A_2138, %mul3A_2139 : i32
    %swap3A_2141 = arith.constant 124 : i32
    %swap3A_2142 = arith.index_cast %swap3A_2141 : i32 to index
    %swap3A_2143 = memref.load %arg11[%swap3A_2142] : memref<128xi32, #tpu.memory_space<smem>>
    memref.store %mul3A_2140, %arg11[%swap3A_2142] : memref<128xi32, #tpu.memory_space<smem>>
    %lt3A_2144 = arith.constant 200 : i32
    %lt3A_2145 = arith.cmpi slt, %squeeze3A_2138, %lt3A_2144 : i32
    %convert_element_type3A_2146 = arith.extui %lt3A_2145 : i1 to i32
    %cond3A_2147 = arith.constant 0 : i32
    %cond3A_2148 = arith.cmpi ne, %convert_element_type3A_2146, %cond3A_2147 : i32
    scf.if %cond3A_2148 {
      %swap3A_2233 = arith.constant 124 : i32
      %swap3A_2234 = arith.index_cast %select_n3A_2136 : i32 to index
      %swap3A_2235 = memref.load %arg12[%swap3A_2234] : memref<128xi32, #tpu.memory_space<smem>>
      memref.store %swap3A_2233, %arg12[%swap3A_2234] : memref<128xi32, #tpu.memory_space<smem>>
    } else {
    }
    %lt3A_2149 = arith.constant 200 : i32
    %lt3A_2150 = arith.cmpi slt, %squeeze3A_2138, %lt3A_2149 : i32
    %add3A_2151 = arith.constant 1 : i32
    %add3A_2152 = arith.addi %select_n3A_2136, %add3A_2151 : i32
    %select_n3A_2153 = arith.select %lt3A_2150, %add3A_2152, %select_n3A_2136 : i32
    %slice3A_2154 = vector.extract_strided_slice %scan3A_32#7 {offsets = [13], sizes = [1], strides = [1]} : vector<16xi32> to vector<1xi32>
    %squeeze3A_2155 = vector.extract %slice3A_2154[0] : i32 from vector<1xi32>
    %mul3A_2156 = arith.constant 64 : i32
    %mul3A_2157 = arith.muli %squeeze3A_2155, %mul3A_2156 : i32
    %swap3A_2158 = arith.constant 125 : i32
    %swap3A_2159 = arith.index_cast %swap3A_2158 : i32 to index
    %swap3A_2160 = memref.load %arg11[%swap3A_2159] : memref<128xi32, #tpu.memory_space<smem>>
    memref.store %mul3A_2157, %arg11[%swap3A_2159] : memref<128xi32, #tpu.memory_space<smem>>
    %lt3A_2161 = arith.constant 200 : i32
    %lt3A_2162 = arith.cmpi slt, %squeeze3A_2155, %lt3A_2161 : i32
    %convert_element_type3A_2163 = arith.extui %lt3A_2162 : i1 to i32
    %cond3A_2164 = arith.constant 0 : i32
    %cond3A_2165 = arith.cmpi ne, %convert_element_type3A_2163, %cond3A_2164 : i32
    scf.if %cond3A_2165 {
      %swap3A_2233 = arith.constant 125 : i32
      %swap3A_2234 = arith.index_cast %select_n3A_2153 : i32 to index
      %swap3A_2235 = memref.load %arg12[%swap3A_2234] : memref<128xi32, #tpu.memory_space<smem>>
      memref.store %swap3A_2233, %arg12[%swap3A_2234] : memref<128xi32, #tpu.memory_space<smem>>
    } else {
    }
    %lt3A_2166 = arith.constant 200 : i32
    %lt3A_2167 = arith.cmpi slt, %squeeze3A_2155, %lt3A_2166 : i32
    %add3A_2168 = arith.constant 1 : i32
    %add3A_2169 = arith.addi %select_n3A_2153, %add3A_2168 : i32
    %select_n3A_2170 = arith.select %lt3A_2167, %add3A_2169, %select_n3A_2153 : i32
    %slice3A_2171 = vector.extract_strided_slice %scan3A_32#7 {offsets = [14], sizes = [1], strides = [1]} : vector<16xi32> to vector<1xi32>
    %squeeze3A_2172 = vector.extract %slice3A_2171[0] : i32 from vector<1xi32>
    %mul3A_2173 = arith.constant 64 : i32
    %mul3A_2174 = arith.muli %squeeze3A_2172, %mul3A_2173 : i32
    %swap3A_2175 = arith.constant 126 : i32
    %swap3A_2176 = arith.index_cast %swap3A_2175 : i32 to index
    %swap3A_2177 = memref.load %arg11[%swap3A_2176] : memref<128xi32, #tpu.memory_space<smem>>
    memref.store %mul3A_2174, %arg11[%swap3A_2176] : memref<128xi32, #tpu.memory_space<smem>>
    %lt3A_2178 = arith.constant 200 : i32
    %lt3A_2179 = arith.cmpi slt, %squeeze3A_2172, %lt3A_2178 : i32
    %convert_element_type3A_2180 = arith.extui %lt3A_2179 : i1 to i32
    %cond3A_2181 = arith.constant 0 : i32
    %cond3A_2182 = arith.cmpi ne, %convert_element_type3A_2180, %cond3A_2181 : i32
    scf.if %cond3A_2182 {
      %swap3A_2233 = arith.constant 126 : i32
      %swap3A_2234 = arith.index_cast %select_n3A_2170 : i32 to index
      %swap3A_2235 = memref.load %arg12[%swap3A_2234] : memref<128xi32, #tpu.memory_space<smem>>
      memref.store %swap3A_2233, %arg12[%swap3A_2234] : memref<128xi32, #tpu.memory_space<smem>>
    } else {
    }
    %lt3A_2183 = arith.constant 200 : i32
    %lt3A_2184 = arith.cmpi slt, %squeeze3A_2172, %lt3A_2183 : i32
    %add3A_2185 = arith.constant 1 : i32
    %add3A_2186 = arith.addi %select_n3A_2170, %add3A_2185 : i32
    %select_n3A_2187 = arith.select %lt3A_2184, %add3A_2186, %select_n3A_2170 : i32
    %slice3A_2188 = vector.extract_strided_slice %scan3A_32#7 {offsets = [15], sizes = [1], strides = [1]} : vector<16xi32> to vector<1xi32>
    %squeeze3A_2189 = vector.extract %slice3A_2188[0] : i32 from vector<1xi32>
    %mul3A_2190 = arith.constant 64 : i32
    %mul3A_2191 = arith.muli %squeeze3A_2189, %mul3A_2190 : i32
    %swap3A_2192 = arith.constant 127 : i32
    %swap3A_2193 = arith.index_cast %swap3A_2192 : i32 to index
    %swap3A_2194 = memref.load %arg11[%swap3A_2193] : memref<128xi32, #tpu.memory_space<smem>>
    memref.store %mul3A_2191, %arg11[%swap3A_2193] : memref<128xi32, #tpu.memory_space<smem>>
    %lt3A_2195 = arith.constant 200 : i32
    %lt3A_2196 = arith.cmpi slt, %squeeze3A_2189, %lt3A_2195 : i32
    %convert_element_type3A_2197 = arith.extui %lt3A_2196 : i1 to i32
    %cond3A_2198 = arith.constant 0 : i32
    %cond3A_2199 = arith.cmpi ne, %convert_element_type3A_2197, %cond3A_2198 : i32
    scf.if %cond3A_2199 {
      %swap3A_2233 = arith.constant 127 : i32
      %swap3A_2234 = arith.index_cast %select_n3A_2187 : i32 to index
      %swap3A_2235 = memref.load %arg12[%swap3A_2234] : memref<128xi32, #tpu.memory_space<smem>>
      memref.store %swap3A_2233, %arg12[%swap3A_2234] : memref<128xi32, #tpu.memory_space<smem>>
    } else {
    }
    %lt3A_2200 = arith.constant 200 : i32
    %lt3A_2201 = arith.cmpi slt, %squeeze3A_2189, %lt3A_2200 : i32
    %add3A_2202 = arith.constant 1 : i32
    %add3A_2203 = arith.addi %select_n3A_2187, %add3A_2202 : i32
    %select_n3A_2204 = arith.select %lt3A_2201, %add3A_2203, %select_n3A_2187 : i32
    %broadcast_in_dim3A_2205 = arith.constant 0.000000e+00 : f32
    %broadcast_in_dim3A_2206 = vector.broadcast %broadcast_in_dim3A_2205 : f32 to vector<16xf32>
    %iota3A = tpu.iota {dimensions = array<i32: 0>} : vector<16xi32>
    %scan3A_2207 = arith.constant 0 : i32
    %scan3A_2208 = arith.constant 0 : i32
    %scan3A_2209 = arith.constant 16 : i32
    %scan3A_2210 = arith.addi %scan3A_2208, %scan3A_2209 : i32
    %scan3A_2211 = arith.constant 1 : i32
    %scan3A_2212 = scf.for %scan3A_2233 = %scan3A_2208 to %scan3A_2210 step %scan3A_2211 iter_args(%scan3A_2234 = %scan3A_2207) -> (i32)  : i32 {
      %mul3A_2235 = arith.constant 5 : i32
      %mul3A_2236 = arith.muli %scan3A_2233, %mul3A_2235 : i32
      %add3A_2237 = arith.constant 0 : i32
      %add3A_2238 = arith.addi %mul3A_2236, %add3A_2237 : i32
      %add3A_2239 = arith.constant 3 : i32
      %add3A_2240 = arith.addi %add3A_2238, %add3A_2239 : i32
      %lt3A_2241 = arith.constant 80 : i32
      %lt3A_2242 = arith.cmpi slt, %add3A_2240, %lt3A_2241 : i32
      %convert_element_type3A_2243 = arith.extui %lt3A_2242 : i1 to i32
      %cond3A_2244 = arith.constant 0 : i32
      %cond3A_2245 = arith.cmpi ne, %convert_element_type3A_2243, %cond3A_2244 : i32
      scf.if %cond3A_2245 {
        %add3A_2400 = arith.constant 3 : i32
        %add3A_2401 = arith.addi %add3A_2238, %add3A_2400 : i32
        %ge3A = arith.constant 5 : i32
        %ge3A_2402 = arith.cmpi sge, %add3A_2401, %ge3A : i32
        %convert_element_type3A_2403 = arith.extui %ge3A_2402 : i1 to i32
        %cond3A_2404 = arith.constant 0 : i32
        %cond3A_2405 = arith.cmpi ne, %convert_element_type3A_2403, %cond3A_2404 : i32
        scf.if %cond3A_2405 {
          %add3A_2412 = arith.constant 3 : i32
          %add3A_2413 = arith.addi %add3A_2238, %add3A_2412 : i32
          %sub3A = arith.constant 5 : i32
          %sub3A_2414 = arith.subi %add3A_2413, %sub3A : i32
          %mul3A_2415 = arith.constant 160 : i32
          %mul3A_2416 = arith.muli %sub3A_2414, %mul3A_2415 : i32
          %dma_wait3A_2417 = tpu.memref_slice %arg4[%mul3A_2416, %mul3A_2] : memref<12800x4096xf32, #tpu.memory_space<hbm>> -> memref<160x128xf32, #tpu.memory_space<hbm>>
          %dma_wait3A_2418 = tpu.memref_slice %arg4[%mul3A_2416, %mul3A_2] : memref<12800x4096xf32, #tpu.memory_space<hbm>> -> memref<160x128xf32, #tpu.memory_space<hbm>>
          tpu.wait_dma2 semaphore(%arg21 : memref<!tpu.dma_semaphore, #tpu.memory_space<semaphore_mem>>) src(%arg9 : memref<160x128xf32, #tpu.memory_space<vmem>>) dst(%dma_wait3A_2418 : memref<160x128xf32, #tpu.memory_space<hbm>>)
        } else {
        }
        %add3A_2406 = arith.constant 3 : i32
        %add3A_2407 = arith.addi %add3A_2238, %add3A_2406 : i32
        %mul3A_2408 = arith.constant 160 : i32
        %mul3A_2409 = arith.muli %add3A_2407, %mul3A_2408 : i32
        %dma_start3A_2410 = tpu.memref_slice %arg3[%mul3A_2409, %mul3A_2] : memref<12800x4096xf32, #tpu.memory_space<hbm>> -> memref<160x128xf32, #tpu.memory_space<hbm>>
        %dma_start3A_2411 = tpu.memref_slice %arg3[%mul3A_2409, %mul3A_2] : memref<12800x4096xf32, #tpu.memory_space<hbm>> -> memref<160x128xf32, #tpu.memory_space<hbm>>
        tpu.enqueue_dma source(%dma_start3A_2411 : memref<160x128xf32, #tpu.memory_space<hbm>>) target(%arg9 : memref<160x128xf32, #tpu.memory_space<vmem>>) target_semaphore(%arg16 : memref<!tpu.dma_semaphore, #tpu.memory_space<semaphore_mem>>)
      } else {
      }
      %mul3A_2246 = arith.constant 160 : i32
      %mul3A_2247 = arith.muli %add3A_2238, %mul3A_2246 : i32
      %dma_wait3A_2248 = tpu.memref_slice %arg3[%mul3A_2247, %mul3A_2] : memref<12800x4096xf32, #tpu.memory_space<hbm>> -> memref<160x128xf32, #tpu.memory_space<hbm>>
      %dma_wait3A_2249 = tpu.memref_slice %arg3[%mul3A_2247, %mul3A_2] : memref<12800x4096xf32, #tpu.memory_space<hbm>> -> memref<160x128xf32, #tpu.memory_space<hbm>>
      tpu.wait_dma2 semaphore(%arg13 : memref<!tpu.dma_semaphore, #tpu.memory_space<semaphore_mem>>) src(%dma_wait3A_2249 : memref<160x128xf32, #tpu.memory_space<hbm>>) dst(%arg6 : memref<160x128xf32, #tpu.memory_space<vmem>>)
      %mul3A_2250 = arith.constant 160 : i32
      %mul3A_2251 = arith.muli %add3A_2238, %mul3A_2250 : i32
      %while3A = arith.constant 0 : i32
      %while3A_2252 = arith.constant 0 : i32
      %while3A_2253 = arith.subi %select_n3A_2204, %while3A : i32
      %while3A_2254 = arith.addi %while3A, %while3A_2253 : i32
      %while3A_2255 = arith.constant 1 : i32
      %while3A_2256 = arith.divsi %while3A_2253, %while3A_2255 : i32
      %while3A_2257 = arith.muli %while3A_2256, %while3A_2255 : i32
      %while3A_2258 = arith.addi %while3A, %while3A_2257 : i32
      %while3A_2259 = arith.constant 1 : i32
      %while3A_2260 = scf.for %while3A_2400 = %while3A to %while3A_2258 step %while3A_2259 iter_args(%while3A_2401 = %while3A_2252) -> (i32)  : i32 {
        %get3A = arith.index_cast %while3A_2400 : i32 to index
        %get3A_2402 = memref.load %arg12[%get3A] : memref<128xi32, #tpu.memory_space<smem>>
        %get3A_2403 = arith.index_cast %get3A_2402 : i32 to index
        %get3A_2404 = memref.load %arg11[%get3A_2403] : memref<128xi32, #tpu.memory_space<smem>>
        %sub3A = arith.subi %get3A_2404, %mul3A_2251 : i32
        %max3A = arith.constant 0 : i32
        %max3A_2405 = arith.maxsi %sub3A, %max3A : i32
        %lt3A_2406 = arith.constant 160 : i32
        %lt3A_2407 = arith.cmpi slt, %max3A_2405, %lt3A_2406 : i32
        %convert_element_type3A_2408 = arith.extui %lt3A_2407 : i1 to i32
        %cond3A_2409 = arith.constant 0 : i32
        %cond3A_2410 = arith.cmpi ne, %convert_element_type3A_2408, %cond3A_2409 : i32
        scf.if %cond3A_2410 {
          %broadcast_in_dim3A_2412 = arith.constant 0 : i32
          %broadcast_in_dim3A_2413 = vector.broadcast %broadcast_in_dim3A_2412 : i32 to vector<16xi32>
          %add3A_2414 = vector.broadcast %get3A_2402 : i32 to vector<16xi32>
          %add3A_2415 = arith.addi %broadcast_in_dim3A_2413, %add3A_2414 : vector<16xi32>
          %sub3A_2416 = arith.constant 160 : i32
          %sub3A_2417 = arith.subi %sub3A_2416, %max3A_2405 : i32
          %add3A_2418 = arith.constant 15 : i32
          %add3A_2419 = arith.addi %sub3A_2417, %add3A_2418 : i32
          %shift_right_arithmetic3A = arith.constant 4 : i32
          %shift_right_arithmetic3A_2420 = arith.shrsi %add3A_2419, %shift_right_arithmetic3A : i32
          %while3A_2421 = arith.constant 0 : i32
          %while3A_2422 = arith.constant 0 : i32
          %while3A_2423 = arith.subi %shift_right_arithmetic3A_2420, %while3A_2421 : i32
          %while3A_2424 = arith.addi %while3A_2421, %while3A_2423 : i32
          %while3A_2425 = arith.constant 1 : i32
          %while3A_2426 = arith.divsi %while3A_2423, %while3A_2425 : i32
          %while3A_2427 = arith.muli %while3A_2426, %while3A_2425 : i32
          %while3A_2428 = arith.addi %while3A_2421, %while3A_2427 : i32
          %while3A_2429 = arith.constant 1 : i32
          %while3A_2430 = scf.for %while3A_2433 = %while3A_2421 to %while3A_2428 step %while3A_2429 iter_args(%while3A_2434 = %while3A_2422) -> (i32)  : i32 {
            %mul3A_2435 = arith.constant 16 : i32
            %mul3A_2436 = arith.muli %while3A_2433, %mul3A_2435 : i32
            %add3A_2437 = arith.addi %max3A_2405, %mul3A_2436 : i32
            %add3A_2438 = vector.broadcast %add3A_2437 : i32 to vector<16xi32>
            %add3A_2439 = arith.addi %add3A_2438, %iota3A : vector<16xi32>
            %lt3A_2440 = arith.constant 160 : i32
            %lt3A_2441 = vector.broadcast %lt3A_2440 : i32 to vector<16xi32>
            %lt3A_2442 = arith.cmpi slt, %add3A_2439, %lt3A_2441 : vector<16xi32>
            tpu.vector_store_idx %arg6[%add3A_2439, %add3A_2415], %broadcast_in_dim3A_2206 masked %lt3A_2442 : memref<160x128xf32, #tpu.memory_space<vmem>>[vector<16xi32>, vector<16xi32>], vector<16xf32>, vector<16xi1>
            %while3A_2443 = arith.constant 0 : i32
            scf.yield %while3A_2443 : i32
          }
          %while3A_2431 = arith.constant 1 : i32
          %while3A_2432 = scf.for %while3A_2433 = %while3A_2428 to %while3A_2424 step %while3A_2431 iter_args(%while3A_2434 = %while3A_2430) -> (i32)  : i32 {
            %mul3A_2435 = arith.constant 16 : i32
            %mul3A_2436 = arith.muli %while3A_2433, %mul3A_2435 : i32
            %add3A_2437 = arith.addi %max3A_2405, %mul3A_2436 : i32
            %add3A_2438 = vector.broadcast %add3A_2437 : i32 to vector<16xi32>
            %add3A_2439 = arith.addi %add3A_2438, %iota3A : vector<16xi32>
            %lt3A_2440 = arith.constant 160 : i32
            %lt3A_2441 = vector.broadcast %lt3A_2440 : i32 to vector<16xi32>
            %lt3A_2442 = arith.cmpi slt, %add3A_2439, %lt3A_2441 : vector<16xi32>
            tpu.vector_store_idx %arg6[%add3A_2439, %add3A_2415], %broadcast_in_dim3A_2206 masked %lt3A_2442 : memref<160x128xf32, #tpu.memory_space<vmem>>[vector<16xi32>, vector<16xi32>], vector<16xf32>, vector<16xi1>
            %while3A_2443 = arith.constant 0 : i32
            scf.yield %while3A_2443 : i32
          }
        } else {
        }
        %while3A_2411 = arith.constant 0 : i32
        scf.yield %while3A_2411 : i32
      }
      %while3A_2261 = arith.constant 1 : i32
      %while3A_2262 = scf.for %while3A_2400 = %while3A_2258 to %while3A_2254 step %while3A_2261 iter_args(%while3A_2401 = %while3A_2260) -> (i32)  : i32 {
        %get3A = arith.index_cast %while3A_2400 : i32 to index
        %get3A_2402 = memref.load %arg12[%get3A] : memref<128xi32, #tpu.memory_space<smem>>
        %get3A_2403 = arith.index_cast %get3A_2402 : i32 to index
        %get3A_2404 = memref.load %arg11[%get3A_2403] : memref<128xi32, #tpu.memory_space<smem>>
        %sub3A = arith.subi %get3A_2404, %mul3A_2251 : i32
        %max3A = arith.constant 0 : i32
        %max3A_2405 = arith.maxsi %sub3A, %max3A : i32
        %lt3A_2406 = arith.constant 160 : i32
        %lt3A_2407 = arith.cmpi slt, %max3A_2405, %lt3A_2406 : i32
        %convert_element_type3A_2408 = arith.extui %lt3A_2407 : i1 to i32
        %cond3A_2409 = arith.constant 0 : i32
        %cond3A_2410 = arith.cmpi ne, %convert_element_type3A_2408, %cond3A_2409 : i32
        scf.if %cond3A_2410 {
          %broadcast_in_dim3A_2412 = arith.constant 0 : i32
          %broadcast_in_dim3A_2413 = vector.broadcast %broadcast_in_dim3A_2412 : i32 to vector<16xi32>
          %add3A_2414 = vector.broadcast %get3A_2402 : i32 to vector<16xi32>
          %add3A_2415 = arith.addi %broadcast_in_dim3A_2413, %add3A_2414 : vector<16xi32>
          %sub3A_2416 = arith.constant 160 : i32
          %sub3A_2417 = arith.subi %sub3A_2416, %max3A_2405 : i32
          %add3A_2418 = arith.constant 15 : i32
          %add3A_2419 = arith.addi %sub3A_2417, %add3A_2418 : i32
          %shift_right_arithmetic3A = arith.constant 4 : i32
          %shift_right_arithmetic3A_2420 = arith.shrsi %add3A_2419, %shift_right_arithmetic3A : i32
          %while3A_2421 = arith.constant 0 : i32
          %while3A_2422 = arith.constant 0 : i32
          %while3A_2423 = arith.subi %shift_right_arithmetic3A_2420, %while3A_2421 : i32
          %while3A_2424 = arith.addi %while3A_2421, %while3A_2423 : i32
          %while3A_2425 = arith.constant 1 : i32
          %while3A_2426 = arith.divsi %while3A_2423, %while3A_2425 : i32
          %while3A_2427 = arith.muli %while3A_2426, %while3A_2425 : i32
          %while3A_2428 = arith.addi %while3A_2421, %while3A_2427 : i32
          %while3A_2429 = arith.constant 1 : i32
          %while3A_2430 = scf.for %while3A_2433 = %while3A_2421 to %while3A_2428 step %while3A_2429 iter_args(%while3A_2434 = %while3A_2422) -> (i32)  : i32 {
            %mul3A_2435 = arith.constant 16 : i32
            %mul3A_2436 = arith.muli %while3A_2433, %mul3A_2435 : i32
            %add3A_2437 = arith.addi %max3A_2405, %mul3A_2436 : i32
            %add3A_2438 = vector.broadcast %add3A_2437 : i32 to vector<16xi32>
            %add3A_2439 = arith.addi %add3A_2438, %iota3A : vector<16xi32>
            %lt3A_2440 = arith.constant 160 : i32
            %lt3A_2441 = vector.broadcast %lt3A_2440 : i32 to vector<16xi32>
            %lt3A_2442 = arith.cmpi slt, %add3A_2439, %lt3A_2441 : vector<16xi32>
            tpu.vector_store_idx %arg6[%add3A_2439, %add3A_2415], %broadcast_in_dim3A_2206 masked %lt3A_2442 : memref<160x128xf32, #tpu.memory_space<vmem>>[vector<16xi32>, vector<16xi32>], vector<16xf32>, vector<16xi1>
            %while3A_2443 = arith.constant 0 : i32
            scf.yield %while3A_2443 : i32
          }
          %while3A_2431 = arith.constant 1 : i32
          %while3A_2432 = scf.for %while3A_2433 = %while3A_2428 to %while3A_2424 step %while3A_2431 iter_args(%while3A_2434 = %while3A_2430) -> (i32)  : i32 {
            %mul3A_2435 = arith.constant 16 : i32
            %mul3A_2436 = arith.muli %while3A_2433, %mul3A_2435 : i32
            %add3A_2437 = arith.addi %max3A_2405, %mul3A_2436 : i32
            %add3A_2438 = vector.broadcast %add3A_2437 : i32 to vector<16xi32>
            %add3A_2439 = arith.addi %add3A_2438, %iota3A : vector<16xi32>
            %lt3A_2440 = arith.constant 160 : i32
            %lt3A_2441 = vector.broadcast %lt3A_2440 : i32 to vector<16xi32>
            %lt3A_2442 = arith.cmpi slt, %add3A_2439, %lt3A_2441 : vector<16xi32>
            tpu.vector_store_idx %arg6[%add3A_2439, %add3A_2415], %broadcast_in_dim3A_2206 masked %lt3A_2442 : memref<160x128xf32, #tpu.memory_space<vmem>>[vector<16xi32>, vector<16xi32>], vector<16xf32>, vector<16xi1>
            %while3A_2443 = arith.constant 0 : i32
            scf.yield %while3A_2443 : i32
          }
        } else {
        }
        %while3A_2411 = arith.constant 0 : i32
        scf.yield %while3A_2411 : i32
      }
      %mul3A_2263 = arith.constant 160 : i32
      %mul3A_2264 = arith.muli %add3A_2238, %mul3A_2263 : i32
      %dma_start3A_2265 = tpu.memref_slice %arg4[%mul3A_2264, %mul3A_2] : memref<12800x4096xf32, #tpu.memory_space<hbm>> -> memref<160x128xf32, #tpu.memory_space<hbm>>
      %dma_start3A_2266 = tpu.memref_slice %arg4[%mul3A_2264, %mul3A_2] : memref<12800x4096xf32, #tpu.memory_space<hbm>> -> memref<160x128xf32, #tpu.memory_space<hbm>>
      tpu.enqueue_dma source(%arg6 : memref<160x128xf32, #tpu.memory_space<vmem>>) target(%dma_start3A_2266 : memref<160x128xf32, #tpu.memory_space<hbm>>) target_semaphore(%arg18 : memref<!tpu.dma_semaphore, #tpu.memory_space<semaphore_mem>>)
      %mul3A_2267 = arith.constant 5 : i32
      %mul3A_2268 = arith.muli %scan3A_2233, %mul3A_2267 : i32
      %add3A_2269 = arith.constant 1 : i32
      %add3A_2270 = arith.addi %mul3A_2268, %add3A_2269 : i32
      %add3A_2271 = arith.constant 3 : i32
      %add3A_2272 = arith.addi %add3A_2270, %add3A_2271 : i32
      %lt3A_2273 = arith.constant 80 : i32
      %lt3A_2274 = arith.cmpi slt, %add3A_2272, %lt3A_2273 : i32
      %convert_element_type3A_2275 = arith.extui %lt3A_2274 : i1 to i32
      %cond3A_2276 = arith.constant 0 : i32
      %cond3A_2277 = arith.cmpi ne, %convert_element_type3A_2275, %cond3A_2276 : i32
      scf.if %cond3A_2277 {
        %add3A_2400 = arith.constant 3 : i32
        %add3A_2401 = arith.addi %add3A_2270, %add3A_2400 : i32
        %ge3A = arith.constant 5 : i32
        %ge3A_2402 = arith.cmpi sge, %add3A_2401, %ge3A : i32
        %convert_element_type3A_2403 = arith.extui %ge3A_2402 : i1 to i32
        %cond3A_2404 = arith.constant 0 : i32
        %cond3A_2405 = arith.cmpi ne, %convert_element_type3A_2403, %cond3A_2404 : i32
        scf.if %cond3A_2405 {
          %add3A_2412 = arith.constant 3 : i32
          %add3A_2413 = arith.addi %add3A_2270, %add3A_2412 : i32
          %sub3A = arith.constant 5 : i32
          %sub3A_2414 = arith.subi %add3A_2413, %sub3A : i32
          %mul3A_2415 = arith.constant 160 : i32
          %mul3A_2416 = arith.muli %sub3A_2414, %mul3A_2415 : i32
          %dma_wait3A_2417 = tpu.memref_slice %arg4[%mul3A_2416, %mul3A_2] : memref<12800x4096xf32, #tpu.memory_space<hbm>> -> memref<160x128xf32, #tpu.memory_space<hbm>>
          %dma_wait3A_2418 = tpu.memref_slice %arg4[%mul3A_2416, %mul3A_2] : memref<12800x4096xf32, #tpu.memory_space<hbm>> -> memref<160x128xf32, #tpu.memory_space<hbm>>
          tpu.wait_dma2 semaphore(%arg22 : memref<!tpu.dma_semaphore, #tpu.memory_space<semaphore_mem>>) src(%arg10 : memref<160x128xf32, #tpu.memory_space<vmem>>) dst(%dma_wait3A_2418 : memref<160x128xf32, #tpu.memory_space<hbm>>)
        } else {
        }
        %add3A_2406 = arith.constant 3 : i32
        %add3A_2407 = arith.addi %add3A_2270, %add3A_2406 : i32
        %mul3A_2408 = arith.constant 160 : i32
        %mul3A_2409 = arith.muli %add3A_2407, %mul3A_2408 : i32
        %dma_start3A_2410 = tpu.memref_slice %arg3[%mul3A_2409, %mul3A_2] : memref<12800x4096xf32, #tpu.memory_space<hbm>> -> memref<160x128xf32, #tpu.memory_space<hbm>>
        %dma_start3A_2411 = tpu.memref_slice %arg3[%mul3A_2409, %mul3A_2] : memref<12800x4096xf32, #tpu.memory_space<hbm>> -> memref<160x128xf32, #tpu.memory_space<hbm>>
        tpu.enqueue_dma source(%dma_start3A_2411 : memref<160x128xf32, #tpu.memory_space<hbm>>) target(%arg10 : memref<160x128xf32, #tpu.memory_space<vmem>>) target_semaphore(%arg17 : memref<!tpu.dma_semaphore, #tpu.memory_space<semaphore_mem>>)
      } else {
      }
      %mul3A_2278 = arith.constant 160 : i32
      %mul3A_2279 = arith.muli %add3A_2270, %mul3A_2278 : i32
      %dma_wait3A_2280 = tpu.memref_slice %arg3[%mul3A_2279, %mul3A_2] : memref<12800x4096xf32, #tpu.memory_space<hbm>> -> memref<160x128xf32, #tpu.memory_space<hbm>>
      %dma_wait3A_2281 = tpu.memref_slice %arg3[%mul3A_2279, %mul3A_2] : memref<12800x4096xf32, #tpu.memory_space<hbm>> -> memref<160x128xf32, #tpu.memory_space<hbm>>
      tpu.wait_dma2 semaphore(%arg14 : memref<!tpu.dma_semaphore, #tpu.memory_space<semaphore_mem>>) src(%dma_wait3A_2281 : memref<160x128xf32, #tpu.memory_space<hbm>>) dst(%arg7 : memref<160x128xf32, #tpu.memory_space<vmem>>)
      %mul3A_2282 = arith.constant 160 : i32
      %mul3A_2283 = arith.muli %add3A_2270, %mul3A_2282 : i32
      %while3A_2284 = arith.constant 0 : i32
      %while3A_2285 = arith.constant 0 : i32
      %while3A_2286 = arith.subi %select_n3A_2204, %while3A_2284 : i32
      %while3A_2287 = arith.addi %while3A_2284, %while3A_2286 : i32
      %while3A_2288 = arith.constant 1 : i32
      %while3A_2289 = arith.divsi %while3A_2286, %while3A_2288 : i32
      %while3A_2290 = arith.muli %while3A_2289, %while3A_2288 : i32
      %while3A_2291 = arith.addi %while3A_2284, %while3A_2290 : i32
      %while3A_2292 = arith.constant 1 : i32
      %while3A_2293 = scf.for %while3A_2400 = %while3A_2284 to %while3A_2291 step %while3A_2292 iter_args(%while3A_2401 = %while3A_2285) -> (i32)  : i32 {
        %get3A = arith.index_cast %while3A_2400 : i32 to index
        %get3A_2402 = memref.load %arg12[%get3A] : memref<128xi32, #tpu.memory_space<smem>>
        %get3A_2403 = arith.index_cast %get3A_2402 : i32 to index
        %get3A_2404 = memref.load %arg11[%get3A_2403] : memref<128xi32, #tpu.memory_space<smem>>
        %sub3A = arith.subi %get3A_2404, %mul3A_2283 : i32
        %max3A = arith.constant 0 : i32
        %max3A_2405 = arith.maxsi %sub3A, %max3A : i32
        %lt3A_2406 = arith.constant 160 : i32
        %lt3A_2407 = arith.cmpi slt, %max3A_2405, %lt3A_2406 : i32
        %convert_element_type3A_2408 = arith.extui %lt3A_2407 : i1 to i32
        %cond3A_2409 = arith.constant 0 : i32
        %cond3A_2410 = arith.cmpi ne, %convert_element_type3A_2408, %cond3A_2409 : i32
        scf.if %cond3A_2410 {
          %broadcast_in_dim3A_2412 = arith.constant 0 : i32
          %broadcast_in_dim3A_2413 = vector.broadcast %broadcast_in_dim3A_2412 : i32 to vector<16xi32>
          %add3A_2414 = vector.broadcast %get3A_2402 : i32 to vector<16xi32>
          %add3A_2415 = arith.addi %broadcast_in_dim3A_2413, %add3A_2414 : vector<16xi32>
          %sub3A_2416 = arith.constant 160 : i32
          %sub3A_2417 = arith.subi %sub3A_2416, %max3A_2405 : i32
          %add3A_2418 = arith.constant 15 : i32
          %add3A_2419 = arith.addi %sub3A_2417, %add3A_2418 : i32
          %shift_right_arithmetic3A = arith.constant 4 : i32
          %shift_right_arithmetic3A_2420 = arith.shrsi %add3A_2419, %shift_right_arithmetic3A : i32
          %while3A_2421 = arith.constant 0 : i32
          %while3A_2422 = arith.constant 0 : i32
          %while3A_2423 = arith.subi %shift_right_arithmetic3A_2420, %while3A_2421 : i32
          %while3A_2424 = arith.addi %while3A_2421, %while3A_2423 : i32
          %while3A_2425 = arith.constant 1 : i32
          %while3A_2426 = arith.divsi %while3A_2423, %while3A_2425 : i32
          %while3A_2427 = arith.muli %while3A_2426, %while3A_2425 : i32
          %while3A_2428 = arith.addi %while3A_2421, %while3A_2427 : i32
          %while3A_2429 = arith.constant 1 : i32
          %while3A_2430 = scf.for %while3A_2433 = %while3A_2421 to %while3A_2428 step %while3A_2429 iter_args(%while3A_2434 = %while3A_2422) -> (i32)  : i32 {
            %mul3A_2435 = arith.constant 16 : i32
            %mul3A_2436 = arith.muli %while3A_2433, %mul3A_2435 : i32
            %add3A_2437 = arith.addi %max3A_2405, %mul3A_2436 : i32
            %add3A_2438 = vector.broadcast %add3A_2437 : i32 to vector<16xi32>
            %add3A_2439 = arith.addi %add3A_2438, %iota3A : vector<16xi32>
            %lt3A_2440 = arith.constant 160 : i32
            %lt3A_2441 = vector.broadcast %lt3A_2440 : i32 to vector<16xi32>
            %lt3A_2442 = arith.cmpi slt, %add3A_2439, %lt3A_2441 : vector<16xi32>
            tpu.vector_store_idx %arg7[%add3A_2439, %add3A_2415], %broadcast_in_dim3A_2206 masked %lt3A_2442 : memref<160x128xf32, #tpu.memory_space<vmem>>[vector<16xi32>, vector<16xi32>], vector<16xf32>, vector<16xi1>
            %while3A_2443 = arith.constant 0 : i32
            scf.yield %while3A_2443 : i32
          }
          %while3A_2431 = arith.constant 1 : i32
          %while3A_2432 = scf.for %while3A_2433 = %while3A_2428 to %while3A_2424 step %while3A_2431 iter_args(%while3A_2434 = %while3A_2430) -> (i32)  : i32 {
            %mul3A_2435 = arith.constant 16 : i32
            %mul3A_2436 = arith.muli %while3A_2433, %mul3A_2435 : i32
            %add3A_2437 = arith.addi %max3A_2405, %mul3A_2436 : i32
            %add3A_2438 = vector.broadcast %add3A_2437 : i32 to vector<16xi32>
            %add3A_2439 = arith.addi %add3A_2438, %iota3A : vector<16xi32>
            %lt3A_2440 = arith.constant 160 : i32
            %lt3A_2441 = vector.broadcast %lt3A_2440 : i32 to vector<16xi32>
            %lt3A_2442 = arith.cmpi slt, %add3A_2439, %lt3A_2441 : vector<16xi32>
            tpu.vector_store_idx %arg7[%add3A_2439, %add3A_2415], %broadcast_in_dim3A_2206 masked %lt3A_2442 : memref<160x128xf32, #tpu.memory_space<vmem>>[vector<16xi32>, vector<16xi32>], vector<16xf32>, vector<16xi1>
            %while3A_2443 = arith.constant 0 : i32
            scf.yield %while3A_2443 : i32
          }
        } else {
        }
        %while3A_2411 = arith.constant 0 : i32
        scf.yield %while3A_2411 : i32
      }
      %while3A_2294 = arith.constant 1 : i32
      %while3A_2295 = scf.for %while3A_2400 = %while3A_2291 to %while3A_2287 step %while3A_2294 iter_args(%while3A_2401 = %while3A_2293) -> (i32)  : i32 {
        %get3A = arith.index_cast %while3A_2400 : i32 to index
        %get3A_2402 = memref.load %arg12[%get3A] : memref<128xi32, #tpu.memory_space<smem>>
        %get3A_2403 = arith.index_cast %get3A_2402 : i32 to index
        %get3A_2404 = memref.load %arg11[%get3A_2403] : memref<128xi32, #tpu.memory_space<smem>>
        %sub3A = arith.subi %get3A_2404, %mul3A_2283 : i32
        %max3A = arith.constant 0 : i32
        %max3A_2405 = arith.maxsi %sub3A, %max3A : i32
        %lt3A_2406 = arith.constant 160 : i32
        %lt3A_2407 = arith.cmpi slt, %max3A_2405, %lt3A_2406 : i32
        %convert_element_type3A_2408 = arith.extui %lt3A_2407 : i1 to i32
        %cond3A_2409 = arith.constant 0 : i32
        %cond3A_2410 = arith.cmpi ne, %convert_element_type3A_2408, %cond3A_2409 : i32
        scf.if %cond3A_2410 {
          %broadcast_in_dim3A_2412 = arith.constant 0 : i32
          %broadcast_in_dim3A_2413 = vector.broadcast %broadcast_in_dim3A_2412 : i32 to vector<16xi32>
          %add3A_2414 = vector.broadcast %get3A_2402 : i32 to vector<16xi32>
          %add3A_2415 = arith.addi %broadcast_in_dim3A_2413, %add3A_2414 : vector<16xi32>
          %sub3A_2416 = arith.constant 160 : i32
          %sub3A_2417 = arith.subi %sub3A_2416, %max3A_2405 : i32
          %add3A_2418 = arith.constant 15 : i32
          %add3A_2419 = arith.addi %sub3A_2417, %add3A_2418 : i32
          %shift_right_arithmetic3A = arith.constant 4 : i32
          %shift_right_arithmetic3A_2420 = arith.shrsi %add3A_2419, %shift_right_arithmetic3A : i32
          %while3A_2421 = arith.constant 0 : i32
          %while3A_2422 = arith.constant 0 : i32
          %while3A_2423 = arith.subi %shift_right_arithmetic3A_2420, %while3A_2421 : i32
          %while3A_2424 = arith.addi %while3A_2421, %while3A_2423 : i32
          %while3A_2425 = arith.constant 1 : i32
          %while3A_2426 = arith.divsi %while3A_2423, %while3A_2425 : i32
          %while3A_2427 = arith.muli %while3A_2426, %while3A_2425 : i32
          %while3A_2428 = arith.addi %while3A_2421, %while3A_2427 : i32
          %while3A_2429 = arith.constant 1 : i32
          %while3A_2430 = scf.for %while3A_2433 = %while3A_2421 to %while3A_2428 step %while3A_2429 iter_args(%while3A_2434 = %while3A_2422) -> (i32)  : i32 {
            %mul3A_2435 = arith.constant 16 : i32
            %mul3A_2436 = arith.muli %while3A_2433, %mul3A_2435 : i32
            %add3A_2437 = arith.addi %max3A_2405, %mul3A_2436 : i32
            %add3A_2438 = vector.broadcast %add3A_2437 : i32 to vector<16xi32>
            %add3A_2439 = arith.addi %add3A_2438, %iota3A : vector<16xi32>
            %lt3A_2440 = arith.constant 160 : i32
            %lt3A_2441 = vector.broadcast %lt3A_2440 : i32 to vector<16xi32>
            %lt3A_2442 = arith.cmpi slt, %add3A_2439, %lt3A_2441 : vector<16xi32>
            tpu.vector_store_idx %arg7[%add3A_2439, %add3A_2415], %broadcast_in_dim3A_2206 masked %lt3A_2442 : memref<160x128xf32, #tpu.memory_space<vmem>>[vector<16xi32>, vector<16xi32>], vector<16xf32>, vector<16xi1>
            %while3A_2443 = arith.constant 0 : i32
            scf.yield %while3A_2443 : i32
          }
          %while3A_2431 = arith.constant 1 : i32
          %while3A_2432 = scf.for %while3A_2433 = %while3A_2428 to %while3A_2424 step %while3A_2431 iter_args(%while3A_2434 = %while3A_2430) -> (i32)  : i32 {
            %mul3A_2435 = arith.constant 16 : i32
            %mul3A_2436 = arith.muli %while3A_2433, %mul3A_2435 : i32
            %add3A_2437 = arith.addi %max3A_2405, %mul3A_2436 : i32
            %add3A_2438 = vector.broadcast %add3A_2437 : i32 to vector<16xi32>
            %add3A_2439 = arith.addi %add3A_2438, %iota3A : vector<16xi32>
            %lt3A_2440 = arith.constant 160 : i32
            %lt3A_2441 = vector.broadcast %lt3A_2440 : i32 to vector<16xi32>
            %lt3A_2442 = arith.cmpi slt, %add3A_2439, %lt3A_2441 : vector<16xi32>
            tpu.vector_store_idx %arg7[%add3A_2439, %add3A_2415], %broadcast_in_dim3A_2206 masked %lt3A_2442 : memref<160x128xf32, #tpu.memory_space<vmem>>[vector<16xi32>, vector<16xi32>], vector<16xf32>, vector<16xi1>
            %while3A_2443 = arith.constant 0 : i32
            scf.yield %while3A_2443 : i32
          }
        } else {
        }
        %while3A_2411 = arith.constant 0 : i32
        scf.yield %while3A_2411 : i32
      }
      %mul3A_2296 = arith.constant 160 : i32
      %mul3A_2297 = arith.muli %add3A_2270, %mul3A_2296 : i32
      %dma_start3A_2298 = tpu.memref_slice %arg4[%mul3A_2297, %mul3A_2] : memref<12800x4096xf32, #tpu.memory_space<hbm>> -> memref<160x128xf32, #tpu.memory_space<hbm>>
      %dma_start3A_2299 = tpu.memref_slice %arg4[%mul3A_2297, %mul3A_2] : memref<12800x4096xf32, #tpu.memory_space<hbm>> -> memref<160x128xf32, #tpu.memory_space<hbm>>
      tpu.enqueue_dma source(%arg7 : memref<160x128xf32, #tpu.memory_space<vmem>>) target(%dma_start3A_2299 : memref<160x128xf32, #tpu.memory_space<hbm>>) target_semaphore(%arg19 : memref<!tpu.dma_semaphore, #tpu.memory_space<semaphore_mem>>)
      %mul3A_2300 = arith.constant 5 : i32
      %mul3A_2301 = arith.muli %scan3A_2233, %mul3A_2300 : i32
      %add3A_2302 = arith.constant 2 : i32
      %add3A_2303 = arith.addi %mul3A_2301, %add3A_2302 : i32
      %add3A_2304 = arith.constant 3 : i32
      %add3A_2305 = arith.addi %add3A_2303, %add3A_2304 : i32
      %lt3A_2306 = arith.constant 80 : i32
      %lt3A_2307 = arith.cmpi slt, %add3A_2305, %lt3A_2306 : i32
      %convert_element_type3A_2308 = arith.extui %lt3A_2307 : i1 to i32
      %cond3A_2309 = arith.constant 0 : i32
      %cond3A_2310 = arith.cmpi ne, %convert_element_type3A_2308, %cond3A_2309 : i32
      scf.if %cond3A_2310 {
        %add3A_2400 = arith.constant 3 : i32
        %add3A_2401 = arith.addi %add3A_2303, %add3A_2400 : i32
        %ge3A = arith.constant 5 : i32
        %ge3A_2402 = arith.cmpi sge, %add3A_2401, %ge3A : i32
        %convert_element_type3A_2403 = arith.extui %ge3A_2402 : i1 to i32
        %cond3A_2404 = arith.constant 0 : i32
        %cond3A_2405 = arith.cmpi ne, %convert_element_type3A_2403, %cond3A_2404 : i32
        scf.if %cond3A_2405 {
          %add3A_2412 = arith.constant 3 : i32
          %add3A_2413 = arith.addi %add3A_2303, %add3A_2412 : i32
          %sub3A = arith.constant 5 : i32
          %sub3A_2414 = arith.subi %add3A_2413, %sub3A : i32
          %mul3A_2415 = arith.constant 160 : i32
          %mul3A_2416 = arith.muli %sub3A_2414, %mul3A_2415 : i32
          %dma_wait3A_2417 = tpu.memref_slice %arg4[%mul3A_2416, %mul3A_2] : memref<12800x4096xf32, #tpu.memory_space<hbm>> -> memref<160x128xf32, #tpu.memory_space<hbm>>
          %dma_wait3A_2418 = tpu.memref_slice %arg4[%mul3A_2416, %mul3A_2] : memref<12800x4096xf32, #tpu.memory_space<hbm>> -> memref<160x128xf32, #tpu.memory_space<hbm>>
          tpu.wait_dma2 semaphore(%arg18 : memref<!tpu.dma_semaphore, #tpu.memory_space<semaphore_mem>>) src(%arg6 : memref<160x128xf32, #tpu.memory_space<vmem>>) dst(%dma_wait3A_2418 : memref<160x128xf32, #tpu.memory_space<hbm>>)
        } else {
        }
        %add3A_2406 = arith.constant 3 : i32
        %add3A_2407 = arith.addi %add3A_2303, %add3A_2406 : i32
        %mul3A_2408 = arith.constant 160 : i32
        %mul3A_2409 = arith.muli %add3A_2407, %mul3A_2408 : i32
        %dma_start3A_2410 = tpu.memref_slice %arg3[%mul3A_2409, %mul3A_2] : memref<12800x4096xf32, #tpu.memory_space<hbm>> -> memref<160x128xf32, #tpu.memory_space<hbm>>
        %dma_start3A_2411 = tpu.memref_slice %arg3[%mul3A_2409, %mul3A_2] : memref<12800x4096xf32, #tpu.memory_space<hbm>> -> memref<160x128xf32, #tpu.memory_space<hbm>>
        tpu.enqueue_dma source(%dma_start3A_2411 : memref<160x128xf32, #tpu.memory_space<hbm>>) target(%arg6 : memref<160x128xf32, #tpu.memory_space<vmem>>) target_semaphore(%arg13 : memref<!tpu.dma_semaphore, #tpu.memory_space<semaphore_mem>>)
      } else {
      }
      %mul3A_2311 = arith.constant 160 : i32
      %mul3A_2312 = arith.muli %add3A_2303, %mul3A_2311 : i32
      %dma_wait3A_2313 = tpu.memref_slice %arg3[%mul3A_2312, %mul3A_2] : memref<12800x4096xf32, #tpu.memory_space<hbm>> -> memref<160x128xf32, #tpu.memory_space<hbm>>
      %dma_wait3A_2314 = tpu.memref_slice %arg3[%mul3A_2312, %mul3A_2] : memref<12800x4096xf32, #tpu.memory_space<hbm>> -> memref<160x128xf32, #tpu.memory_space<hbm>>
      tpu.wait_dma2 semaphore(%arg15 : memref<!tpu.dma_semaphore, #tpu.memory_space<semaphore_mem>>) src(%dma_wait3A_2314 : memref<160x128xf32, #tpu.memory_space<hbm>>) dst(%arg8 : memref<160x128xf32, #tpu.memory_space<vmem>>)
      %mul3A_2315 = arith.constant 160 : i32
      %mul3A_2316 = arith.muli %add3A_2303, %mul3A_2315 : i32
      %while3A_2317 = arith.constant 0 : i32
      %while3A_2318 = arith.constant 0 : i32
      %while3A_2319 = arith.subi %select_n3A_2204, %while3A_2317 : i32
      %while3A_2320 = arith.addi %while3A_2317, %while3A_2319 : i32
      %while3A_2321 = arith.constant 1 : i32
      %while3A_2322 = arith.divsi %while3A_2319, %while3A_2321 : i32
      %while3A_2323 = arith.muli %while3A_2322, %while3A_2321 : i32
      %while3A_2324 = arith.addi %while3A_2317, %while3A_2323 : i32
      %while3A_2325 = arith.constant 1 : i32
      %while3A_2326 = scf.for %while3A_2400 = %while3A_2317 to %while3A_2324 step %while3A_2325 iter_args(%while3A_2401 = %while3A_2318) -> (i32)  : i32 {
        %get3A = arith.index_cast %while3A_2400 : i32 to index
        %get3A_2402 = memref.load %arg12[%get3A] : memref<128xi32, #tpu.memory_space<smem>>
        %get3A_2403 = arith.index_cast %get3A_2402 : i32 to index
        %get3A_2404 = memref.load %arg11[%get3A_2403] : memref<128xi32, #tpu.memory_space<smem>>
        %sub3A = arith.subi %get3A_2404, %mul3A_2316 : i32
        %max3A = arith.constant 0 : i32
        %max3A_2405 = arith.maxsi %sub3A, %max3A : i32
        %lt3A_2406 = arith.constant 160 : i32
        %lt3A_2407 = arith.cmpi slt, %max3A_2405, %lt3A_2406 : i32
        %convert_element_type3A_2408 = arith.extui %lt3A_2407 : i1 to i32
        %cond3A_2409 = arith.constant 0 : i32
        %cond3A_2410 = arith.cmpi ne, %convert_element_type3A_2408, %cond3A_2409 : i32
        scf.if %cond3A_2410 {
          %broadcast_in_dim3A_2412 = arith.constant 0 : i32
          %broadcast_in_dim3A_2413 = vector.broadcast %broadcast_in_dim3A_2412 : i32 to vector<16xi32>
          %add3A_2414 = vector.broadcast %get3A_2402 : i32 to vector<16xi32>
          %add3A_2415 = arith.addi %broadcast_in_dim3A_2413, %add3A_2414 : vector<16xi32>
          %sub3A_2416 = arith.constant 160 : i32
          %sub3A_2417 = arith.subi %sub3A_2416, %max3A_2405 : i32
          %add3A_2418 = arith.constant 15 : i32
          %add3A_2419 = arith.addi %sub3A_2417, %add3A_2418 : i32
          %shift_right_arithmetic3A = arith.constant 4 : i32
          %shift_right_arithmetic3A_2420 = arith.shrsi %add3A_2419, %shift_right_arithmetic3A : i32
          %while3A_2421 = arith.constant 0 : i32
          %while3A_2422 = arith.constant 0 : i32
          %while3A_2423 = arith.subi %shift_right_arithmetic3A_2420, %while3A_2421 : i32
          %while3A_2424 = arith.addi %while3A_2421, %while3A_2423 : i32
          %while3A_2425 = arith.constant 1 : i32
          %while3A_2426 = arith.divsi %while3A_2423, %while3A_2425 : i32
          %while3A_2427 = arith.muli %while3A_2426, %while3A_2425 : i32
          %while3A_2428 = arith.addi %while3A_2421, %while3A_2427 : i32
          %while3A_2429 = arith.constant 1 : i32
          %while3A_2430 = scf.for %while3A_2433 = %while3A_2421 to %while3A_2428 step %while3A_2429 iter_args(%while3A_2434 = %while3A_2422) -> (i32)  : i32 {
            %mul3A_2435 = arith.constant 16 : i32
            %mul3A_2436 = arith.muli %while3A_2433, %mul3A_2435 : i32
            %add3A_2437 = arith.addi %max3A_2405, %mul3A_2436 : i32
            %add3A_2438 = vector.broadcast %add3A_2437 : i32 to vector<16xi32>
            %add3A_2439 = arith.addi %add3A_2438, %iota3A : vector<16xi32>
            %lt3A_2440 = arith.constant 160 : i32
            %lt3A_2441 = vector.broadcast %lt3A_2440 : i32 to vector<16xi32>
            %lt3A_2442 = arith.cmpi slt, %add3A_2439, %lt3A_2441 : vector<16xi32>
            tpu.vector_store_idx %arg8[%add3A_2439, %add3A_2415], %broadcast_in_dim3A_2206 masked %lt3A_2442 : memref<160x128xf32, #tpu.memory_space<vmem>>[vector<16xi32>, vector<16xi32>], vector<16xf32>, vector<16xi1>
            %while3A_2443 = arith.constant 0 : i32
            scf.yield %while3A_2443 : i32
          }
          %while3A_2431 = arith.constant 1 : i32
          %while3A_2432 = scf.for %while3A_2433 = %while3A_2428 to %while3A_2424 step %while3A_2431 iter_args(%while3A_2434 = %while3A_2430) -> (i32)  : i32 {
            %mul3A_2435 = arith.constant 16 : i32
            %mul3A_2436 = arith.muli %while3A_2433, %mul3A_2435 : i32
            %add3A_2437 = arith.addi %max3A_2405, %mul3A_2436 : i32
            %add3A_2438 = vector.broadcast %add3A_2437 : i32 to vector<16xi32>
            %add3A_2439 = arith.addi %add3A_2438, %iota3A : vector<16xi32>
            %lt3A_2440 = arith.constant 160 : i32
            %lt3A_2441 = vector.broadcast %lt3A_2440 : i32 to vector<16xi32>
            %lt3A_2442 = arith.cmpi slt, %add3A_2439, %lt3A_2441 : vector<16xi32>
            tpu.vector_store_idx %arg8[%add3A_2439, %add3A_2415], %broadcast_in_dim3A_2206 masked %lt3A_2442 : memref<160x128xf32, #tpu.memory_space<vmem>>[vector<16xi32>, vector<16xi32>], vector<16xf32>, vector<16xi1>
            %while3A_2443 = arith.constant 0 : i32
            scf.yield %while3A_2443 : i32
          }
        } else {
        }
        %while3A_2411 = arith.constant 0 : i32
        scf.yield %while3A_2411 : i32
      }
      %while3A_2327 = arith.constant 1 : i32
      %while3A_2328 = scf.for %while3A_2400 = %while3A_2324 to %while3A_2320 step %while3A_2327 iter_args(%while3A_2401 = %while3A_2326) -> (i32)  : i32 {
        %get3A = arith.index_cast %while3A_2400 : i32 to index
        %get3A_2402 = memref.load %arg12[%get3A] : memref<128xi32, #tpu.memory_space<smem>>
        %get3A_2403 = arith.index_cast %get3A_2402 : i32 to index
        %get3A_2404 = memref.load %arg11[%get3A_2403] : memref<128xi32, #tpu.memory_space<smem>>
        %sub3A = arith.subi %get3A_2404, %mul3A_2316 : i32
        %max3A = arith.constant 0 : i32
        %max3A_2405 = arith.maxsi %sub3A, %max3A : i32
        %lt3A_2406 = arith.constant 160 : i32
        %lt3A_2407 = arith.cmpi slt, %max3A_2405, %lt3A_2406 : i32
        %convert_element_type3A_2408 = arith.extui %lt3A_2407 : i1 to i32
        %cond3A_2409 = arith.constant 0 : i32
        %cond3A_2410 = arith.cmpi ne, %convert_element_type3A_2408, %cond3A_2409 : i32
        scf.if %cond3A_2410 {
          %broadcast_in_dim3A_2412 = arith.constant 0 : i32
          %broadcast_in_dim3A_2413 = vector.broadcast %broadcast_in_dim3A_2412 : i32 to vector<16xi32>
          %add3A_2414 = vector.broadcast %get3A_2402 : i32 to vector<16xi32>
          %add3A_2415 = arith.addi %broadcast_in_dim3A_2413, %add3A_2414 : vector<16xi32>
          %sub3A_2416 = arith.constant 160 : i32
          %sub3A_2417 = arith.subi %sub3A_2416, %max3A_2405 : i32
          %add3A_2418 = arith.constant 15 : i32
          %add3A_2419 = arith.addi %sub3A_2417, %add3A_2418 : i32
          %shift_right_arithmetic3A = arith.constant 4 : i32
          %shift_right_arithmetic3A_2420 = arith.shrsi %add3A_2419, %shift_right_arithmetic3A : i32
          %while3A_2421 = arith.constant 0 : i32
          %while3A_2422 = arith.constant 0 : i32
          %while3A_2423 = arith.subi %shift_right_arithmetic3A_2420, %while3A_2421 : i32
          %while3A_2424 = arith.addi %while3A_2421, %while3A_2423 : i32
          %while3A_2425 = arith.constant 1 : i32
          %while3A_2426 = arith.divsi %while3A_2423, %while3A_2425 : i32
          %while3A_2427 = arith.muli %while3A_2426, %while3A_2425 : i32
          %while3A_2428 = arith.addi %while3A_2421, %while3A_2427 : i32
          %while3A_2429 = arith.constant 1 : i32
          %while3A_2430 = scf.for %while3A_2433 = %while3A_2421 to %while3A_2428 step %while3A_2429 iter_args(%while3A_2434 = %while3A_2422) -> (i32)  : i32 {
            %mul3A_2435 = arith.constant 16 : i32
            %mul3A_2436 = arith.muli %while3A_2433, %mul3A_2435 : i32
            %add3A_2437 = arith.addi %max3A_2405, %mul3A_2436 : i32
            %add3A_2438 = vector.broadcast %add3A_2437 : i32 to vector<16xi32>
            %add3A_2439 = arith.addi %add3A_2438, %iota3A : vector<16xi32>
            %lt3A_2440 = arith.constant 160 : i32
            %lt3A_2441 = vector.broadcast %lt3A_2440 : i32 to vector<16xi32>
            %lt3A_2442 = arith.cmpi slt, %add3A_2439, %lt3A_2441 : vector<16xi32>
            tpu.vector_store_idx %arg8[%add3A_2439, %add3A_2415], %broadcast_in_dim3A_2206 masked %lt3A_2442 : memref<160x128xf32, #tpu.memory_space<vmem>>[vector<16xi32>, vector<16xi32>], vector<16xf32>, vector<16xi1>
            %while3A_2443 = arith.constant 0 : i32
            scf.yield %while3A_2443 : i32
          }
          %while3A_2431 = arith.constant 1 : i32
          %while3A_2432 = scf.for %while3A_2433 = %while3A_2428 to %while3A_2424 step %while3A_2431 iter_args(%while3A_2434 = %while3A_2430) -> (i32)  : i32 {
            %mul3A_2435 = arith.constant 16 : i32
            %mul3A_2436 = arith.muli %while3A_2433, %mul3A_2435 : i32
            %add3A_2437 = arith.addi %max3A_2405, %mul3A_2436 : i32
            %add3A_2438 = vector.broadcast %add3A_2437 : i32 to vector<16xi32>
            %add3A_2439 = arith.addi %add3A_2438, %iota3A : vector<16xi32>
            %lt3A_2440 = arith.constant 160 : i32
            %lt3A_2441 = vector.broadcast %lt3A_2440 : i32 to vector<16xi32>
            %lt3A_2442 = arith.cmpi slt, %add3A_2439, %lt3A_2441 : vector<16xi32>
            tpu.vector_store_idx %arg8[%add3A_2439, %add3A_2415], %broadcast_in_dim3A_2206 masked %lt3A_2442 : memref<160x128xf32, #tpu.memory_space<vmem>>[vector<16xi32>, vector<16xi32>], vector<16xf32>, vector<16xi1>
            %while3A_2443 = arith.constant 0 : i32
            scf.yield %while3A_2443 : i32
          }
        } else {
        }
        %while3A_2411 = arith.constant 0 : i32
        scf.yield %while3A_2411 : i32
      }
      %mul3A_2329 = arith.constant 160 : i32
      %mul3A_2330 = arith.muli %add3A_2303, %mul3A_2329 : i32
      %dma_start3A_2331 = tpu.memref_slice %arg4[%mul3A_2330, %mul3A_2] : memref<12800x4096xf32, #tpu.memory_space<hbm>> -> memref<160x128xf32, #tpu.memory_space<hbm>>
      %dma_start3A_2332 = tpu.memref_slice %arg4[%mul3A_2330, %mul3A_2] : memref<12800x4096xf32, #tpu.memory_space<hbm>> -> memref<160x128xf32, #tpu.memory_space<hbm>>
      tpu.enqueue_dma source(%arg8 : memref<160x128xf32, #tpu.memory_space<vmem>>) target(%dma_start3A_2332 : memref<160x128xf32, #tpu.memory_space<hbm>>) target_semaphore(%arg20 : memref<!tpu.dma_semaphore, #tpu.memory_space<semaphore_mem>>)
      %mul3A_2333 = arith.constant 5 : i32
      %mul3A_2334 = arith.muli %scan3A_2233, %mul3A_2333 : i32
      %add3A_2335 = arith.constant 3 : i32
      %add3A_2336 = arith.addi %mul3A_2334, %add3A_2335 : i32
      %add3A_2337 = arith.constant 3 : i32
      %add3A_2338 = arith.addi %add3A_2336, %add3A_2337 : i32
      %lt3A_2339 = arith.constant 80 : i32
      %lt3A_2340 = arith.cmpi slt, %add3A_2338, %lt3A_2339 : i32
      %convert_element_type3A_2341 = arith.extui %lt3A_2340 : i1 to i32
      %cond3A_2342 = arith.constant 0 : i32
      %cond3A_2343 = arith.cmpi ne, %convert_element_type3A_2341, %cond3A_2342 : i32
      scf.if %cond3A_2343 {
        %add3A_2400 = arith.constant 3 : i32
        %add3A_2401 = arith.addi %add3A_2336, %add3A_2400 : i32
        %ge3A = arith.constant 5 : i32
        %ge3A_2402 = arith.cmpi sge, %add3A_2401, %ge3A : i32
        %convert_element_type3A_2403 = arith.extui %ge3A_2402 : i1 to i32
        %cond3A_2404 = arith.constant 0 : i32
        %cond3A_2405 = arith.cmpi ne, %convert_element_type3A_2403, %cond3A_2404 : i32
        scf.if %cond3A_2405 {
          %add3A_2412 = arith.constant 3 : i32
          %add3A_2413 = arith.addi %add3A_2336, %add3A_2412 : i32
          %sub3A = arith.constant 5 : i32
          %sub3A_2414 = arith.subi %add3A_2413, %sub3A : i32
          %mul3A_2415 = arith.constant 160 : i32
          %mul3A_2416 = arith.muli %sub3A_2414, %mul3A_2415 : i32
          %dma_wait3A_2417 = tpu.memref_slice %arg4[%mul3A_2416, %mul3A_2] : memref<12800x4096xf32, #tpu.memory_space<hbm>> -> memref<160x128xf32, #tpu.memory_space<hbm>>
          %dma_wait3A_2418 = tpu.memref_slice %arg4[%mul3A_2416, %mul3A_2] : memref<12800x4096xf32, #tpu.memory_space<hbm>> -> memref<160x128xf32, #tpu.memory_space<hbm>>
          tpu.wait_dma2 semaphore(%arg19 : memref<!tpu.dma_semaphore, #tpu.memory_space<semaphore_mem>>) src(%arg7 : memref<160x128xf32, #tpu.memory_space<vmem>>) dst(%dma_wait3A_2418 : memref<160x128xf32, #tpu.memory_space<hbm>>)
        } else {
        }
        %add3A_2406 = arith.constant 3 : i32
        %add3A_2407 = arith.addi %add3A_2336, %add3A_2406 : i32
        %mul3A_2408 = arith.constant 160 : i32
        %mul3A_2409 = arith.muli %add3A_2407, %mul3A_2408 : i32
        %dma_start3A_2410 = tpu.memref_slice %arg3[%mul3A_2409, %mul3A_2] : memref<12800x4096xf32, #tpu.memory_space<hbm>> -> memref<160x128xf32, #tpu.memory_space<hbm>>
        %dma_start3A_2411 = tpu.memref_slice %arg3[%mul3A_2409, %mul3A_2] : memref<12800x4096xf32, #tpu.memory_space<hbm>> -> memref<160x128xf32, #tpu.memory_space<hbm>>
        tpu.enqueue_dma source(%dma_start3A_2411 : memref<160x128xf32, #tpu.memory_space<hbm>>) target(%arg7 : memref<160x128xf32, #tpu.memory_space<vmem>>) target_semaphore(%arg14 : memref<!tpu.dma_semaphore, #tpu.memory_space<semaphore_mem>>)
      } else {
      }
      %mul3A_2344 = arith.constant 160 : i32
      %mul3A_2345 = arith.muli %add3A_2336, %mul3A_2344 : i32
      %dma_wait3A_2346 = tpu.memref_slice %arg3[%mul3A_2345, %mul3A_2] : memref<12800x4096xf32, #tpu.memory_space<hbm>> -> memref<160x128xf32, #tpu.memory_space<hbm>>
      %dma_wait3A_2347 = tpu.memref_slice %arg3[%mul3A_2345, %mul3A_2] : memref<12800x4096xf32, #tpu.memory_space<hbm>> -> memref<160x128xf32, #tpu.memory_space<hbm>>
      tpu.wait_dma2 semaphore(%arg16 : memref<!tpu.dma_semaphore, #tpu.memory_space<semaphore_mem>>) src(%dma_wait3A_2347 : memref<160x128xf32, #tpu.memory_space<hbm>>) dst(%arg9 : memref<160x128xf32, #tpu.memory_space<vmem>>)
      %mul3A_2348 = arith.constant 160 : i32
      %mul3A_2349 = arith.muli %add3A_2336, %mul3A_2348 : i32
      %while3A_2350 = arith.constant 0 : i32
      %while3A_2351 = arith.constant 0 : i32
      %while3A_2352 = arith.subi %select_n3A_2204, %while3A_2350 : i32
      %while3A_2353 = arith.addi %while3A_2350, %while3A_2352 : i32
      %while3A_2354 = arith.constant 1 : i32
      %while3A_2355 = arith.divsi %while3A_2352, %while3A_2354 : i32
      %while3A_2356 = arith.muli %while3A_2355, %while3A_2354 : i32
      %while3A_2357 = arith.addi %while3A_2350, %while3A_2356 : i32
      %while3A_2358 = arith.constant 1 : i32
      %while3A_2359 = scf.for %while3A_2400 = %while3A_2350 to %while3A_2357 step %while3A_2358 iter_args(%while3A_2401 = %while3A_2351) -> (i32)  : i32 {
        %get3A = arith.index_cast %while3A_2400 : i32 to index
        %get3A_2402 = memref.load %arg12[%get3A] : memref<128xi32, #tpu.memory_space<smem>>
        %get3A_2403 = arith.index_cast %get3A_2402 : i32 to index
        %get3A_2404 = memref.load %arg11[%get3A_2403] : memref<128xi32, #tpu.memory_space<smem>>
        %sub3A = arith.subi %get3A_2404, %mul3A_2349 : i32
        %max3A = arith.constant 0 : i32
        %max3A_2405 = arith.maxsi %sub3A, %max3A : i32
        %lt3A_2406 = arith.constant 160 : i32
        %lt3A_2407 = arith.cmpi slt, %max3A_2405, %lt3A_2406 : i32
        %convert_element_type3A_2408 = arith.extui %lt3A_2407 : i1 to i32
        %cond3A_2409 = arith.constant 0 : i32
        %cond3A_2410 = arith.cmpi ne, %convert_element_type3A_2408, %cond3A_2409 : i32
        scf.if %cond3A_2410 {
          %broadcast_in_dim3A_2412 = arith.constant 0 : i32
          %broadcast_in_dim3A_2413 = vector.broadcast %broadcast_in_dim3A_2412 : i32 to vector<16xi32>
          %add3A_2414 = vector.broadcast %get3A_2402 : i32 to vector<16xi32>
          %add3A_2415 = arith.addi %broadcast_in_dim3A_2413, %add3A_2414 : vector<16xi32>
          %sub3A_2416 = arith.constant 160 : i32
          %sub3A_2417 = arith.subi %sub3A_2416, %max3A_2405 : i32
          %add3A_2418 = arith.constant 15 : i32
          %add3A_2419 = arith.addi %sub3A_2417, %add3A_2418 : i32
          %shift_right_arithmetic3A = arith.constant 4 : i32
          %shift_right_arithmetic3A_2420 = arith.shrsi %add3A_2419, %shift_right_arithmetic3A : i32
          %while3A_2421 = arith.constant 0 : i32
          %while3A_2422 = arith.constant 0 : i32
          %while3A_2423 = arith.subi %shift_right_arithmetic3A_2420, %while3A_2421 : i32
          %while3A_2424 = arith.addi %while3A_2421, %while3A_2423 : i32
          %while3A_2425 = arith.constant 1 : i32
          %while3A_2426 = arith.divsi %while3A_2423, %while3A_2425 : i32
          %while3A_2427 = arith.muli %while3A_2426, %while3A_2425 : i32
          %while3A_2428 = arith.addi %while3A_2421, %while3A_2427 : i32
          %while3A_2429 = arith.constant 1 : i32
          %while3A_2430 = scf.for %while3A_2433 = %while3A_2421 to %while3A_2428 step %while3A_2429 iter_args(%while3A_2434 = %while3A_2422) -> (i32)  : i32 {
            %mul3A_2435 = arith.constant 16 : i32
            %mul3A_2436 = arith.muli %while3A_2433, %mul3A_2435 : i32
            %add3A_2437 = arith.addi %max3A_2405, %mul3A_2436 : i32
            %add3A_2438 = vector.broadcast %add3A_2437 : i32 to vector<16xi32>
            %add3A_2439 = arith.addi %add3A_2438, %iota3A : vector<16xi32>
            %lt3A_2440 = arith.constant 160 : i32
            %lt3A_2441 = vector.broadcast %lt3A_2440 : i32 to vector<16xi32>
            %lt3A_2442 = arith.cmpi slt, %add3A_2439, %lt3A_2441 : vector<16xi32>
            tpu.vector_store_idx %arg9[%add3A_2439, %add3A_2415], %broadcast_in_dim3A_2206 masked %lt3A_2442 : memref<160x128xf32, #tpu.memory_space<vmem>>[vector<16xi32>, vector<16xi32>], vector<16xf32>, vector<16xi1>
            %while3A_2443 = arith.constant 0 : i32
            scf.yield %while3A_2443 : i32
          }
          %while3A_2431 = arith.constant 1 : i32
          %while3A_2432 = scf.for %while3A_2433 = %while3A_2428 to %while3A_2424 step %while3A_2431 iter_args(%while3A_2434 = %while3A_2430) -> (i32)  : i32 {
            %mul3A_2435 = arith.constant 16 : i32
            %mul3A_2436 = arith.muli %while3A_2433, %mul3A_2435 : i32
            %add3A_2437 = arith.addi %max3A_2405, %mul3A_2436 : i32
            %add3A_2438 = vector.broadcast %add3A_2437 : i32 to vector<16xi32>
            %add3A_2439 = arith.addi %add3A_2438, %iota3A : vector<16xi32>
            %lt3A_2440 = arith.constant 160 : i32
            %lt3A_2441 = vector.broadcast %lt3A_2440 : i32 to vector<16xi32>
            %lt3A_2442 = arith.cmpi slt, %add3A_2439, %lt3A_2441 : vector<16xi32>
            tpu.vector_store_idx %arg9[%add3A_2439, %add3A_2415], %broadcast_in_dim3A_2206 masked %lt3A_2442 : memref<160x128xf32, #tpu.memory_space<vmem>>[vector<16xi32>, vector<16xi32>], vector<16xf32>, vector<16xi1>
            %while3A_2443 = arith.constant 0 : i32
            scf.yield %while3A_2443 : i32
          }
        } else {
        }
        %while3A_2411 = arith.constant 0 : i32
        scf.yield %while3A_2411 : i32
      }
      %while3A_2360 = arith.constant 1 : i32
      %while3A_2361 = scf.for %while3A_2400 = %while3A_2357 to %while3A_2353 step %while3A_2360 iter_args(%while3A_2401 = %while3A_2359) -> (i32)  : i32 {
        %get3A = arith.index_cast %while3A_2400 : i32 to index
        %get3A_2402 = memref.load %arg12[%get3A] : memref<128xi32, #tpu.memory_space<smem>>
        %get3A_2403 = arith.index_cast %get3A_2402 : i32 to index
        %get3A_2404 = memref.load %arg11[%get3A_2403] : memref<128xi32, #tpu.memory_space<smem>>
        %sub3A = arith.subi %get3A_2404, %mul3A_2349 : i32
        %max3A = arith.constant 0 : i32
        %max3A_2405 = arith.maxsi %sub3A, %max3A : i32
        %lt3A_2406 = arith.constant 160 : i32
        %lt3A_2407 = arith.cmpi slt, %max3A_2405, %lt3A_2406 : i32
        %convert_element_type3A_2408 = arith.extui %lt3A_2407 : i1 to i32
        %cond3A_2409 = arith.constant 0 : i32
        %cond3A_2410 = arith.cmpi ne, %convert_element_type3A_2408, %cond3A_2409 : i32
        scf.if %cond3A_2410 {
          %broadcast_in_dim3A_2412 = arith.constant 0 : i32
          %broadcast_in_dim3A_2413 = vector.broadcast %broadcast_in_dim3A_2412 : i32 to vector<16xi32>
          %add3A_2414 = vector.broadcast %get3A_2402 : i32 to vector<16xi32>
          %add3A_2415 = arith.addi %broadcast_in_dim3A_2413, %add3A_2414 : vector<16xi32>
          %sub3A_2416 = arith.constant 160 : i32
          %sub3A_2417 = arith.subi %sub3A_2416, %max3A_2405 : i32
          %add3A_2418 = arith.constant 15 : i32
          %add3A_2419 = arith.addi %sub3A_2417, %add3A_2418 : i32
          %shift_right_arithmetic3A = arith.constant 4 : i32
          %shift_right_arithmetic3A_2420 = arith.shrsi %add3A_2419, %shift_right_arithmetic3A : i32
          %while3A_2421 = arith.constant 0 : i32
          %while3A_2422 = arith.constant 0 : i32
          %while3A_2423 = arith.subi %shift_right_arithmetic3A_2420, %while3A_2421 : i32
          %while3A_2424 = arith.addi %while3A_2421, %while3A_2423 : i32
          %while3A_2425 = arith.constant 1 : i32
          %while3A_2426 = arith.divsi %while3A_2423, %while3A_2425 : i32
          %while3A_2427 = arith.muli %while3A_2426, %while3A_2425 : i32
          %while3A_2428 = arith.addi %while3A_2421, %while3A_2427 : i32
          %while3A_2429 = arith.constant 1 : i32
          %while3A_2430 = scf.for %while3A_2433 = %while3A_2421 to %while3A_2428 step %while3A_2429 iter_args(%while3A_2434 = %while3A_2422) -> (i32)  : i32 {
            %mul3A_2435 = arith.constant 16 : i32
            %mul3A_2436 = arith.muli %while3A_2433, %mul3A_2435 : i32
            %add3A_2437 = arith.addi %max3A_2405, %mul3A_2436 : i32
            %add3A_2438 = vector.broadcast %add3A_2437 : i32 to vector<16xi32>
            %add3A_2439 = arith.addi %add3A_2438, %iota3A : vector<16xi32>
            %lt3A_2440 = arith.constant 160 : i32
            %lt3A_2441 = vector.broadcast %lt3A_2440 : i32 to vector<16xi32>
            %lt3A_2442 = arith.cmpi slt, %add3A_2439, %lt3A_2441 : vector<16xi32>
            tpu.vector_store_idx %arg9[%add3A_2439, %add3A_2415], %broadcast_in_dim3A_2206 masked %lt3A_2442 : memref<160x128xf32, #tpu.memory_space<vmem>>[vector<16xi32>, vector<16xi32>], vector<16xf32>, vector<16xi1>
            %while3A_2443 = arith.constant 0 : i32
            scf.yield %while3A_2443 : i32
          }
          %while3A_2431 = arith.constant 1 : i32
          %while3A_2432 = scf.for %while3A_2433 = %while3A_2428 to %while3A_2424 step %while3A_2431 iter_args(%while3A_2434 = %while3A_2430) -> (i32)  : i32 {
            %mul3A_2435 = arith.constant 16 : i32
            %mul3A_2436 = arith.muli %while3A_2433, %mul3A_2435 : i32
            %add3A_2437 = arith.addi %max3A_2405, %mul3A_2436 : i32
            %add3A_2438 = vector.broadcast %add3A_2437 : i32 to vector<16xi32>
            %add3A_2439 = arith.addi %add3A_2438, %iota3A : vector<16xi32>
            %lt3A_2440 = arith.constant 160 : i32
            %lt3A_2441 = vector.broadcast %lt3A_2440 : i32 to vector<16xi32>
            %lt3A_2442 = arith.cmpi slt, %add3A_2439, %lt3A_2441 : vector<16xi32>
            tpu.vector_store_idx %arg9[%add3A_2439, %add3A_2415], %broadcast_in_dim3A_2206 masked %lt3A_2442 : memref<160x128xf32, #tpu.memory_space<vmem>>[vector<16xi32>, vector<16xi32>], vector<16xf32>, vector<16xi1>
            %while3A_2443 = arith.constant 0 : i32
            scf.yield %while3A_2443 : i32
          }
        } else {
        }
        %while3A_2411 = arith.constant 0 : i32
        scf.yield %while3A_2411 : i32
      }
      %mul3A_2362 = arith.constant 160 : i32
      %mul3A_2363 = arith.muli %add3A_2336, %mul3A_2362 : i32
      %dma_start3A_2364 = tpu.memref_slice %arg4[%mul3A_2363, %mul3A_2] : memref<12800x4096xf32, #tpu.memory_space<hbm>> -> memref<160x128xf32, #tpu.memory_space<hbm>>
      %dma_start3A_2365 = tpu.memref_slice %arg4[%mul3A_2363, %mul3A_2] : memref<12800x4096xf32, #tpu.memory_space<hbm>> -> memref<160x128xf32, #tpu.memory_space<hbm>>
      tpu.enqueue_dma source(%arg9 : memref<160x128xf32, #tpu.memory_space<vmem>>) target(%dma_start3A_2365 : memref<160x128xf32, #tpu.memory_space<hbm>>) target_semaphore(%arg21 : memref<!tpu.dma_semaphore, #tpu.memory_space<semaphore_mem>>)
      %mul3A_2366 = arith.constant 5 : i32
      %mul3A_2367 = arith.muli %scan3A_2233, %mul3A_2366 : i32
      %add3A_2368 = arith.constant 4 : i32
      %add3A_2369 = arith.addi %mul3A_2367, %add3A_2368 : i32
      %add3A_2370 = arith.constant 3 : i32
      %add3A_2371 = arith.addi %add3A_2369, %add3A_2370 : i32
      %lt3A_2372 = arith.constant 80 : i32
      %lt3A_2373 = arith.cmpi slt, %add3A_2371, %lt3A_2372 : i32
      %convert_element_type3A_2374 = arith.extui %lt3A_2373 : i1 to i32
      %cond3A_2375 = arith.constant 0 : i32
      %cond3A_2376 = arith.cmpi ne, %convert_element_type3A_2374, %cond3A_2375 : i32
      scf.if %cond3A_2376 {
        %add3A_2400 = arith.constant 3 : i32
        %add3A_2401 = arith.addi %add3A_2369, %add3A_2400 : i32
        %ge3A = arith.constant 5 : i32
        %ge3A_2402 = arith.cmpi sge, %add3A_2401, %ge3A : i32
        %convert_element_type3A_2403 = arith.extui %ge3A_2402 : i1 to i32
        %cond3A_2404 = arith.constant 0 : i32
        %cond3A_2405 = arith.cmpi ne, %convert_element_type3A_2403, %cond3A_2404 : i32
        scf.if %cond3A_2405 {
          %add3A_2412 = arith.constant 3 : i32
          %add3A_2413 = arith.addi %add3A_2369, %add3A_2412 : i32
          %sub3A = arith.constant 5 : i32
          %sub3A_2414 = arith.subi %add3A_2413, %sub3A : i32
          %mul3A_2415 = arith.constant 160 : i32
          %mul3A_2416 = arith.muli %sub3A_2414, %mul3A_2415 : i32
          %dma_wait3A_2417 = tpu.memref_slice %arg4[%mul3A_2416, %mul3A_2] : memref<12800x4096xf32, #tpu.memory_space<hbm>> -> memref<160x128xf32, #tpu.memory_space<hbm>>
          %dma_wait3A_2418 = tpu.memref_slice %arg4[%mul3A_2416, %mul3A_2] : memref<12800x4096xf32, #tpu.memory_space<hbm>> -> memref<160x128xf32, #tpu.memory_space<hbm>>
          tpu.wait_dma2 semaphore(%arg20 : memref<!tpu.dma_semaphore, #tpu.memory_space<semaphore_mem>>) src(%arg8 : memref<160x128xf32, #tpu.memory_space<vmem>>) dst(%dma_wait3A_2418 : memref<160x128xf32, #tpu.memory_space<hbm>>)
        } else {
        }
        %add3A_2406 = arith.constant 3 : i32
        %add3A_2407 = arith.addi %add3A_2369, %add3A_2406 : i32
        %mul3A_2408 = arith.constant 160 : i32
        %mul3A_2409 = arith.muli %add3A_2407, %mul3A_2408 : i32
        %dma_start3A_2410 = tpu.memref_slice %arg3[%mul3A_2409, %mul3A_2] : memref<12800x4096xf32, #tpu.memory_space<hbm>> -> memref<160x128xf32, #tpu.memory_space<hbm>>
        %dma_start3A_2411 = tpu.memref_slice %arg3[%mul3A_2409, %mul3A_2] : memref<12800x4096xf32, #tpu.memory_space<hbm>> -> memref<160x128xf32, #tpu.memory_space<hbm>>
        tpu.enqueue_dma source(%dma_start3A_2411 : memref<160x128xf32, #tpu.memory_space<hbm>>) target(%arg8 : memref<160x128xf32, #tpu.memory_space<vmem>>) target_semaphore(%arg15 : memref<!tpu.dma_semaphore, #tpu.memory_space<semaphore_mem>>)
      } else {
      }
      %mul3A_2377 = arith.constant 160 : i32
      %mul3A_2378 = arith.muli %add3A_2369, %mul3A_2377 : i32
      %dma_wait3A_2379 = tpu.memref_slice %arg3[%mul3A_2378, %mul3A_2] : memref<12800x4096xf32, #tpu.memory_space<hbm>> -> memref<160x128xf32, #tpu.memory_space<hbm>>
      %dma_wait3A_2380 = tpu.memref_slice %arg3[%mul3A_2378, %mul3A_2] : memref<12800x4096xf32, #tpu.memory_space<hbm>> -> memref<160x128xf32, #tpu.memory_space<hbm>>
      tpu.wait_dma2 semaphore(%arg17 : memref<!tpu.dma_semaphore, #tpu.memory_space<semaphore_mem>>) src(%dma_wait3A_2380 : memref<160x128xf32, #tpu.memory_space<hbm>>) dst(%arg10 : memref<160x128xf32, #tpu.memory_space<vmem>>)
      %mul3A_2381 = arith.constant 160 : i32
      %mul3A_2382 = arith.muli %add3A_2369, %mul3A_2381 : i32
      %while3A_2383 = arith.constant 0 : i32
      %while3A_2384 = arith.constant 0 : i32
      %while3A_2385 = arith.subi %select_n3A_2204, %while3A_2383 : i32
      %while3A_2386 = arith.addi %while3A_2383, %while3A_2385 : i32
      %while3A_2387 = arith.constant 1 : i32
      %while3A_2388 = arith.divsi %while3A_2385, %while3A_2387 : i32
      %while3A_2389 = arith.muli %while3A_2388, %while3A_2387 : i32
      %while3A_2390 = arith.addi %while3A_2383, %while3A_2389 : i32
      %while3A_2391 = arith.constant 1 : i32
      %while3A_2392 = scf.for %while3A_2400 = %while3A_2383 to %while3A_2390 step %while3A_2391 iter_args(%while3A_2401 = %while3A_2384) -> (i32)  : i32 {
        %get3A = arith.index_cast %while3A_2400 : i32 to index
        %get3A_2402 = memref.load %arg12[%get3A] : memref<128xi32, #tpu.memory_space<smem>>
        %get3A_2403 = arith.index_cast %get3A_2402 : i32 to index
        %get3A_2404 = memref.load %arg11[%get3A_2403] : memref<128xi32, #tpu.memory_space<smem>>
        %sub3A = arith.subi %get3A_2404, %mul3A_2382 : i32
        %max3A = arith.constant 0 : i32
        %max3A_2405 = arith.maxsi %sub3A, %max3A : i32
        %lt3A_2406 = arith.constant 160 : i32
        %lt3A_2407 = arith.cmpi slt, %max3A_2405, %lt3A_2406 : i32
        %convert_element_type3A_2408 = arith.extui %lt3A_2407 : i1 to i32
        %cond3A_2409 = arith.constant 0 : i32
        %cond3A_2410 = arith.cmpi ne, %convert_element_type3A_2408, %cond3A_2409 : i32
        scf.if %cond3A_2410 {
          %broadcast_in_dim3A_2412 = arith.constant 0 : i32
          %broadcast_in_dim3A_2413 = vector.broadcast %broadcast_in_dim3A_2412 : i32 to vector<16xi32>
          %add3A_2414 = vector.broadcast %get3A_2402 : i32 to vector<16xi32>
          %add3A_2415 = arith.addi %broadcast_in_dim3A_2413, %add3A_2414 : vector<16xi32>
          %sub3A_2416 = arith.constant 160 : i32
          %sub3A_2417 = arith.subi %sub3A_2416, %max3A_2405 : i32
          %add3A_2418 = arith.constant 15 : i32
          %add3A_2419 = arith.addi %sub3A_2417, %add3A_2418 : i32
          %shift_right_arithmetic3A = arith.constant 4 : i32
          %shift_right_arithmetic3A_2420 = arith.shrsi %add3A_2419, %shift_right_arithmetic3A : i32
          %while3A_2421 = arith.constant 0 : i32
          %while3A_2422 = arith.constant 0 : i32
          %while3A_2423 = arith.subi %shift_right_arithmetic3A_2420, %while3A_2421 : i32
          %while3A_2424 = arith.addi %while3A_2421, %while3A_2423 : i32
          %while3A_2425 = arith.constant 1 : i32
          %while3A_2426 = arith.divsi %while3A_2423, %while3A_2425 : i32
          %while3A_2427 = arith.muli %while3A_2426, %while3A_2425 : i32
          %while3A_2428 = arith.addi %while3A_2421, %while3A_2427 : i32
          %while3A_2429 = arith.constant 1 : i32
          %while3A_2430 = scf.for %while3A_2433 = %while3A_2421 to %while3A_2428 step %while3A_2429 iter_args(%while3A_2434 = %while3A_2422) -> (i32)  : i32 {
            %mul3A_2435 = arith.constant 16 : i32
            %mul3A_2436 = arith.muli %while3A_2433, %mul3A_2435 : i32
            %add3A_2437 = arith.addi %max3A_2405, %mul3A_2436 : i32
            %add3A_2438 = vector.broadcast %add3A_2437 : i32 to vector<16xi32>
            %add3A_2439 = arith.addi %add3A_2438, %iota3A : vector<16xi32>
            %lt3A_2440 = arith.constant 160 : i32
            %lt3A_2441 = vector.broadcast %lt3A_2440 : i32 to vector<16xi32>
            %lt3A_2442 = arith.cmpi slt, %add3A_2439, %lt3A_2441 : vector<16xi32>
            tpu.vector_store_idx %arg10[%add3A_2439, %add3A_2415], %broadcast_in_dim3A_2206 masked %lt3A_2442 : memref<160x128xf32, #tpu.memory_space<vmem>>[vector<16xi32>, vector<16xi32>], vector<16xf32>, vector<16xi1>
            %while3A_2443 = arith.constant 0 : i32
            scf.yield %while3A_2443 : i32
          }
          %while3A_2431 = arith.constant 1 : i32
          %while3A_2432 = scf.for %while3A_2433 = %while3A_2428 to %while3A_2424 step %while3A_2431 iter_args(%while3A_2434 = %while3A_2430) -> (i32)  : i32 {
            %mul3A_2435 = arith.constant 16 : i32
            %mul3A_2436 = arith.muli %while3A_2433, %mul3A_2435 : i32
            %add3A_2437 = arith.addi %max3A_2405, %mul3A_2436 : i32
            %add3A_2438 = vector.broadcast %add3A_2437 : i32 to vector<16xi32>
            %add3A_2439 = arith.addi %add3A_2438, %iota3A : vector<16xi32>
            %lt3A_2440 = arith.constant 160 : i32
            %lt3A_2441 = vector.broadcast %lt3A_2440 : i32 to vector<16xi32>
            %lt3A_2442 = arith.cmpi slt, %add3A_2439, %lt3A_2441 : vector<16xi32>
            tpu.vector_store_idx %arg10[%add3A_2439, %add3A_2415], %broadcast_in_dim3A_2206 masked %lt3A_2442 : memref<160x128xf32, #tpu.memory_space<vmem>>[vector<16xi32>, vector<16xi32>], vector<16xf32>, vector<16xi1>
            %while3A_2443 = arith.constant 0 : i32
            scf.yield %while3A_2443 : i32
          }
        } else {
        }
        %while3A_2411 = arith.constant 0 : i32
        scf.yield %while3A_2411 : i32
      }
      %while3A_2393 = arith.constant 1 : i32
      %while3A_2394 = scf.for %while3A_2400 = %while3A_2390 to %while3A_2386 step %while3A_2393 iter_args(%while3A_2401 = %while3A_2392) -> (i32)  : i32 {
        %get3A = arith.index_cast %while3A_2400 : i32 to index
        %get3A_2402 = memref.load %arg12[%get3A] : memref<128xi32, #tpu.memory_space<smem>>
        %get3A_2403 = arith.index_cast %get3A_2402 : i32 to index
        %get3A_2404 = memref.load %arg11[%get3A_2403] : memref<128xi32, #tpu.memory_space<smem>>
        %sub3A = arith.subi %get3A_2404, %mul3A_2382 : i32
        %max3A = arith.constant 0 : i32
        %max3A_2405 = arith.maxsi %sub3A, %max3A : i32
        %lt3A_2406 = arith.constant 160 : i32
        %lt3A_2407 = arith.cmpi slt, %max3A_2405, %lt3A_2406 : i32
        %convert_element_type3A_2408 = arith.extui %lt3A_2407 : i1 to i32
        %cond3A_2409 = arith.constant 0 : i32
        %cond3A_2410 = arith.cmpi ne, %convert_element_type3A_2408, %cond3A_2409 : i32
        scf.if %cond3A_2410 {
          %broadcast_in_dim3A_2412 = arith.constant 0 : i32
          %broadcast_in_dim3A_2413 = vector.broadcast %broadcast_in_dim3A_2412 : i32 to vector<16xi32>
          %add3A_2414 = vector.broadcast %get3A_2402 : i32 to vector<16xi32>
          %add3A_2415 = arith.addi %broadcast_in_dim3A_2413, %add3A_2414 : vector<16xi32>
          %sub3A_2416 = arith.constant 160 : i32
          %sub3A_2417 = arith.subi %sub3A_2416, %max3A_2405 : i32
          %add3A_2418 = arith.constant 15 : i32
          %add3A_2419 = arith.addi %sub3A_2417, %add3A_2418 : i32
          %shift_right_arithmetic3A = arith.constant 4 : i32
          %shift_right_arithmetic3A_2420 = arith.shrsi %add3A_2419, %shift_right_arithmetic3A : i32
          %while3A_2421 = arith.constant 0 : i32
          %while3A_2422 = arith.constant 0 : i32
          %while3A_2423 = arith.subi %shift_right_arithmetic3A_2420, %while3A_2421 : i32
          %while3A_2424 = arith.addi %while3A_2421, %while3A_2423 : i32
          %while3A_2425 = arith.constant 1 : i32
          %while3A_2426 = arith.divsi %while3A_2423, %while3A_2425 : i32
          %while3A_2427 = arith.muli %while3A_2426, %while3A_2425 : i32
          %while3A_2428 = arith.addi %while3A_2421, %while3A_2427 : i32
          %while3A_2429 = arith.constant 1 : i32
          %while3A_2430 = scf.for %while3A_2433 = %while3A_2421 to %while3A_2428 step %while3A_2429 iter_args(%while3A_2434 = %while3A_2422) -> (i32)  : i32 {
            %mul3A_2435 = arith.constant 16 : i32
            %mul3A_2436 = arith.muli %while3A_2433, %mul3A_2435 : i32
            %add3A_2437 = arith.addi %max3A_2405, %mul3A_2436 : i32
            %add3A_2438 = vector.broadcast %add3A_2437 : i32 to vector<16xi32>
            %add3A_2439 = arith.addi %add3A_2438, %iota3A : vector<16xi32>
            %lt3A_2440 = arith.constant 160 : i32
            %lt3A_2441 = vector.broadcast %lt3A_2440 : i32 to vector<16xi32>
            %lt3A_2442 = arith.cmpi slt, %add3A_2439, %lt3A_2441 : vector<16xi32>
            tpu.vector_store_idx %arg10[%add3A_2439, %add3A_2415], %broadcast_in_dim3A_2206 masked %lt3A_2442 : memref<160x128xf32, #tpu.memory_space<vmem>>[vector<16xi32>, vector<16xi32>], vector<16xf32>, vector<16xi1>
            %while3A_2443 = arith.constant 0 : i32
            scf.yield %while3A_2443 : i32
          }
          %while3A_2431 = arith.constant 1 : i32
          %while3A_2432 = scf.for %while3A_2433 = %while3A_2428 to %while3A_2424 step %while3A_2431 iter_args(%while3A_2434 = %while3A_2430) -> (i32)  : i32 {
            %mul3A_2435 = arith.constant 16 : i32
            %mul3A_2436 = arith.muli %while3A_2433, %mul3A_2435 : i32
            %add3A_2437 = arith.addi %max3A_2405, %mul3A_2436 : i32
            %add3A_2438 = vector.broadcast %add3A_2437 : i32 to vector<16xi32>
            %add3A_2439 = arith.addi %add3A_2438, %iota3A : vector<16xi32>
            %lt3A_2440 = arith.constant 160 : i32
            %lt3A_2441 = vector.broadcast %lt3A_2440 : i32 to vector<16xi32>
            %lt3A_2442 = arith.cmpi slt, %add3A_2439, %lt3A_2441 : vector<16xi32>
            tpu.vector_store_idx %arg10[%add3A_2439, %add3A_2415], %broadcast_in_dim3A_2206 masked %lt3A_2442 : memref<160x128xf32, #tpu.memory_space<vmem>>[vector<16xi32>, vector<16xi32>], vector<16xf32>, vector<16xi1>
            %while3A_2443 = arith.constant 0 : i32
            scf.yield %while3A_2443 : i32
          }
        } else {
        }
        %while3A_2411 = arith.constant 0 : i32
        scf.yield %while3A_2411 : i32
      }
      %mul3A_2395 = arith.constant 160 : i32
      %mul3A_2396 = arith.muli %add3A_2369, %mul3A_2395 : i32
      %dma_start3A_2397 = tpu.memref_slice %arg4[%mul3A_2396, %mul3A_2] : memref<12800x4096xf32, #tpu.memory_space<hbm>> -> memref<160x128xf32, #tpu.memory_space<hbm>>
      %dma_start3A_2398 = tpu.memref_slice %arg4[%mul3A_2396, %mul3A_2] : memref<12800x4096xf32, #tpu.memory_space<hbm>> -> memref<160x128xf32, #tpu.memory_space<hbm>>
      tpu.enqueue_dma source(%arg10 : memref<160x128xf32, #tpu.memory_space<vmem>>) target(%dma_start3A_2398 : memref<160x128xf32, #tpu.memory_space<hbm>>) target_semaphore(%arg22 : memref<!tpu.dma_semaphore, #tpu.memory_space<semaphore_mem>>)
      %scan3A_2399 = arith.constant 0 : i32
      scf.yield %scan3A_2399 : i32
    }
    %scan3A_2213 = arith.constant 16 : i32
    %dma_wait3A = arith.constant 12000 : i32
    %dma_wait3A_2214 = tpu.memref_slice %arg4[%dma_wait3A, %mul3A_2] : memref<12800x4096xf32, #tpu.memory_space<hbm>> -> memref<160x128xf32, #tpu.memory_space<hbm>>
    %dma_wait3A_2215 = arith.constant 12000 : i32
    %dma_wait3A_2216 = tpu.memref_slice %arg4[%dma_wait3A_2215, %mul3A_2] : memref<12800x4096xf32, #tpu.memory_space<hbm>> -> memref<160x128xf32, #tpu.memory_space<hbm>>
    tpu.wait_dma2 semaphore(%arg18 : memref<!tpu.dma_semaphore, #tpu.memory_space<semaphore_mem>>) src(%arg6 : memref<160x128xf32, #tpu.memory_space<vmem>>) dst(%dma_wait3A_2216 : memref<160x128xf32, #tpu.memory_space<hbm>>)
    %dma_wait3A_2217 = arith.constant 12160 : i32
    %dma_wait3A_2218 = tpu.memref_slice %arg4[%dma_wait3A_2217, %mul3A_2] : memref<12800x4096xf32, #tpu.memory_space<hbm>> -> memref<160x128xf32, #tpu.memory_space<hbm>>
    %dma_wait3A_2219 = arith.constant 12160 : i32
    %dma_wait3A_2220 = tpu.memref_slice %arg4[%dma_wait3A_2219, %mul3A_2] : memref<12800x4096xf32, #tpu.memory_space<hbm>> -> memref<160x128xf32, #tpu.memory_space<hbm>>
    tpu.wait_dma2 semaphore(%arg19 : memref<!tpu.dma_semaphore, #tpu.memory_space<semaphore_mem>>) src(%arg7 : memref<160x128xf32, #tpu.memory_space<vmem>>) dst(%dma_wait3A_2220 : memref<160x128xf32, #tpu.memory_space<hbm>>)
    %dma_wait3A_2221 = arith.constant 12320 : i32
    %dma_wait3A_2222 = tpu.memref_slice %arg4[%dma_wait3A_2221, %mul3A_2] : memref<12800x4096xf32, #tpu.memory_space<hbm>> -> memref<160x128xf32, #tpu.memory_space<hbm>>
    %dma_wait3A_2223 = arith.constant 12320 : i32
    %dma_wait3A_2224 = tpu.memref_slice %arg4[%dma_wait3A_2223, %mul3A_2] : memref<12800x4096xf32, #tpu.memory_space<hbm>> -> memref<160x128xf32, #tpu.memory_space<hbm>>
    tpu.wait_dma2 semaphore(%arg20 : memref<!tpu.dma_semaphore, #tpu.memory_space<semaphore_mem>>) src(%arg8 : memref<160x128xf32, #tpu.memory_space<vmem>>) dst(%dma_wait3A_2224 : memref<160x128xf32, #tpu.memory_space<hbm>>)
    %dma_wait3A_2225 = arith.constant 12480 : i32
    %dma_wait3A_2226 = tpu.memref_slice %arg4[%dma_wait3A_2225, %mul3A_2] : memref<12800x4096xf32, #tpu.memory_space<hbm>> -> memref<160x128xf32, #tpu.memory_space<hbm>>
    %dma_wait3A_2227 = arith.constant 12480 : i32
    %dma_wait3A_2228 = tpu.memref_slice %arg4[%dma_wait3A_2227, %mul3A_2] : memref<12800x4096xf32, #tpu.memory_space<hbm>> -> memref<160x128xf32, #tpu.memory_space<hbm>>
    tpu.wait_dma2 semaphore(%arg21 : memref<!tpu.dma_semaphore, #tpu.memory_space<semaphore_mem>>) src(%arg9 : memref<160x128xf32, #tpu.memory_space<vmem>>) dst(%dma_wait3A_2228 : memref<160x128xf32, #tpu.memory_space<hbm>>)
    %dma_wait3A_2229 = arith.constant 12640 : i32
    %dma_wait3A_2230 = tpu.memref_slice %arg4[%dma_wait3A_2229, %mul3A_2] : memref<12800x4096xf32, #tpu.memory_space<hbm>> -> memref<160x128xf32, #tpu.memory_space<hbm>>
    %dma_wait3A_2231 = arith.constant 12640 : i32
    %dma_wait3A_2232 = tpu.memref_slice %arg4[%dma_wait3A_2231, %mul3A_2] : memref<12800x4096xf32, #tpu.memory_space<hbm>> -> memref<160x128xf32, #tpu.memory_space<hbm>>
    tpu.wait_dma2 semaphore(%arg22 : memref<!tpu.dma_semaphore, #tpu.memory_space<semaphore_mem>>) src(%arg10 : memref<160x128xf32, #tpu.memory_space<vmem>>) dst(%dma_wait3A_2232 : memref<160x128xf32, #tpu.memory_space<hbm>>)
    return
  }
}

</mosaic_0001>

<sc_bundles>
// kernel: _run.3.cloned.1.call-start
scs
__scs_entry_jumppad:
0x0: {  	(pc) =	sbr.rel $0x88, $3  }
0x1: {  	(tag) =	ssettag $0x0;
	lr =	simm.s32 $0x1  }
0x2: {  	[smem:$0x3F9F] =	sst lr;
	_ =	strace $0xD0000000  }
0x3: {  	_ = 	snop  }
0x4: {  	_ = 	snop  }
0x5: {  	_ = 	snop  }
0x6: {  	_ = 	snop  }
0x7: {  	_ = 	snop  }
__scs_overlays_trampoline_lowered:
0x8: {  	[smem:$0x3FAE] =	sst s0  }
0x9: {  	[smem:$0x3FAF] =	sst s1  }
0xa: {  	[smem:$0x3FB0] =	sst s2  }
0xb: {  	[smem:$0x3FB1] =	sst s3  }
0xc: {  	[smem:$0x3FB2] =	sst s4  }
0xd: {  	[smem:$0x3FB3] =	sst s5  }
0xe: {  	[smem:$0x3FB4] =	sst s6  }
0xf: {  	[smem:$0x3FB5] =	sst s7  }
0x10: {  	[smem:$0x3FB6] =	sst s8  }
0x11: {  	[smem:$0x3FB7] =	sst s9;
	s0 =	simm.s32 @!p0 $0x0  }
0x12: {  	s1 =	sld [smem:$0x3F9D];
	s0 =	simm.s32 @p0 $0x1  }
0x13: {  	[smem:$0x3FB8] =	sst s0;
	s0 =	simm.s32 @!p1 $0x0  }
0x14: {  	s2 =	sld [smem:$0x3F9C];
	s0 =	simm.s32 @p1 $0x1  }
0x15: {  	[smem:$0x3FB9] =	sst s0;
	s0 =	simm.s32 @!p2 $0x0  }
0x16: {  	s3 =	sld [smem:$0x3FDB];
	s0 =	simm.s32 @p2 $0x1  }
0x17: {  	s4 =	simm.s32 $0x1BF5;
	[smem:$0x3FBB] =	sst s0  }
0x18: {  	s0 =	sld [smem:$0x3F9E];
	_ =	swait.ge [sflag:s4], $0x0  }
0x19: {  	s7 =	sld [smem:$0x3F9F]  }
0x1a: {  	s8 =	sadd.s32 $0xFFFFE003, lr  }
0x1b: {  	s9 =	sadd.s32 $0xFFFFFEF7, lr;
	s5 =	simm.s32 $0xFFFFFFFF;
	p2 =	slt.u32 s8, $0xFFFFF086  }
0x1c: {  	p1 =	slt.u32 s9, $0xF7A;
	s5 =	simm.s32 @!p2 $0x0  }
0x1d: {  	s5 =	simm.s32 @p1 $0x1;
	p0 =	seq.s32 s7, s2  }
0x1e: {  	s7 =	smul.u32 @!p0 $0xF7A, s2;
	p2 =	seq.s32 @!p0 s5, $0x0  }
0x1f: {  	s9 =	smul.u32 $0xF7A, s1;
	s8 =	simm.s32 @!p0 $0x1BF5;
	p2 =	por !p2, p0  }
0x20: {  	[sflag:s8] =	ssyncset.s32 @!p0 $0xFFFFF086;
	s6 =	sadd.s32 @!p0 s3, s7;
	s7 =	simm.s32 @!p0 $0x108  }
0x21: {  	s3 =	sadd.s32 s3, s9;
	s6 =	sadd.s32 @!p0 $0x88, s6;
	s7 =	simm.s32 @p2 $0x1082  }
0x22: {  	[simem:s7], [sflag:s8] =	dma.local @!p0 [hbm:s6], $0xF7A  }
0x23: {  	s9 =	sor.u32 $0xD0000000, s2;
	s6 =	simm.s32 $0x108;
	_ =	swait.ge @!p0 [sflag:s8], $0x0  }
0x24: {  	s3 =	sadd.s32 $0x88, s3;
	s6 =	simm.s32 @!p1 $0x1082;
	[sflag:s4] =	ssyncset.s32 $0xFFFFF086  }
0x25: {  	[simem:s6], [sflag:s4] =	dma.local [hbm:s3], $0xF7A  }
0x26: {  	[smem:$0x3F9F] =	sst s1;
	(tag) =	ssettag s2;
	_ =	strace s9  }
0x27: {  	s1 =	sld [smem:$0x3FAF]  }
0x28: {  	s2 =	sld [smem:$0x3FB0]  }
0x29: {  	s4 =	sld [smem:$0x3FB2]  }
0x2a: {  	p0 =	seq.s32 s5, $0x0;
	s5 =	sld [smem:$0x3FB3]  }
0x2b: {  	s6 =	sld [smem:$0x3FB4]  }
0x2c: {  	s7 =	sld [smem:$0x3FB5]  }
0x2d: {  	s3 =	simm.s32 $0x108;
	s8 =	sld [smem:$0x3FB6]  }
0x2e: {  	s3 =	simm.s32 @!p0 $0x1082;
	s9 =	sld [smem:$0x3FB7]  }
0x2f: {  	lr =	sadd.s32 s0, s3;
	s0 =	sld [smem:$0x3FAE]  }
0x30: {  	s3 =	sld [smem:$0x3FB1]  }
0x31: {  	[smem:$0x3FBA] =	sst s10  }
0x32: {  	s10 =	sld [smem:$0x3FB8];
	_ =	sdelay $0x3  }
0x33: {  	p0 =	seq.s32 s10, $0x1;
	s10 =	sld [smem:$0x3FBA];
	_ =	sdelay $0x3  }
0x34: {  	[smem:$0x3FBA] =	sst s10  }
0x35: {  	s10 =	sld [smem:$0x3FB9];
	_ =	sdelay $0x3  }
0x36: {  	p1 =	seq.s32 s10, $0x1;
	s10 =	sld [smem:$0x3FBA];
	_ =	sdelay $0x3  }
0x37: {  	[smem:$0x3FBA] =	sst s10  }
0x38: {  	s10 =	sld [smem:$0x3FBB]  }
0x39: {  	_ = 	snop;
	(pc) =	sbr.ind lr, $3  }
0x3a: {  	_ = 	snop  }
0x3b: {  	_ = 	snop  }
0x3c: {  	p2 =	seq.s32 s10, $0x1;
	s10 =	sld [smem:$0x3FBA]  }
0x3d: {  	_ =	shalt  }
0x3e: {  	_ =	shalt  }
0x3f: {  	_ =	shalt  }
0x40: {  	_ =	shalt  }
0x41: {  	_ =	shalt  }
0x42: {  	_ =	shalt  }
0x43: {  	_ =	shalt  }
0x44: {  	_ =	shalt  }
0x45: {  	_ =	shalt  }
0x46: {  	_ =	shalt  }
0x47: {  	_ =	shalt  }
0x48: {  	_ =	shalt  }
0x49: {  	_ =	shalt  }
0x4a: {  	_ =	shalt  }
0x4b: {  	_ =	shalt  }
0x4c: {  	_ =	shalt  }
0x4d: {  	_ =	shalt  }
0x4e: {  	_ =	shalt  }
0x4f: {  	_ =	shalt  }
0x50: {  	_ =	shalt  }
0x51: {  	_ =	shalt  }
0x52: {  	_ =	shalt  }
0x53: {  	_ =	shalt  }
0x54: {  	_ =	shalt  }
0x55: {  	_ =	shalt  }
0x56: {  	_ =	shalt  }
0x57: {  	_ =	shalt  }
0x58: {  	_ =	shalt  }
0x59: {  	_ =	shalt  }
0x5a: {  	_ =	shalt  }
0x5b: {  	_ =	shalt  }
0x5c: {  	_ =	shalt  }
0x5d: {  	_ =	shalt  }
0x5e: {  	_ =	shalt  }
0x5f: {  	_ =	shalt  }
0x60: {  	_ =	shalt  }
0x61: {  	_ =	shalt  }
0x62: {  	_ =	shalt  }
0x63: {  	_ =	shalt  }
0x64: {  	_ =	shalt  }
0x65: {  	_ =	shalt  }
0x66: {  	_ =	shalt  }
0x67: {  	_ =	shalt  }
0x68: {  	_ =	shalt  }
0x69: {  	_ =	shalt  }
0x6a: {  	_ =	shalt  }
0x6b: {  	_ =	shalt  }
0x6c: {  	_ =	shalt  }
0x6d: {  	_ =	shalt  }
0x6e: {  	_ =	shalt  }
0x6f: {  	_ =	shalt  }
0x70: {  	_ =	shalt  }
0x71: {  	_ =	shalt  }
0x72: {  	_ =	shalt  }
0x73: {  	_ =	shalt  }
0x74: {  	_ =	shalt  }
0x75: {  	_ =	shalt  }
0x76: {  	_ =	shalt  }
0x77: {  	_ =	shalt  }
0x78: {  	_ =	shalt  }
0x79: {  	_ =	shalt  }
0x7a: {  	_ =	shalt  }
0x7b: {  	_ =	shalt  }
0x7c: {  	_ =	shalt  }
0x7d: {  	_ =	shalt  }
0x7e: {  	_ =	shalt  }
0x7f: {  	_ =	shalt  }
0x80: {  	_ =	shalt  }
0x81: {  	_ =	shalt  }
0x82: {  	_ =	shalt  }
0x83: {  	_ =	shalt  }
0x84: {  	_ =	shalt  }
0x85: {  	_ =	shalt  }
0x86: {  	_ =	shalt  }
0x87: {  	_ =	shalt  }
.Lfunc_end0:
.L_simem_size_0:
called_computation_lowered:
.L_overlay_start_0:
0x88: {  	s2 =	sld [smem:$0x3FD9]  }
0x89: {  	s3 =	sld [smem:$0x3FFE];
	_ =	sdelay $0x1  }
0x8a: {  	s1 =	srdreg.scid  }
0x8b: {  	s0 =	sand.u32 $0x1, s1  }
0x8c: {  	s18 =	sshll.u32 s0, $0xA;
	s2 =	sadd.s32 s3, s2  }
0x8d: {  	s2 =	sadd.s32 s2, s18  }
0x8e: {  	[smem:$0x3FC6] =	sst s2  }
0x8f: {  	_ = 	snop  }
0x90: {  	s2 =	sld [smem:$0x3FC9]  }
0x91: {  	s19 =	sld [smem:$0x3FC8]  }
0x92: {  	s4 =	sld [smem:$0x3FD0];
	(tm) =	ssettm $0x1  }
0x93: {  	s5 =	sld [smem:$0x3FFB];
	_ =	sdelay $0x3  }
0x94: {  	_ =	strace s5  }
0x95: {  	s5 =	sld [smem:$0x3FFC];
	_ =	sdelay $0x3  }
0x96: {  	_ =	strace s5  }
0x97: {  	s5 =	sld [smem:$0x3FFD];
	_ =	sdelay $0x3  }
0x98: {  	_ =	strace s5  }
0x99: {  	_ =	strace $0x8FFFFFFF  }
0x9a: {  	s20 =	sld [smem:$0x3FDB];
	_ =	sdelay $0x1  }
0x9b: {  	s6 =	simm.s32 $_scs_section_size  }
0x9c: {  	s7 =	simm.s32 $_size__tile_overlayer_lowered;
	s8 =	simm.s32 $_tile_overlayer_lowered  }
0x9d: {  	s23 =	simm.s32 $0x1BFF;
	s22 =	sshll.u32 s8, $0x1;
	s5 =	sadd.s32 s6, s20  }
0x9e: {  	s9 =	simm.s32 $0x0;
	s21 =	sshll.u32 s7, $0x1;
	s7 =	sadd.s32 s22, s5  }
0x9f: {  	[timem:s9], [sflag:s23] =	dma.local [hbm:s7], s21  }
0xa0: {  	_ =	swait.ge [sflag:s23], s21  }
0xa1: {  	s6 =	ssub.s32 $0x0, s21;
	[sflag:s23] =	ssyncset.done $0x0  }
0xa2: {  	[sflag:s23] =	ssyncadd.s32 s6;
	_ =	sdelay $0x1  }
0xa3: {  	s24 =	simm.s32 $0x1B8B  }
0xa4: {  	_ =	swait.ge [sflag:s24], $0x1  }
0xa5: {  	[sflag:s24] =	ssyncset.done $0x0  }
0xa6: {  	s25 =	simm.s32 $0x1B8E;
	[sflag:s24] =	ssyncadd.s32 $0xFFFFFFFF  }
0xa7: {  	s26 =	simm.s32 $execute0_lowered;
	[smem:$0x3FD2] =	sst s25  }
0xa8: {  	s6 =	sshll.u32 s26, $0x1;
	_ =	strace $0x80000046;
	[dreg:$0x1] =	wrdreg $0xFFFFFFFF  }
0xa9: {  	s28 =	simm.s32 $_size_execute0_lowered;
	s5 =	sadd.s32 s5, s6;
	[dreg:$0x0] =	wrdreg $0x0  }
0xaa: {  	s6 =	sshll.u32 s28, $0x1;
	[dreg:$0x2] =	wrdreg s5  }
0xab: {  	[dreg:$0x3] =	wrdreg s6  }
0xac: {  	[dreg:$0x4] =	wrdreg $0xC0  }
0xad: {  	_ =	task [dreg:s9], $0x5FFFF  }
0xae: {  	[dreg:$0x1] =	wrdreg $0xFFFFFFFF  }
0xaf: {  	[dreg:$0x0] =	wrdreg $0x60  }
0xb0: {  	[dreg:$0x2] =	wrdreg s2  }
0xb1: {  	[dreg:$0x3] =	wrdreg s19  }
0xb2: {  	[dreg:$0x4] =	wrdreg s4  }
0xb3: {  	[dreg:$0x5] =	wrdreg $0x9  }
0xb4: {  	_ =	task.clear_ibuf [dreg:s9], $0x6FFFF;
	_ =	strace $0x90000046  }
0xb5: {  	s29 =	simm.s32 $0x9;
	_ =	strace $0x80000048  }
0xb6: {  	_ =	swait.ge [sflag:s29], $0x1  }
0xb7: {  	[sflag:s29] =	ssyncadd.s32 $0xFFFFFFFF  }
0xb8: {  	_ =	strace $0x90000048  }
0xb9: {  	_ =	sfence  }
0xba: {  	s30 =	sld [smem:$0x0];
	_ =	sdelay $0x2  }
0xbb: {  	s31 =	sshll.u32 s1, $0xD;
	s1 =	sshrl.u32 s1, $0x2  }
0xbc: {  	s3 =	sand.u32 $0x4000, s31;
	s1 =	sadd.s32 s1, s30  }
0xbd: {  	s0 =	sor.u32 s3, s0;
	s1 =	sshll.u32 s1, $0x11  }
0xbe: {  	s0 =	sor.u32 s1, s0  }
0xbf: {  	s0 =	sadd.s32 $0x8F2B, s0  }
0xc0: {  	[sflag:s0] =	ssyncadd.remote.s32 $0x1  }
0xc1: {  	_ =	sfence.sel $0xFFFF  }
0xc2: {  	[dreg:$0x0] =	wrdreg $0xFFFFFFFF;
	(pc) =	sbr.abs _section_cstart, $3  }
0xc3: {  	[dreg:$0x1] =	wrdreg $0xFFFFFFFF  }
0xc4: {  	_ =	task.clear_ibuf [dreg:s9], $0x2FFFF;
	_ =	strace $0x9FFFFFFF  }
0xc5: {  	(tm) =	ssettm $0x7FFFFFFF  }
tec
execute0_lowered:
.L_overlay_start_1:
0x0: {  	(tag) =	ssettag $0x1  }
0x1: {  	s0 =	rddreg [dreg:$0x0];
	s1 =	srdreg.scid  }
0x2: {  	s2 =	rddreg [dreg:$0x1];
	s4 =	stileid.u32  }
0x3: {  	s3 =	rddreg [dreg:$0x2];
	s6 =	simm.s32 $0x0;
	s14 =	simm.s32 $0x400  }
0x4: {  	s15 =	simm.s32 $0x8000;
	s16 =	simm.s32 $0x6400;
	s1 =	sand.u32 $0x1, s1  }
0x5: {  	s17 =	simm.s32 $0xB400;
	s4 =	sshll.u32 s4, $0xB;
	s5 =	sshll.u32 s1, $0xA  }
0x6: {  	s18 =	simm.s32 $0x10400;
	[smem:$0x7FF] =	sst s6;
	s5 =	sor.u32 s5, s4  }
0x7: {  	s1 =	ssub.s32 $0x2, s1;
	_ =	strace $0x80000047;
	s28 =	sor.u32 $0x320000, s5  }
0x8: {  	s24 =	sshrl.u32 s1, $0x1;
	s29 =	sor.u32 $0x3C0000, s5;
	[dreg:$0x8] =	wrdreg s28  }
0x9: {  	s4 =	sshrl.u32 s5, $0x3;
	s30 =	sor.u32 $0x460000, s5;
	[dreg:$0x9] =	wrdreg s29  }
0xa: {  	s1 =	ssub.s32 s1, s24;
	s7 =	sadd.s32 s2, s4;
	[dreg:$0xa] =	wrdreg s30  }
.Ltmp0:
0xb: {  	s0 =	sadd.s32 s0, s4;
	[dreg:$0x4] =	wrdreg s7;
	(pc) =	sbr.rel .LBB2_1-.Ltmp0, $4  }
0xc: {  	s22 =	simm.s32 $0x15400;
	s31 =	smax.u32 s1, $0x1;
	[dreg:$0x7] =	wrdreg s0  }
0xd: {  	s23 =	simm.s32 $0x1A400;
	s25 =	sadd.s32 $0x14000, s7;
	[dreg:$0xb] =	wrdreg s31  }
0xe: {  	s4 =	simm.s32 $0x0;
	s26 =	sadd.s32 $0x28000, s7;
	[dreg:$0x5] =	wrdreg s25  }
0xf: {  	v0 =	vlaneseq.u32;
	v1 =	vimm.f32 $0.0e+00;
	[dreg:$0x6] =	wrdreg s26;
	s25 =	simm.s32 $0x4;
	s26 =	simm.s32 $0x5  }
.LBB2_38:
0x10: {  	s0 =	simm.s32 $0x6  }
0x11: {  	_ =	swait.ge [sflag:s0], $0x5000  }
0x12: {  	[sflag:s0] =	ssyncset.done $0x0  }
0x13: {  	s28 =	simm.s32 $0x7;
	[sflag:s0] =	ssyncadd.s32 $0xFFFFB000  }
0x14: {  	_ =	swait.ge [sflag:s28], $0x5000  }
0x15: {  	[sflag:s28] =	ssyncset.done $0x0  }
0x16: {  	s29 =	simm.s32 $0x8;
	[sflag:s28] =	ssyncadd.s32 $0xFFFFB000  }
0x17: {  	_ =	swait.ge [sflag:s29], $0x5000  }
0x18: {  	[sflag:s29] =	ssyncset.done $0x0  }
0x19: {  	s30 =	simm.s32 $0x9;
	[sflag:s29] =	ssyncadd.s32 $0xFFFFB000  }
0x1a: {  	_ =	swait.ge [sflag:s30], $0x5000  }
0x1b: {  	[sflag:s30] =	ssyncset.done $0x0  }
0x1c: {  	s1 =	simm.s32 $0xA;
	[sflag:s30] =	ssyncadd.s32 $0xFFFFB000  }
0x1d: {  	_ =	swait.ge [sflag:s1], $0x5000  }
0x1e: {  	s4 =	rddreg [dreg:$0xc]  }
0x1f: {  	s31 =	rddreg [dreg:$0xb];
	s4 =	sadd.s32 $0x1, s4  }
0x20: {  	p0 =	sne.s32 s4, s31  }
.Ltmp1:
0x21: {  	_ = 	snop;
	(pc) =	sbr.rel @!p0 .LBB2_39-.Ltmp1, $3  }
0x22: {  	_ =	sdelay $0x1  }
0x23: {  	[sflag:s1] =	ssyncset.done $0x0  }
0x24: {  	[sflag:s1] =	ssyncadd.s32 $0xFFFFB000  }
.LBB2_1:
0x25: {  	[dreg:$0xc] =	wrdreg s4  }
0x26: {  	s0 =	rddreg [dreg:$0x4]  }
0x27: {  	[tilespmem:s16], [sflag:$0x1] =	stream.strided.gather [hbm4b:s0+s14], $0x5000, s15, s14, $0x38;
	[tilespmem:$0x1F400] =	vst v63  }
0x28: {  	s24 =	rddreg [dreg:$0x5]  }
0x29: {  	[tilespmem:s17], [sflag:$0x2] =	stream.strided.gather [hbm4b:s24+s14], $0x5000, s15, s14, $0x38;
	[tilespmem:$0x1F400] =	vst v63  }
0x2a: {  	s28 =	rddreg [dreg:$0x6]  }
0x2b: {  	[tilespmem:s18], [sflag:$0x3] =	stream.strided.gather [hbm4b:s28+s14], $0x5000, s15, s14, $0x38;
	[tilespmem:$0x1F400] =	vst v63  }
0x2c: {  	s29 =	simm.s32 $0x0;
	s1 =	rddreg [dreg:$0x7];
	s30 =	simm.s32 $0xB  }
0x2d: {  	[tilespmem:s29], [sflag:$0xB] =	stream.strided.gather [hbm4b:s1+s14], $0x6400, s15, s14, $0x38;
	[tilespmem:$0x1F400] =	vst v63  }
0x2e: {  	_ =	swait.ge [sflag:s30], $0x6400  }
0x2f: {  	[sflag:s30] =	ssyncset.done $0x0  }
0x30: {  	s31 =	simm.s32 $0x40;
	[sflag:s30] =	ssyncadd.s32 $0xFFFF9C00  }
0x31: {  	v2 =	vld [tilespmem:s31+$0xFFFFFFD0]  }
0x32: {  	v3 =	vld [tilespmem:s31+$0x20]  }
0x33: {  	v4 =	vld [tilespmem:s31+$0x30]  }
0x34: {  	v6 =	vld [tilespmem:s31+$0xFFFFFFF0];
	_ =	sdelay $0x1  }
0x35: {  	v12 =	vimm.s32 $0xC8;
	v7 =	vld [tilespmem:s31+$0x10]  }
0x36: {  	v9 =	vimm.s32 $0xC8;
	v10 =	vimm.s32 $0xC8;
	v14 =	vimm.s32 $0xC8  }
0x37: {  	v5 =	vmov s29;
	v8 =	vld [tilespmem:s31+$0x0];
	vm0 =	veq.s32 v2, $0x0;
	vm1 =	veq.s32 v3, $0x0  }
0x38: {  	v15 =	vld [tilespmem:s31+$0xFFFFFFC0];
	vm3 =	veq.s32 v4, $0x0;
	vm2 =	veq.s32 v6, $0x0;
	v3 =	vimm.s32 $0xC8  }
0x39: {  	v11 =	vld [tilespmem:s31+$0xFFFFFFE0];
	v6 =	vimm.s32 $0xC8;
	v13 =	vnsel vm0, $0xC8, v5;
	v2 =	vnsel vm1, $0xC8, v5  }
0x3a: {  	v4 =	vnsel vm3, $0xC8, v5;
	vm1 =	veq.s32 v7, $0x0;
	vm0 =	vlt.s32 v12, v2  }
0x3b: {  	s0 =	simm.s32 $0x1;
	s1 =	simm.s32 $0xC0;
	v7 =	vimm.s32 $0xC8;
	v2 =	vsel vm0, v12, v2;
	vm0 =	vlt.s32 v12, v4  }
.LBB2_2:
0x3c: {  	v16 =	vld [tilespmem:s1+$0xFFFFFFD0];
	p0 =	sne.s32 s0, $0xC7;
	vm3 =	vlt.s32 v12, v13;
	v17 =	vnsel vm1, $0xC8, v5;
	v3 =	vsel vm0, v3, v4;
	s4 =	smov.u32 s0;
	s0 =	sadd.s32 $0x1, s0  }
0x3d: {  	vm0 =	veq.s32 v8, $0x0;
	v4 =	vld [tilespmem:s1+$0x30];
	v12 =	vsel vm3, v12, v13;
	vm1 =	vlt.s32 v6, v17  }
0x3e: {  	vm3 =	veq.s32 v15, $0x0;
	v8 =	vnsel vm0, $0xC8, v5;
	v13 =	vld [tilespmem:s1+$0x20];
	vm4 =	veq.s32 v11, $0x0  }
0x3f: {  	v19 =	vnsel vm2, $0xC8, v5;
	vm0 =	vlt.s32 v7, v8;
	v18 =	vld [tilespmem:s1+$0x10];
	v11 =	vnsel vm4, $0xC8, v5  }
0x40: {  	vm2 =	vlt.s32 v9, v19;
	v21 =	vnsel vm3, $0xC8, v5;
	v7 =	vsel vm0, v7, v8;
	v20 =	vld [tilespmem:s1+$0xFFFFFFF0]  }
0x41: {  	v5 =	vmov s4;
	vm3 =	vlt.s32 v10, v11;
	vm0 =	veq.s32 v16, $0x0;
	v8 =	vld [tilespmem:s1+$0x0]  }
.Ltmp2:
0x42: {  	v6 =	vsel vm1, v6, v17;
	vm4 =	vlt.s32 v14, v21;
	v10 =	vsel vm3, v10, v11;
	v15 =	vld [tilespmem:s1+$0xFFFFFFC0];
	(pc) =	sbr.rel @p0 .LBB2_2-.Ltmp2, $4  }
0x43: {  	v14 =	vsel vm4, v14, v21;
	vm3 =	veq.s32 v4, $0x0;
	vm1 =	veq.s32 v13, $0x0  }
0x44: {  	v9 =	vsel vm2, v9, v19;
	v13 =	vnsel vm0, $0xC8, v5;
	v11 =	vld [tilespmem:s1+$0xFFFFFFE0];
	v16 =	vnsel vm1, $0xC8, v5  }
0x45: {  	v4 =	vnsel vm3, $0xC8, v5;
	vm2 =	veq.s32 v20, $0x0;
	vm0 =	vlt.s32 v2, v16  }
0x46: {  	vm1 =	veq.s32 v18, $0x0;
	s1 =	sadd.s32 $0x80, s1;
	v2 =	vsel vm0, v2, v16;
	vm0 =	vlt.s32 v3, v4  }
0x47: {  	vm3 =	veq.s32 v15, $0x0  }
0x48: {  	v15 =	vnsel vm3, $0xC8, v5  }
0x49: {  	vm3 =	vlt.s32 v14, v15  }
0x4a: {  	v14 =	vsel vm3, v14, v15  }
0x4b: {  	(v2sf) =	vpush v14, $0x0;
	_ =	sdelay $0x1  }
0x4c: {  	(v2sf) =	vpush v14, $0x1  }
0x4d: {  	(v2sf) =	vpush v14, $0x2;
	_ =	sdelay $0xb  }
0x4e: {  	s0 =	spop (v2sf)  }
0x4f: {  	s1 =	sshll.u32 s0, $0x6;
	p0 =	sgt.s32 s0, $0xC7  }
0x50: {  	s9 =	spop (v2sf);
	[smem:$0x0] =	sst s1;
	s1 =	simm.s32 @!p0 $0x0  }
0x51: {  	s4 =	sshll.u32 s9, $0x6;
	p1 =	sgt.s32 s9, $0xC7;
	s10 =	spop (v2sf)  }
0x52: {  	[smem:$0x80] =	sst @!p0 s1;
	p0 =	slt.s32 s0, $0xC8;
	s1 =	simm.s32 $0x1  }
0x53: {  	s0 =	simm.s32 $0x2;
	s6 =	sshll.u32 s10, $0x6;
	s1 =	simm.s32 @!p0 $0x0  }
0x54: {  	[smem:$0x1] =	sst s4;
	s4 =	simm.s32 @!p1 $0x1;
	s0 =	simm.s32 @!p0 $0x1  }
0x55: {  	p0 =	sgt.s32 s10, $0xC7;
	[smem:s1+$0x80] =	sst @!p1 s4;
	p1 =	slt.s32 s9, $0xC8  }
0x56: {  	s1 =	smov.u32 @p1 s0;
	[smem:$0x2] =	sst s6;
	s0 =	simm.s32 @!p0 $0x2  }
0x57: {  	[smem:s1+$0x80] =	sst @!p0 s0  }
0x58: {  	(v2sf) =	vpush v14, $0x3;
	_ =	sdelay $0x2  }
0x59: {  	(v2sf) =	vpush v14, $0x4  }
0x5a: {  	(v2sf) =	vpush v14, $0x5;
	_ =	sdelay $0x4  }
0x5b: {  	(v2sf) =	vpush v14, $0x6;
	_ =	sdelay $0x5  }
0x5c: {  	p0 =	slt.s32 s10, $0xC8;
	s0 =	simm.s32 $0x1;
	s11 =	spop (v2sf);
	(v2sf) =	vpush v14, $0x7  }
0x5d: {  	s0 =	simm.s32 @!p0 $0x0  }
0x5e: {  	s0 =	sadd.s32 s0, s1;
	s12 =	sshll.u32 s11, $0x6;
	(v2sf) =	vpush v14, $0x8  }
0x5f: {  	p0 =	sgt.s32 s11, $0xC7;
	s13 =	spop (v2sf);
	[smem:$0x3] =	sst s12;
	(v2sf) =	vpush v14, $0x9  }
0x60: {  	s1 =	simm.s32 @!p0 $0x3;
	s19 =	sshll.u32 s13, $0x6;
	s20 =	spop (v2sf)  }
0x61: {  	[smem:s0+$0x80] =	sst @!p0 s1;
	p0 =	slt.s32 s11, $0xC8;
	s1 =	simm.s32 $0x1  }
0x62: {  	s21 =	sshll.u32 s20, $0x6;
	(v2sf) =	vpush v14, $0xA;
	s1 =	simm.s32 @!p0 $0x0;
	p0 =	sgt.s32 s13, $0xC7  }
0x63: {  	[smem:$0x4] =	sst s19;
	s0 =	sadd.s32 s1, s0;
	s1 =	simm.s32 @!p0 $0x4  }
0x64: {  	[smem:s0+$0x80] =	sst @!p0 s1;
	p0 =	slt.s32 s13, $0xC8;
	s1 =	simm.s32 $0x1  }
0x65: {  	s24 =	spop (v2sf);
	s1 =	simm.s32 @!p0 $0x0;
	p0 =	sgt.s32 s20, $0xC7  }
0x66: {  	[smem:$0x5] =	sst s21;
	s0 =	sadd.s32 s1, s0;
	s1 =	simm.s32 @!p0 $0x5  }
0x67: {  	[smem:s0+$0x80] =	sst @!p0 s1;
	p0 =	slt.s32 s20, $0xC8;
	s1 =	simm.s32 $0x1  }
0x68: {  	s28 =	sshll.u32 s24, $0x6;
	s1 =	simm.s32 @!p0 $0x0;
	p0 =	sgt.s32 s24, $0xC7  }
0x69: {  	[smem:$0x6] =	sst s28;
	s0 =	sadd.s32 s1, s0;
	s1 =	simm.s32 @!p0 $0x6  }
0x6a: {  	[smem:s0+$0x80] =	sst @!p0 s1  }
0x6b: {  	p0 =	slt.s32 s24, $0xC8;
	s1 =	simm.s32 $0x1;
	s29 =	spop (v2sf);
	(v2sf) =	vpush v14, $0xB  }
0x6c: {  	s1 =	simm.s32 @!p0 $0x0  }
0x6d: {  	s0 =	sadd.s32 s1, s0;
	s31 =	spop (v2sf);
	(v2sf) =	vpush v14, $0xC  }
0x6e: {  	s30 =	sshll.u32 s29, $0x6;
	p0 =	sgt.s32 s29, $0xC7;
	s8 =	spop (v2sf);
	(v2sf) =	vpush v14, $0xD  }
0x6f: {  	[smem:$0x7] =	sst s30;
	s1 =	simm.s32 @!p0 $0x7;
	s7 =	sshll.u32 s31, $0x6  }
0x70: {  	[smem:s0+$0x80] =	sst @!p0 s1;
	p0 =	slt.s32 s29, $0xC8;
	s1 =	simm.s32 $0x1  }
0x71: {  	s10 =	spop (v2sf);
	(v2sf) =	vpush v14, $0xE;
	s1 =	simm.s32 @!p0 $0x0;
	p0 =	sgt.s32 s31, $0xC7  }
0x72: {  	[smem:$0x8] =	sst s7;
	s0 =	sadd.s32 s1, s0;
	s1 =	simm.s32 @!p0 $0x8  }
0x73: {  	[smem:s0+$0x80] =	sst @!p0 s1;
	p0 =	slt.s32 s31, $0xC8;
	s1 =	simm.s32 $0x1  }
0x74: {  	s9 =	sshll.u32 s8, $0x6;
	s1 =	simm.s32 @!p0 $0x0;
	p0 =	sgt.s32 s8, $0xC7  }
0x75: {  	[smem:$0x9] =	sst s9;
	s0 =	sadd.s32 s1, s0;
	s1 =	simm.s32 @!p0 $0x9  }
0x76: {  	[smem:s0+$0x80] =	sst @!p0 s1;
	p0 =	slt.s32 s8, $0xC8;
	s1 =	simm.s32 $0x1  }
0x77: {  	s11 =	sshll.u32 s10, $0x6;
	s1 =	simm.s32 @!p0 $0x0;
	p0 =	sgt.s32 s10, $0xC7  }
0x78: {  	[smem:$0xA] =	sst s11;
	s0 =	sadd.s32 s1, s0;
	s1 =	simm.s32 @!p0 $0xA  }
0x79: {  	[smem:s0+$0x80] =	sst @!p0 s1  }
0x7a: {  	vm13 =	vlt.s32 v12, v13;
	p0 =	slt.s32 s10, $0xC8;
	s1 =	simm.s32 $0x1;
	s12 =	spop (v2sf);
	(v2sf) =	vpush v14, $0xF  }
0x7b: {  	v12 =	vsel vm13, v12, v13;
	s1 =	simm.s32 @!p0 $0x0  }
0x7c: {  	s0 =	sadd.s32 s1, s0;
	s19 =	spop (v2sf);
	(v2sf) =	vpush v12, $0x0  }
0x7d: {  	s13 =	sshll.u32 s12, $0x6;
	p0 =	sgt.s32 s12, $0xC7;
	s21 =	spop (v2sf);
	(v2sf) =	vpush v12, $0x1  }
0x7e: {  	[smem:$0xB] =	sst s13;
	s1 =	simm.s32 @!p0 $0xB;
	s20 =	sshll.u32 s19, $0x6  }
0x7f: {  	[smem:s0+$0x80] =	sst @!p0 s1;
	p0 =	slt.s32 s12, $0xC8;
	s1 =	simm.s32 $0x1  }
0x80: {  	s28 =	spop (v2sf);
	(v2sf) =	vpush v12, $0x2;
	s1 =	simm.s32 @!p0 $0x0;
	p0 =	sgt.s32 s19, $0xC7  }
0x81: {  	[smem:$0xC] =	sst s20;
	s0 =	sadd.s32 s1, s0;
	s1 =	simm.s32 @!p0 $0xC  }
0x82: {  	[smem:s0+$0x80] =	sst @!p0 s1;
	p0 =	slt.s32 s19, $0xC8;
	s1 =	simm.s32 $0x1  }
0x83: {  	s24 =	sshll.u32 s21, $0x6;
	s1 =	simm.s32 @!p0 $0x0;
	p0 =	sgt.s32 s21, $0xC7  }
0x84: {  	[smem:$0xD] =	sst s24;
	s0 =	sadd.s32 s1, s0;
	s1 =	simm.s32 @!p0 $0xD  }
0x85: {  	[smem:s0+$0x80] =	sst @!p0 s1;
	p0 =	slt.s32 s21, $0xC8;
	s1 =	simm.s32 $0x1  }
0x86: {  	s29 =	sshll.u32 s28, $0x6;
	s1 =	simm.s32 @!p0 $0x0;
	p0 =	sgt.s32 s28, $0xC7  }
0x87: {  	[smem:$0xE] =	sst s29;
	s0 =	sadd.s32 s1, s0;
	s1 =	simm.s32 @!p0 $0xE  }
0x88: {  	[smem:s0+$0x80] =	sst @!p0 s1  }
0x89: {  	p0 =	slt.s32 s28, $0xC8;
	s1 =	simm.s32 $0x1;
	s30 =	spop (v2sf);
	(v2sf) =	vpush v12, $0x3  }
0x8a: {  	s1 =	simm.s32 @!p0 $0x0  }
0x8b: {  	s0 =	sadd.s32 s1, s0;
	s7 =	spop (v2sf);
	(v2sf) =	vpush v12, $0x4  }
0x8c: {  	s31 =	sshll.u32 s30, $0x6;
	p0 =	sgt.s32 s30, $0xC7;
	s9 =	spop (v2sf);
	(v2sf) =	vpush v12, $0x5  }
0x8d: {  	[smem:$0xF] =	sst s31;
	s1 =	simm.s32 @!p0 $0xF;
	s8 =	sshll.u32 s7, $0x6  }
0x8e: {  	[smem:s0+$0x80] =	sst @!p0 s1;
	p0 =	slt.s32 s30, $0xC8;
	s1 =	simm.s32 $0x1  }
0x8f: {  	s11 =	spop (v2sf);
	(v2sf) =	vpush v12, $0x6;
	s1 =	simm.s32 @!p0 $0x0;
	p0 =	sgt.s32 s7, $0xC7  }
0x90: {  	[smem:$0x10] =	sst s8;
	s0 =	sadd.s32 s1, s0;
	s1 =	simm.s32 @!p0 $0x10  }
0x91: {  	[smem:s0+$0x80] =	sst @!p0 s1;
	p0 =	slt.s32 s7, $0xC8;
	s1 =	simm.s32 $0x1  }
0x92: {  	s10 =	sshll.u32 s9, $0x6;
	s1 =	simm.s32 @!p0 $0x0;
	p0 =	sgt.s32 s9, $0xC7  }
0x93: {  	[smem:$0x11] =	sst s10;
	s0 =	sadd.s32 s1, s0;
	s1 =	simm.s32 @!p0 $0x11  }
0x94: {  	[smem:s0+$0x80] =	sst @!p0 s1;
	p0 =	slt.s32 s9, $0xC8;
	s1 =	simm.s32 $0x1  }
0x95: {  	s12 =	sshll.u32 s11, $0x6;
	s1 =	simm.s32 @!p0 $0x0;
	p0 =	sgt.s32 s11, $0xC7  }
0x96: {  	[smem:$0x12] =	sst s12;
	s0 =	sadd.s32 s1, s0;
	s1 =	simm.s32 @!p0 $0x12  }
0x97: {  	[smem:s0+$0x80] =	sst @!p0 s1  }
0x98: {  	p0 =	slt.s32 s11, $0xC8;
	s1 =	simm.s32 $0x1;
	s13 =	spop (v2sf);
	(v2sf) =	vpush v12, $0x7  }
0x99: {  	s1 =	simm.s32 @!p0 $0x0  }
0x9a: {  	s0 =	sadd.s32 s1, s0;
	s20 =	spop (v2sf);
	(v2sf) =	vpush v12, $0x8  }
0x9b: {  	s19 =	sshll.u32 s13, $0x6;
	p0 =	sgt.s32 s13, $0xC7;
	s24 =	spop (v2sf);
	(v2sf) =	vpush v12, $0x9  }
0x9c: {  	[smem:$0x13] =	sst s19;
	s1 =	simm.s32 @!p0 $0x13;
	s21 =	sshll.u32 s20, $0x6  }
0x9d: {  	[smem:s0+$0x80] =	sst @!p0 s1;
	p0 =	slt.s32 s13, $0xC8;
	s1 =	simm.s32 $0x1  }
0x9e: {  	s29 =	spop (v2sf);
	(v2sf) =	vpush v12, $0xA;
	s1 =	simm.s32 @!p0 $0x0;
	p0 =	sgt.s32 s20, $0xC7  }
0x9f: {  	[smem:$0x14] =	sst s21;
	s0 =	sadd.s32 s1, s0;
	s1 =	simm.s32 @!p0 $0x14  }
0xa0: {  	[smem:s0+$0x80] =	sst @!p0 s1;
	p0 =	slt.s32 s20, $0xC8;
	s1 =	simm.s32 $0x1  }
0xa1: {  	s28 =	sshll.u32 s24, $0x6;
	s1 =	simm.s32 @!p0 $0x0;
	p0 =	sgt.s32 s24, $0xC7  }
0xa2: {  	[smem:$0x15] =	sst s28;
	s0 =	sadd.s32 s1, s0;
	s1 =	simm.s32 @!p0 $0x15  }
0xa3: {  	[smem:s0+$0x80] =	sst @!p0 s1;
	p0 =	slt.s32 s24, $0xC8;
	s1 =	simm.s32 $0x1  }
0xa4: {  	s30 =	sshll.u32 s29, $0x6;
	s1 =	simm.s32 @!p0 $0x0;
	p0 =	sgt.s32 s29, $0xC7  }
0xa5: {  	[smem:$0x16] =	sst s30;
	s0 =	sadd.s32 s1, s0;
	s1 =	simm.s32 @!p0 $0x16  }
0xa6: {  	[smem:s0+$0x80] =	sst @!p0 s1  }
0xa7: {  	p0 =	slt.s32 s29, $0xC8;
	s1 =	simm.s32 $0x1;
	s31 =	spop (v2sf);
	(v2sf) =	vpush v12, $0xB  }
0xa8: {  	s1 =	simm.s32 @!p0 $0x0  }
0xa9: {  	s0 =	sadd.s32 s1, s0;
	s8 =	spop (v2sf);
	(v2sf) =	vpush v12, $0xC  }
0xaa: {  	s7 =	sshll.u32 s31, $0x6;
	p0 =	sgt.s32 s31, $0xC7;
	s10 =	spop (v2sf);
	(v2sf) =	vpush v12, $0xD  }
0xab: {  	[smem:$0x17] =	sst s7;
	s1 =	simm.s32 @!p0 $0x17;
	s9 =	sshll.u32 s8, $0x6  }
0xac: {  	[smem:s0+$0x80] =	sst @!p0 s1;
	p0 =	slt.s32 s31, $0xC8;
	s1 =	simm.s32 $0x1  }
0xad: {  	s12 =	spop (v2sf);
	(v2sf) =	vpush v12, $0xE;
	s1 =	simm.s32 @!p0 $0x0;
	p0 =	sgt.s32 s8, $0xC7  }
0xae: {  	[smem:$0x18] =	sst s9;
	s0 =	sadd.s32 s1, s0;
	s1 =	simm.s32 @!p0 $0x18  }
0xaf: {  	[smem:s0+$0x80] =	sst @!p0 s1;
	p0 =	slt.s32 s8, $0xC8;
	s1 =	simm.s32 $0x1  }
0xb0: {  	s11 =	sshll.u32 s10, $0x6;
	s1 =	simm.s32 @!p0 $0x0;
	p0 =	sgt.s32 s10, $0xC7  }
0xb1: {  	[smem:$0x19] =	sst s11;
	s0 =	sadd.s32 s1, s0;
	s1 =	simm.s32 @!p0 $0x19  }
0xb2: {  	[smem:s0+$0x80] =	sst @!p0 s1;
	p0 =	slt.s32 s10, $0xC8;
	s1 =	simm.s32 $0x1  }
0xb3: {  	s13 =	sshll.u32 s12, $0x6;
	s1 =	simm.s32 @!p0 $0x0;
	p0 =	sgt.s32 s12, $0xC7  }
0xb4: {  	vm14 =	veq.s32 v11, $0x0;
	[smem:$0x1A] =	sst s13;
	s0 =	sadd.s32 s1, s0;
	s1 =	simm.s32 @!p0 $0x1A  }
0xb5: {  	v11 =	vnsel vm14, $0xC8, v5;
	[smem:s0+$0x80] =	sst @!p0 s1  }
0xb6: {  	vm3 =	vlt.s32 v10, v11;
	p0 =	slt.s32 s12, $0xC8;
	s1 =	simm.s32 $0x1;
	s19 =	spop (v2sf);
	(v2sf) =	vpush v12, $0xF  }
0xb7: {  	v10 =	vsel vm3, v10, v11;
	s1 =	simm.s32 @!p0 $0x0  }
0xb8: {  	s0 =	sadd.s32 s1, s0;
	s21 =	spop (v2sf);
	(v2sf) =	vpush v10, $0x0  }
0xb9: {  	s20 =	sshll.u32 s19, $0x6;
	p0 =	sgt.s32 s19, $0xC7;
	s28 =	spop (v2sf);
	(v2sf) =	vpush v10, $0x1  }
0xba: {  	[smem:$0x1B] =	sst s20;
	s1 =	simm.s32 @!p0 $0x1B;
	s24 =	sshll.u32 s21, $0x6  }
0xbb: {  	[smem:s0+$0x80] =	sst @!p0 s1;
	p0 =	slt.s32 s19, $0xC8;
	s1 =	simm.s32 $0x1  }
0xbc: {  	s30 =	spop (v2sf);
	(v2sf) =	vpush v10, $0x2;
	s1 =	simm.s32 @!p0 $0x0;
	p0 =	sgt.s32 s21, $0xC7  }
0xbd: {  	[smem:$0x1C] =	sst s24;
	s0 =	sadd.s32 s1, s0;
	s1 =	simm.s32 @!p0 $0x1C  }
0xbe: {  	[smem:s0+$0x80] =	sst @!p0 s1;
	p0 =	slt.s32 s21, $0xC8;
	s1 =	simm.s32 $0x1  }
0xbf: {  	s29 =	sshll.u32 s28, $0x6;
	s1 =	simm.s32 @!p0 $0x0;
	p0 =	sgt.s32 s28, $0xC7  }
0xc0: {  	[smem:$0x1D] =	sst s29;
	s0 =	sadd.s32 s1, s0;
	s1 =	simm.s32 @!p0 $0x1D  }
0xc1: {  	[smem:s0+$0x80] =	sst @!p0 s1;
	p0 =	slt.s32 s28, $0xC8;
	s1 =	simm.s32 $0x1  }
0xc2: {  	s31 =	sshll.u32 s30, $0x6;
	s1 =	simm.s32 @!p0 $0x0;
	p0 =	sgt.s32 s30, $0xC7  }
0xc3: {  	[smem:$0x1E] =	sst s31;
	s0 =	sadd.s32 s1, s0;
	s1 =	simm.s32 @!p0 $0x1E  }
0xc4: {  	[smem:s0+$0x80] =	sst @!p0 s1  }
0xc5: {  	p0 =	slt.s32 s30, $0xC8;
	s1 =	simm.s32 $0x1;
	s7 =	spop (v2sf);
	(v2sf) =	vpush v10, $0x3  }
0xc6: {  	s1 =	simm.s32 @!p0 $0x0  }
0xc7: {  	s0 =	sadd.s32 s1, s0;
	s9 =	spop (v2sf);
	(v2sf) =	vpush v10, $0x4  }
0xc8: {  	s8 =	sshll.u32 s7, $0x6;
	p0 =	sgt.s32 s7, $0xC7;
	s11 =	spop (v2sf);
	(v2sf) =	vpush v10, $0x5  }
0xc9: {  	[smem:$0x1F] =	sst s8;
	s1 =	simm.s32 @!p0 $0x1F;
	s10 =	sshll.u32 s9, $0x6  }
0xca: {  	[smem:s0+$0x80] =	sst @!p0 s1;
	p0 =	slt.s32 s7, $0xC8;
	s1 =	simm.s32 $0x1  }
0xcb: {  	s13 =	spop (v2sf);
	(v2sf) =	vpush v10, $0x6;
	s1 =	simm.s32 @!p0 $0x0;
	p0 =	sgt.s32 s9, $0xC7  }
0xcc: {  	[smem:$0x20] =	sst s10;
	s0 =	sadd.s32 s1, s0;
	s1 =	simm.s32 @!p0 $0x20  }
0xcd: {  	[smem:s0+$0x80] =	sst @!p0 s1;
	p0 =	slt.s32 s9, $0xC8;
	s1 =	simm.s32 $0x1  }
0xce: {  	s12 =	sshll.u32 s11, $0x6;
	s1 =	simm.s32 @!p0 $0x0;
	p0 =	sgt.s32 s11, $0xC7  }
0xcf: {  	[smem:$0x21] =	sst s12;
	s0 =	sadd.s32 s1, s0;
	s1 =	simm.s32 @!p0 $0x21  }
0xd0: {  	[smem:s0+$0x80] =	sst @!p0 s1;
	p0 =	slt.s32 s11, $0xC8;
	s1 =	simm.s32 $0x1  }
0xd1: {  	s19 =	sshll.u32 s13, $0x6;
	s1 =	simm.s32 @!p0 $0x0;
	p0 =	sgt.s32 s13, $0xC7  }
0xd2: {  	[smem:$0x22] =	sst s19;
	s0 =	sadd.s32 s1, s0;
	s1 =	simm.s32 @!p0 $0x22  }
0xd3: {  	[smem:s0+$0x80] =	sst @!p0 s1  }
0xd4: {  	p0 =	slt.s32 s13, $0xC8;
	s1 =	simm.s32 $0x1;
	s20 =	spop (v2sf);
	(v2sf) =	vpush v10, $0x7  }
0xd5: {  	s1 =	simm.s32 @!p0 $0x0  }
0xd6: {  	s0 =	sadd.s32 s1, s0;
	s24 =	spop (v2sf);
	(v2sf) =	vpush v10, $0x8  }
0xd7: {  	s21 =	sshll.u32 s20, $0x6;
	p0 =	sgt.s32 s20, $0xC7;
	s29 =	spop (v2sf);
	(v2sf) =	vpush v10, $0x9  }
0xd8: {  	[smem:$0x23] =	sst s21;
	s1 =	simm.s32 @!p0 $0x23;
	s28 =	sshll.u32 s24, $0x6  }
0xd9: {  	[smem:s0+$0x80] =	sst @!p0 s1;
	p0 =	slt.s32 s20, $0xC8;
	s1 =	simm.s32 $0x1  }
0xda: {  	s31 =	spop (v2sf);
	(v2sf) =	vpush v10, $0xA;
	s1 =	simm.s32 @!p0 $0x0;
	p0 =	sgt.s32 s24, $0xC7  }
0xdb: {  	[smem:$0x24] =	sst s28;
	s0 =	sadd.s32 s1, s0;
	s1 =	simm.s32 @!p0 $0x24  }
0xdc: {  	[smem:s0+$0x80] =	sst @!p0 s1;
	p0 =	slt.s32 s24, $0xC8;
	s1 =	simm.s32 $0x1  }
0xdd: {  	s30 =	sshll.u32 s29, $0x6;
	s1 =	simm.s32 @!p0 $0x0;
	p0 =	sgt.s32 s29, $0xC7  }
0xde: {  	[smem:$0x25] =	sst s30;
	s0 =	sadd.s32 s1, s0;
	s1 =	simm.s32 @!p0 $0x25  }
0xdf: {  	[smem:s0+$0x80] =	sst @!p0 s1;
	p0 =	slt.s32 s29, $0xC8;
	s1 =	simm.s32 $0x1  }
0xe0: {  	s7 =	sshll.u32 s31, $0x6;
	s1 =	simm.s32 @!p0 $0x0;
	p0 =	sgt.s32 s31, $0xC7  }
0xe1: {  	[smem:$0x26] =	sst s7;
	s0 =	sadd.s32 s1, s0;
	s1 =	simm.s32 @!p0 $0x26  }
0xe2: {  	[smem:s0+$0x80] =	sst @!p0 s1  }
0xe3: {  	p0 =	slt.s32 s31, $0xC8;
	s1 =	simm.s32 $0x1;
	s8 =	spop (v2sf);
	(v2sf) =	vpush v10, $0xB  }
0xe4: {  	s1 =	simm.s32 @!p0 $0x0  }
0xe5: {  	s0 =	sadd.s32 s1, s0;
	s10 =	spop (v2sf);
	(v2sf) =	vpush v10, $0xC  }
0xe6: {  	s9 =	sshll.u32 s8, $0x6;
	p0 =	sgt.s32 s8, $0xC7;
	s12 =	spop (v2sf);
	(v2sf) =	vpush v10, $0xD  }
0xe7: {  	[smem:$0x27] =	sst s9;
	s1 =	simm.s32 @!p0 $0x27;
	s11 =	sshll.u32 s10, $0x6  }
0xe8: {  	[smem:s0+$0x80] =	sst @!p0 s1;
	p0 =	slt.s32 s8, $0xC8;
	s1 =	simm.s32 $0x1  }
0xe9: {  	s19 =	spop (v2sf);
	(v2sf) =	vpush v10, $0xE;
	s1 =	simm.s32 @!p0 $0x0;
	p0 =	sgt.s32 s10, $0xC7  }
0xea: {  	[smem:$0x28] =	sst s11;
	s0 =	sadd.s32 s1, s0;
	s1 =	simm.s32 @!p0 $0x28  }
0xeb: {  	[smem:s0+$0x80] =	sst @!p0 s1;
	p0 =	slt.s32 s10, $0xC8;
	s1 =	simm.s32 $0x1  }
0xec: {  	s13 =	sshll.u32 s12, $0x6;
	s1 =	simm.s32 @!p0 $0x0;
	p0 =	sgt.s32 s12, $0xC7  }
0xed: {  	[smem:$0x29] =	sst s13;
	s0 =	sadd.s32 s1, s0;
	s1 =	simm.s32 @!p0 $0x29  }
0xee: {  	[smem:s0+$0x80] =	sst @!p0 s1;
	p0 =	slt.s32 s12, $0xC8;
	s1 =	simm.s32 $0x1  }
0xef: {  	s20 =	sshll.u32 s19, $0x6;
	s1 =	simm.s32 @!p0 $0x0;
	p0 =	sgt.s32 s19, $0xC7  }
0xf0: {  	[smem:$0x2A] =	sst s20;
	s0 =	sadd.s32 s1, s0;
	s1 =	simm.s32 @!p0 $0x2A  }
0xf1: {  	v62 =	vnsel vm2, $0xC8, v5;
	[smem:s0+$0x80] =	sst @!p0 s1  }
0xf2: {  	vm2 =	vlt.s32 v9, v62;
	p0 =	slt.s32 s19, $0xC8;
	s1 =	simm.s32 $0x1;
	s21 =	spop (v2sf);
	(v2sf) =	vpush v10, $0xF  }
0xf3: {  	v9 =	vsel vm2, v9, v62;
	s1 =	simm.s32 @!p0 $0x0  }
0xf4: {  	s0 =	sadd.s32 s1, s0;
	s28 =	spop (v2sf);
	(v2sf) =	vpush v9, $0x0  }
0xf5: {  	s24 =	sshll.u32 s21, $0x6;
	p0 =	sgt.s32 s21, $0xC7;
	s30 =	spop (v2sf);
	(v2sf) =	vpush v9, $0x1  }
0xf6: {  	[smem:$0x2B] =	sst s24;
	s1 =	simm.s32 @!p0 $0x2B;
	s29 =	sshll.u32 s28, $0x6  }
0xf7: {  	[smem:s0+$0x80] =	sst @!p0 s1;
	p0 =	slt.s32 s21, $0xC8;
	s1 =	simm.s32 $0x1  }
0xf8: {  	s7 =	spop (v2sf);
	(v2sf) =	vpush v9, $0x2;
	s1 =	simm.s32 @!p0 $0x0;
	p0 =	sgt.s32 s28, $0xC7  }
0xf9: {  	[smem:$0x2C] =	sst s29;
	s0 =	sadd.s32 s1, s0;
	s1 =	simm.s32 @!p0 $0x2C  }
0xfa: {  	[smem:s0+$0x80] =	sst @!p0 s1;
	p0 =	slt.s32 s28, $0xC8;
	s1 =	simm.s32 $0x1  }
0xfb: {  	s31 =	sshll.u32 s30, $0x6;
	s1 =	simm.s32 @!p0 $0x0;
	p0 =	sgt.s32 s30, $0xC7  }
0xfc: {  	[smem:$0x2D] =	sst s31;
	s0 =	sadd.s32 s1, s0;
	s1 =	simm.s32 @!p0 $0x2D  }
0xfd: {  	[smem:s0+$0x80] =	sst @!p0 s1;
	p0 =	slt.s32 s30, $0xC8;
	s1 =	simm.s32 $0x1  }
0xfe: {  	s8 =	sshll.u32 s7, $0x6;
	s1 =	simm.s32 @!p0 $0x0;
	p0 =	sgt.s32 s7, $0xC7  }
0xff: {  	[smem:$0x2E] =	sst s8;
	s0 =	sadd.s32 s1, s0;
	s1 =	simm.s32 @!p0 $0x2E  }
0x100: {  	[smem:s0+$0x80] =	sst @!p0 s1  }
0x101: {  	p0 =	slt.s32 s7, $0xC8;
	s1 =	simm.s32 $0x1;
	s9 =	spop (v2sf);
	(v2sf) =	vpush v9, $0x3  }
0x102: {  	s1 =	simm.s32 @!p0 $0x0  }
0x103: {  	s0 =	sadd.s32 s1, s0;
	s11 =	spop (v2sf);
	(v2sf) =	vpush v9, $0x4  }
0x104: {  	s10 =	sshll.u32 s9, $0x6;
	p0 =	sgt.s32 s9, $0xC7;
	s13 =	spop (v2sf);
	(v2sf) =	vpush v9, $0x5  }
0x105: {  	[smem:$0x2F] =	sst s10;
	s1 =	simm.s32 @!p0 $0x2F;
	s12 =	sshll.u32 s11, $0x6  }
0x106: {  	[smem:s0+$0x80] =	sst @!p0 s1;
	p0 =	slt.s32 s9, $0xC8;
	s1 =	simm.s32 $0x1  }
0x107: {  	s20 =	spop (v2sf);
	(v2sf) =	vpush v9, $0x6;
	s1 =	simm.s32 @!p0 $0x0;
	p0 =	sgt.s32 s11, $0xC7  }
0x108: {  	[smem:$0x30] =	sst s12;
	s0 =	sadd.s32 s1, s0;
	s1 =	simm.s32 @!p0 $0x30  }
0x109: {  	[smem:s0+$0x80] =	sst @!p0 s1;
	p0 =	slt.s32 s11, $0xC8;
	s1 =	simm.s32 $0x1  }
0x10a: {  	s19 =	sshll.u32 s13, $0x6;
	s1 =	simm.s32 @!p0 $0x0;
	p0 =	sgt.s32 s13, $0xC7  }
0x10b: {  	[smem:$0x31] =	sst s19;
	s0 =	sadd.s32 s1, s0;
	s1 =	simm.s32 @!p0 $0x31  }
0x10c: {  	[smem:s0+$0x80] =	sst @!p0 s1;
	p0 =	slt.s32 s13, $0xC8;
	s1 =	simm.s32 $0x1  }
0x10d: {  	s21 =	sshll.u32 s20, $0x6;
	s1 =	simm.s32 @!p0 $0x0;
	p0 =	sgt.s32 s20, $0xC7  }
0x10e: {  	[smem:$0x32] =	sst s21;
	s0 =	sadd.s32 s1, s0;
	s1 =	simm.s32 @!p0 $0x32  }
0x10f: {  	[smem:s0+$0x80] =	sst @!p0 s1  }
0x110: {  	p0 =	slt.s32 s20, $0xC8;
	s1 =	simm.s32 $0x1;
	s24 =	spop (v2sf);
	(v2sf) =	vpush v9, $0x7  }
0x111: {  	s1 =	simm.s32 @!p0 $0x0  }
0x112: {  	s0 =	sadd.s32 s1, s0;
	s29 =	spop (v2sf);
	(v2sf) =	vpush v9, $0x8  }
0x113: {  	s28 =	sshll.u32 s24, $0x6;
	p0 =	sgt.s32 s24, $0xC7;
	s31 =	spop (v2sf);
	(v2sf) =	vpush v9, $0x9  }
0x114: {  	[smem:$0x33] =	sst s28;
	s1 =	simm.s32 @!p0 $0x33;
	s30 =	sshll.u32 s29, $0x6  }
0x115: {  	[smem:s0+$0x80] =	sst @!p0 s1;
	p0 =	slt.s32 s24, $0xC8;
	s1 =	simm.s32 $0x1  }
0x116: {  	s8 =	spop (v2sf);
	(v2sf) =	vpush v9, $0xA;
	s1 =	simm.s32 @!p0 $0x0;
	p0 =	sgt.s32 s29, $0xC7  }
0x117: {  	[smem:$0x34] =	sst s30;
	s0 =	sadd.s32 s1, s0;
	s1 =	simm.s32 @!p0 $0x34  }
0x118: {  	[smem:s0+$0x80] =	sst @!p0 s1;
	p0 =	slt.s32 s29, $0xC8;
	s1 =	simm.s32 $0x1  }
0x119: {  	s7 =	sshll.u32 s31, $0x6;
	s1 =	simm.s32 @!p0 $0x0;
	p0 =	sgt.s32 s31, $0xC7  }
0x11a: {  	[smem:$0x35] =	sst s7;
	s0 =	sadd.s32 s1, s0;
	s1 =	simm.s32 @!p0 $0x35  }
0x11b: {  	[smem:s0+$0x80] =	sst @!p0 s1;
	p0 =	slt.s32 s31, $0xC8;
	s1 =	simm.s32 $0x1  }
0x11c: {  	s9 =	sshll.u32 s8, $0x6;
	s1 =	simm.s32 @!p0 $0x0;
	p0 =	sgt.s32 s8, $0xC7  }
0x11d: {  	[smem:$0x36] =	sst s9;
	s0 =	sadd.s32 s1, s0;
	s1 =	simm.s32 @!p0 $0x36  }
0x11e: {  	[smem:s0+$0x80] =	sst @!p0 s1  }
0x11f: {  	p0 =	slt.s32 s8, $0xC8;
	s1 =	simm.s32 $0x1;
	s10 =	spop (v2sf);
	(v2sf) =	vpush v9, $0xB  }
0x120: {  	s1 =	simm.s32 @!p0 $0x0  }
0x121: {  	s0 =	sadd.s32 s1, s0;
	s12 =	spop (v2sf);
	(v2sf) =	vpush v9, $0xC  }
0x122: {  	s11 =	sshll.u32 s10, $0x6;
	p0 =	sgt.s32 s10, $0xC7;
	s19 =	spop (v2sf);
	(v2sf) =	vpush v9, $0xD  }
0x123: {  	[smem:$0x37] =	sst s11;
	s1 =	simm.s32 @!p0 $0x37;
	s13 =	sshll.u32 s12, $0x6  }
0x124: {  	[smem:s0+$0x80] =	sst @!p0 s1;
	p0 =	slt.s32 s10, $0xC8;
	s1 =	simm.s32 $0x1  }
0x125: {  	s21 =	spop (v2sf);
	(v2sf) =	vpush v9, $0xE;
	s1 =	simm.s32 @!p0 $0x0;
	p0 =	sgt.s32 s12, $0xC7  }
0x126: {  	[smem:$0x38] =	sst s13;
	s0 =	sadd.s32 s1, s0;
	s1 =	simm.s32 @!p0 $0x38  }
0x127: {  	[smem:s0+$0x80] =	sst @!p0 s1;
	p0 =	slt.s32 s12, $0xC8;
	s1 =	simm.s32 $0x1  }
0x128: {  	s20 =	sshll.u32 s19, $0x6;
	s1 =	simm.s32 @!p0 $0x0;
	p0 =	sgt.s32 s19, $0xC7  }
0x129: {  	[smem:$0x39] =	sst s20;
	s0 =	sadd.s32 s1, s0;
	s1 =	simm.s32 @!p0 $0x39  }
0x12a: {  	[smem:s0+$0x80] =	sst @!p0 s1;
	p0 =	slt.s32 s19, $0xC8;
	s1 =	simm.s32 $0x1  }
0x12b: {  	s24 =	sshll.u32 s21, $0x6;
	s1 =	simm.s32 @!p0 $0x0;
	p0 =	sgt.s32 s21, $0xC7  }
0x12c: {  	vm15 =	veq.s32 v8, $0x0;
	[smem:$0x3A] =	sst s24;
	s0 =	sadd.s32 s1, s0;
	s1 =	simm.s32 @!p0 $0x3A  }
0x12d: {  	v8 =	vnsel vm15, $0xC8, v5;
	[smem:s0+$0x80] =	sst @!p0 s1  }
0x12e: {  	vm2 =	vlt.s32 v7, v8;
	p0 =	slt.s32 s21, $0xC8;
	s1 =	simm.s32 $0x1;
	s28 =	spop (v2sf);
	(v2sf) =	vpush v9, $0xF  }
0x12f: {  	v7 =	vsel vm2, v7, v8;
	s1 =	simm.s32 @!p0 $0x0  }
0x130: {  	s0 =	sadd.s32 s1, s0;
	s30 =	spop (v2sf);
	(v2sf) =	vpush v7, $0x0  }
0x131: {  	s29 =	sshll.u32 s28, $0x6;
	p0 =	sgt.s32 s28, $0xC7;
	s7 =	spop (v2sf);
	(v2sf) =	vpush v7, $0x1  }
0x132: {  	[smem:$0x3B] =	sst s29;
	s1 =	simm.s32 @!p0 $0x3B;
	s31 =	sshll.u32 s30, $0x6  }
0x133: {  	[smem:s0+$0x80] =	sst @!p0 s1;
	p0 =	slt.s32 s28, $0xC8;
	s1 =	simm.s32 $0x1  }
0x134: {  	s9 =	spop (v2sf);
	(v2sf) =	vpush v7, $0x2;
	s1 =	simm.s32 @!p0 $0x0;
	p0 =	sgt.s32 s30, $0xC7  }
0x135: {  	[smem:$0x3C] =	sst s31;
	s0 =	sadd.s32 s1, s0;
	s1 =	simm.s32 @!p0 $0x3C  }
0x136: {  	[smem:s0+$0x80] =	sst @!p0 s1;
	p0 =	slt.s32 s30, $0xC8;
	s1 =	simm.s32 $0x1  }
0x137: {  	s8 =	sshll.u32 s7, $0x6;
	s1 =	simm.s32 @!p0 $0x0;
	p0 =	sgt.s32 s7, $0xC7  }
0x138: {  	[smem:$0x3D] =	sst s8;
	s0 =	sadd.s32 s1, s0;
	s1 =	simm.s32 @!p0 $0x3D  }
0x139: {  	[smem:s0+$0x80] =	sst @!p0 s1;
	p0 =	slt.s32 s7, $0xC8;
	s1 =	simm.s32 $0x1  }
0x13a: {  	s10 =	sshll.u32 s9, $0x6;
	s1 =	simm.s32 @!p0 $0x0;
	p0 =	sgt.s32 s9, $0xC7  }
0x13b: {  	[smem:$0x3E] =	sst s10;
	s0 =	sadd.s32 s1, s0;
	s1 =	simm.s32 @!p0 $0x3E  }
0x13c: {  	[smem:s0+$0x80] =	sst @!p0 s1  }
0x13d: {  	p0 =	slt.s32 s9, $0xC8;
	s1 =	simm.s32 $0x1;
	s11 =	spop (v2sf);
	(v2sf) =	vpush v7, $0x3  }
0x13e: {  	s1 =	simm.s32 @!p0 $0x0  }
0x13f: {  	s0 =	sadd.s32 s1, s0;
	s13 =	spop (v2sf);
	(v2sf) =	vpush v7, $0x4  }
0x140: {  	s12 =	sshll.u32 s11, $0x6;
	p0 =	sgt.s32 s11, $0xC7;
	s20 =	spop (v2sf);
	(v2sf) =	vpush v7, $0x5  }
0x141: {  	[smem:$0x3F] =	sst s12;
	s1 =	simm.s32 @!p0 $0x3F;
	s19 =	sshll.u32 s13, $0x6  }
0x142: {  	[smem:s0+$0x80] =	sst @!p0 s1;
	p0 =	slt.s32 s11, $0xC8;
	s1 =	simm.s32 $0x1  }
0x143: {  	s24 =	spop (v2sf);
	(v2sf) =	vpush v7, $0x6;
	s1 =	simm.s32 @!p0 $0x0;
	p0 =	sgt.s32 s13, $0xC7  }
0x144: {  	[smem:$0x40] =	sst s19;
	s0 =	sadd.s32 s1, s0;
	s1 =	simm.s32 @!p0 $0x40  }
0x145: {  	[smem:s0+$0x80] =	sst @!p0 s1;
	p0 =	slt.s32 s13, $0xC8;
	s1 =	simm.s32 $0x1  }
0x146: {  	s21 =	sshll.u32 s20, $0x6;
	s1 =	simm.s32 @!p0 $0x0;
	p0 =	sgt.s32 s20, $0xC7  }
0x147: {  	[smem:$0x41] =	sst s21;
	s0 =	sadd.s32 s1, s0;
	s1 =	simm.s32 @!p0 $0x41  }
0x148: {  	[smem:s0+$0x80] =	sst @!p0 s1;
	p0 =	slt.s32 s20, $0xC8;
	s1 =	simm.s32 $0x1  }
0x149: {  	s28 =	sshll.u32 s24, $0x6;
	s1 =	simm.s32 @!p0 $0x0;
	p0 =	sgt.s32 s24, $0xC7  }
0x14a: {  	[smem:$0x42] =	sst s28;
	s0 =	sadd.s32 s1, s0;
	s1 =	simm.s32 @!p0 $0x42  }
0x14b: {  	[smem:s0+$0x80] =	sst @!p0 s1  }
0x14c: {  	p0 =	slt.s32 s24, $0xC8;
	s1 =	simm.s32 $0x1;
	s29 =	spop (v2sf);
	(v2sf) =	vpush v7, $0x7  }
0x14d: {  	s1 =	simm.s32 @!p0 $0x0  }
0x14e: {  	s0 =	sadd.s32 s1, s0;
	s31 =	spop (v2sf);
	(v2sf) =	vpush v7, $0x8  }
0x14f: {  	s30 =	sshll.u32 s29, $0x6;
	p0 =	sgt.s32 s29, $0xC7;
	s8 =	spop (v2sf);
	(v2sf) =	vpush v7, $0x9  }
0x150: {  	[smem:$0x43] =	sst s30;
	s1 =	simm.s32 @!p0 $0x43;
	s7 =	sshll.u32 s31, $0x6  }
0x151: {  	[smem:s0+$0x80] =	sst @!p0 s1;
	p0 =	slt.s32 s29, $0xC8;
	s1 =	simm.s32 $0x1  }
0x152: {  	s10 =	spop (v2sf);
	(v2sf) =	vpush v7, $0xA;
	s1 =	simm.s32 @!p0 $0x0;
	p0 =	sgt.s32 s31, $0xC7  }
0x153: {  	[smem:$0x44] =	sst s7;
	s0 =	sadd.s32 s1, s0;
	s1 =	simm.s32 @!p0 $0x44  }
0x154: {  	[smem:s0+$0x80] =	sst @!p0 s1;
	p0 =	slt.s32 s31, $0xC8;
	s1 =	simm.s32 $0x1  }
0x155: {  	s9 =	sshll.u32 s8, $0x6;
	s1 =	simm.s32 @!p0 $0x0;
	p0 =	sgt.s32 s8, $0xC7  }
0x156: {  	[smem:$0x45] =	sst s9;
	s0 =	sadd.s32 s1, s0;
	s1 =	simm.s32 @!p0 $0x45  }
0x157: {  	[smem:s0+$0x80] =	sst @!p0 s1;
	p0 =	slt.s32 s8, $0xC8;
	s1 =	simm.s32 $0x1  }
0x158: {  	s11 =	sshll.u32 s10, $0x6;
	s1 =	simm.s32 @!p0 $0x0;
	p0 =	sgt.s32 s10, $0xC7  }
0x159: {  	[smem:$0x46] =	sst s11;
	s0 =	sadd.s32 s1, s0;
	s1 =	simm.s32 @!p0 $0x46  }
0x15a: {  	[smem:s0+$0x80] =	sst @!p0 s1  }
0x15b: {  	p0 =	slt.s32 s10, $0xC8;
	s1 =	simm.s32 $0x1;
	s12 =	spop (v2sf);
	(v2sf) =	vpush v7, $0xB  }
0x15c: {  	s1 =	simm.s32 @!p0 $0x0  }
0x15d: {  	s0 =	sadd.s32 s1, s0;
	s19 =	spop (v2sf);
	(v2sf) =	vpush v7, $0xC  }
0x15e: {  	s13 =	sshll.u32 s12, $0x6;
	p0 =	sgt.s32 s12, $0xC7;
	s21 =	spop (v2sf);
	(v2sf) =	vpush v7, $0xD  }
0x15f: {  	[smem:$0x47] =	sst s13;
	s1 =	simm.s32 @!p0 $0x47;
	s20 =	sshll.u32 s19, $0x6  }
0x160: {  	[smem:s0+$0x80] =	sst @!p0 s1;
	p0 =	slt.s32 s12, $0xC8;
	s1 =	simm.s32 $0x1  }
0x161: {  	s28 =	spop (v2sf);
	(v2sf) =	vpush v7, $0xE;
	s1 =	simm.s32 @!p0 $0x0;
	p0 =	sgt.s32 s19, $0xC7  }
0x162: {  	[smem:$0x48] =	sst s20;
	s0 =	sadd.s32 s1, s0;
	s1 =	simm.s32 @!p0 $0x48  }
0x163: {  	[smem:s0+$0x80] =	sst @!p0 s1;
	p0 =	slt.s32 s19, $0xC8;
	s1 =	simm.s32 $0x1  }
0x164: {  	s24 =	sshll.u32 s21, $0x6;
	s1 =	simm.s32 @!p0 $0x0;
	p0 =	sgt.s32 s21, $0xC7  }
0x165: {  	[smem:$0x49] =	sst s24;
	s0 =	sadd.s32 s1, s0;
	s1 =	simm.s32 @!p0 $0x49  }
0x166: {  	[smem:s0+$0x80] =	sst @!p0 s1;
	p0 =	slt.s32 s21, $0xC8;
	s1 =	simm.s32 $0x1  }
0x167: {  	s29 =	sshll.u32 s28, $0x6;
	s1 =	simm.s32 @!p0 $0x0;
	p0 =	sgt.s32 s28, $0xC7  }
0x168: {  	[smem:$0x4A] =	sst s29;
	s0 =	sadd.s32 s1, s0;
	s1 =	simm.s32 @!p0 $0x4A  }
0x169: {  	v63 =	vnsel vm1, $0xC8, v5;
	[smem:s0+$0x80] =	sst @!p0 s1  }
0x16a: {  	vm1 =	vlt.s32 v6, v63;
	p0 =	slt.s32 s28, $0xC8;
	s1 =	simm.s32 $0x1;
	s30 =	spop (v2sf);
	(v2sf) =	vpush v7, $0xF  }
0x16b: {  	v5 =	vsel vm1, v6, v63;
	s1 =	simm.s32 @!p0 $0x0  }
0x16c: {  	s0 =	sadd.s32 s1, s0;
	s7 =	spop (v2sf);
	(v2sf) =	vpush v5, $0x0  }
0x16d: {  	s31 =	sshll.u32 s30, $0x6;
	p0 =	sgt.s32 s30, $0xC7;
	s9 =	spop (v2sf);
	(v2sf) =	vpush v5, $0x1  }
0x16e: {  	[smem:$0x4B] =	sst s31;
	s1 =	simm.s32 @!p0 $0x4B;
	s8 =	sshll.u32 s7, $0x6  }
0x16f: {  	[smem:s0+$0x80] =	sst @!p0 s1;
	p0 =	slt.s32 s30, $0xC8;
	s1 =	simm.s32 $0x1  }
0x170: {  	s11 =	spop (v2sf);
	(v2sf) =	vpush v5, $0x2;
	s1 =	simm.s32 @!p0 $0x0;
	p0 =	sgt.s32 s7, $0xC7  }
0x171: {  	[smem:$0x4C] =	sst s8;
	s0 =	sadd.s32 s1, s0;
	s1 =	simm.s32 @!p0 $0x4C  }
0x172: {  	[smem:s0+$0x80] =	sst @!p0 s1;
	p0 =	slt.s32 s7, $0xC8;
	s1 =	simm.s32 $0x1  }
0x173: {  	s10 =	sshll.u32 s9, $0x6;
	s1 =	simm.s32 @!p0 $0x0;
	p0 =	sgt.s32 s9, $0xC7  }
0x174: {  	[smem:$0x4D] =	sst s10;
	s0 =	sadd.s32 s1, s0;
	s1 =	simm.s32 @!p0 $0x4D  }
0x175: {  	[smem:s0+$0x80] =	sst @!p0 s1;
	p0 =	slt.s32 s9, $0xC8;
	s1 =	simm.s32 $0x1  }
0x176: {  	s12 =	sshll.u32 s11, $0x6;
	s1 =	simm.s32 @!p0 $0x0;
	p0 =	sgt.s32 s11, $0xC7  }
0x177: {  	[smem:$0x4E] =	sst s12;
	s0 =	sadd.s32 s1, s0;
	s1 =	simm.s32 @!p0 $0x4E  }
0x178: {  	[smem:s0+$0x80] =	sst @!p0 s1  }
0x179: {  	p0 =	slt.s32 s11, $0xC8;
	s1 =	simm.s32 $0x1;
	s13 =	spop (v2sf);
	(v2sf) =	vpush v5, $0x3  }
0x17a: {  	s1 =	simm.s32 @!p0 $0x0  }
0x17b: {  	s0 =	sadd.s32 s1, s0;
	s20 =	spop (v2sf);
	(v2sf) =	vpush v5, $0x4  }
0x17c: {  	s19 =	sshll.u32 s13, $0x6;
	p0 =	sgt.s32 s13, $0xC7;
	s24 =	spop (v2sf);
	(v2sf) =	vpush v5, $0x5  }
0x17d: {  	[smem:$0x4F] =	sst s19;
	s1 =	simm.s32 @!p0 $0x4F;
	s21 =	sshll.u32 s20, $0x6  }
0x17e: {  	[smem:s0+$0x80] =	sst @!p0 s1;
	p0 =	slt.s32 s13, $0xC8;
	s1 =	simm.s32 $0x1  }
0x17f: {  	s29 =	spop (v2sf);
	(v2sf) =	vpush v5, $0x6;
	s1 =	simm.s32 @!p0 $0x0;
	p0 =	sgt.s32 s20, $0xC7  }
0x180: {  	[smem:$0x50] =	sst s21;
	s0 =	sadd.s32 s1, s0;
	s1 =	simm.s32 @!p0 $0x50  }
0x181: {  	[smem:s0+$0x80] =	sst @!p0 s1;
	p0 =	slt.s32 s20, $0xC8;
	s1 =	simm.s32 $0x1  }
0x182: {  	s28 =	sshll.u32 s24, $0x6;
	s1 =	simm.s32 @!p0 $0x0;
	p0 =	sgt.s32 s24, $0xC7  }
0x183: {  	[smem:$0x51] =	sst s28;
	s0 =	sadd.s32 s1, s0;
	s1 =	simm.s32 @!p0 $0x51  }
0x184: {  	[smem:s0+$0x80] =	sst @!p0 s1;
	p0 =	slt.s32 s24, $0xC8;
	s1 =	simm.s32 $0x1  }
0x185: {  	s30 =	sshll.u32 s29, $0x6;
	s1 =	simm.s32 @!p0 $0x0;
	p0 =	sgt.s32 s29, $0xC7  }
0x186: {  	[smem:$0x52] =	sst s30;
	s0 =	sadd.s32 s1, s0;
	s1 =	simm.s32 @!p0 $0x52  }
0x187: {  	[smem:s0+$0x80] =	sst @!p0 s1  }
0x188: {  	p0 =	slt.s32 s29, $0xC8;
	s1 =	simm.s32 $0x1;
	s31 =	spop (v2sf);
	(v2sf) =	vpush v5, $0x7  }
0x189: {  	s1 =	simm.s32 @!p0 $0x0  }
0x18a: {  	s0 =	sadd.s32 s1, s0;
	s8 =	spop (v2sf);
	(v2sf) =	vpush v5, $0x8  }
0x18b: {  	s7 =	sshll.u32 s31, $0x6;
	p0 =	sgt.s32 s31, $0xC7;
	s10 =	spop (v2sf);
	(v2sf) =	vpush v5, $0x9  }
0x18c: {  	[smem:$0x53] =	sst s7;
	s1 =	simm.s32 @!p0 $0x53;
	s9 =	sshll.u32 s8, $0x6  }
0x18d: {  	[smem:s0+$0x80] =	sst @!p0 s1;
	p0 =	slt.s32 s31, $0xC8;
	s1 =	simm.s32 $0x1  }
0x18e: {  	s12 =	spop (v2sf);
	(v2sf) =	vpush v5, $0xA;
	s1 =	simm.s32 @!p0 $0x0;
	p0 =	sgt.s32 s8, $0xC7  }
0x18f: {  	[smem:$0x54] =	sst s9;
	s0 =	sadd.s32 s1, s0;
	s1 =	simm.s32 @!p0 $0x54  }
0x190: {  	[smem:s0+$0x80] =	sst @!p0 s1;
	p0 =	slt.s32 s8, $0xC8;
	s1 =	simm.s32 $0x1  }
0x191: {  	s11 =	sshll.u32 s10, $0x6;
	s1 =	simm.s32 @!p0 $0x0;
	p0 =	sgt.s32 s10, $0xC7  }
0x192: {  	[smem:$0x55] =	sst s11;
	s0 =	sadd.s32 s1, s0;
	s1 =	simm.s32 @!p0 $0x55  }
0x193: {  	[smem:s0+$0x80] =	sst @!p0 s1;
	p0 =	slt.s32 s10, $0xC8;
	s1 =	simm.s32 $0x1  }
0x194: {  	s13 =	sshll.u32 s12, $0x6;
	s1 =	simm.s32 @!p0 $0x0;
	p0 =	sgt.s32 s12, $0xC7  }
0x195: {  	[smem:$0x56] =	sst s13;
	s0 =	sadd.s32 s1, s0;
	s1 =	simm.s32 @!p0 $0x56  }
0x196: {  	[smem:s0+$0x80] =	sst @!p0 s1  }
0x197: {  	p0 =	slt.s32 s12, $0xC8;
	s1 =	simm.s32 $0x1;
	s19 =	spop (v2sf);
	(v2sf) =	vpush v5, $0xB  }
0x198: {  	s1 =	simm.s32 @!p0 $0x0  }
0x199: {  	s0 =	sadd.s32 s1, s0;
	s21 =	spop (v2sf);
	(v2sf) =	vpush v5, $0xC  }
0x19a: {  	s20 =	sshll.u32 s19, $0x6;
	p0 =	sgt.s32 s19, $0xC7;
	s28 =	spop (v2sf);
	(v2sf) =	vpush v5, $0xD  }
0x19b: {  	[smem:$0x57] =	sst s20;
	s1 =	simm.s32 @!p0 $0x57;
	s24 =	sshll.u32 s21, $0x6  }
0x19c: {  	[smem:s0+$0x80] =	sst @!p0 s1;
	p0 =	slt.s32 s19, $0xC8;
	s1 =	simm.s32 $0x1  }
0x19d: {  	s30 =	spop (v2sf);
	(v2sf) =	vpush v5, $0xE;
	s1 =	simm.s32 @!p0 $0x0;
	p0 =	sgt.s32 s21, $0xC7  }
0x19e: {  	[smem:$0x58] =	sst s24;
	s0 =	sadd.s32 s1, s0;
	s1 =	simm.s32 @!p0 $0x58  }
0x19f: {  	[smem:s0+$0x80] =	sst @!p0 s1;
	p0 =	slt.s32 s21, $0xC8;
	s1 =	simm.s32 $0x1  }
0x1a0: {  	s29 =	sshll.u32 s28, $0x6;
	s1 =	simm.s32 @!p0 $0x0;
	p0 =	sgt.s32 s28, $0xC7  }
0x1a1: {  	[smem:$0x59] =	sst s29;
	s0 =	sadd.s32 s1, s0;
	s1 =	simm.s32 @!p0 $0x59  }
0x1a2: {  	[smem:s0+$0x80] =	sst @!p0 s1;
	p0 =	slt.s32 s28, $0xC8;
	s1 =	simm.s32 $0x1  }
0x1a3: {  	s31 =	sshll.u32 s30, $0x6;
	s1 =	simm.s32 @!p0 $0x0;
	p0 =	sgt.s32 s30, $0xC7  }
0x1a4: {  	[smem:$0x5A] =	sst s31;
	s0 =	sadd.s32 s1, s0;
	s1 =	simm.s32 @!p0 $0x5A  }
0x1a5: {  	[smem:s0+$0x80] =	sst @!p0 s1  }
0x1a6: {  	p0 =	slt.s32 s30, $0xC8;
	s1 =	simm.s32 $0x1;
	s7 =	spop (v2sf);
	(v2sf) =	vpush v5, $0xF  }
0x1a7: {  	s1 =	simm.s32 @!p0 $0x0  }
0x1a8: {  	s0 =	sadd.s32 s1, s0;
	s9 =	spop (v2sf);
	(v2sf) =	vpush v2, $0x0  }
0x1a9: {  	s8 =	sshll.u32 s7, $0x6;
	p0 =	sgt.s32 s7, $0xC7;
	s11 =	spop (v2sf);
	(v2sf) =	vpush v2, $0x1  }
0x1aa: {  	[smem:$0x5B] =	sst s8;
	s1 =	simm.s32 @!p0 $0x5B;
	s10 =	sshll.u32 s9, $0x6  }
0x1ab: {  	[smem:s0+$0x80] =	sst @!p0 s1;
	p0 =	slt.s32 s7, $0xC8;
	s1 =	simm.s32 $0x1  }
0x1ac: {  	s13 =	spop (v2sf);
	(v2sf) =	vpush v2, $0x2;
	s1 =	simm.s32 @!p0 $0x0;
	p0 =	sgt.s32 s9, $0xC7  }
0x1ad: {  	[smem:$0x5C] =	sst s10;
	s0 =	sadd.s32 s1, s0;
	s1 =	simm.s32 @!p0 $0x5C  }
0x1ae: {  	[smem:s0+$0x80] =	sst @!p0 s1;
	p0 =	slt.s32 s9, $0xC8;
	s1 =	simm.s32 $0x1  }
0x1af: {  	s12 =	sshll.u32 s11, $0x6;
	s1 =	simm.s32 @!p0 $0x0;
	p0 =	sgt.s32 s11, $0xC7  }
0x1b0: {  	[smem:$0x5D] =	sst s12;
	s0 =	sadd.s32 s1, s0;
	s1 =	simm.s32 @!p0 $0x5D  }
0x1b1: {  	[smem:s0+$0x80] =	sst @!p0 s1;
	p0 =	slt.s32 s11, $0xC8;
	s1 =	simm.s32 $0x1  }
0x1b2: {  	s19 =	sshll.u32 s13, $0x6;
	s1 =	simm.s32 @!p0 $0x0;
	p0 =	sgt.s32 s13, $0xC7  }
0x1b3: {  	[smem:$0x5E] =	sst s19;
	s0 =	sadd.s32 s1, s0;
	s1 =	simm.s32 @!p0 $0x5E  }
0x1b4: {  	[smem:s0+$0x80] =	sst @!p0 s1  }
0x1b5: {  	p0 =	slt.s32 s13, $0xC8;
	s1 =	simm.s32 $0x1;
	s20 =	spop (v2sf);
	(v2sf) =	vpush v2, $0x3  }
0x1b6: {  	s1 =	simm.s32 @!p0 $0x0  }
0x1b7: {  	s0 =	sadd.s32 s1, s0;
	s24 =	spop (v2sf);
	(v2sf) =	vpush v2, $0x4  }
0x1b8: {  	s21 =	sshll.u32 s20, $0x6;
	p0 =	sgt.s32 s20, $0xC7;
	s29 =	spop (v2sf);
	(v2sf) =	vpush v2, $0x5  }
0x1b9: {  	[smem:$0x5F] =	sst s21;
	s1 =	simm.s32 @!p0 $0x5F;
	s28 =	sshll.u32 s24, $0x6  }
0x1ba: {  	[smem:s0+$0x80] =	sst @!p0 s1;
	p0 =	slt.s32 s20, $0xC8;
	s1 =	simm.s32 $0x1  }
0x1bb: {  	s31 =	spop (v2sf);
	(v2sf) =	vpush v2, $0x6;
	s1 =	simm.s32 @!p0 $0x0;
	p0 =	sgt.s32 s24, $0xC7  }
0x1bc: {  	[smem:$0x60] =	sst s28;
	s0 =	sadd.s32 s1, s0;
	s1 =	simm.s32 @!p0 $0x60  }
0x1bd: {  	[smem:s0+$0x80] =	sst @!p0 s1;
	p0 =	slt.s32 s24, $0xC8;
	s1 =	simm.s32 $0x1  }
0x1be: {  	s30 =	sshll.u32 s29, $0x6;
	s1 =	simm.s32 @!p0 $0x0;
	p0 =	sgt.s32 s29, $0xC7  }
0x1bf: {  	[smem:$0x61] =	sst s30;
	s0 =	sadd.s32 s1, s0;
	s1 =	simm.s32 @!p0 $0x61  }
0x1c0: {  	[smem:s0+$0x80] =	sst @!p0 s1;
	p0 =	slt.s32 s29, $0xC8;
	s1 =	simm.s32 $0x1  }
0x1c1: {  	s7 =	sshll.u32 s31, $0x6;
	s1 =	simm.s32 @!p0 $0x0;
	p0 =	sgt.s32 s31, $0xC7  }
0x1c2: {  	[smem:$0x62] =	sst s7;
	s0 =	sadd.s32 s1, s0;
	s1 =	simm.s32 @!p0 $0x62  }
0x1c3: {  	[smem:s0+$0x80] =	sst @!p0 s1  }
0x1c4: {  	p0 =	slt.s32 s31, $0xC8;
	s1 =	simm.s32 $0x1;
	s8 =	spop (v2sf);
	(v2sf) =	vpush v2, $0x7  }
0x1c5: {  	s1 =	simm.s32 @!p0 $0x0  }
0x1c6: {  	s0 =	sadd.s32 s1, s0;
	s10 =	spop (v2sf);
	(v2sf) =	vpush v2, $0x8  }
0x1c7: {  	s9 =	sshll.u32 s8, $0x6;
	p0 =	sgt.s32 s8, $0xC7;
	s12 =	spop (v2sf);
	(v2sf) =	vpush v2, $0x9  }
0x1c8: {  	[smem:$0x63] =	sst s9;
	s1 =	simm.s32 @!p0 $0x63;
	s11 =	sshll.u32 s10, $0x6  }
0x1c9: {  	[smem:s0+$0x80] =	sst @!p0 s1;
	p0 =	slt.s32 s8, $0xC8;
	s1 =	simm.s32 $0x1  }
0x1ca: {  	s19 =	spop (v2sf);
	(v2sf) =	vpush v2, $0xA;
	s1 =	simm.s32 @!p0 $0x0;
	p0 =	sgt.s32 s10, $0xC7  }
0x1cb: {  	[smem:$0x64] =	sst s11;
	s0 =	sadd.s32 s1, s0;
	s1 =	simm.s32 @!p0 $0x64  }
0x1cc: {  	[smem:s0+$0x80] =	sst @!p0 s1;
	p0 =	slt.s32 s10, $0xC8;
	s1 =	simm.s32 $0x1  }
0x1cd: {  	s13 =	sshll.u32 s12, $0x6;
	s1 =	simm.s32 @!p0 $0x0;
	p0 =	sgt.s32 s12, $0xC7  }
0x1ce: {  	[smem:$0x65] =	sst s13;
	s0 =	sadd.s32 s1, s0;
	s1 =	simm.s32 @!p0 $0x65  }
0x1cf: {  	[smem:s0+$0x80] =	sst @!p0 s1;
	p0 =	slt.s32 s12, $0xC8;
	s1 =	simm.s32 $0x1  }
0x1d0: {  	s20 =	sshll.u32 s19, $0x6;
	s1 =	simm.s32 @!p0 $0x0;
	p0 =	sgt.s32 s19, $0xC7  }
0x1d1: {  	[smem:$0x66] =	sst s20;
	s0 =	sadd.s32 s1, s0;
	s1 =	simm.s32 @!p0 $0x66  }
0x1d2: {  	[smem:s0+$0x80] =	sst @!p0 s1  }
0x1d3: {  	p0 =	slt.s32 s19, $0xC8;
	s1 =	simm.s32 $0x1;
	s21 =	spop (v2sf);
	(v2sf) =	vpush v2, $0xB  }
0x1d4: {  	s1 =	simm.s32 @!p0 $0x0  }
0x1d5: {  	s0 =	sadd.s32 s1, s0;
	s28 =	spop (v2sf);
	(v2sf) =	vpush v2, $0xC  }
0x1d6: {  	s24 =	sshll.u32 s21, $0x6;
	p0 =	sgt.s32 s21, $0xC7;
	s30 =	spop (v2sf);
	(v2sf) =	vpush v2, $0xD  }
0x1d7: {  	[smem:$0x67] =	sst s24;
	s1 =	simm.s32 @!p0 $0x67;
	s29 =	sshll.u32 s28, $0x6  }
0x1d8: {  	[smem:s0+$0x80] =	sst @!p0 s1;
	p0 =	slt.s32 s21, $0xC8;
	s1 =	simm.s32 $0x1;
	(v2sf) =	vpush v2, $0xE  }
0x1d9: {  	s7 =	spop (v2sf);
	s1 =	simm.s32 @!p0 $0x0;
	p0 =	sgt.s32 s28, $0xC7;
	(v2sf) =	vpush v2, $0xF  }
0x1da: {  	[smem:$0x68] =	sst s29;
	s0 =	sadd.s32 s1, s0;
	s1 =	simm.s32 @!p0 $0x68  }
0x1db: {  	[smem:s0+$0x80] =	sst @!p0 s1;
	p0 =	slt.s32 s28, $0xC8;
	s1 =	simm.s32 $0x1  }
0x1dc: {  	s31 =	sshll.u32 s30, $0x6;
	s1 =	simm.s32 @!p0 $0x0;
	p0 =	sgt.s32 s30, $0xC7  }
0x1dd: {  	[smem:$0x69] =	sst s31;
	s0 =	sadd.s32 s1, s0;
	s1 =	simm.s32 @!p0 $0x69  }
0x1de: {  	[smem:s0+$0x80] =	sst @!p0 s1;
	p0 =	slt.s32 s30, $0xC8;
	s1 =	simm.s32 $0x1  }
0x1df: {  	s8 =	sshll.u32 s7, $0x6;
	s1 =	simm.s32 @!p0 $0x0;
	p0 =	sgt.s32 s7, $0xC7  }
0x1e0: {  	[smem:$0x6A] =	sst s8;
	s0 =	sadd.s32 s1, s0;
	s1 =	simm.s32 @!p0 $0x6A  }
0x1e1: {  	[smem:s0+$0x80] =	sst @!p0 s1;
	p0 =	slt.s32 s7, $0xC8;
	s1 =	simm.s32 $0x1  }
0x1e2: {  	s4 =	simm.s32 $0x1;
	v2 =	vsel vm0, v3, v4;
	s1 =	simm.s32 @!p0 $0x0;
	s9 =	spop (v2sf)  }
0x1e3: {  	s0 =	sadd.s32 s1, s0;
	(v2sf) =	vpush v2, $0x0;
	s10 =	sshll.u32 s9, $0x6;
	p0 =	sgt.s32 s9, $0xC7  }
0x1e4: {  	s11 =	spop (v2sf);
	[smem:$0x6B] =	sst s10;
	s1 =	simm.s32 @!p0 $0x6B  }
0x1e5: {  	(v2sf) =	vpush v2, $0x1;
	s12 =	sshll.u32 s11, $0x6;
	s13 =	spop (v2sf);
	[smem:s0+$0x80] =	sst @!p0 s1  }
0x1e6: {  	p0 =	slt.s32 s9, $0xC8;
	s1 =	simm.s32 $0x1;
	s19 =	sshll.u32 s13, $0x6  }
0x1e7: {  	(v2sf) =	vpush v2, $0x2;
	s20 =	spop (v2sf);
	s1 =	simm.s32 @!p0 $0x0;
	p0 =	sgt.s32 s11, $0xC7  }
0x1e8: {  	(v2sf) =	vpush v2, $0x3;
	[smem:$0x6C] =	sst s12;
	s21 =	sshll.u32 s20, $0x6;
	s7 =	spop (v2sf)  }
0x1e9: {  	s0 =	sadd.s32 s1, s0;
	s1 =	simm.s32 @!p0 $0x6C;
	s24 =	sshll.u32 s7, $0x6  }
0x1ea: {  	(v2sf) =	vpush v2, $0x4;
	[smem:s0+$0x80] =	sst @!p0 s1;
	p0 =	slt.s32 s11, $0xC8;
	s1 =	simm.s32 $0x1  }
0x1eb: {  	(v2sf) =	vpush v2, $0x5;
	p1 =	slt.s32 s7, $0xC8;
	s1 =	simm.s32 @!p0 $0x0;
	p0 =	sgt.s32 s13, $0xC7  }
0x1ec: {  	[smem:$0x6D] =	sst s19;
	s0 =	sadd.s32 s1, s0;
	s1 =	simm.s32 @!p0 $0x6D  }
0x1ed: {  	[smem:s0+$0x80] =	sst @!p0 s1;
	p0 =	slt.s32 s13, $0xC8;
	s1 =	simm.s32 $0x1  }
0x1ee: {  	s4 =	simm.s32 @!p1 $0x0;
	s1 =	simm.s32 @!p0 $0x0;
	p0 =	sgt.s32 s20, $0xC7  }
0x1ef: {  	[smem:$0x6E] =	sst s21;
	s0 =	sadd.s32 s1, s0;
	s1 =	simm.s32 @!p0 $0x6E  }
0x1f0: {  	[smem:s0+$0x80] =	sst @!p0 s1;
	p0 =	slt.s32 s20, $0xC8;
	s1 =	simm.s32 $0x1  }
0x1f1: {  	s1 =	simm.s32 @!p0 $0x0;
	[smem:$0x6F] =	sst s24;
	p0 =	sgt.s32 s7, $0xC7  }
0x1f2: {  	s0 =	sadd.s32 s1, s0;
	s1 =	simm.s32 @!p0 $0x6F;
	s28 =	spop (v2sf)  }
0x1f3: {  	[smem:s0+$0x80] =	sst @!p0 s1;
	s0 =	sadd.s32 s4, s0;
	s4 =	simm.s32 $0x1  }
0x1f4: {  	s29 =	sshll.u32 s28, $0x6;
	p0 =	sgt.s32 s28, $0xC7;
	s30 =	spop (v2sf)  }
0x1f5: {  	[smem:$0x70] =	sst s29;
	s1 =	simm.s32 @!p0 $0x70;
	s31 =	sshll.u32 s30, $0x6  }
0x1f6: {  	(v2sf) =	vpush v2, $0x6;
	s6 =	spop (v2sf);
	[smem:s0+$0x80] =	sst @!p0 s1;
	p0 =	slt.s32 s28, $0xC8  }
0x1f7: {  	(v2sf) =	vpush v2, $0x7;
	s1 =	simm.s32 $0x1;
	s7 =	spop (v2sf);
	s8 =	sshll.u32 s6, $0x6  }
0x1f8: {  	s1 =	simm.s32 @!p0 $0x0;
	p0 =	sgt.s32 s30, $0xC7;
	[smem:$0x71] =	sst s31  }
0x1f9: {  	s10 =	spop (v2sf);
	s11 =	sshll.u32 s7, $0x6;
	p1 =	slt.s32 s7, $0xC8  }
0x1fa: {  	(v2sf) =	vpush v2, $0x8;
	s0 =	sadd.s32 s1, s0;
	s1 =	simm.s32 @!p0 $0x71;
	s9 =	spop (v2sf)  }
0x1fb: {  	s4 =	simm.s32 @!p1 $0x0;
	s13 =	sshll.u32 s10, $0x6;
	[smem:s0+$0x80] =	sst @!p0 s1  }
0x1fc: {  	p0 =	slt.s32 s30, $0xC8;
	s1 =	simm.s32 $0x1;
	s20 =	sshll.u32 s9, $0x6  }
0x1fd: {  	s1 =	simm.s32 @!p0 $0x0;
	p0 =	sgt.s32 s6, $0xC7;
	[smem:$0x72] =	sst s8  }
0x1fe: {  	(v2sf) =	vpush v2, $0x9;
	s8 =	simm.s32 $0x1;
	s0 =	sadd.s32 s1, s0;
	s1 =	simm.s32 @!p0 $0x72  }
0x1ff: {  	(v2sf) =	vpush v2, $0xA;
	[smem:s0+$0x80] =	sst @!p0 s1;
	p0 =	slt.s32 s6, $0xC8;
	s1 =	simm.s32 $0x1  }
0x200: {  	s6 =	simm.s32 $0x1;
	s1 =	simm.s32 @!p0 $0x0;
	p0 =	sgt.s32 s7, $0xC7  }
0x201: {  	[smem:$0x73] =	sst s11;
	s0 =	sadd.s32 s1, s0;
	s1 =	simm.s32 @!p0 $0x73  }
0x202: {  	s7 =	simm.s32 $0x0;
	[smem:s0+$0x80] =	sst @!p0 s1;
	p0 =	sgt.s32 s10, $0xC7  }
0x203: {  	s0 =	sadd.s32 s4, s0;
	[smem:$0x74] =	sst s13;
	s1 =	simm.s32 @!p0 $0x74  }
0x204: {  	[smem:s0+$0x80] =	sst @!p0 s1;
	p0 =	slt.s32 s10, $0xC8;
	s1 =	simm.s32 $0x1  }
0x205: {  	s4 =	simm.s32 $0x1;
	s12 =	spop (v2sf);
	s1 =	simm.s32 @!p0 $0x0  }
0x206: {  	p0 =	sgt.s32 s9, $0xC7;
	[smem:$0x75] =	sst s20;
	s19 =	spop (v2sf)  }
0x207: {  	s0 =	sadd.s32 s1, s0;
	s1 =	simm.s32 @!p0 $0x75;
	s24 =	sshll.u32 s12, $0x6  }
0x208: {  	p1 =	slt.s32 s12, $0xC8;
	[smem:s0+$0x80] =	sst @!p0 s1;
	p0 =	slt.s32 s9, $0xC8  }
0x209: {  	(v2sf) =	vpush v2, $0xB;
	s1 =	simm.s32 $0x1;
	s21 =	spop (v2sf);
	s8 =	simm.s32 @!p1 $0x0  }
0x20a: {  	s31 =	sshll.u32 s19, $0x6;
	p1 =	slt.s32 s19, $0xC8;
	s9 =	simm.s32 $0x1  }
0x20b: {  	(v2sf) =	vpush v2, $0xC;
	s1 =	simm.s32 @!p0 $0x0;
	[smem:$0x76] =	sst s24;
	p0 =	sgt.s32 s12, $0xC7  }
0x20c: {  	(v2sf) =	vpush v2, $0xD;
	s6 =	simm.s32 @!p1 $0x0;
	s10 =	sshll.u32 s21, $0x6;
	p1 =	slt.s32 s21, $0xC8  }
0x20d: {  	s0 =	sadd.s32 s1, s0;
	s28 =	spop (v2sf);
	s1 =	simm.s32 @!p0 $0x76  }
0x20e: {  	s4 =	simm.s32 @!p1 $0x0;
	s29 =	spop (v2sf);
	[smem:s0+$0x80] =	sst @!p0 s1  }
0x20f: {  	s0 =	sadd.s32 s8, s0;
	p0 =	sgt.s32 s19, $0xC7;
	s12 =	sshll.u32 s28, $0x6  }
0x210: {  	(v2sf) =	vpush v2, $0xE;
	p1 =	slt.s32 s28, $0xC8;
	[smem:$0x77] =	sst s31;
	s8 =	simm.s32 @!p0 $0x77  }
0x211: {  	s1 =	simm.s32 $0x1;
	[smem:s0+$0x80] =	sst @!p0 s8;
	p0 =	sgt.s32 s21, $0xC7  }
0x212: {  	s0 =	sadd.s32 s6, s0;
	[smem:$0x78] =	sst s10;
	s6 =	simm.s32 @!p0 $0x78  }
0x213: {  	s13 =	sshll.u32 s29, $0x6;
	s8 =	simm.s32 $0xFFFFFF60;
	[smem:s0+$0x80] =	sst @!p0 s6  }
0x214: {  	s0 =	sadd.s32 s4, s0;
	p0 =	sgt.s32 s28, $0xC7;
	s6 =	simm.s32 $0x1  }
0x215: {  	[smem:$0x79] =	sst s12;
	s4 =	simm.s32 @!p0 $0x79;
	s6 =	simm.s32 @!p1 $0x0  }
0x216: {  	p1 =	slt.s32 s29, $0xC8;
	[smem:s0+$0x80] =	sst @!p0 s4;
	s0 =	sadd.s32 s6, s0  }
0x217: {  	p0 =	sgt.s32 s29, $0xC7;
	s9 =	simm.s32 @!p1 $0x0;
	s6 =	simm.s32 $0xFFFFFD80  }
0x218: {  	[smem:$0x7A] =	sst s13;
	s4 =	simm.s32 @!p0 $0x7A;
	s30 =	spop (v2sf);
	(v2sf) =	vpush v2, $0xF  }
0x219: {  	s13 =	simm.s32 $0xFFFFFE20;
	[smem:s0+$0x80] =	sst @!p0 s4;
	s0 =	sadd.s32 s9, s0  }
0x21a: {  	s9 =	simm.s32 $0xFFFFFEC0;
	s11 =	spop (v2sf);
	s21 =	sshll.u32 s30, $0x6  }
0x21b: {  	p0 =	sgt.s32 s30, $0xC7;
	p1 =	slt.s32 s30, $0xC8;
	s19 =	spop (v2sf)  }
0x21c: {  	[smem:$0x7B] =	sst s21;
	s4 =	simm.s32 @!p0 $0x7B;
	s1 =	simm.s32 @!p1 $0x0  }
0x21d: {  	s24 =	sshll.u32 s11, $0x6;
	p1 =	slt.s32 s11, $0xC8;
	[smem:s0+$0x80] =	sst @!p0 s4  }
0x21e: {  	s0 =	sadd.s32 s1, s0;
	p0 =	sgt.s32 s11, $0xC7;
	s4 =	simm.s32 $0x1  }
0x21f: {  	s28 =	sshll.u32 s19, $0x6;
	s20 =	spop (v2sf);
	[smem:$0x7C] =	sst s24  }
0x220: {  	s1 =	simm.s32 @!p0 $0x7C;
	s4 =	simm.s32 @!p1 $0x0;
	p1 =	slt.s32 s19, $0xC8  }
0x221: {  	[smem:s0+$0x80] =	sst @!p0 s1;
	s0 =	sadd.s32 s4, s0;
	p0 =	sgt.s32 s19, $0xC7  }
0x222: {  	s4 =	simm.s32 $0x1;
	s29 =	sshll.u32 s20, $0x6;
	[smem:$0x7D] =	sst s28  }
0x223: {  	s1 =	simm.s32 @!p0 $0x7D;
	s4 =	simm.s32 @!p1 $0x0;
	p1 =	slt.s32 s20, $0xC8  }
0x224: {  	[smem:s0+$0x80] =	sst @!p0 s1;
	s0 =	sadd.s32 s4, s0;
	p0 =	sgt.s32 s20, $0xC7  }
0x225: {  	s1 =	simm.s32 $0x1;
	[smem:$0x7E] =	sst s29;
	s4 =	simm.s32 @!p0 $0x7E  }
.Ltmp3:
0x226: {  	s1 =	simm.s32 @!p1 $0x0;
	[smem:s0+$0x80] =	sst @!p0 s4;
	(pc) =	sbr.rel .LBB2_4-.Ltmp3, $4  }
0x227: {  	s0 =	sadd.s32 s1, s0;
	s4 =	simm.s32 $0x1;
	s30 =	spop (v2sf)  }
0x228: {  	s31 =	sshll.u32 s30, $0x6;
	p0 =	sgt.s32 s30, $0xC7;
	p1 =	slt.s32 s30, $0xC8  }
0x229: {  	[smem:$0x7F] =	sst s31;
	s1 =	simm.s32 @!p0 $0x7F;
	s4 =	simm.s32 @!p1 $0x0  }
0x22a: {  	s19 =	simm.s32 $0x0;
	[smem:s0+$0x80] =	sst @!p0 s1;
	s4 =	sadd.s32 s4, s0  }
.LBB2_37:
0x22b: {  	s19 =	sadd.s32 $0x1, s19  }
0x22c: {  	p0 =	sne.s32 s19, $0x10  }
.Ltmp4:
0x22d: {  	_ = 	snop;
	(pc) =	sbr.rel @!p0 .LBB2_38-.Ltmp4, $4  }
0x22e: {  	_ = 	snop  }
0x22f: {  	s0 =	sadd.s32 s3, s29;
	s7 =	sadd.s32 $0xFFFFFCE0, s7;
	s8 =	sadd.s32 $0xFFFFFCE0, s8  }
0x230: {  	s9 =	sadd.s32 $0xFFFFFCE0, s9;
	s13 =	sadd.s32 $0xFFFFFCE0, s13;
	s6 =	sadd.s32 $0xFFFFFCE0, s6  }
0x231: {  	[hbm4b:s0+s14] =	stream.strided.scatter [tilespmem:s23], [sflag:$0xA], $0x5000, s15, s14, $0x38;
	[tilespmem:$0x1F400] =	vst v63  }
.LBB2_4:
0x232: {  	s0 =	smul.u32 $0x5, s19;
	_ =	sdelay $0x1  }
0x233: {  	s30 =	sadd.s32 $0x3, s0  }
0x234: {  	p1 =	seq.s32 s19, $0x0;
	s1 =	smul.u32 $0xA0000, s30  }
0x235: {  	s10 =	simm.s32 @!p1 $0x9  }
0x236: {  	s31 =	simm.s32 $0x1;
	_ =	swait.ge @!p1 [sflag:s10], $0x5000;
	s1 =	sor.u32 s5, s1  }
0x237: {  	p0 =	slt.s32 s4, $0x1;
	[sflag:s10] =	ssyncset.done @!p1 $0x0;
	s28 =	sshrl.u32 s1, $0x3  }
.Ltmp5:
0x238: {  	[sflag:s10] =	ssyncadd.s32 @!p1 $0xFFFFB000;
	s1 =	sadd.s32 s2, s28;
	(pc) =	sbr.rel @p0 .LBB2_11-.Ltmp5, $4  }
0x239: {  	[tilespmem:s22], [sflag:$0x4] =	stream.strided.gather [hbm4b:s1+s14], $0x5000, s15, s14, $0x38;
	[tilespmem:$0x1F400] =	vst v63  }
0x23a: {  	_ =	swait.ge [sflag:s31], $0x5000  }
0x23b: {  	[sflag:s31] =	ssyncset.done $0x0  }
0x23c: {  	[sflag:s31] =	ssyncadd.s32 $0xFFFFB000  }
.Ltmp6:
0x23d: {  	(pc) =	sbr.rel .LBB2_6-.Ltmp6, $2  }
0x23e: {  	_ =	sdelay $0x2  }
0x23f: {  	s1 =	smul.u32 $0xFFFFFCE0, s19;
	s10 =	simm.s32 $0x0  }
.LBB2_9:
0x240: {  	_ =	sdelay $0x4  }
0x241: {  	[tilespmem:v3+s16+$0x0] =	vst.idx.msk vm0, v1  }
.LBB2_10:
0x242: {  	s10 =	sadd.s32 $0x1, s10  }
0x243: {  	p2 =	slt.u32 s10, s4  }
.Ltmp7:
0x244: {  	_ = 	snop;
	(pc) =	sbr.rel @!p2 .LBB2_11-.Ltmp7, $1  }
0x245: {  	_ =	sdelay $0x3  }
.LBB2_6:
0x246: {  	s11 =	sld [smem:s10+$0x80];
	_ =	sdelay $0x2  }
0x247: {  	s20 =	sld [smem:s11+$0x0];
	_ =	sdelay $0x2  }
0x248: {  	s12 =	sadd.s32 s1, s20  }
0x249: {  	p2 =	sgt.s32 s12, $0x0  }
0x24a: {  	p3 =	sgt.s32 s12, $0x9F;
	s12 =	simm.s32 @!p2 $0x0  }
0x24b: {  	s12 =	ssub.s32 @!p3 $0xAF, s12  }
0x24c: {  	s12 =	sshra.s32 @!p3 s12, $0x4  }
0x24d: {  	p2 =	slt.s32 @!p3 s12, $0x1  }
0x24e: {  	p2 =	por p3, p2  }
.Ltmp8:
0x24f: {  	_ = 	snop;
	(pc) =	sbr.rel @p2 .LBB2_10-.Ltmp8, $1  }
0x250: {  	_ =	sdelay $0x3  }
0x251: {  	s20 =	sadd.s32 s20, s7  }
0x252: {  	p2 =	sgt.s32 s20, $0x0  }
0x253: {  	s20 =	simm.s32 @!p2 $0x0  }
0x254: {  	p2 =	sne.s32 s12, $0x1;
	v3 =	vadd.s32 s20, v0  }
.Ltmp9:
0x255: {  	v2 =	vmov s11;
	v4 =	vshll.u32 v3, $0x7;
	vm0 =	vlt.s32 v3, $0xA0;
	(pc) =	sbr.rel @!p2 .LBB2_9-.Ltmp9, $2  }
0x256: {  	v3 =	vadd.s32 v2, v4;
	_ =	sdelay $0x2  }
0x257: {  	s11 =	sadd.s32 $0xFFFFFFFF, s12;
	s12 =	sadd.s32 $0x10, s20  }
.LBB2_8:
0x258: {  	v4 =	vadd.s32 s12, v0;
	p2 =	sne.s32 s11, $0x1;
	s11 =	sadd.s32 $0xFFFFFFFF, s11  }
.Ltmp10:
0x259: {  	v5 =	vshll.u32 v4, $0x7;
	[tilespmem:v3+s16+$0x0] =	vst.idx.msk vm0, v1;
	vm0 =	vlt.s32 v4, $0xA0;
	(pc) =	sbr.rel @p2 .LBB2_8-.Ltmp10, $2  }
0x25a: {  	v3 =	vadd.s32 v2, v5;
	_ =	sdelay $0x2  }
0x25b: {  	s12 =	sadd.s32 $0x10, s12  }
.Ltmp11:
0x25c: {  	_ = 	snop;
	(pc) =	sbr.rel .LBB2_9-.Ltmp11, $1  }
0x25d: {  	_ =	sdelay $0x3  }
.LBB2_11:
0x25e: {  	s1 =	smul.u32 $0x320000, s19;
	_ =	sdelay $0x1  }
0x25f: {  	s10 =	sor.u32 s5, s1  }
0x260: {  	s31 =	sadd.s32 $0x4, s0;
	s10 =	sshrl.u32 s10, $0x3  }
0x261: {  	s0 =	smul.u32 $0xA0000, s31;
	s10 =	sadd.s32 s3, s10  }
0x262: {  	[hbm4b:s10+s14] =	stream.strided.scatter [tilespmem:s16], [sflag:$0x6], $0x5000, s15, s14, $0x38;
	[tilespmem:$0x1F400] =	vst v63  }
0x263: {  	s10 =	simm.s32 @!p1 $0xA  }
0x264: {  	s0 =	sor.u32 s5, s0;
	_ =	swait.ge @!p1 [sflag:s10], $0x5000  }
0x265: {  	s11 =	simm.s32 $0x2;
	s29 =	sshrl.u32 s0, $0x3;
	[sflag:s10] =	ssyncset.done @!p1 $0x0  }
.Ltmp12:
0x266: {  	s0 =	sadd.s32 s2, s29;
	[sflag:s10] =	ssyncadd.s32 @!p1 $0xFFFFB000;
	(pc) =	sbr.rel @!p0 .LBB2_12-.Ltmp12, $4  }
0x267: {  	[tilespmem:s23], [sflag:$0x5] =	stream.strided.gather [hbm4b:s0+s14], $0x5000, s15, s14, $0x38;
	[tilespmem:$0x1F400] =	vst v63  }
0x268: {  	s0 =	smul.u32 $0x320, s19;
	_ =	swait.ge [sflag:s11], $0x5000  }
0x269: {  	[sflag:s11] =	ssyncset.done $0x0  }
0x26a: {  	s10 =	sadd.s32 $0xA0, s0;
	[sflag:s11] =	ssyncadd.s32 $0xFFFFB000;
	s11 =	simm.s32 $0x0  }
.LBB2_17:
0x26b: {  	s10 =	sshll.u32 s10, $0xC  }
0x26c: {  	s10 =	sor.u32 s5, s10  }
0x26d: {  	s10 =	sshrl.u32 s10, $0x3  }
0x26e: {  	p1 =	seq.s32 s19, $0xF;
	s10 =	sadd.s32 s3, s10  }
0x26f: {  	[hbm4b:s10+s14] =	stream.strided.scatter [tilespmem:s17], [sflag:$0x7], $0x5000, s15, s14, $0x38;
	[tilespmem:$0x1F400] =	vst v63  }
0x270: {  	s10 =	simm.s32 @!p1 $0x6  }
0x271: {  	_ =	swait.ge @!p1 [sflag:s10], $0x5000  }
0x272: {  	s24 =	simm.s32 $0x3;
	s11 =	rddreg [dreg:$0x8]  }
0x273: {  	s20 =	simm.s32 @!p1 $0x6400;
	[sflag:s10] =	ssyncset.done @!p1 $0x0;
	s11 =	sadd.s32 @!p1 s11, s1  }
0x274: {  	[sflag:s10] =	ssyncadd.s32 @!p1 $0xFFFFB000;
	s10 =	simm.s32 @!p1 $0x400;
	s11 =	sshrl.u32 @!p1 s11, $0x3  }
.Ltmp13:
0x275: {  	s12 =	sadd.s32 @!p1 s2, s11;
	s11 =	simm.s32 @!p1 $0x8000;
	(pc) =	sbr.rel @!p0 .LBB2_18-.Ltmp13, $4  }
0x276: {  	[tilespmem:s20], [sflag:$0x1] =	stream.strided.gather @!p1 [hbm4b:s12+s10], $0x5000, s11, s10, $0x38;
	[tilespmem:$0x1F400] =	vst v63  }
0x277: {  	_ =	swait.ge [sflag:s24], $0x5000  }
0x278: {  	[sflag:s24] =	ssyncset.done $0x0  }
0x279: {  	s0 =	sadd.s32 $0x140, s0;
	s12 =	simm.s32 $0x0;
	[sflag:s24] =	ssyncadd.s32 $0xFFFFB000  }
.LBB2_23:
0x27a: {  	s0 =	sshll.u32 s0, $0xC  }
0x27b: {  	s0 =	sor.u32 s5, s0  }
0x27c: {  	s0 =	sshrl.u32 s0, $0x3  }
0x27d: {  	s0 =	sadd.s32 s3, s0  }
0x27e: {  	[hbm4b:s0+s14] =	stream.strided.scatter [tilespmem:s18], [sflag:$0x8], $0x5000, s15, s14, $0x38;
	[tilespmem:$0x1F400] =	vst v63  }
0x27f: {  	s0 =	simm.s32 @!p1 $0x7  }
0x280: {  	_ =	swait.ge @!p1 [sflag:s0], $0x5000  }
0x281: {  	s12 =	rddreg [dreg:$0x9]  }
0x282: {  	[sflag:s0] =	ssyncset.done @!p1 $0x0;
	s12 =	sadd.s32 @!p1 s12, s1  }
0x283: {  	[sflag:s0] =	ssyncadd.s32 @!p1 $0xFFFFB000;
	s12 =	sshrl.u32 @!p1 s12, $0x3  }
.Ltmp14:
0x284: {  	s0 =	sadd.s32 @!p1 s2, s12;
	s12 =	simm.s32 @!p1 $0xB400;
	(pc) =	sbr.rel @p0 .LBB2_30-.Ltmp14, $4  }
0x285: {  	[tilespmem:s12], [sflag:$0x2] =	stream.strided.gather @!p1 [hbm4b:s0+s10], $0x5000, s11, s10, $0x38;
	[tilespmem:$0x1F400] =	vst v63  }
0x286: {  	_ =	swait.ge [sflag:s25], $0x5000  }
0x287: {  	[sflag:s25] =	ssyncset.done $0x0  }
0x288: {  	[sflag:s25] =	ssyncadd.s32 $0xFFFFB000  }
.Ltmp15:
0x289: {  	(pc) =	sbr.rel .LBB2_25-.Ltmp15, $2  }
0x28a: {  	_ =	sdelay $0x2  }
0x28b: {  	s0 =	smul.u32 $0xFFFFFF60, s30;
	s10 =	simm.s32 $0x0  }
.LBB2_15:
0x28c: {  	_ =	sdelay $0x4  }
0x28d: {  	[tilespmem:v3+s17+$0x0] =	vst.idx.msk vm0, v1  }
.LBB2_16:
0x28e: {  	s11 =	sadd.s32 $0x1, s11  }
0x28f: {  	p1 =	slt.u32 s11, s4  }
.Ltmp16:
0x290: {  	_ = 	snop;
	(pc) =	sbr.rel @!p1 .LBB2_17-.Ltmp16, $1  }
0x291: {  	_ =	sdelay $0x3  }
.LBB2_12:
0x292: {  	s12 =	sld [smem:s11+$0x80];
	_ =	sdelay $0x2  }
0x293: {  	s21 =	sld [smem:s12+$0x0];
	_ =	sdelay $0x2  }
0x294: {  	s20 =	ssub.s32 s21, s10  }
0x295: {  	p1 =	sgt.s32 s20, $0x0  }
0x296: {  	p2 =	sgt.s32 s20, $0x9F;
	s20 =	simm.s32 @!p1 $0x0  }
0x297: {  	s20 =	ssub.s32 @!p2 $0xAF, s20  }
0x298: {  	s20 =	sshra.s32 @!p2 s20, $0x4  }
0x299: {  	p1 =	slt.s32 @!p2 s20, $0x1  }
0x29a: {  	p1 =	por p2, p1  }
.Ltmp17:
0x29b: {  	_ = 	snop;
	(pc) =	sbr.rel @p1 .LBB2_16-.Ltmp17, $1  }
0x29c: {  	_ =	sdelay $0x3  }
0x29d: {  	s21 =	sadd.s32 s21, s8  }
0x29e: {  	p1 =	sgt.s32 s21, $0x0  }
0x29f: {  	s21 =	simm.s32 @!p1 $0x0  }
0x2a0: {  	p1 =	sne.s32 s20, $0x1;
	v3 =	vadd.s32 s21, v0  }
.Ltmp18:
0x2a1: {  	v2 =	vmov s12;
	v4 =	vshll.u32 v3, $0x7;
	vm0 =	vlt.s32 v3, $0xA0;
	(pc) =	sbr.rel @!p1 .LBB2_15-.Ltmp18, $2  }
0x2a2: {  	v3 =	vadd.s32 v2, v4;
	_ =	sdelay $0x2  }
0x2a3: {  	s12 =	sadd.s32 $0xFFFFFFFF, s20;
	s20 =	sadd.s32 $0x10, s21  }
.LBB2_14:
0x2a4: {  	v4 =	vadd.s32 s20, v0;
	p1 =	sne.s32 s12, $0x1;
	s12 =	sadd.s32 $0xFFFFFFFF, s12  }
.Ltmp19:
0x2a5: {  	v5 =	vshll.u32 v4, $0x7;
	[tilespmem:v3+s17+$0x0] =	vst.idx.msk vm0, v1;
	vm0 =	vlt.s32 v4, $0xA0;
	(pc) =	sbr.rel @p1 .LBB2_14-.Ltmp19, $2  }
0x2a6: {  	v3 =	vadd.s32 v2, v5;
	_ =	sdelay $0x2  }
0x2a7: {  	s20 =	sadd.s32 $0x10, s20  }
.Ltmp20:
0x2a8: {  	_ = 	snop;
	(pc) =	sbr.rel .LBB2_15-.Ltmp20, $1  }
0x2a9: {  	_ =	sdelay $0x3  }
.LBB2_21:
0x2aa: {  	_ =	sdelay $0x4  }
0x2ab: {  	[tilespmem:v3+s18+$0x0] =	vst.idx.msk vm0, v1  }
.LBB2_22:
0x2ac: {  	s12 =	sadd.s32 $0x1, s12  }
0x2ad: {  	p2 =	slt.u32 s12, s4  }
.Ltmp21:
0x2ae: {  	_ = 	snop;
	(pc) =	sbr.rel @!p2 .LBB2_23-.Ltmp21, $1  }
0x2af: {  	_ =	sdelay $0x3  }
.LBB2_18:
0x2b0: {  	s20 =	sld [smem:s12+$0x80];
	_ =	sdelay $0x2  }
0x2b1: {  	s24 =	sld [smem:s20+$0x0];
	_ =	sdelay $0x2  }
0x2b2: {  	s21 =	ssub.s32 s24, s0  }
0x2b3: {  	p2 =	sgt.s32 s21, $0x0  }
0x2b4: {  	p3 =	sgt.s32 s21, $0x9F;
	s21 =	simm.s32 @!p2 $0x0  }
0x2b5: {  	s21 =	ssub.s32 @!p3 $0xAF, s21  }
0x2b6: {  	s21 =	sshra.s32 @!p3 s21, $0x4  }
0x2b7: {  	p2 =	slt.s32 @!p3 s21, $0x1  }
0x2b8: {  	p2 =	por p3, p2  }
.Ltmp22:
0x2b9: {  	_ = 	snop;
	(pc) =	sbr.rel @p2 .LBB2_22-.Ltmp22, $1  }
0x2ba: {  	_ =	sdelay $0x3  }
0x2bb: {  	s24 =	sadd.s32 s24, s9  }
0x2bc: {  	p2 =	sgt.s32 s24, $0x0  }
0x2bd: {  	s24 =	simm.s32 @!p2 $0x0  }
0x2be: {  	p2 =	sne.s32 s21, $0x1;
	v3 =	vadd.s32 s24, v0  }
.Ltmp23:
0x2bf: {  	v2 =	vmov s20;
	v4 =	vshll.u32 v3, $0x7;
	vm0 =	vlt.s32 v3, $0xA0;
	(pc) =	sbr.rel @!p2 .LBB2_21-.Ltmp23, $2  }
0x2c0: {  	v3 =	vadd.s32 v2, v4;
	_ =	sdelay $0x2  }
0x2c1: {  	s20 =	sadd.s32 $0xFFFFFFFF, s21;
	s21 =	sadd.s32 $0x10, s24  }
.LBB2_20:
0x2c2: {  	v4 =	vadd.s32 s21, v0;
	p2 =	sne.s32 s20, $0x1;
	s20 =	sadd.s32 $0xFFFFFFFF, s20  }
.Ltmp24:
0x2c3: {  	v5 =	vshll.u32 v4, $0x7;
	[tilespmem:v3+s18+$0x0] =	vst.idx.msk vm0, v1;
	vm0 =	vlt.s32 v4, $0xA0;
	(pc) =	sbr.rel @p2 .LBB2_20-.Ltmp24, $2  }
0x2c4: {  	v3 =	vadd.s32 v2, v5;
	_ =	sdelay $0x2  }
0x2c5: {  	s21 =	sadd.s32 $0x10, s21  }
.Ltmp25:
0x2c6: {  	_ = 	snop;
	(pc) =	sbr.rel .LBB2_21-.Ltmp25, $1  }
0x2c7: {  	_ =	sdelay $0x3  }
.LBB2_28:
0x2c8: {  	_ =	sdelay $0x4  }
0x2c9: {  	[tilespmem:v3+s22+$0x0] =	vst.idx.msk vm0, v1  }
.LBB2_29:
0x2ca: {  	s10 =	sadd.s32 $0x1, s10  }
0x2cb: {  	p2 =	slt.u32 s10, s4  }
.Ltmp26:
0x2cc: {  	_ = 	snop;
	(pc) =	sbr.rel @!p2 .LBB2_30-.Ltmp26, $1  }
0x2cd: {  	_ =	sdelay $0x3  }
.LBB2_25:
0x2ce: {  	s11 =	sld [smem:s10+$0x80];
	_ =	sdelay $0x2  }
0x2cf: {  	s20 =	sld [smem:s11+$0x0];
	_ =	sdelay $0x2  }
0x2d0: {  	s12 =	sadd.s32 s0, s20  }
0x2d1: {  	p2 =	sgt.s32 s12, $0x0  }
0x2d2: {  	p3 =	sgt.s32 s12, $0x9F;
	s12 =	simm.s32 @!p2 $0x0  }
0x2d3: {  	s12 =	ssub.s32 @!p3 $0xAF, s12  }
0x2d4: {  	s12 =	sshra.s32 @!p3 s12, $0x4  }
0x2d5: {  	p2 =	slt.s32 @!p3 s12, $0x1  }
0x2d6: {  	p2 =	por p3, p2  }
.Ltmp27:
0x2d7: {  	_ = 	snop;
	(pc) =	sbr.rel @p2 .LBB2_29-.Ltmp27, $1  }
0x2d8: {  	_ =	sdelay $0x3  }
0x2d9: {  	s20 =	sadd.s32 s20, s13  }
0x2da: {  	p2 =	sgt.s32 s20, $0x0  }
0x2db: {  	s20 =	simm.s32 @!p2 $0x0  }
0x2dc: {  	p2 =	sne.s32 s12, $0x1;
	v3 =	vadd.s32 s20, v0  }
.Ltmp28:
0x2dd: {  	v2 =	vmov s11;
	v4 =	vshll.u32 v3, $0x7;
	vm0 =	vlt.s32 v3, $0xA0;
	(pc) =	sbr.rel @!p2 .LBB2_28-.Ltmp28, $2  }
0x2de: {  	v3 =	vadd.s32 v2, v4;
	_ =	sdelay $0x2  }
0x2df: {  	s11 =	sadd.s32 $0xFFFFFFFF, s12;
	s12 =	sadd.s32 $0x10, s20  }
.LBB2_27:
0x2e0: {  	v4 =	vadd.s32 s12, v0;
	p2 =	sne.s32 s11, $0x1;
	s11 =	sadd.s32 $0xFFFFFFFF, s11  }
.Ltmp29:
0x2e1: {  	v5 =	vshll.u32 v4, $0x7;
	[tilespmem:v3+s22+$0x0] =	vst.idx.msk vm0, v1;
	vm0 =	vlt.s32 v4, $0xA0;
	(pc) =	sbr.rel @p2 .LBB2_27-.Ltmp29, $2  }
0x2e2: {  	v3 =	vadd.s32 v2, v5;
	_ =	sdelay $0x2  }
0x2e3: {  	s12 =	sadd.s32 $0x10, s12  }
.Ltmp30:
0x2e4: {  	_ = 	snop;
	(pc) =	sbr.rel .LBB2_28-.Ltmp30, $1  }
0x2e5: {  	_ =	sdelay $0x3  }
.LBB2_30:
0x2e6: {  	s0 =	sadd.s32 s3, s28  }
0x2e7: {  	[hbm4b:s0+s14] =	stream.strided.scatter [tilespmem:s22], [sflag:$0x9], $0x5000, s15, s14, $0x38;
	[tilespmem:$0x1F400] =	vst v63  }
0x2e8: {  	s0 =	simm.s32 @!p1 $0x8  }
0x2e9: {  	_ =	swait.ge @!p1 [sflag:s0], $0x5000  }
0x2ea: {  	s10 =	rddreg [dreg:$0xa]  }
0x2eb: {  	s11 =	simm.s32 @!p1 $0x10400;
	[sflag:s0] =	ssyncset.done @!p1 $0x0;
	s1 =	sadd.s32 @!p1 s10, s1  }
0x2ec: {  	[sflag:s0] =	ssyncadd.s32 @!p1 $0xFFFFB000;
	s10 =	simm.s32 @!p1 $0x8000;
	s1 =	sshrl.u32 @!p1 s1, $0x3  }
.Ltmp31:
0x2ed: {  	s0 =	sadd.s32 @!p1 s2, s1;
	s1 =	simm.s32 @!p1 $0x400;
	(pc) =	sbr.rel @p0 .LBB2_37-.Ltmp31, $4  }
0x2ee: {  	[tilespmem:s11], [sflag:$0x3] =	stream.strided.gather @!p1 [hbm4b:s0+s1], $0x5000, s10, s1, $0x38;
	[tilespmem:$0x1F400] =	vst v63  }
0x2ef: {  	_ =	swait.ge [sflag:s26], $0x5000  }
0x2f0: {  	[sflag:s26] =	ssyncset.done $0x0  }
0x2f1: {  	[sflag:s26] =	ssyncadd.s32 $0xFFFFB000  }
.Ltmp32:
0x2f2: {  	(pc) =	sbr.rel .LBB2_32-.Ltmp32, $2  }
0x2f3: {  	_ =	sdelay $0x2  }
0x2f4: {  	s0 =	smul.u32 $0xFFFFFF60, s31;
	s1 =	simm.s32 $0x0  }
.LBB2_35:
0x2f5: {  	_ =	sdelay $0x4  }
0x2f6: {  	[tilespmem:v3+s23+$0x0] =	vst.idx.msk vm0, v1  }
.LBB2_36:
0x2f7: {  	s1 =	sadd.s32 $0x1, s1  }
0x2f8: {  	p0 =	slt.u32 s1, s4  }
.Ltmp33:
0x2f9: {  	_ = 	snop;
	(pc) =	sbr.rel @!p0 .LBB2_37-.Ltmp33, $1  }
0x2fa: {  	_ =	sdelay $0x3  }
.LBB2_32:
0x2fb: {  	s10 =	sld [smem:s1+$0x80];
	_ =	sdelay $0x2  }
0x2fc: {  	s12 =	sld [smem:s10+$0x0];
	_ =	sdelay $0x2  }
0x2fd: {  	s11 =	sadd.s32 s0, s12  }
0x2fe: {  	p0 =	sgt.s32 s11, $0x0  }
0x2ff: {  	p1 =	sgt.s32 s11, $0x9F;
	s11 =	simm.s32 @!p0 $0x0  }
0x300: {  	s11 =	ssub.s32 @!p1 $0xAF, s11  }
0x301: {  	s11 =	sshra.s32 @!p1 s11, $0x4  }
0x302: {  	p0 =	slt.s32 @!p1 s11, $0x1  }
0x303: {  	p0 =	por p1, p0  }
.Ltmp34:
0x304: {  	_ = 	snop;
	(pc) =	sbr.rel @p0 .LBB2_36-.Ltmp34, $1  }
0x305: {  	_ =	sdelay $0x3  }
0x306: {  	s12 =	sadd.s32 s12, s6  }
0x307: {  	p0 =	sgt.s32 s12, $0x0  }
0x308: {  	s12 =	simm.s32 @!p0 $0x0  }
0x309: {  	p0 =	sne.s32 s11, $0x1;
	v3 =	vadd.s32 s12, v0  }
.Ltmp35:
0x30a: {  	v2 =	vmov s10;
	v4 =	vshll.u32 v3, $0x7;
	vm0 =	vlt.s32 v3, $0xA0;
	(pc) =	sbr.rel @!p0 .LBB2_35-.Ltmp35, $2  }
0x30b: {  	v3 =	vadd.s32 v2, v4;
	_ =	sdelay $0x2  }
0x30c: {  	s10 =	sadd.s32 $0xFFFFFFFF, s11;
	s11 =	sadd.s32 $0x10, s12  }
.LBB2_34:
0x30d: {  	v4 =	vadd.s32 s11, v0;
	p0 =	sne.s32 s10, $0x1;
	s10 =	sadd.s32 $0xFFFFFFFF, s10  }
.Ltmp36:
0x30e: {  	v5 =	vshll.u32 v4, $0x7;
	[tilespmem:v3+s23+$0x0] =	vst.idx.msk vm0, v1;
	vm0 =	vlt.s32 v4, $0xA0;
	(pc) =	sbr.rel @p0 .LBB2_34-.Ltmp36, $2  }
0x30f: {  	v3 =	vadd.s32 v2, v5;
	_ =	sdelay $0x2  }
0x310: {  	s11 =	sadd.s32 $0x10, s11  }
.Ltmp37:
0x311: {  	_ = 	snop;
	(pc) =	sbr.rel .LBB2_35-.Ltmp37, $1  }
0x312: {  	_ =	sdelay $0x3  }
.LBB2_39:
0x313: {  	_ =	sfence.sel $0x180000  }
0x314: {  	[bflag:$0x0] =	sbarrier.arrive $0xFFFF  }
0x315: {  	_ =	strace $0x90000047  }
0x316: {  	s0 =	stileid.u32;
	[bflag:$0x2] =	sbarrier.arrive $0xFFFF  }
0x317: {  	p0 =	sne.s32 s0, $0x0;
	s0 =	rddreg [dreg:$0x3]  }
0x318: {  	s0 =	sadd.s32 @!p0 $0x100000, s0  }
0x319: {  	[sflag:s0] =	ssyncadd.tile.s32 @!p0 $0x1;
	_ =	shalt  }
.Lfunc_end2:
_tile_overlayer_lowered:
.L_overlay_start_2:
0x31a: {  	(tag) =	ssettag $0x2  }
0x31b: {  	s0 =	rddreg [dreg:$0x0];
	s2 =	stileid.u32  }
0x31c: {  	s1 =	rddreg [dreg:$0x1];
	p0 =	sne.s32 s2, $0x0  }
0x31d: {  	s3 =	rddreg [dreg:$0x2];
	[bflag:$0x3] =	sbarrier.arrive $0xFFFF;
	s2 =	simm.s32 @!p0 $0x1C0B  }
0x31e: {  	[timem:s3], [sflag:s2] =	dma.local @!p0 [hbm:s0], s1  }
0x31f: {  	s0 =	simm.s32 @!p0 $0xB  }
0x320: {  	_ =	swait.ge @!p0 [sflag:s0], s1  }
0x321: {  	s1 =	ssub.s32 @!p0 $0x0, s1;
	[sflag:s0] =	ssyncset.done @!p0 $0x0  }
0x322: {  	[sflag:s0] =	ssyncadd.s32 @!p0 s1  }
0x323: {  	[bflag:$0x3] =	sbarrier.arrive $0xFFFF  }
0x324: {  	_ =	shalt  }

</sc_bundles>
